<compile_context>
chip_gen: v7x
topology: tpu7x:2x2x1
jax: 0.10.2.dev20260603
libtpu: 0.0.44.dev20260713+nightly
codegen_flags: <defaults>
</compile_context>

<pallas_src>
import functools

import jax
import jax.numpy as jnp
from jax import lax
from jax.experimental import pallas as pl
from jax.experimental.pallas import tpu as pltpu
from jax.experimental.pallas import tpu_sc as plsc

T = 2048
D = 768
E = 16
NK = 2
P = 2 * T
BLK = 128
NPAD = P + E * BLK - 16
NPAD = 6144
NBLK = NPAD // BLK
L = 16


def _dot_nt(a, b):
    return lax.dot_general(a, b, (((1,), (1,)), ((), ())),
                           preferred_element_type=jnp.float32)


def _k1a_body(h_ref, wg_ref, lg_ref):
    lg_ref[...] = _dot_nt(h_ref[...], wg_ref[...])


def _k1a(hf, Wg, *, interpret=False):
    return pl.pallas_call(
        _k1a_body,
        grid=(1,),
        in_specs=[
            pl.BlockSpec((T, D), lambda t: (0, 0)),
            pl.BlockSpec((E, D), lambda t: (0, 0)),
        ],
        out_specs=pl.BlockSpec((T, E), lambda t: (0, 0)),
        out_shape=jax.ShapeDtypeStruct((T, E), jnp.float32),
        interpret=interpret,
    )(hf, Wg)


def _k1b_body(h_ref, w1s_ref, w2s_ref, w3s_ref, sh_ref):
    x = h_ref[...]
    z1 = _dot_nt(x, w1s_ref[...])
    z3 = _dot_nt(x, w3s_ref[...])
    act = z1 * jax.nn.sigmoid(z1) * z3
    sh_ref[...] = _dot_nt(act, w2s_ref[...])


def _k1b(hf, W1s, W2s, W3s, *, tt=256, interpret=False):
    grid = (T // tt,)
    return pl.pallas_call(
        _k1b_body,
        grid=grid,
        in_specs=[
            pl.BlockSpec((tt, D), lambda t: (t, 0)),
            pl.BlockSpec((D, D), lambda t: (0, 0)),
            pl.BlockSpec((D, D), lambda t: (0, 0)),
            pl.BlockSpec((D, D), lambda t: (0, 0)),
        ],
        out_specs=pl.BlockSpec((tt, D), lambda t: (t, 0)),
        out_shape=jax.ShapeDtypeStruct((T, D), jnp.float32),
        interpret=interpret,
    )(hf, W1s, W2s, W3s)


def _splat(v, lane):
    iota = lax.iota(jnp.int32, L)
    if v.dtype == jnp.int32:
        s = jnp.sum(jnp.where(iota == lane, v, 0))
    else:
        s = jnp.sum(jnp.where(iota == lane, v, 0.0))
    return jnp.full((L,), s, dtype=v.dtype)


def _k2_body(lg_hbm, src_hbm, slot_hbm, w_hbm, bexp_hbm, runof_hbm,
             runexp_hbm, nruns_hbm,
             lg_v, e0_v, e1_v, w0_v, w1_v, allids_v, cnts_v, c16_v,
             locsrc_v, locslot_v, stga_v, stgb_v, be_v, nx_v,
             nv_v, nv2_v, nr_v,
             ids_sp, cnt_sp, stsrc_sp, stslot_sp):
    c = lax.axis_index("c")
    s = lax.axis_index("s")
    on0 = c == 0
    iota = lax.iota(jnp.int32, L)

    @pl.when(on0)
    def _phase_a():
        pltpu.sync_copy(lg_hbm.at[pl.ds(s * (128 * E), 128 * E)], lg_v)

        def chunk(j, carry):
            base = j * L
            m1 = jnp.full((L,), -1e30, jnp.float32)
            m2 = jnp.full((L,), -1e30, jnp.float32)
            a1 = jnp.zeros((L,), jnp.int32)
            a2 = jnp.zeros((L,), jnp.int32)
            for e in range(E):
                ce = plsc.load_gather(lg_v, [(base + iota) * E + e])
                gt = ce > m1
                g2 = jnp.logical_and(jnp.logical_not(gt), ce > m2)
                m2n = jnp.where(gt, m1, jnp.where(g2, ce, m2))
                a2 = jnp.where(gt, a1, jnp.where(g2, e, a2))
                m2 = m2n
                a1 = jnp.where(gt, e, a1)
                m1 = jnp.where(gt, ce, m1)
            w0 = 1.0 / (1.0 + jnp.exp(m2 - m1))
            e0_v[pl.ds(base, L)] = a1
            e1_v[pl.ds(base, L)] = a2
            w0_v[pl.ds(base, L)] = w0
            w1_v[pl.ds(base, L)] = 1.0 - w0
            return carry

        lax.fori_loop(0, 128 // L, chunk, 0)
        pltpu.sync_copy(w0_v, w_hbm.at[pl.ds(s * 128, 128)])
        pltpu.sync_copy(w1_v, w_hbm.at[pl.ds(T + s * 128, 128)])
        pltpu.sync_copy(e0_v, ids_sp.at[pl.ds(s * 128, 128)])
        pltpu.sync_copy(e1_v, ids_sp.at[pl.ds(T + s * 128, 128)])

    plsc.subcore_barrier()

    @pl.when(on0)
    def _phase_b():
        pltpu.sync_copy(ids_sp, allids_v)

        def cb(i, cnt):
            v = allids_v[pl.ds(i * L, L)]
            return cnt + (v == s).astype(jnp.int32)

        cnt = lax.fori_loop(0, P // L, cb, jnp.zeros((L,), jnp.int32))
        tot = jnp.sum(cnt)
        c16_v[...] = jnp.full((L,), tot, jnp.int32)
        pltpu.sync_copy(c16_v, cnt_sp.at[s])

    plsc.subcore_barrier()

    @pl.when(on0)
    def _phase_c():
        pltpu.sync_copy(cnt_sp, cnts_v)
        counts = plsc.load_gather(cnts_v, [iota, iota])
        padded = ((counts + (BLK - 1)) >> 7) << 7
        cs = plsc.cumsum(padded)
        start = cs - padded

        def z1(i, carry):
            locsrc_v[pl.ds(i * L, L)] = jnp.zeros((L,), jnp.int32)
            return carry

        def z2(i, carry):
            locslot_v[pl.ds(i * L, L)] = jnp.zeros((L,), jnp.int32)
            return carry

        lax.fori_loop(0, NPAD // L, z1, 0)
        lax.fori_loop(0, P // L, z2, 0)

        start_s = _splat(start, s)

        def ce(i, rank):
            v = allids_v[pl.ds(i * L, L)]
            m = v == s
            mi = m.astype(jnp.int32)
            pcs = plsc.cumsum(mi)
            slots = rank + pcs - mi
            pairpos = i * L + iota
            tok = jnp.bitwise_and(pairpos, T - 1)
            plsc.store_scatter(locslot_v, [pairpos], slots, mask=m)
            plsc.store_scatter(locsrc_v, [slots], tok + 1, mask=m)
            return rank + _splat(pcs, L - 1)

        lax.fori_loop(0, P // L, ce, start_s)

        @pl.when(s == 0)
        def _bexp():
            startblk = start >> 7
            ne = (padded > 0).astype(jnp.int32)
            rank = plsc.cumsum(ne) - ne
            nv_v[...] = jnp.zeros((L,), jnp.int32)
            plsc.store_scatter(nv_v, [rank], iota, mask=padded > 0)
            nv2_v[...] = rank
            usedblk = jnp.sum(padded) >> 7
            nr_v[...] = jnp.where(
                iota == 0, jnp.full((L,), jnp.sum(ne), jnp.int32),
                jnp.where(iota == 1, jnp.full((L,), usedblk, jnp.int32), 0))
            for cc in range(NBLK // L):
                bvec = iota + cc * L
                acc = jnp.zeros((L,), jnp.int32)
                for e in range(E):
                    sb = _splat(startblk, e)
                    pe = _splat(padded, e)
                    cond = jnp.logical_and(sb <= bvec, pe > 0)
                    acc = jnp.where(cond, e, acc)
                be_v[pl.ds(cc * L, L)] = acc
                nx_v[pl.ds(cc * L, L)] = plsc.load_gather(nv2_v, [acc])
            pltpu.sync_copy(be_v, bexp_hbm)
            pltpu.sync_copy(nx_v, runof_hbm)
            pltpu.sync_copy(nv_v, runexp_hbm)
            pltpu.sync_copy(nr_v, nruns_hbm)

        pltpu.sync_copy(locsrc_v, stsrc_sp.at[s])
        pltpu.sync_copy(locslot_v, stslot_sp.at[s])

    plsc.subcore_barrier()

    SRCW = NPAD // L
    SLTW = P // L

    @pl.when(on0)
    def _phase_d():
        pltpu.sync_copy(stsrc_sp.at[:, pl.ds(s * SRCW, SRCW)], stga_v)
        pltpu.sync_copy(stslot_sp.at[:, pl.ds(s * SLTW, SLTW)], stgb_v)

        def addj(j, carry):
            acc = stga_v[0, pl.ds(j * L, L)]
            for r in range(1, L):
                acc = acc + stga_v[r, pl.ds(j * L, L)]
            ramp = jnp.bitwise_and(s * SRCW + j * L + iota, T - 1)
            stga_v[0, pl.ds(j * L, L)] = jnp.where(acc > 0, acc - 1, ramp)
            return carry

        lax.fori_loop(0, SRCW // L, addj, 0)
        pltpu.sync_copy(stga_v.at[0], src_hbm.at[pl.ds(s * SRCW, SRCW)])

        def addj2(j, carry):
            acc = stgb_v[0, pl.ds(j * L, L)]
            for r in range(1, L):
                acc = acc + stgb_v[r, pl.ds(j * L, L)]
            stgb_v[0, pl.ds(j * L, L)] = acc
            return carry

        lax.fori_loop(0, SLTW // L, addj2, 0)
        pltpu.sync_copy(stgb_v.at[0], slot_hbm.at[pl.ds(s * SLTW, SLTW)])


def _k2(logits_flat):
    mesh = plsc.VectorSubcoreMesh(core_axis_name="c", subcore_axis_name="s")
    f = pl.kernel(
        _k2_body,
        compiler_params=pltpu.CompilerParams(needs_layout_passes=False),
        out_type=[
            jax.ShapeDtypeStruct((NPAD,), jnp.int32),
            jax.ShapeDtypeStruct((P,), jnp.int32),
            jax.ShapeDtypeStruct((P,), jnp.float32),
            jax.ShapeDtypeStruct((NBLK,), jnp.int32),
            jax.ShapeDtypeStruct((NBLK,), jnp.int32),
            jax.ShapeDtypeStruct((L,), jnp.int32),
            jax.ShapeDtypeStruct((L,), jnp.int32),
        ],
        mesh=mesh,
        scratch_types=[
            pltpu.VMEM((128 * E,), jnp.float32),
            pltpu.VMEM((128,), jnp.int32),
            pltpu.VMEM((128,), jnp.int32),
            pltpu.VMEM((128,), jnp.float32),
            pltpu.VMEM((128,), jnp.float32),
            pltpu.VMEM((P,), jnp.int32),
            pltpu.VMEM((L, L), jnp.int32),
            pltpu.VMEM((L,), jnp.int32),
            pltpu.VMEM((NPAD,), jnp.int32),
            pltpu.VMEM((P,), jnp.int32),
            pltpu.VMEM((L, NPAD // L), jnp.int32),
            pltpu.VMEM((L, P // L), jnp.int32),
            pltpu.VMEM((NBLK,), jnp.int32),
            pltpu.VMEM((NBLK,), jnp.int32),
            pltpu.VMEM((L,), jnp.int32),
            pltpu.VMEM((L,), jnp.int32),
            pltpu.VMEM((L,), jnp.int32),
            pltpu.VMEM_SHARED((P,), jnp.int32),
            pltpu.VMEM_SHARED((L, L), jnp.int32),
            pltpu.VMEM_SHARED((L, NPAD), jnp.int32),
            pltpu.VMEM_SHARED((L, P), jnp.int32),
        ],
    )
    return f(logits_flat)


GCH = 32
GNCH = 6
GNBUF = 4


def _k2b_body(src_hbm, hf_hbm, xs_hbm, idx_v, r0, r1, r2, r3,
              g0, g1, g2, g3, w0, w1, w2, w3):
    c = lax.axis_index("c")
    s = lax.axis_index("s")
    wid = s * 2 + c
    per = NPAD // 32
    base = wid * per
    bufs = (r0, r1, r2, r3)
    gsems = (g0, g1, g2, g3)
    wsems = (w0, w1, w2, w3)
    pltpu.sync_copy(src_hbm.at[pl.ds(base, per)], idx_v)
    gcp = [None] * GNCH
    wcp = [None] * GNCH
    for j in range(GNCH):
        b = j % GNBUF
        if j >= GNBUF:
            wcp[j - GNBUF].wait()
        gcp[j] = pltpu.async_copy(
            hf_hbm.at[idx_v.at[pl.ds(j * GCH, GCH)]], bufs[b], gsems[b])
        if j >= 1:
            bp = (j - 1) % GNBUF
            gcp[j - 1].wait()
            wcp[j - 1] = pltpu.async_copy(
                bufs[bp], xs_hbm.at[pl.ds(base + (j - 1) * GCH, GCH), :],
                wsems[bp])
    gcp[GNCH - 1].wait()
    wcp[GNCH - 1] = pltpu.async_copy(
        bufs[(GNCH - 1) % GNBUF],
        xs_hbm.at[pl.ds(base + (GNCH - 1) * GCH, GCH), :],
        wsems[(GNCH - 1) % GNBUF])
    for j in range(GNCH - GNBUF, GNCH):
        if j >= 0 and wcp[j] is not None:
            wcp[j].wait()


def _k2b(src_idx, hf):
    mesh = plsc.VectorSubcoreMesh(core_axis_name="c", subcore_axis_name="s")
    f = pl.kernel(
        _k2b_body,
        compiler_params=pltpu.CompilerParams(needs_layout_passes=False),
        out_type=jax.ShapeDtypeStruct((NPAD, D), jnp.float32),
        mesh=mesh,
        scratch_types=[
            pltpu.VMEM((NPAD // 32,), jnp.int32),
            pltpu.VMEM((GCH, D), jnp.float32),
            pltpu.VMEM((GCH, D), jnp.float32),
            pltpu.VMEM((GCH, D), jnp.float32),
            pltpu.VMEM((GCH, D), jnp.float32),
            pltpu.SemaphoreType.DMA,
            pltpu.SemaphoreType.DMA,
            pltpu.SemaphoreType.DMA,
            pltpu.SemaphoreType.DMA,
            pltpu.SemaphoreType.DMA,
            pltpu.SemaphoreType.DMA,
            pltpu.SemaphoreType.DMA,
            pltpu.SemaphoreType.DMA,
        ],
    )
    return f(src_idx, hf)


NSLOT = 3


def _k3_body(be_ref, runof_ref, runexp_ref, nruns_ref, x_ref,
             w1_hbm, w2_hbm, w3_hbm, o_ref, w1b, w2b, w3b, s1, s2, s3):
    b = pl.program_id(0)
    nruns = nruns_ref[0]

    def fetch(e, slot):
        pltpu.async_copy(w1_hbm.at[e], w1b.at[slot], s1.at[slot])
        pltpu.async_copy(w2_hbm.at[e], w2b.at[slot], s2.at[slot])
        pltpu.async_copy(w3_hbm.at[e], w3b.at[slot], s3.at[slot])

    def wait(slot):
        pltpu.make_async_copy(w1_hbm.at[0], w1b.at[slot], s1.at[slot]).wait()
        pltpu.make_async_copy(w2_hbm.at[0], w2b.at[slot], s2.at[slot]).wait()
        pltpu.make_async_copy(w3_hbm.at[0], w3b.at[slot], s3.at[slot]).wait()

    rc = runof_ref[b]

    @pl.when(b == 0)
    def _init():
        for r in range(NSLOT):
            @pl.when(r < nruns)
            def _():
                fetch(runexp_ref[r], r)

        wait(0)

    changed = jnp.logical_and(b > 0, rc != runof_ref[jnp.maximum(b - 1, 0)])

    @pl.when(changed)
    def _advance():
        pr = rc + NSLOT - 1

        @pl.when(pr < nruns)
        def _():
            fetch(runexp_ref[pr], lax.rem(pr, NSLOT))

        wait(lax.rem(rc, NSLOT))

    @pl.when(b < nruns_ref[1])
    def _compute():
        slot = lax.rem(rc, NSLOT)
        x = x_ref[...]
        z1 = _dot_nt(x, w1b[slot])
        z3 = _dot_nt(x, w3b[slot])
        act = z1 * jax.nn.sigmoid(z1) * z3
        o_ref[...] = _dot_nt(act, w2b[slot])


def _k3(block_expert, runof, runexp, nruns, xs, W1, W2, W3):
    grid_spec = pltpu.PrefetchScalarGridSpec(
        num_scalar_prefetch=4,
        grid=(NBLK,),
        in_specs=[
            pl.BlockSpec((BLK, D), lambda b, be, ro, re, nr: (b, 0)),
            pl.BlockSpec(memory_space=pl.ANY),
            pl.BlockSpec(memory_space=pl.ANY),
            pl.BlockSpec(memory_space=pl.ANY),
        ],
        out_specs=pl.BlockSpec((BLK, D), lambda b, be, ro, re, nr: (b, 0)),
        scratch_shapes=[
            pltpu.VMEM((NSLOT, D, D), jnp.float32),
            pltpu.VMEM((NSLOT, D, D), jnp.float32),
            pltpu.VMEM((NSLOT, D, D), jnp.float32),
            pltpu.SemaphoreType.DMA((NSLOT,)),
            pltpu.SemaphoreType.DMA((NSLOT,)),
            pltpu.SemaphoreType.DMA((NSLOT,)),
        ],
    )
    return pl.pallas_call(
        _k3_body,
        grid_spec=grid_spec,
        out_shape=jax.ShapeDtypeStruct((NPAD, D), jnp.float32),
    )(block_expert, runof, runexp, nruns, xs, W1, W2, W3)


CCH = 32


def _k4_body(outs_hbm, sh_hbm, slot_hbm, w_hbm, y_hbm,
             idx0_v, idx1_v, w0_v, w1_v, r0_v, r1_v, shv_v, y_v,
             sem, sem2, sem3, ysem):
    c = lax.axis_index("c")
    s = lax.axis_index("s")
    wid = s * 2 + c
    per = T // 32
    iota = lax.iota(jnp.int32, L)
    ycp = None
    for jc in range(per // CCH):
        t0 = wid * per + jc * CCH
        pltpu.sync_copy(slot_hbm.at[pl.ds(t0, CCH)], idx0_v)
        pltpu.sync_copy(slot_hbm.at[pl.ds(T + t0, CCH)], idx1_v)
        pltpu.sync_copy(w_hbm.at[pl.ds(t0, CCH)], w0_v)
        pltpu.sync_copy(w_hbm.at[pl.ds(T + t0, CCH)], w1_v)
        cp0 = pltpu.async_copy(outs_hbm.at[idx0_v], r0_v, sem)
        cp1 = pltpu.async_copy(outs_hbm.at[idx1_v], r1_v, sem2)
        cps = pltpu.async_copy(sh_hbm.at[pl.ds(t0, CCH), :], shv_v, sem3)
        cp0.wait()
        cp1.wait()
        cps.wait()
        if ycp is not None:
            ycp.wait()

        def tok(i, carry):
            g = i >> 4
            lane = jnp.bitwise_and(i, L - 1)
            w0g = w0_v[pl.ds(g * L, L)]
            w1g = w1_v[pl.ds(g * L, L)]
            w0s = jnp.full((L,), jnp.sum(jnp.where(iota == lane, w0g, 0.0)), jnp.float32)
            w1s = jnp.full((L,), jnp.sum(jnp.where(iota == lane, w1g, 0.0)), jnp.float32)

            def col(jj, carry2):
                sl = pl.ds(jj * L, L)
                y_v[i, sl] = (r0_v[i, sl] * w0s + r1_v[i, sl] * w1s
                              + shv_v[i, sl])
                return carry2

            lax.fori_loop(0, D // L, col, 0)
            return carry

        lax.fori_loop(0, CCH, tok, 0)
        ycp = pltpu.async_copy(y_v, y_hbm.at[pl.ds(t0, CCH), :], ysem)
    ycp.wait()


def _k4(outs, shared_y, slot_flat, w_flat):
    mesh = plsc.VectorSubcoreMesh(core_axis_name="c", subcore_axis_name="s")
    f = pl.kernel(
        _k4_body,
        compiler_params=pltpu.CompilerParams(needs_layout_passes=False),
        out_type=jax.ShapeDtypeStruct((T, D), jnp.float32),
        mesh=mesh,
        scratch_types=[
            pltpu.VMEM((CCH,), jnp.int32),
            pltpu.VMEM((CCH,), jnp.int32),
            pltpu.VMEM((CCH,), jnp.float32),
            pltpu.VMEM((CCH,), jnp.float32),
            pltpu.VMEM((CCH, D), jnp.float32),
            pltpu.VMEM((CCH, D), jnp.float32),
            pltpu.VMEM((CCH, D), jnp.float32),
            pltpu.VMEM((CCH, D), jnp.float32),
            pltpu.SemaphoreType.DMA,
            pltpu.SemaphoreType.DMA,
            pltpu.SemaphoreType.DMA,
            pltpu.SemaphoreType.DMA,
        ],
    )
    return f(outs, shared_y, slot_flat, w_flat)


def kernel(h, Wg, W1, W2, W3, W1s, W2s, W3s):
    b, s, d = h.shape
    hf = h.reshape(T, D)
    logits = _k1a(hf, Wg)
    shared_y = _k1b(hf, W1s, W2s, W3s)
    src_idx, slot_flat, w_flat, block_expert, runof, runexp, nruns = _k2(
        logits.reshape(-1))
    xs = _k2b(src_idx, hf)
    outs = _k3(block_expert, runof, runexp, nruns, xs, W1, W2, W3)
    y = _k4(outs, shared_y, slot_flat, w_flat)
    return y.reshape(b, s, d)

# --- scband reference (transcript-rebuilt; emitter-appended) ---
"""Pipeline reference for scband-moefeed-forward-1657857376778 (READ-ONLY COPY).

The authoritative reference and input builder live on the scoring server;
editing this copy changes nothing except your own understanding.
"""

import jax, jax.numpy as jnp
import numpy as np

B, S, D = 1, 2048, 768
E, K = 16, 2
H = int(D * 1.0)


def _silu(x):
    return x * jax.nn.sigmoid(x)


def _ff(x, w1, w2, w3):
    # torch nn.Linear(in,out,bias=False): y = x @ W.T with W [out,in]
    return (_silu(x @ w1.T) * (x @ w3.T)) @ w2.T


def setup_inputs(seed: int = 0) -> dict:
    key = jax.random.key(seed)
    ks = jax.random.split(key, 8)
    scale = 0.02
    h = jax.random.normal(ks[0], (B, S, D), dtype=jnp.float32)
    Wg = jax.random.normal(ks[1], (E, D), dtype=jnp.float32) * scale
    W1 = jax.random.normal(ks[2], (E, H, D), dtype=jnp.float32) * scale
    W2 = jax.random.normal(ks[3], (E, D, H), dtype=jnp.float32) * scale
    W3 = jax.random.normal(ks[4], (E, H, D), dtype=jnp.float32) * scale
    W1s = jax.random.normal(ks[5], (H, D), dtype=jnp.float32) * scale
    W2s = jax.random.normal(ks[6], (D, H), dtype=jnp.float32) * scale
    W3s = jax.random.normal(ks[7], (H, D), dtype=jnp.float32) * scale
    return {"h": h, "Wg": Wg, "W1": W1, "W2": W2, "W3": W3,
            "W1s": W1s, "W2s": W2s, "W3s": W3s}


def reference(h, Wg, W1, W2, W3, W1s, W2s, W3s):
    b, s, d = h.shape
    # shared expert (dropout is identity in eval)
    shared_y = _ff(h, W1s, W2s, W3s)
    hf = h.reshape(-1, d)  # [T, d]
    # gate: softmax then top-k, renormalize selected scores
    scores = jax.nn.softmax(hf @ Wg.T, axis=-1)  # [T, E]
    vals, ids = jax.lax.top_k(scores, K)  # [T, K]
    weight = vals / jnp.sum(vals, axis=-1, keepdims=True)  # [T, K]
    # per-token per-expert combine weight via one-hot dispatch
    onehot = jax.nn.one_hot(ids, E, dtype=hf.dtype)  # [T, K, E]
    comb = jnp.einsum('tk,tke->te', weight, onehot)  # [T, E]
    # run all experts densely, then mask-combine (math identical to routed loop)
    a1 = jnp.einsum('td,ehd->teh', hf, W1)
    a3 = jnp.einsum('td,ehd->teh', hf, W3)
    act = _silu(a1) * a3
    outs = jnp.einsum('teh,edh->ted', act, W2)  # [T, E, d]
    y = jnp.einsum('ted,te->td', outs, comb).reshape(b, s, d)
    return y + shared_y

if __name__ == "__main__":
    import jax
    _d = setup_inputs()
    print(jax.jit(kernel)(*tuple(_d.values())))

</pallas_src>

<mosaic_0001>
#map = affine_map<(d0, d1) -> (0, 0)>
#map1 = affine_map<(d0, d1) -> (0)>
module attributes {stable_mosaic.version = 14 : i64} {
  func.func @_k4_body(%arg0: i32, %arg1: i32, %arg2: memref<6144x768xf32, #tpu.memory_space<hbm>>, %arg3: memref<2048x768xf32, #tpu.memory_space<hbm>>, %arg4: memref<4096xi32, #tpu.memory_space<hbm>>, %arg5: memref<4096xf32, #tpu.memory_space<hbm>>, %arg6: memref<2048x768xf32, #tpu.memory_space<hbm>>, %arg7: memref<32xi32, #tpu.memory_space<vmem>>, %arg8: memref<32xi32, #tpu.memory_space<vmem>>, %arg9: memref<32xf32, #tpu.memory_space<vmem>>, %arg10: memref<32xf32, #tpu.memory_space<vmem>>, %arg11: memref<32x768xf32, #tpu.memory_space<vmem>>, %arg12: memref<32x768xf32, #tpu.memory_space<vmem>>, %arg13: memref<32x768xf32, #tpu.memory_space<vmem>>, %arg14: memref<32x768xf32, #tpu.memory_space<vmem>>, %arg15: memref<!tpu.dma_semaphore, #tpu.memory_space<semaphore_mem>>, %arg16: memref<!tpu.dma_semaphore, #tpu.memory_space<semaphore_mem>>, %arg17: memref<!tpu.dma_semaphore, #tpu.memory_space<semaphore_mem>>, %arg18: memref<!tpu.dma_semaphore, #tpu.memory_space<semaphore_mem>>) attributes {dimension_semantics = [#tpu.dimension_semantics<core_parallel>, #tpu.dimension_semantics<subcore_parallel>], iteration_bounds = array<i64: 2, 16>, scalar_prefetch = 0 : i64, scratch_operands = 12 : i64, tpu.core_type = #tpu.core_type<sc_vector_subcore>, window_params = [{transform_indices = #map}, {transform_indices = #map}, {transform_indices = #map1}, {transform_indices = #map1}, {transform_indices = #map}]} {
    %mul3A = arith.constant 2 : i32
    %mul3A_0 = arith.muli %arg1, %mul3A : i32
    %add3A = arith.addi %mul3A_0, %arg0 : i32
    %iota3A = tpu.iota {dimensions = array<i32: 0>} : vector<16xi32>
    %mul3A_1 = arith.constant 64 : i32
    %mul3A_2 = arith.muli %add3A, %mul3A_1 : i32
    %add3A_3 = arith.constant 0 : i32
    %add3A_4 = arith.addi %mul3A_2, %add3A_3 : i32
    "tpu.region"() ({
      %run_scoped3A = tpu.sem_alloc : memref<!tpu.dma_semaphore, #tpu.memory_space<semaphore_mem>>
      %dma_start3A_82 = tpu.memref_slice %arg4[%add3A_4] : memref<4096xi32, #tpu.memory_space<hbm>> -> memref<32xi32, #tpu.memory_space<hbm>>
      %dma_start3A_83 = tpu.memref_slice %arg4[%add3A_4] : memref<4096xi32, #tpu.memory_space<hbm>> -> memref<32xi32, #tpu.memory_space<hbm>>
      tpu.enqueue_dma source(%dma_start3A_83 : memref<32xi32, #tpu.memory_space<hbm>>) target(%arg7 : memref<32xi32, #tpu.memory_space<vmem>>) target_semaphore(%run_scoped3A : memref<!tpu.dma_semaphore, #tpu.memory_space<semaphore_mem>>)
      %dma_wait3A_84 = tpu.memref_slice %arg4[%add3A_4] : memref<4096xi32, #tpu.memory_space<hbm>> -> memref<32xi32, #tpu.memory_space<hbm>>
      %dma_wait3A_85 = tpu.memref_slice %arg4[%add3A_4] : memref<4096xi32, #tpu.memory_space<hbm>> -> memref<32xi32, #tpu.memory_space<hbm>>
      tpu.wait_dma2 semaphore(%run_scoped3A : memref<!tpu.dma_semaphore, #tpu.memory_space<semaphore_mem>>) src(%dma_wait3A_85 : memref<32xi32, #tpu.memory_space<hbm>>) dst(%arg7 : memref<32xi32, #tpu.memory_space<vmem>>)
      tpu.yield
    }) : () -> ()
    %add3A_5 = arith.constant 2048 : i32
    %add3A_6 = arith.addi %add3A_5, %add3A_4 : i32
    "tpu.region"() ({
      %run_scoped3A = tpu.sem_alloc : memref<!tpu.dma_semaphore, #tpu.memory_space<semaphore_mem>>
      %dma_start3A_82 = tpu.memref_slice %arg4[%add3A_6] : memref<4096xi32, #tpu.memory_space<hbm>> -> memref<32xi32, #tpu.memory_space<hbm>>
      %dma_start3A_83 = tpu.memref_slice %arg4[%add3A_6] : memref<4096xi32, #tpu.memory_space<hbm>> -> memref<32xi32, #tpu.memory_space<hbm>>
      tpu.enqueue_dma source(%dma_start3A_83 : memref<32xi32, #tpu.memory_space<hbm>>) target(%arg8 : memref<32xi32, #tpu.memory_space<vmem>>) target_semaphore(%run_scoped3A : memref<!tpu.dma_semaphore, #tpu.memory_space<semaphore_mem>>)
      %dma_wait3A_84 = tpu.memref_slice %arg4[%add3A_6] : memref<4096xi32, #tpu.memory_space<hbm>> -> memref<32xi32, #tpu.memory_space<hbm>>
      %dma_wait3A_85 = tpu.memref_slice %arg4[%add3A_6] : memref<4096xi32, #tpu.memory_space<hbm>> -> memref<32xi32, #tpu.memory_space<hbm>>
      tpu.wait_dma2 semaphore(%run_scoped3A : memref<!tpu.dma_semaphore, #tpu.memory_space<semaphore_mem>>) src(%dma_wait3A_85 : memref<32xi32, #tpu.memory_space<hbm>>) dst(%arg8 : memref<32xi32, #tpu.memory_space<vmem>>)
      tpu.yield
    }) : () -> ()
    "tpu.region"() ({
      %run_scoped3A = tpu.sem_alloc : memref<!tpu.dma_semaphore, #tpu.memory_space<semaphore_mem>>
      %dma_start3A_82 = tpu.memref_slice %arg5[%add3A_4] : memref<4096xf32, #tpu.memory_space<hbm>> -> memref<32xf32, #tpu.memory_space<hbm>>
      %dma_start3A_83 = tpu.memref_slice %arg5[%add3A_4] : memref<4096xf32, #tpu.memory_space<hbm>> -> memref<32xf32, #tpu.memory_space<hbm>>
      tpu.enqueue_dma source(%dma_start3A_83 : memref<32xf32, #tpu.memory_space<hbm>>) target(%arg9 : memref<32xf32, #tpu.memory_space<vmem>>) target_semaphore(%run_scoped3A : memref<!tpu.dma_semaphore, #tpu.memory_space<semaphore_mem>>)
      %dma_wait3A_84 = tpu.memref_slice %arg5[%add3A_4] : memref<4096xf32, #tpu.memory_space<hbm>> -> memref<32xf32, #tpu.memory_space<hbm>>
      %dma_wait3A_85 = tpu.memref_slice %arg5[%add3A_4] : memref<4096xf32, #tpu.memory_space<hbm>> -> memref<32xf32, #tpu.memory_space<hbm>>
      tpu.wait_dma2 semaphore(%run_scoped3A : memref<!tpu.dma_semaphore, #tpu.memory_space<semaphore_mem>>) src(%dma_wait3A_85 : memref<32xf32, #tpu.memory_space<hbm>>) dst(%arg9 : memref<32xf32, #tpu.memory_space<vmem>>)
      tpu.yield
    }) : () -> ()
    %add3A_7 = arith.constant 2048 : i32
    %add3A_8 = arith.addi %add3A_7, %add3A_4 : i32
    "tpu.region"() ({
      %run_scoped3A = tpu.sem_alloc : memref<!tpu.dma_semaphore, #tpu.memory_space<semaphore_mem>>
      %dma_start3A_82 = tpu.memref_slice %arg5[%add3A_8] : memref<4096xf32, #tpu.memory_space<hbm>> -> memref<32xf32, #tpu.memory_space<hbm>>
      %dma_start3A_83 = tpu.memref_slice %arg5[%add3A_8] : memref<4096xf32, #tpu.memory_space<hbm>> -> memref<32xf32, #tpu.memory_space<hbm>>
      tpu.enqueue_dma source(%dma_start3A_83 : memref<32xf32, #tpu.memory_space<hbm>>) target(%arg10 : memref<32xf32, #tpu.memory_space<vmem>>) target_semaphore(%run_scoped3A : memref<!tpu.dma_semaphore, #tpu.memory_space<semaphore_mem>>)
      %dma_wait3A_84 = tpu.memref_slice %arg5[%add3A_8] : memref<4096xf32, #tpu.memory_space<hbm>> -> memref<32xf32, #tpu.memory_space<hbm>>
      %dma_wait3A_85 = tpu.memref_slice %arg5[%add3A_8] : memref<4096xf32, #tpu.memory_space<hbm>> -> memref<32xf32, #tpu.memory_space<hbm>>
      tpu.wait_dma2 semaphore(%run_scoped3A : memref<!tpu.dma_semaphore, #tpu.memory_space<semaphore_mem>>) src(%dma_wait3A_85 : memref<32xf32, #tpu.memory_space<hbm>>) dst(%arg10 : memref<32xf32, #tpu.memory_space<vmem>>)
      tpu.yield
    }) : () -> ()
    %dma_start3A = arith.constant 0 : i32
    %dma_start3A_9 = arith.constant 0 : i32
    %dma_start3A_10 = tpu.memref_slice %arg2[%dma_start3A, %dma_start3A_9] : memref<6144x768xf32, #tpu.memory_space<hbm>> -> memref<6144x768xf32, #tpu.memory_space<hbm>>
    tpu.enqueue_indirect_dma source(%dma_start3A_10 : memref<6144x768xf32, #tpu.memory_space<hbm>>) target(%arg11 : memref<32x768xf32, #tpu.memory_space<vmem>>) offsets(%arg7 : memref<32xi32, #tpu.memory_space<vmem>>) semaphore(%arg15 : memref<!tpu.dma_semaphore, #tpu.memory_space<semaphore_mem>>)
    %dma_start3A_11 = arith.constant 0 : i32
    %dma_start3A_12 = arith.constant 0 : i32
    %dma_start3A_13 = tpu.memref_slice %arg2[%dma_start3A_11, %dma_start3A_12] : memref<6144x768xf32, #tpu.memory_space<hbm>> -> memref<6144x768xf32, #tpu.memory_space<hbm>>
    tpu.enqueue_indirect_dma source(%dma_start3A_13 : memref<6144x768xf32, #tpu.memory_space<hbm>>) target(%arg12 : memref<32x768xf32, #tpu.memory_space<vmem>>) offsets(%arg8 : memref<32xi32, #tpu.memory_space<vmem>>) semaphore(%arg16 : memref<!tpu.dma_semaphore, #tpu.memory_space<semaphore_mem>>)
    %dma_start3A_14 = arith.constant 0 : i32
    %dma_start3A_15 = tpu.memref_slice %arg3[%add3A_4, %dma_start3A_14] : memref<2048x768xf32, #tpu.memory_space<hbm>> -> memref<32x768xf32, #tpu.memory_space<hbm>>
    %dma_start3A_16 = arith.constant 0 : i32
    %dma_start3A_17 = tpu.memref_slice %arg3[%add3A_4, %dma_start3A_16] : memref<2048x768xf32, #tpu.memory_space<hbm>> -> memref<32x768xf32, #tpu.memory_space<hbm>>
    tpu.enqueue_dma source(%dma_start3A_17 : memref<32x768xf32, #tpu.memory_space<hbm>>) target(%arg13 : memref<32x768xf32, #tpu.memory_space<vmem>>) target_semaphore(%arg17 : memref<!tpu.dma_semaphore, #tpu.memory_space<semaphore_mem>>)
    %dma_wait3A = arith.constant 0 : i32
    %dma_wait3A_18 = arith.constant 0 : i32
    %dma_wait3A_19 = tpu.memref_slice %arg2[%dma_wait3A, %dma_wait3A_18] : memref<6144x768xf32, #tpu.memory_space<hbm>> -> memref<6144x768xf32, #tpu.memory_space<hbm>>
    tpu.wait_indirect_dma semaphore(%arg15 : memref<!tpu.dma_semaphore, #tpu.memory_space<semaphore_mem>>) src(%dma_wait3A_19 : memref<6144x768xf32, #tpu.memory_space<hbm>>) dst(%arg11 : memref<32x768xf32, #tpu.memory_space<vmem>>)
    %dma_wait3A_20 = arith.constant 0 : i32
    %dma_wait3A_21 = arith.constant 0 : i32
    %dma_wait3A_22 = tpu.memref_slice %arg2[%dma_wait3A_20, %dma_wait3A_21] : memref<6144x768xf32, #tpu.memory_space<hbm>> -> memref<6144x768xf32, #tpu.memory_space<hbm>>
    tpu.wait_indirect_dma semaphore(%arg16 : memref<!tpu.dma_semaphore, #tpu.memory_space<semaphore_mem>>) src(%dma_wait3A_22 : memref<6144x768xf32, #tpu.memory_space<hbm>>) dst(%arg12 : memref<32x768xf32, #tpu.memory_space<vmem>>)
    %dma_wait3A_23 = arith.constant 0 : i32
    %dma_wait3A_24 = tpu.memref_slice %arg3[%add3A_4, %dma_wait3A_23] : memref<2048x768xf32, #tpu.memory_space<hbm>> -> memref<32x768xf32, #tpu.memory_space<hbm>>
    %dma_wait3A_25 = arith.constant 0 : i32
    %dma_wait3A_26 = tpu.memref_slice %arg3[%add3A_4, %dma_wait3A_25] : memref<2048x768xf32, #tpu.memory_space<hbm>> -> memref<32x768xf32, #tpu.memory_space<hbm>>
    tpu.wait_dma2 semaphore(%arg17 : memref<!tpu.dma_semaphore, #tpu.memory_space<semaphore_mem>>) src(%dma_wait3A_26 : memref<32x768xf32, #tpu.memory_space<hbm>>) dst(%arg13 : memref<32x768xf32, #tpu.memory_space<vmem>>)
    %scan3A = arith.constant 0 : i32
    %scan3A_27 = arith.constant 0 : i32
    %scan3A_28 = arith.constant 32 : i32
    %scan3A_29 = arith.addi %scan3A_27, %scan3A_28 : i32
    %scan3A_30 = arith.constant 1 : i32
    scf.for %scan3A_82 = %scan3A_27 to %scan3A_29 step %scan3A_30  : i32 {
      %shift_right_arithmetic3A = arith.constant 4 : i32
      %shift_right_arithmetic3A_83 = arith.shrsi %scan3A_82, %shift_right_arithmetic3A : i32
      %and3A = arith.constant 15 : i32
      %and3A_84 = arith.andi %scan3A_82, %and3A : i32
      %mul3A_85 = arith.constant 16 : i32
      %mul3A_86 = arith.muli %shift_right_arithmetic3A_83, %mul3A_85 : i32
      %get3A = arith.index_cast %mul3A_86 : i32 to index
      %get3A_87 = tpu.vector_load %arg9[%get3A] {strides = array<i32>} : memref<32xf32, #tpu.memory_space<vmem>>, vector<16xf32>,
      %mul3A_88 = arith.constant 16 : i32
      %mul3A_89 = arith.muli %shift_right_arithmetic3A_83, %mul3A_88 : i32
      %get3A_90 = arith.index_cast %mul3A_89 : i32 to index
      %get3A_91 = tpu.vector_load %arg10[%get3A_90] {strides = array<i32>} : memref<32xf32, #tpu.memory_space<vmem>>, vector<16xf32>,
      %eq3A = vector.broadcast %and3A_84 : i32 to vector<16xi32>
      %eq3A_92 = arith.cmpi eq, %iota3A, %eq3A : vector<16xi32>
      %jit3A = arith.constant 0.000000e+00 : f32
      %broadcast_in_dim3A = vector.broadcast %jit3A : f32 to vector<16xf32>
      %select_n3A = arith.select %eq3A_92, %get3A_87, %broadcast_in_dim3A : vector<16xi1>, vector<16xf32>
      %reduce_sum3A = arith.constant true
      %reduce_sum3A_93 = vector.broadcast %reduce_sum3A : i1 to vector<16xi1>
      %reduce_sum3A_94 = tpu.scan <sum>, %select_n3A masked %reduce_sum3A_93 : vector<16xf32>, vector<16xi1> -> vector<16xf32>
      %reduce_sum3A_95 = vector.extract %reduce_sum3A_94[15] : f32 from vector<16xf32>
      %broadcast_in_dim3A_96 = vector.broadcast %reduce_sum3A_95 : f32 to vector<16xf32>
      %eq3A_97 = vector.broadcast %and3A_84 : i32 to vector<16xi32>
      %eq3A_98 = arith.cmpi eq, %iota3A, %eq3A_97 : vector<16xi32>
      %jit3A_99 = arith.constant 0.000000e+00 : f32
      %broadcast_in_dim3A_100 = vector.broadcast %jit3A_99 : f32 to vector<16xf32>
      %select_n3A_101 = arith.select %eq3A_98, %get3A_91, %broadcast_in_dim3A_100 : vector<16xi1>, vector<16xf32>
      %reduce_sum3A_102 = arith.constant true
      %reduce_sum3A_103 = vector.broadcast %reduce_sum3A_102 : i1 to vector<16xi1>
      %reduce_sum3A_104 = tpu.scan <sum>, %select_n3A_101 masked %reduce_sum3A_103 : vector<16xf32>, vector<16xi1> -> vector<16xf32>
      %reduce_sum3A_105 = vector.extract %reduce_sum3A_104[15] : f32 from vector<16xf32>
      %broadcast_in_dim3A_106 = vector.broadcast %reduce_sum3A_105 : f32 to vector<16xf32>
      %scan3A_107 = arith.constant 0 : i32
      %scan3A_108 = arith.constant 0 : i32
      %scan3A_109 = arith.constant 48 : i32
      %scan3A_110 = arith.addi %scan3A_108, %scan3A_109 : i32
      %scan3A_111 = arith.constant 1 : i32
      scf.for %scan3A_113 = %scan3A_108 to %scan3A_110 step %scan3A_111  : i32 {
        %mul3A_114 = arith.constant 16 : i32
        %mul3A_115 = arith.muli %scan3A_113, %mul3A_114 : i32
        %get3A_116 = arith.index_cast %scan3A_82 : i32 to index
        %get3A_117 = arith.index_cast %mul3A_115 : i32 to index
        %get3A_118 = tpu.vector_load %arg11[%get3A_116, %get3A_117] {strides = array<i32>} : memref<32x768xf32, #tpu.memory_space<vmem>>, vector<16xf32>,
        %mul3A_119 = arith.mulf %get3A_118, %broadcast_in_dim3A_96 : vector<16xf32>
        %get3A_120 = arith.index_cast %scan3A_82 : i32 to index
        %get3A_121 = arith.index_cast %mul3A_115 : i32 to index
        %get3A_122 = tpu.vector_load %arg12[%get3A_120, %get3A_121] {strides = array<i32>} : memref<32x768xf32, #tpu.memory_space<vmem>>, vector<16xf32>,
        %mul3A_123 = arith.mulf %get3A_122, %broadcast_in_dim3A_106 : vector<16xf32>
        %add3A_124 = arith.addf %mul3A_119, %mul3A_123 : vector<16xf32>
        %get3A_125 = arith.index_cast %scan3A_82 : i32 to index
        %get3A_126 = arith.index_cast %mul3A_115 : i32 to index
        %get3A_127 = tpu.vector_load %arg13[%get3A_125, %get3A_126] {strides = array<i32>} : memref<32x768xf32, #tpu.memory_space<vmem>>, vector<16xf32>,
        %add3A_128 = arith.addf %add3A_124, %get3A_127 : vector<16xf32>
        %swap3A = arith.index_cast %scan3A_82 : i32 to index
        %swap3A_129 = arith.index_cast %mul3A_115 : i32 to index
        %swap3A_130 = tpu.vector_load %arg14[%swap3A, %swap3A_129] {strides = array<i32>} : memref<32x768xf32, #tpu.memory_space<vmem>>, vector<16xf32>,
        tpu.vector_store %arg14[%swap3A, %swap3A_129], %add3A_128 {strides = array<i32>} : memref<32x768xf32, #tpu.memory_space<vmem>>, vector<16xf32>,
      }
      %scan3A_112 = arith.constant 48 : i32
    }
    %scan3A_31 = arith.constant 32 : i32
    %dma_start3A_32 = arith.constant 0 : i32
    %dma_start3A_33 = tpu.memref_slice %arg6[%add3A_4, %dma_start3A_32] : memref<2048x768xf32, #tpu.memory_space<hbm>> -> memref<32x768xf32, #tpu.memory_space<hbm>>
    %dma_start3A_34 = arith.constant 0 : i32
    %dma_start3A_35 = tpu.memref_slice %arg6[%add3A_4, %dma_start3A_34] : memref<2048x768xf32, #tpu.memory_space<hbm>> -> memref<32x768xf32, #tpu.memory_space<hbm>>
    tpu.enqueue_dma source(%arg14 : memref<32x768xf32, #tpu.memory_space<vmem>>) target(%dma_start3A_35 : memref<32x768xf32, #tpu.memory_space<hbm>>) target_semaphore(%arg18 : memref<!tpu.dma_semaphore, #tpu.memory_space<semaphore_mem>>)
    %mul3A_36 = arith.constant 64 : i32
    %mul3A_37 = arith.muli %add3A, %mul3A_36 : i32
    %add3A_38 = arith.constant 32 : i32
    %add3A_39 = arith.addi %mul3A_37, %add3A_38 : i32
    "tpu.region"() ({
      %run_scoped3A = tpu.sem_alloc : memref<!tpu.dma_semaphore, #tpu.memory_space<semaphore_mem>>
      %dma_start3A_82 = tpu.memref_slice %arg4[%add3A_39] : memref<4096xi32, #tpu.memory_space<hbm>> -> memref<32xi32, #tpu.memory_space<hbm>>
      %dma_start3A_83 = tpu.memref_slice %arg4[%add3A_39] : memref<4096xi32, #tpu.memory_space<hbm>> -> memref<32xi32, #tpu.memory_space<hbm>>
      tpu.enqueue_dma source(%dma_start3A_83 : memref<32xi32, #tpu.memory_space<hbm>>) target(%arg7 : memref<32xi32, #tpu.memory_space<vmem>>) target_semaphore(%run_scoped3A : memref<!tpu.dma_semaphore, #tpu.memory_space<semaphore_mem>>)
      %dma_wait3A_84 = tpu.memref_slice %arg4[%add3A_39] : memref<4096xi32, #tpu.memory_space<hbm>> -> memref<32xi32, #tpu.memory_space<hbm>>
      %dma_wait3A_85 = tpu.memref_slice %arg4[%add3A_39] : memref<4096xi32, #tpu.memory_space<hbm>> -> memref<32xi32, #tpu.memory_space<hbm>>
      tpu.wait_dma2 semaphore(%run_scoped3A : memref<!tpu.dma_semaphore, #tpu.memory_space<semaphore_mem>>) src(%dma_wait3A_85 : memref<32xi32, #tpu.memory_space<hbm>>) dst(%arg7 : memref<32xi32, #tpu.memory_space<vmem>>)
      tpu.yield
    }) : () -> ()
    %add3A_40 = arith.constant 2048 : i32
    %add3A_41 = arith.addi %add3A_40, %add3A_39 : i32
    "tpu.region"() ({
      %run_scoped3A = tpu.sem_alloc : memref<!tpu.dma_semaphore, #tpu.memory_space<semaphore_mem>>
      %dma_start3A_82 = tpu.memref_slice %arg4[%add3A_41] : memref<4096xi32, #tpu.memory_space<hbm>> -> memref<32xi32, #tpu.memory_space<hbm>>
      %dma_start3A_83 = tpu.memref_slice %arg4[%add3A_41] : memref<4096xi32, #tpu.memory_space<hbm>> -> memref<32xi32, #tpu.memory_space<hbm>>
      tpu.enqueue_dma source(%dma_start3A_83 : memref<32xi32, #tpu.memory_space<hbm>>) target(%arg8 : memref<32xi32, #tpu.memory_space<vmem>>) target_semaphore(%run_scoped3A : memref<!tpu.dma_semaphore, #tpu.memory_space<semaphore_mem>>)
      %dma_wait3A_84 = tpu.memref_slice %arg4[%add3A_41] : memref<4096xi32, #tpu.memory_space<hbm>> -> memref<32xi32, #tpu.memory_space<hbm>>
      %dma_wait3A_85 = tpu.memref_slice %arg4[%add3A_41] : memref<4096xi32, #tpu.memory_space<hbm>> -> memref<32xi32, #tpu.memory_space<hbm>>
      tpu.wait_dma2 semaphore(%run_scoped3A : memref<!tpu.dma_semaphore, #tpu.memory_space<semaphore_mem>>) src(%dma_wait3A_85 : memref<32xi32, #tpu.memory_space<hbm>>) dst(%arg8 : memref<32xi32, #tpu.memory_space<vmem>>)
      tpu.yield
    }) : () -> ()
    "tpu.region"() ({
      %run_scoped3A = tpu.sem_alloc : memref<!tpu.dma_semaphore, #tpu.memory_space<semaphore_mem>>
      %dma_start3A_82 = tpu.memref_slice %arg5[%add3A_39] : memref<4096xf32, #tpu.memory_space<hbm>> -> memref<32xf32, #tpu.memory_space<hbm>>
      %dma_start3A_83 = tpu.memref_slice %arg5[%add3A_39] : memref<4096xf32, #tpu.memory_space<hbm>> -> memref<32xf32, #tpu.memory_space<hbm>>
      tpu.enqueue_dma source(%dma_start3A_83 : memref<32xf32, #tpu.memory_space<hbm>>) target(%arg9 : memref<32xf32, #tpu.memory_space<vmem>>) target_semaphore(%run_scoped3A : memref<!tpu.dma_semaphore, #tpu.memory_space<semaphore_mem>>)
      %dma_wait3A_84 = tpu.memref_slice %arg5[%add3A_39] : memref<4096xf32, #tpu.memory_space<hbm>> -> memref<32xf32, #tpu.memory_space<hbm>>
      %dma_wait3A_85 = tpu.memref_slice %arg5[%add3A_39] : memref<4096xf32, #tpu.memory_space<hbm>> -> memref<32xf32, #tpu.memory_space<hbm>>
      tpu.wait_dma2 semaphore(%run_scoped3A : memref<!tpu.dma_semaphore, #tpu.memory_space<semaphore_mem>>) src(%dma_wait3A_85 : memref<32xf32, #tpu.memory_space<hbm>>) dst(%arg9 : memref<32xf32, #tpu.memory_space<vmem>>)
      tpu.yield
    }) : () -> ()
    %add3A_42 = arith.constant 2048 : i32
    %add3A_43 = arith.addi %add3A_42, %add3A_39 : i32
    "tpu.region"() ({
      %run_scoped3A = tpu.sem_alloc : memref<!tpu.dma_semaphore, #tpu.memory_space<semaphore_mem>>
      %dma_start3A_82 = tpu.memref_slice %arg5[%add3A_43] : memref<4096xf32, #tpu.memory_space<hbm>> -> memref<32xf32, #tpu.memory_space<hbm>>
      %dma_start3A_83 = tpu.memref_slice %arg5[%add3A_43] : memref<4096xf32, #tpu.memory_space<hbm>> -> memref<32xf32, #tpu.memory_space<hbm>>
      tpu.enqueue_dma source(%dma_start3A_83 : memref<32xf32, #tpu.memory_space<hbm>>) target(%arg10 : memref<32xf32, #tpu.memory_space<vmem>>) target_semaphore(%run_scoped3A : memref<!tpu.dma_semaphore, #tpu.memory_space<semaphore_mem>>)
      %dma_wait3A_84 = tpu.memref_slice %arg5[%add3A_43] : memref<4096xf32, #tpu.memory_space<hbm>> -> memref<32xf32, #tpu.memory_space<hbm>>
      %dma_wait3A_85 = tpu.memref_slice %arg5[%add3A_43] : memref<4096xf32, #tpu.memory_space<hbm>> -> memref<32xf32, #tpu.memory_space<hbm>>
      tpu.wait_dma2 semaphore(%run_scoped3A : memref<!tpu.dma_semaphore, #tpu.memory_space<semaphore_mem>>) src(%dma_wait3A_85 : memref<32xf32, #tpu.memory_space<hbm>>) dst(%arg10 : memref<32xf32, #tpu.memory_space<vmem>>)
      tpu.yield
    }) : () -> ()
    %dma_start3A_44 = arith.constant 0 : i32
    %dma_start3A_45 = arith.constant 0 : i32
    %dma_start3A_46 = tpu.memref_slice %arg2[%dma_start3A_44, %dma_start3A_45] : memref<6144x768xf32, #tpu.memory_space<hbm>> -> memref<6144x768xf32, #tpu.memory_space<hbm>>
    tpu.enqueue_indirect_dma source(%dma_start3A_46 : memref<6144x768xf32, #tpu.memory_space<hbm>>) target(%arg11 : memref<32x768xf32, #tpu.memory_space<vmem>>) offsets(%arg7 : memref<32xi32, #tpu.memory_space<vmem>>) semaphore(%arg15 : memref<!tpu.dma_semaphore, #tpu.memory_space<semaphore_mem>>)
    %dma_start3A_47 = arith.constant 0 : i32
    %dma_start3A_48 = arith.constant 0 : i32
    %dma_start3A_49 = tpu.memref_slice %arg2[%dma_start3A_47, %dma_start3A_48] : memref<6144x768xf32, #tpu.memory_space<hbm>> -> memref<6144x768xf32, #tpu.memory_space<hbm>>
    tpu.enqueue_indirect_dma source(%dma_start3A_49 : memref<6144x768xf32, #tpu.memory_space<hbm>>) target(%arg12 : memref<32x768xf32, #tpu.memory_space<vmem>>) offsets(%arg8 : memref<32xi32, #tpu.memory_space<vmem>>) semaphore(%arg16 : memref<!tpu.dma_semaphore, #tpu.memory_space<semaphore_mem>>)
    %dma_start3A_50 = arith.constant 0 : i32
    %dma_start3A_51 = tpu.memref_slice %arg3[%add3A_39, %dma_start3A_50] : memref<2048x768xf32, #tpu.memory_space<hbm>> -> memref<32x768xf32, #tpu.memory_space<hbm>>
    %dma_start3A_52 = arith.constant 0 : i32
    %dma_start3A_53 = tpu.memref_slice %arg3[%add3A_39, %dma_start3A_52] : memref<2048x768xf32, #tpu.memory_space<hbm>> -> memref<32x768xf32, #tpu.memory_space<hbm>>
    tpu.enqueue_dma source(%dma_start3A_53 : memref<32x768xf32, #tpu.memory_space<hbm>>) target(%arg13 : memref<32x768xf32, #tpu.memory_space<vmem>>) target_semaphore(%arg17 : memref<!tpu.dma_semaphore, #tpu.memory_space<semaphore_mem>>)
    %dma_wait3A_54 = arith.constant 0 : i32
    %dma_wait3A_55 = arith.constant 0 : i32
    %dma_wait3A_56 = tpu.memref_slice %arg2[%dma_wait3A_54, %dma_wait3A_55] : memref<6144x768xf32, #tpu.memory_space<hbm>> -> memref<6144x768xf32, #tpu.memory_space<hbm>>
    tpu.wait_indirect_dma semaphore(%arg15 : memref<!tpu.dma_semaphore, #tpu.memory_space<semaphore_mem>>) src(%dma_wait3A_56 : memref<6144x768xf32, #tpu.memory_space<hbm>>) dst(%arg11 : memref<32x768xf32, #tpu.memory_space<vmem>>)
    %dma_wait3A_57 = arith.constant 0 : i32
    %dma_wait3A_58 = arith.constant 0 : i32
    %dma_wait3A_59 = tpu.memref_slice %arg2[%dma_wait3A_57, %dma_wait3A_58] : memref<6144x768xf32, #tpu.memory_space<hbm>> -> memref<6144x768xf32, #tpu.memory_space<hbm>>
    tpu.wait_indirect_dma semaphore(%arg16 : memref<!tpu.dma_semaphore, #tpu.memory_space<semaphore_mem>>) src(%dma_wait3A_59 : memref<6144x768xf32, #tpu.memory_space<hbm>>) dst(%arg12 : memref<32x768xf32, #tpu.memory_space<vmem>>)
    %dma_wait3A_60 = arith.constant 0 : i32
    %dma_wait3A_61 = tpu.memref_slice %arg3[%add3A_39, %dma_wait3A_60] : memref<2048x768xf32, #tpu.memory_space<hbm>> -> memref<32x768xf32, #tpu.memory_space<hbm>>
    %dma_wait3A_62 = arith.constant 0 : i32
    %dma_wait3A_63 = tpu.memref_slice %arg3[%add3A_39, %dma_wait3A_62] : memref<2048x768xf32, #tpu.memory_space<hbm>> -> memref<32x768xf32, #tpu.memory_space<hbm>>
    tpu.wait_dma2 semaphore(%arg17 : memref<!tpu.dma_semaphore, #tpu.memory_space<semaphore_mem>>) src(%dma_wait3A_63 : memref<32x768xf32, #tpu.memory_space<hbm>>) dst(%arg13 : memref<32x768xf32, #tpu.memory_space<vmem>>)
    %dma_wait3A_64 = arith.constant 0 : i32
    %dma_wait3A_65 = tpu.memref_slice %arg6[%add3A_4, %dma_wait3A_64] : memref<2048x768xf32, #tpu.memory_space<hbm>> -> memref<32x768xf32, #tpu.memory_space<hbm>>
    %dma_wait3A_66 = arith.constant 0 : i32
    %dma_wait3A_67 = tpu.memref_slice %arg6[%add3A_4, %dma_wait3A_66] : memref<2048x768xf32, #tpu.memory_space<hbm>> -> memref<32x768xf32, #tpu.memory_space<hbm>>
    tpu.wait_dma2 semaphore(%arg18 : memref<!tpu.dma_semaphore, #tpu.memory_space<semaphore_mem>>) src(%arg14 : memref<32x768xf32, #tpu.memory_space<vmem>>) dst(%dma_wait3A_67 : memref<32x768xf32, #tpu.memory_space<hbm>>)
    %scan3A_68 = arith.constant 0 : i32
    %scan3A_69 = arith.constant 0 : i32
    %scan3A_70 = arith.constant 32 : i32
    %scan3A_71 = arith.addi %scan3A_69, %scan3A_70 : i32
    %scan3A_72 = arith.constant 1 : i32
    scf.for %scan3A_82 = %scan3A_69 to %scan3A_71 step %scan3A_72  : i32 {
      %shift_right_arithmetic3A = arith.constant 4 : i32
      %shift_right_arithmetic3A_83 = arith.shrsi %scan3A_82, %shift_right_arithmetic3A : i32
      %and3A = arith.constant 15 : i32
      %and3A_84 = arith.andi %scan3A_82, %and3A : i32
      %mul3A_85 = arith.constant 16 : i32
      %mul3A_86 = arith.muli %shift_right_arithmetic3A_83, %mul3A_85 : i32
      %get3A = arith.index_cast %mul3A_86 : i32 to index
      %get3A_87 = tpu.vector_load %arg9[%get3A] {strides = array<i32>} : memref<32xf32, #tpu.memory_space<vmem>>, vector<16xf32>,
      %mul3A_88 = arith.constant 16 : i32
      %mul3A_89 = arith.muli %shift_right_arithmetic3A_83, %mul3A_88 : i32
      %get3A_90 = arith.index_cast %mul3A_89 : i32 to index
      %get3A_91 = tpu.vector_load %arg10[%get3A_90] {strides = array<i32>} : memref<32xf32, #tpu.memory_space<vmem>>, vector<16xf32>,
      %eq3A = vector.broadcast %and3A_84 : i32 to vector<16xi32>
      %eq3A_92 = arith.cmpi eq, %iota3A, %eq3A : vector<16xi32>
      %jit3A = arith.constant 0.000000e+00 : f32
      %broadcast_in_dim3A = vector.broadcast %jit3A : f32 to vector<16xf32>
      %select_n3A = arith.select %eq3A_92, %get3A_87, %broadcast_in_dim3A : vector<16xi1>, vector<16xf32>
      %reduce_sum3A = arith.constant true
      %reduce_sum3A_93 = vector.broadcast %reduce_sum3A : i1 to vector<16xi1>
      %reduce_sum3A_94 = tpu.scan <sum>, %select_n3A masked %reduce_sum3A_93 : vector<16xf32>, vector<16xi1> -> vector<16xf32>
      %reduce_sum3A_95 = vector.extract %reduce_sum3A_94[15] : f32 from vector<16xf32>
      %broadcast_in_dim3A_96 = vector.broadcast %reduce_sum3A_95 : f32 to vector<16xf32>
      %eq3A_97 = vector.broadcast %and3A_84 : i32 to vector<16xi32>
      %eq3A_98 = arith.cmpi eq, %iota3A, %eq3A_97 : vector<16xi32>
      %jit3A_99 = arith.constant 0.000000e+00 : f32
      %broadcast_in_dim3A_100 = vector.broadcast %jit3A_99 : f32 to vector<16xf32>
      %select_n3A_101 = arith.select %eq3A_98, %get3A_91, %broadcast_in_dim3A_100 : vector<16xi1>, vector<16xf32>
      %reduce_sum3A_102 = arith.constant true
      %reduce_sum3A_103 = vector.broadcast %reduce_sum3A_102 : i1 to vector<16xi1>
      %reduce_sum3A_104 = tpu.scan <sum>, %select_n3A_101 masked %reduce_sum3A_103 : vector<16xf32>, vector<16xi1> -> vector<16xf32>
      %reduce_sum3A_105 = vector.extract %reduce_sum3A_104[15] : f32 from vector<16xf32>
      %broadcast_in_dim3A_106 = vector.broadcast %reduce_sum3A_105 : f32 to vector<16xf32>
      %scan3A_107 = arith.constant 0 : i32
      %scan3A_108 = arith.constant 0 : i32
      %scan3A_109 = arith.constant 48 : i32
      %scan3A_110 = arith.addi %scan3A_108, %scan3A_109 : i32
      %scan3A_111 = arith.constant 1 : i32
      scf.for %scan3A_113 = %scan3A_108 to %scan3A_110 step %scan3A_111  : i32 {
        %mul3A_114 = arith.constant 16 : i32
        %mul3A_115 = arith.muli %scan3A_113, %mul3A_114 : i32
        %get3A_116 = arith.index_cast %scan3A_82 : i32 to index
        %get3A_117 = arith.index_cast %mul3A_115 : i32 to index
        %get3A_118 = tpu.vector_load %arg11[%get3A_116, %get3A_117] {strides = array<i32>} : memref<32x768xf32, #tpu.memory_space<vmem>>, vector<16xf32>,
        %mul3A_119 = arith.mulf %get3A_118, %broadcast_in_dim3A_96 : vector<16xf32>
        %get3A_120 = arith.index_cast %scan3A_82 : i32 to index
        %get3A_121 = arith.index_cast %mul3A_115 : i32 to index
        %get3A_122 = tpu.vector_load %arg12[%get3A_120, %get3A_121] {strides = array<i32>} : memref<32x768xf32, #tpu.memory_space<vmem>>, vector<16xf32>,
        %mul3A_123 = arith.mulf %get3A_122, %broadcast_in_dim3A_106 : vector<16xf32>
        %add3A_124 = arith.addf %mul3A_119, %mul3A_123 : vector<16xf32>
        %get3A_125 = arith.index_cast %scan3A_82 : i32 to index
        %get3A_126 = arith.index_cast %mul3A_115 : i32 to index
        %get3A_127 = tpu.vector_load %arg13[%get3A_125, %get3A_126] {strides = array<i32>} : memref<32x768xf32, #tpu.memory_space<vmem>>, vector<16xf32>,
        %add3A_128 = arith.addf %add3A_124, %get3A_127 : vector<16xf32>
        %swap3A = arith.index_cast %scan3A_82 : i32 to index
        %swap3A_129 = arith.index_cast %mul3A_115 : i32 to index
        %swap3A_130 = tpu.vector_load %arg14[%swap3A, %swap3A_129] {strides = array<i32>} : memref<32x768xf32, #tpu.memory_space<vmem>>, vector<16xf32>,
        tpu.vector_store %arg14[%swap3A, %swap3A_129], %add3A_128 {strides = array<i32>} : memref<32x768xf32, #tpu.memory_space<vmem>>, vector<16xf32>,
      }
      %scan3A_112 = arith.constant 48 : i32
    }
    %scan3A_73 = arith.constant 32 : i32
    %dma_start3A_74 = arith.constant 0 : i32
    %dma_start3A_75 = tpu.memref_slice %arg6[%add3A_39, %dma_start3A_74] : memref<2048x768xf32, #tpu.memory_space<hbm>> -> memref<32x768xf32, #tpu.memory_space<hbm>>
    %dma_start3A_76 = arith.constant 0 : i32
    %dma_start3A_77 = tpu.memref_slice %arg6[%add3A_39, %dma_start3A_76] : memref<2048x768xf32, #tpu.memory_space<hbm>> -> memref<32x768xf32, #tpu.memory_space<hbm>>
    tpu.enqueue_dma source(%arg14 : memref<32x768xf32, #tpu.memory_space<vmem>>) target(%dma_start3A_77 : memref<32x768xf32, #tpu.memory_space<hbm>>) target_semaphore(%arg18 : memref<!tpu.dma_semaphore, #tpu.memory_space<semaphore_mem>>)
    %dma_wait3A_78 = arith.constant 0 : i32
    %dma_wait3A_79 = tpu.memref_slice %arg6[%add3A_39, %dma_wait3A_78] : memref<2048x768xf32, #tpu.memory_space<hbm>> -> memref<32x768xf32, #tpu.memory_space<hbm>>
    %dma_wait3A_80 = arith.constant 0 : i32
    %dma_wait3A_81 = tpu.memref_slice %arg6[%add3A_39, %dma_wait3A_80] : memref<2048x768xf32, #tpu.memory_space<hbm>> -> memref<32x768xf32, #tpu.memory_space<hbm>>
    tpu.wait_dma2 semaphore(%arg18 : memref<!tpu.dma_semaphore, #tpu.memory_space<semaphore_mem>>) src(%arg14 : memref<32x768xf32, #tpu.memory_space<vmem>>) dst(%dma_wait3A_81 : memref<32x768xf32, #tpu.memory_space<hbm>>)
    return
  }
}

#map = affine_map<(d0, d1) -> (0)>
#map1 = affine_map<(d0, d1) -> (0, 0)>
module attributes {stable_mosaic.version = 14 : i64} {
  func.func @_k2b_body(%arg0: i32, %arg1: i32, %arg2: memref<6144xi32, #tpu.memory_space<hbm>>, %arg3: memref<2048x768xf32, #tpu.memory_space<hbm>>, %arg4: memref<6144x768xf32, #tpu.memory_space<hbm>>, %arg5: memref<192xi32, #tpu.memory_space<vmem>>, %arg6: memref<32x768xf32, #tpu.memory_space<vmem>>, %arg7: memref<32x768xf32, #tpu.memory_space<vmem>>, %arg8: memref<32x768xf32, #tpu.memory_space<vmem>>, %arg9: memref<32x768xf32, #tpu.memory_space<vmem>>, %arg10: memref<!tpu.dma_semaphore, #tpu.memory_space<semaphore_mem>>, %arg11: memref<!tpu.dma_semaphore, #tpu.memory_space<semaphore_mem>>, %arg12: memref<!tpu.dma_semaphore, #tpu.memory_space<semaphore_mem>>, %arg13: memref<!tpu.dma_semaphore, #tpu.memory_space<semaphore_mem>>, %arg14: memref<!tpu.dma_semaphore, #tpu.memory_space<semaphore_mem>>, %arg15: memref<!tpu.dma_semaphore, #tpu.memory_space<semaphore_mem>>, %arg16: memref<!tpu.dma_semaphore, #tpu.memory_space<semaphore_mem>>, %arg17: memref<!tpu.dma_semaphore, #tpu.memory_space<semaphore_mem>>) attributes {dimension_semantics = [#tpu.dimension_semantics<core_parallel>, #tpu.dimension_semantics<subcore_parallel>], iteration_bounds = array<i64: 2, 16>, scalar_prefetch = 0 : i64, scratch_operands = 13 : i64, tpu.core_type = #tpu.core_type<sc_vector_subcore>, window_params = [{transform_indices = #map}, {transform_indices = #map1}, {transform_indices = #map1}]} {
    %mul3A = arith.constant 2 : i32
    %mul3A_0 = arith.muli %arg1, %mul3A : i32
    %add3A = arith.addi %mul3A_0, %arg0 : i32
    %mul3A_1 = arith.constant 192 : i32
    %mul3A_2 = arith.muli %add3A, %mul3A_1 : i32
    "tpu.region"() ({
      %run_scoped3A = tpu.sem_alloc : memref<!tpu.dma_semaphore, #tpu.memory_space<semaphore_mem>>
      %dma_start3A_121 = tpu.memref_slice %arg2[%mul3A_2] : memref<6144xi32, #tpu.memory_space<hbm>> -> memref<192xi32, #tpu.memory_space<hbm>>
      %dma_start3A_122 = tpu.memref_slice %arg2[%mul3A_2] : memref<6144xi32, #tpu.memory_space<hbm>> -> memref<192xi32, #tpu.memory_space<hbm>>
      tpu.enqueue_dma source(%dma_start3A_122 : memref<192xi32, #tpu.memory_space<hbm>>) target(%arg5 : memref<192xi32, #tpu.memory_space<vmem>>) target_semaphore(%run_scoped3A : memref<!tpu.dma_semaphore, #tpu.memory_space<semaphore_mem>>)
      %dma_wait3A_123 = tpu.memref_slice %arg2[%mul3A_2] : memref<6144xi32, #tpu.memory_space<hbm>> -> memref<192xi32, #tpu.memory_space<hbm>>
      %dma_wait3A_124 = tpu.memref_slice %arg2[%mul3A_2] : memref<6144xi32, #tpu.memory_space<hbm>> -> memref<192xi32, #tpu.memory_space<hbm>>
      tpu.wait_dma2 semaphore(%run_scoped3A : memref<!tpu.dma_semaphore, #tpu.memory_space<semaphore_mem>>) src(%dma_wait3A_124 : memref<192xi32, #tpu.memory_space<hbm>>) dst(%arg5 : memref<192xi32, #tpu.memory_space<vmem>>)
      tpu.yield
    }) : () -> ()
    %dma_start3A = arith.constant 0 : i32
    %dma_start3A_3 = tpu.memref_slice %arg5[%dma_start3A] : memref<192xi32, #tpu.memory_space<vmem>> -> memref<32xi32, #tpu.memory_space<vmem>>
    %dma_start3A_4 = arith.constant 0 : i32
    %dma_start3A_5 = arith.constant 0 : i32
    %dma_start3A_6 = tpu.memref_slice %arg3[%dma_start3A_4, %dma_start3A_5] : memref<2048x768xf32, #tpu.memory_space<hbm>> -> memref<2048x768xf32, #tpu.memory_space<hbm>>
    tpu.enqueue_indirect_dma source(%dma_start3A_6 : memref<2048x768xf32, #tpu.memory_space<hbm>>) target(%arg6 : memref<32x768xf32, #tpu.memory_space<vmem>>) offsets(%dma_start3A_3 : memref<32xi32, #tpu.memory_space<vmem>>) semaphore(%arg10 : memref<!tpu.dma_semaphore, #tpu.memory_space<semaphore_mem>>)
    %dma_start3A_7 = arith.constant 32 : i32
    %dma_start3A_8 = tpu.memref_slice %arg5[%dma_start3A_7] : memref<192xi32, #tpu.memory_space<vmem>> -> memref<32xi32, #tpu.memory_space<vmem>>
    %dma_start3A_9 = arith.constant 0 : i32
    %dma_start3A_10 = arith.constant 0 : i32
    %dma_start3A_11 = tpu.memref_slice %arg3[%dma_start3A_9, %dma_start3A_10] : memref<2048x768xf32, #tpu.memory_space<hbm>> -> memref<2048x768xf32, #tpu.memory_space<hbm>>
    tpu.enqueue_indirect_dma source(%dma_start3A_11 : memref<2048x768xf32, #tpu.memory_space<hbm>>) target(%arg7 : memref<32x768xf32, #tpu.memory_space<vmem>>) offsets(%dma_start3A_8 : memref<32xi32, #tpu.memory_space<vmem>>) semaphore(%arg11 : memref<!tpu.dma_semaphore, #tpu.memory_space<semaphore_mem>>)
    %dma_wait3A = arith.constant 0 : i32
    %dma_wait3A_12 = tpu.memref_slice %arg5[%dma_wait3A] : memref<192xi32, #tpu.memory_space<vmem>> -> memref<32xi32, #tpu.memory_space<vmem>>
    %dma_wait3A_13 = arith.constant 0 : i32
    %dma_wait3A_14 = arith.constant 0 : i32
    %dma_wait3A_15 = tpu.memref_slice %arg3[%dma_wait3A_13, %dma_wait3A_14] : memref<2048x768xf32, #tpu.memory_space<hbm>> -> memref<2048x768xf32, #tpu.memory_space<hbm>>
    tpu.wait_indirect_dma semaphore(%arg10 : memref<!tpu.dma_semaphore, #tpu.memory_space<semaphore_mem>>) src(%dma_wait3A_15 : memref<2048x768xf32, #tpu.memory_space<hbm>>) dst(%arg6 : memref<32x768xf32, #tpu.memory_space<vmem>>)
    %add3A_16 = arith.constant 0 : i32
    %add3A_17 = arith.addi %mul3A_2, %add3A_16 : i32
    %dma_start3A_18 = arith.constant 0 : i32
    %dma_start3A_19 = tpu.memref_slice %arg4[%add3A_17, %dma_start3A_18] : memref<6144x768xf32, #tpu.memory_space<hbm>> -> memref<32x768xf32, #tpu.memory_space<hbm>>
    %dma_start3A_20 = arith.constant 0 : i32
    %dma_start3A_21 = tpu.memref_slice %arg4[%add3A_17, %dma_start3A_20] : memref<6144x768xf32, #tpu.memory_space<hbm>> -> memref<32x768xf32, #tpu.memory_space<hbm>>
    tpu.enqueue_dma source(%arg6 : memref<32x768xf32, #tpu.memory_space<vmem>>) target(%dma_start3A_21 : memref<32x768xf32, #tpu.memory_space<hbm>>) target_semaphore(%arg14 : memref<!tpu.dma_semaphore, #tpu.memory_space<semaphore_mem>>)
    %dma_start3A_22 = arith.constant 64 : i32
    %dma_start3A_23 = tpu.memref_slice %arg5[%dma_start3A_22] : memref<192xi32, #tpu.memory_space<vmem>> -> memref<32xi32, #tpu.memory_space<vmem>>
    %dma_start3A_24 = arith.constant 0 : i32
    %dma_start3A_25 = arith.constant 0 : i32
    %dma_start3A_26 = tpu.memref_slice %arg3[%dma_start3A_24, %dma_start3A_25] : memref<2048x768xf32, #tpu.memory_space<hbm>> -> memref<2048x768xf32, #tpu.memory_space<hbm>>
    tpu.enqueue_indirect_dma source(%dma_start3A_26 : memref<2048x768xf32, #tpu.memory_space<hbm>>) target(%arg8 : memref<32x768xf32, #tpu.memory_space<vmem>>) offsets(%dma_start3A_23 : memref<32xi32, #tpu.memory_space<vmem>>) semaphore(%arg12 : memref<!tpu.dma_semaphore, #tpu.memory_space<semaphore_mem>>)
    %dma_wait3A_27 = arith.constant 32 : i32
    %dma_wait3A_28 = tpu.memref_slice %arg5[%dma_wait3A_27] : memref<192xi32, #tpu.memory_space<vmem>> -> memref<32xi32, #tpu.memory_space<vmem>>
    %dma_wait3A_29 = arith.constant 0 : i32
    %dma_wait3A_30 = arith.constant 0 : i32
    %dma_wait3A_31 = tpu.memref_slice %arg3[%dma_wait3A_29, %dma_wait3A_30] : memref<2048x768xf32, #tpu.memory_space<hbm>> -> memref<2048x768xf32, #tpu.memory_space<hbm>>
    tpu.wait_indirect_dma semaphore(%arg11 : memref<!tpu.dma_semaphore, #tpu.memory_space<semaphore_mem>>) src(%dma_wait3A_31 : memref<2048x768xf32, #tpu.memory_space<hbm>>) dst(%arg7 : memref<32x768xf32, #tpu.memory_space<vmem>>)
    %add3A_32 = arith.constant 32 : i32
    %add3A_33 = arith.addi %mul3A_2, %add3A_32 : i32
    %dma_start3A_34 = arith.constant 0 : i32
    %dma_start3A_35 = tpu.memref_slice %arg4[%add3A_33, %dma_start3A_34] : memref<6144x768xf32, #tpu.memory_space<hbm>> -> memref<32x768xf32, #tpu.memory_space<hbm>>
    %dma_start3A_36 = arith.constant 0 : i32
    %dma_start3A_37 = tpu.memref_slice %arg4[%add3A_33, %dma_start3A_36] : memref<6144x768xf32, #tpu.memory_space<hbm>> -> memref<32x768xf32, #tpu.memory_space<hbm>>
    tpu.enqueue_dma source(%arg7 : memref<32x768xf32, #tpu.memory_space<vmem>>) target(%dma_start3A_37 : memref<32x768xf32, #tpu.memory_space<hbm>>) target_semaphore(%arg15 : memref<!tpu.dma_semaphore, #tpu.memory_space<semaphore_mem>>)
    %dma_start3A_38 = arith.constant 96 : i32
    %dma_start3A_39 = tpu.memref_slice %arg5[%dma_start3A_38] : memref<192xi32, #tpu.memory_space<vmem>> -> memref<32xi32, #tpu.memory_space<vmem>>
    %dma_start3A_40 = arith.constant 0 : i32
    %dma_start3A_41 = arith.constant 0 : i32
    %dma_start3A_42 = tpu.memref_slice %arg3[%dma_start3A_40, %dma_start3A_41] : memref<2048x768xf32, #tpu.memory_space<hbm>> -> memref<2048x768xf32, #tpu.memory_space<hbm>>
    tpu.enqueue_indirect_dma source(%dma_start3A_42 : memref<2048x768xf32, #tpu.memory_space<hbm>>) target(%arg9 : memref<32x768xf32, #tpu.memory_space<vmem>>) offsets(%dma_start3A_39 : memref<32xi32, #tpu.memory_space<vmem>>) semaphore(%arg13 : memref<!tpu.dma_semaphore, #tpu.memory_space<semaphore_mem>>)
    %dma_wait3A_43 = arith.constant 64 : i32
    %dma_wait3A_44 = tpu.memref_slice %arg5[%dma_wait3A_43] : memref<192xi32, #tpu.memory_space<vmem>> -> memref<32xi32, #tpu.memory_space<vmem>>
    %dma_wait3A_45 = arith.constant 0 : i32
    %dma_wait3A_46 = arith.constant 0 : i32
    %dma_wait3A_47 = tpu.memref_slice %arg3[%dma_wait3A_45, %dma_wait3A_46] : memref<2048x768xf32, #tpu.memory_space<hbm>> -> memref<2048x768xf32, #tpu.memory_space<hbm>>
    tpu.wait_indirect_dma semaphore(%arg12 : memref<!tpu.dma_semaphore, #tpu.memory_space<semaphore_mem>>) src(%dma_wait3A_47 : memref<2048x768xf32, #tpu.memory_space<hbm>>) dst(%arg8 : memref<32x768xf32, #tpu.memory_space<vmem>>)
    %add3A_48 = arith.constant 64 : i32
    %add3A_49 = arith.addi %mul3A_2, %add3A_48 : i32
    %dma_start3A_50 = arith.constant 0 : i32
    %dma_start3A_51 = tpu.memref_slice %arg4[%add3A_49, %dma_start3A_50] : memref<6144x768xf32, #tpu.memory_space<hbm>> -> memref<32x768xf32, #tpu.memory_space<hbm>>
    %dma_start3A_52 = arith.constant 0 : i32
    %dma_start3A_53 = tpu.memref_slice %arg4[%add3A_49, %dma_start3A_52] : memref<6144x768xf32, #tpu.memory_space<hbm>> -> memref<32x768xf32, #tpu.memory_space<hbm>>
    tpu.enqueue_dma source(%arg8 : memref<32x768xf32, #tpu.memory_space<vmem>>) target(%dma_start3A_53 : memref<32x768xf32, #tpu.memory_space<hbm>>) target_semaphore(%arg16 : memref<!tpu.dma_semaphore, #tpu.memory_space<semaphore_mem>>)
    %dma_wait3A_54 = arith.constant 0 : i32
    %dma_wait3A_55 = tpu.memref_slice %arg4[%add3A_17, %dma_wait3A_54] : memref<6144x768xf32, #tpu.memory_space<hbm>> -> memref<32x768xf32, #tpu.memory_space<hbm>>
    %dma_wait3A_56 = arith.constant 0 : i32
    %dma_wait3A_57 = tpu.memref_slice %arg4[%add3A_17, %dma_wait3A_56] : memref<6144x768xf32, #tpu.memory_space<hbm>> -> memref<32x768xf32, #tpu.memory_space<hbm>>
    tpu.wait_dma2 semaphore(%arg14 : memref<!tpu.dma_semaphore, #tpu.memory_space<semaphore_mem>>) src(%arg6 : memref<32x768xf32, #tpu.memory_space<vmem>>) dst(%dma_wait3A_57 : memref<32x768xf32, #tpu.memory_space<hbm>>)
    %dma_start3A_58 = arith.constant 128 : i32
    %dma_start3A_59 = tpu.memref_slice %arg5[%dma_start3A_58] : memref<192xi32, #tpu.memory_space<vmem>> -> memref<32xi32, #tpu.memory_space<vmem>>
    %dma_start3A_60 = arith.constant 0 : i32
    %dma_start3A_61 = arith.constant 0 : i32
    %dma_start3A_62 = tpu.memref_slice %arg3[%dma_start3A_60, %dma_start3A_61] : memref<2048x768xf32, #tpu.memory_space<hbm>> -> memref<2048x768xf32, #tpu.memory_space<hbm>>
    tpu.enqueue_indirect_dma source(%dma_start3A_62 : memref<2048x768xf32, #tpu.memory_space<hbm>>) target(%arg6 : memref<32x768xf32, #tpu.memory_space<vmem>>) offsets(%dma_start3A_59 : memref<32xi32, #tpu.memory_space<vmem>>) semaphore(%arg10 : memref<!tpu.dma_semaphore, #tpu.memory_space<semaphore_mem>>)
    %dma_wait3A_63 = arith.constant 96 : i32
    %dma_wait3A_64 = tpu.memref_slice %arg5[%dma_wait3A_63] : memref<192xi32, #tpu.memory_space<vmem>> -> memref<32xi32, #tpu.memory_space<vmem>>
    %dma_wait3A_65 = arith.constant 0 : i32
    %dma_wait3A_66 = arith.constant 0 : i32
    %dma_wait3A_67 = tpu.memref_slice %arg3[%dma_wait3A_65, %dma_wait3A_66] : memref<2048x768xf32, #tpu.memory_space<hbm>> -> memref<2048x768xf32, #tpu.memory_space<hbm>>
    tpu.wait_indirect_dma semaphore(%arg13 : memref<!tpu.dma_semaphore, #tpu.memory_space<semaphore_mem>>) src(%dma_wait3A_67 : memref<2048x768xf32, #tpu.memory_space<hbm>>) dst(%arg9 : memref<32x768xf32, #tpu.memory_space<vmem>>)
    %add3A_68 = arith.constant 96 : i32
    %add3A_69 = arith.addi %mul3A_2, %add3A_68 : i32
    %dma_start3A_70 = arith.constant 0 : i32
    %dma_start3A_71 = tpu.memref_slice %arg4[%add3A_69, %dma_start3A_70] : memref<6144x768xf32, #tpu.memory_space<hbm>> -> memref<32x768xf32, #tpu.memory_space<hbm>>
    %dma_start3A_72 = arith.constant 0 : i32
    %dma_start3A_73 = tpu.memref_slice %arg4[%add3A_69, %dma_start3A_72] : memref<6144x768xf32, #tpu.memory_space<hbm>> -> memref<32x768xf32, #tpu.memory_space<hbm>>
    tpu.enqueue_dma source(%arg9 : memref<32x768xf32, #tpu.memory_space<vmem>>) target(%dma_start3A_73 : memref<32x768xf32, #tpu.memory_space<hbm>>) target_semaphore(%arg17 : memref<!tpu.dma_semaphore, #tpu.memory_space<semaphore_mem>>)
    %dma_wait3A_74 = arith.constant 0 : i32
    %dma_wait3A_75 = tpu.memref_slice %arg4[%add3A_33, %dma_wait3A_74] : memref<6144x768xf32, #tpu.memory_space<hbm>> -> memref<32x768xf32, #tpu.memory_space<hbm>>
    %dma_wait3A_76 = arith.constant 0 : i32
    %dma_wait3A_77 = tpu.memref_slice %arg4[%add3A_33, %dma_wait3A_76] : memref<6144x768xf32, #tpu.memory_space<hbm>> -> memref<32x768xf32, #tpu.memory_space<hbm>>
    tpu.wait_dma2 semaphore(%arg15 : memref<!tpu.dma_semaphore, #tpu.memory_space<semaphore_mem>>) src(%arg7 : memref<32x768xf32, #tpu.memory_space<vmem>>) dst(%dma_wait3A_77 : memref<32x768xf32, #tpu.memory_space<hbm>>)
    %dma_start3A_78 = arith.constant 160 : i32
    %dma_start3A_79 = tpu.memref_slice %arg5[%dma_start3A_78] : memref<192xi32, #tpu.memory_space<vmem>> -> memref<32xi32, #tpu.memory_space<vmem>>
    %dma_start3A_80 = arith.constant 0 : i32
    %dma_start3A_81 = arith.constant 0 : i32
    %dma_start3A_82 = tpu.memref_slice %arg3[%dma_start3A_80, %dma_start3A_81] : memref<2048x768xf32, #tpu.memory_space<hbm>> -> memref<2048x768xf32, #tpu.memory_space<hbm>>
    tpu.enqueue_indirect_dma source(%dma_start3A_82 : memref<2048x768xf32, #tpu.memory_space<hbm>>) target(%arg7 : memref<32x768xf32, #tpu.memory_space<vmem>>) offsets(%dma_start3A_79 : memref<32xi32, #tpu.memory_space<vmem>>) semaphore(%arg11 : memref<!tpu.dma_semaphore, #tpu.memory_space<semaphore_mem>>)
    %dma_wait3A_83 = arith.constant 128 : i32
    %dma_wait3A_84 = tpu.memref_slice %arg5[%dma_wait3A_83] : memref<192xi32, #tpu.memory_space<vmem>> -> memref<32xi32, #tpu.memory_space<vmem>>
    %dma_wait3A_85 = arith.constant 0 : i32
    %dma_wait3A_86 = arith.constant 0 : i32
    %dma_wait3A_87 = tpu.memref_slice %arg3[%dma_wait3A_85, %dma_wait3A_86] : memref<2048x768xf32, #tpu.memory_space<hbm>> -> memref<2048x768xf32, #tpu.memory_space<hbm>>
    tpu.wait_indirect_dma semaphore(%arg10 : memref<!tpu.dma_semaphore, #tpu.memory_space<semaphore_mem>>) src(%dma_wait3A_87 : memref<2048x768xf32, #tpu.memory_space<hbm>>) dst(%arg6 : memref<32x768xf32, #tpu.memory_space<vmem>>)
    %add3A_88 = arith.constant 128 : i32
    %add3A_89 = arith.addi %mul3A_2, %add3A_88 : i32
    %dma_start3A_90 = arith.constant 0 : i32
    %dma_start3A_91 = tpu.memref_slice %arg4[%add3A_89, %dma_start3A_90] : memref<6144x768xf32, #tpu.memory_space<hbm>> -> memref<32x768xf32, #tpu.memory_space<hbm>>
    %dma_start3A_92 = arith.constant 0 : i32
    %dma_start3A_93 = tpu.memref_slice %arg4[%add3A_89, %dma_start3A_92] : memref<6144x768xf32, #tpu.memory_space<hbm>> -> memref<32x768xf32, #tpu.memory_space<hbm>>
    tpu.enqueue_dma source(%arg6 : memref<32x768xf32, #tpu.memory_space<vmem>>) target(%dma_start3A_93 : memref<32x768xf32, #tpu.memory_space<hbm>>) target_semaphore(%arg14 : memref<!tpu.dma_semaphore, #tpu.memory_space<semaphore_mem>>)
    %dma_wait3A_94 = arith.constant 160 : i32
    %dma_wait3A_95 = tpu.memref_slice %arg5[%dma_wait3A_94] : memref<192xi32, #tpu.memory_space<vmem>> -> memref<32xi32, #tpu.memory_space<vmem>>
    %dma_wait3A_96 = arith.constant 0 : i32
    %dma_wait3A_97 = arith.constant 0 : i32
    %dma_wait3A_98 = tpu.memref_slice %arg3[%dma_wait3A_96, %dma_wait3A_97] : memref<2048x768xf32, #tpu.memory_space<hbm>> -> memref<2048x768xf32, #tpu.memory_space<hbm>>
    tpu.wait_indirect_dma semaphore(%arg11 : memref<!tpu.dma_semaphore, #tpu.memory_space<semaphore_mem>>) src(%dma_wait3A_98 : memref<2048x768xf32, #tpu.memory_space<hbm>>) dst(%arg7 : memref<32x768xf32, #tpu.memory_space<vmem>>)
    %add3A_99 = arith.constant 160 : i32
    %add3A_100 = arith.addi %mul3A_2, %add3A_99 : i32
    %dma_start3A_101 = arith.constant 0 : i32
    %dma_start3A_102 = tpu.memref_slice %arg4[%add3A_100, %dma_start3A_101] : memref<6144x768xf32, #tpu.memory_space<hbm>> -> memref<32x768xf32, #tpu.memory_space<hbm>>
    %dma_start3A_103 = arith.constant 0 : i32
    %dma_start3A_104 = tpu.memref_slice %arg4[%add3A_100, %dma_start3A_103] : memref<6144x768xf32, #tpu.memory_space<hbm>> -> memref<32x768xf32, #tpu.memory_space<hbm>>
    tpu.enqueue_dma source(%arg7 : memref<32x768xf32, #tpu.memory_space<vmem>>) target(%dma_start3A_104 : memref<32x768xf32, #tpu.memory_space<hbm>>) target_semaphore(%arg15 : memref<!tpu.dma_semaphore, #tpu.memory_space<semaphore_mem>>)
    %dma_wait3A_105 = arith.constant 0 : i32
    %dma_wait3A_106 = tpu.memref_slice %arg4[%add3A_49, %dma_wait3A_105] : memref<6144x768xf32, #tpu.memory_space<hbm>> -> memref<32x768xf32, #tpu.memory_space<hbm>>
    %dma_wait3A_107 = arith.constant 0 : i32
    %dma_wait3A_108 = tpu.memref_slice %arg4[%add3A_49, %dma_wait3A_107] : memref<6144x768xf32, #tpu.memory_space<hbm>> -> memref<32x768xf32, #tpu.memory_space<hbm>>
    tpu.wait_dma2 semaphore(%arg16 : memref<!tpu.dma_semaphore, #tpu.memory_space<semaphore_mem>>) src(%arg8 : memref<32x768xf32, #tpu.memory_space<vmem>>) dst(%dma_wait3A_108 : memref<32x768xf32, #tpu.memory_space<hbm>>)
    %dma_wait3A_109 = arith.constant 0 : i32
    %dma_wait3A_110 = tpu.memref_slice %arg4[%add3A_69, %dma_wait3A_109] : memref<6144x768xf32, #tpu.memory_space<hbm>> -> memref<32x768xf32, #tpu.memory_space<hbm>>
    %dma_wait3A_111 = arith.constant 0 : i32
    %dma_wait3A_112 = tpu.memref_slice %arg4[%add3A_69, %dma_wait3A_111] : memref<6144x768xf32, #tpu.memory_space<hbm>> -> memref<32x768xf32, #tpu.memory_space<hbm>>
    tpu.wait_dma2 semaphore(%arg17 : memref<!tpu.dma_semaphore, #tpu.memory_space<semaphore_mem>>) src(%arg9 : memref<32x768xf32, #tpu.memory_space<vmem>>) dst(%dma_wait3A_112 : memref<32x768xf32, #tpu.memory_space<hbm>>)
    %dma_wait3A_113 = arith.constant 0 : i32
    %dma_wait3A_114 = tpu.memref_slice %arg4[%add3A_89, %dma_wait3A_113] : memref<6144x768xf32, #tpu.memory_space<hbm>> -> memref<32x768xf32, #tpu.memory_space<hbm>>
    %dma_wait3A_115 = arith.constant 0 : i32
    %dma_wait3A_116 = tpu.memref_slice %arg4[%add3A_89, %dma_wait3A_115] : memref<6144x768xf32, #tpu.memory_space<hbm>> -> memref<32x768xf32, #tpu.memory_space<hbm>>
    tpu.wait_dma2 semaphore(%arg14 : memref<!tpu.dma_semaphore, #tpu.memory_space<semaphore_mem>>) src(%arg6 : memref<32x768xf32, #tpu.memory_space<vmem>>) dst(%dma_wait3A_116 : memref<32x768xf32, #tpu.memory_space<hbm>>)
    %dma_wait3A_117 = arith.constant 0 : i32
    %dma_wait3A_118 = tpu.memref_slice %arg4[%add3A_100, %dma_wait3A_117] : memref<6144x768xf32, #tpu.memory_space<hbm>> -> memref<32x768xf32, #tpu.memory_space<hbm>>
    %dma_wait3A_119 = arith.constant 0 : i32
    %dma_wait3A_120 = tpu.memref_slice %arg4[%add3A_100, %dma_wait3A_119] : memref<6144x768xf32, #tpu.memory_space<hbm>> -> memref<32x768xf32, #tpu.memory_space<hbm>>
    tpu.wait_dma2 semaphore(%arg15 : memref<!tpu.dma_semaphore, #tpu.memory_space<semaphore_mem>>) src(%arg7 : memref<32x768xf32, #tpu.memory_space<vmem>>) dst(%dma_wait3A_120 : memref<32x768xf32, #tpu.memory_space<hbm>>)
    return
  }
}

#map = affine_map<(d0, d1) -> (0)>
module attributes {stable_mosaic.version = 14 : i64} {
  func.func @_k2_body(%arg0: i32, %arg1: i32, %arg2: memref<32768xf32, #tpu.memory_space<hbm>>, %arg3: memref<6144xi32, #tpu.memory_space<hbm>>, %arg4: memref<4096xi32, #tpu.memory_space<hbm>>, %arg5: memref<4096xf32, #tpu.memory_space<hbm>>, %arg6: memref<48xi32, #tpu.memory_space<hbm>>, %arg7: memref<48xi32, #tpu.memory_space<hbm>>, %arg8: memref<16xi32, #tpu.memory_space<hbm>>, %arg9: memref<16xi32, #tpu.memory_space<hbm>>, %arg10: memref<2048xf32, #tpu.memory_space<vmem>>, %arg11: memref<128xi32, #tpu.memory_space<vmem>>, %arg12: memref<128xi32, #tpu.memory_space<vmem>>, %arg13: memref<128xf32, #tpu.memory_space<vmem>>, %arg14: memref<128xf32, #tpu.memory_space<vmem>>, %arg15: memref<4096xi32, #tpu.memory_space<vmem>>, %arg16: memref<16x16xi32, #tpu.memory_space<vmem>>, %arg17: memref<16xi32, #tpu.memory_space<vmem>>, %arg18: memref<6144xi32, #tpu.memory_space<vmem>>, %arg19: memref<4096xi32, #tpu.memory_space<vmem>>, %arg20: memref<16x384xi32, #tpu.memory_space<vmem>>, %arg21: memref<16x256xi32, #tpu.memory_space<vmem>>, %arg22: memref<48xi32, #tpu.memory_space<vmem>>, %arg23: memref<48xi32, #tpu.memory_space<vmem>>, %arg24: memref<16xi32, #tpu.memory_space<vmem>>, %arg25: memref<16xi32, #tpu.memory_space<vmem>>, %arg26: memref<16xi32, #tpu.memory_space<vmem>>, %arg27: memref<4096xi32, #tpu.memory_space<vmem_shared>>, %arg28: memref<16x16xi32, #tpu.memory_space<vmem_shared>>, %arg29: memref<16x6144xi32, #tpu.memory_space<vmem_shared>>, %arg30: memref<16x4096xi32, #tpu.memory_space<vmem_shared>>) attributes {dimension_semantics = [#tpu.dimension_semantics<core_parallel>, #tpu.dimension_semantics<subcore_parallel>], iteration_bounds = array<i64: 2, 16>, scalar_prefetch = 0 : i64, scratch_operands = 21 : i64, tpu.core_type = #tpu.core_type<sc_vector_subcore>, window_params = [{transform_indices = #map}, {transform_indices = #map}, {transform_indices = #map}, {transform_indices = #map}, {transform_indices = #map}, {transform_indices = #map}, {transform_indices = #map}, {transform_indices = #map}]} {
    %eq3A = arith.constant 0 : i32
    %eq3A_0 = arith.cmpi eq, %arg0, %eq3A : i32
    %iota3A = tpu.iota {dimensions = array<i32: 0>} : vector<16xi32>
    %convert_element_type3A = arith.extui %eq3A_0 : i1 to i32
    %cond3A = arith.constant 0 : i32
    %cond3A_1 = arith.cmpi ne, %convert_element_type3A, %cond3A : i32
    scf.if %cond3A_1 {
      %mul3A = arith.constant 2048 : i32
      %mul3A_13 = arith.muli %arg1, %mul3A : i32
      "tpu.region"() ({
        %run_scoped3A = tpu.sem_alloc : memref<!tpu.dma_semaphore, #tpu.memory_space<semaphore_mem>>
        %dma_start3A = tpu.memref_slice %arg2[%mul3A_13] : memref<32768xf32, #tpu.memory_space<hbm>> -> memref<2048xf32, #tpu.memory_space<hbm>>
        %dma_start3A_30 = tpu.memref_slice %arg2[%mul3A_13] : memref<32768xf32, #tpu.memory_space<hbm>> -> memref<2048xf32, #tpu.memory_space<hbm>>
        tpu.enqueue_dma source(%dma_start3A_30 : memref<2048xf32, #tpu.memory_space<hbm>>) target(%arg10 : memref<2048xf32, #tpu.memory_space<vmem>>) target_semaphore(%run_scoped3A : memref<!tpu.dma_semaphore, #tpu.memory_space<semaphore_mem>>)
        %dma_wait3A = tpu.memref_slice %arg2[%mul3A_13] : memref<32768xf32, #tpu.memory_space<hbm>> -> memref<2048xf32, #tpu.memory_space<hbm>>
        %dma_wait3A_31 = tpu.memref_slice %arg2[%mul3A_13] : memref<32768xf32, #tpu.memory_space<hbm>> -> memref<2048xf32, #tpu.memory_space<hbm>>
        tpu.wait_dma2 semaphore(%run_scoped3A : memref<!tpu.dma_semaphore, #tpu.memory_space<semaphore_mem>>) src(%dma_wait3A_31 : memref<2048xf32, #tpu.memory_space<hbm>>) dst(%arg10 : memref<2048xf32, #tpu.memory_space<vmem>>)
        tpu.yield
      }) : () -> ()
      %scan3A = arith.constant 0 : i32
      %scan3A_14 = arith.constant 0 : i32
      %scan3A_15 = arith.constant 8 : i32
      %scan3A_16 = arith.addi %scan3A_14, %scan3A_15 : i32
      %scan3A_17 = arith.constant 1 : i32
      scf.for %scan3A_30 = %scan3A_14 to %scan3A_16 step %scan3A_17  : i32 {
        %mul3A_31 = arith.constant 16 : i32
        %mul3A_32 = arith.muli %scan3A_30, %mul3A_31 : i32
        %broadcast_in_dim3A = arith.constant -1.000000e+30 : f32
        %broadcast_in_dim3A_33 = vector.broadcast %broadcast_in_dim3A : f32 to vector<16xf32>
        %broadcast_in_dim3A_34 = arith.constant -1.000000e+30 : f32
        %broadcast_in_dim3A_35 = vector.broadcast %broadcast_in_dim3A_34 : f32 to vector<16xf32>
        %broadcast_in_dim3A_36 = arith.constant 0 : i32
        %broadcast_in_dim3A_37 = vector.broadcast %broadcast_in_dim3A_36 : i32 to vector<16xi32>
        %broadcast_in_dim3A_38 = arith.constant 0 : i32
        %broadcast_in_dim3A_39 = vector.broadcast %broadcast_in_dim3A_38 : i32 to vector<16xi32>
        %add3A_40 = vector.broadcast %mul3A_32 : i32 to vector<16xi32>
        %add3A_41 = arith.addi %add3A_40, %iota3A : vector<16xi32>
        %mul3A_42 = arith.constant 16 : i32
        %mul3A_43 = vector.broadcast %mul3A_42 : i32 to vector<16xi32>
        %mul3A_44 = arith.muli %add3A_41, %mul3A_43 : vector<16xi32>
        %add3A_45 = arith.constant 0 : i32
        %add3A_46 = vector.broadcast %add3A_45 : i32 to vector<16xi32>
        %add3A_47 = arith.addi %mul3A_44, %add3A_46 : vector<16xi32>
        %gather3A = tpu.vector_load_idx %arg10[%add3A_47] : memref<2048xf32, #tpu.memory_space<vmem>>[vector<16xi32>], vector<16xf32>,
        %gt3A = arith.cmpf ogt, %gather3A, %broadcast_in_dim3A_33 : vector<16xf32>
        %not3A = arith.constant dense<true> : vector<16xi1>
        %not3A_48 = arith.xori %gt3A, %not3A : vector<16xi1>
        %gt3A_49 = arith.cmpf ogt, %gather3A, %broadcast_in_dim3A_35 : vector<16xf32>
        %and3A = arith.andi %not3A_48, %gt3A_49 : vector<16xi1>
        %select_n3A = arith.select %and3A, %gather3A, %broadcast_in_dim3A_35 : vector<16xi1>, vector<16xf32>
        %select_n3A_50 = arith.select %gt3A, %broadcast_in_dim3A_33, %select_n3A : vector<16xi1>, vector<16xf32>
        %jit3A = arith.constant 0 : i32
        %broadcast_in_dim3A_51 = vector.broadcast %jit3A : i32 to vector<16xi32>
        %select_n3A_52 = arith.select %and3A, %broadcast_in_dim3A_51, %broadcast_in_dim3A_39 : vector<16xi1>, vector<16xi32>
        %select_n3A_53 = arith.select %gt3A, %broadcast_in_dim3A_37, %select_n3A_52 : vector<16xi1>, vector<16xi32>
        %jit3A_54 = arith.constant 0 : i32
        %broadcast_in_dim3A_55 = vector.broadcast %jit3A_54 : i32 to vector<16xi32>
        %select_n3A_56 = arith.select %gt3A, %broadcast_in_dim3A_55, %broadcast_in_dim3A_37 : vector<16xi1>, vector<16xi32>
        %select_n3A_57 = arith.select %gt3A, %gather3A, %broadcast_in_dim3A_33 : vector<16xi1>, vector<16xf32>
        %add3A_58 = vector.broadcast %mul3A_32 : i32 to vector<16xi32>
        %add3A_59 = arith.addi %add3A_58, %iota3A : vector<16xi32>
        %mul3A_60 = arith.constant 16 : i32
        %mul3A_61 = vector.broadcast %mul3A_60 : i32 to vector<16xi32>
        %mul3A_62 = arith.muli %add3A_59, %mul3A_61 : vector<16xi32>
        %add3A_63 = arith.constant 1 : i32
        %add3A_64 = vector.broadcast %add3A_63 : i32 to vector<16xi32>
        %add3A_65 = arith.addi %mul3A_62, %add3A_64 : vector<16xi32>
        %gather3A_66 = tpu.vector_load_idx %arg10[%add3A_65] : memref<2048xf32, #tpu.memory_space<vmem>>[vector<16xi32>], vector<16xf32>,
        %gt3A_67 = arith.cmpf ogt, %gather3A_66, %select_n3A_57 : vector<16xf32>
        %not3A_68 = arith.constant dense<true> : vector<16xi1>
        %not3A_69 = arith.xori %gt3A_67, %not3A_68 : vector<16xi1>
        %gt3A_70 = arith.cmpf ogt, %gather3A_66, %select_n3A_50 : vector<16xf32>
        %and3A_71 = arith.andi %not3A_69, %gt3A_70 : vector<16xi1>
        %select_n3A_72 = arith.select %and3A_71, %gather3A_66, %select_n3A_50 : vector<16xi1>, vector<16xf32>
        %select_n3A_73 = arith.select %gt3A_67, %select_n3A_57, %select_n3A_72 : vector<16xi1>, vector<16xf32>
        %jit3A_74 = arith.constant 1 : i32
        %broadcast_in_dim3A_75 = vector.broadcast %jit3A_74 : i32 to vector<16xi32>
        %select_n3A_76 = arith.select %and3A_71, %broadcast_in_dim3A_75, %select_n3A_53 : vector<16xi1>, vector<16xi32>
        %select_n3A_77 = arith.select %gt3A_67, %select_n3A_56, %select_n3A_76 : vector<16xi1>, vector<16xi32>
        %jit3A_78 = arith.constant 1 : i32
        %broadcast_in_dim3A_79 = vector.broadcast %jit3A_78 : i32 to vector<16xi32>
        %select_n3A_80 = arith.select %gt3A_67, %broadcast_in_dim3A_79, %select_n3A_56 : vector<16xi1>, vector<16xi32>
        %select_n3A_81 = arith.select %gt3A_67, %gather3A_66, %select_n3A_57 : vector<16xi1>, vector<16xf32>
        %add3A_82 = vector.broadcast %mul3A_32 : i32 to vector<16xi32>
        %add3A_83 = arith.addi %add3A_82, %iota3A : vector<16xi32>
        %mul3A_84 = arith.constant 16 : i32
        %mul3A_85 = vector.broadcast %mul3A_84 : i32 to vector<16xi32>
        %mul3A_86 = arith.muli %add3A_83, %mul3A_85 : vector<16xi32>
        %add3A_87 = arith.constant 2 : i32
        %add3A_88 = vector.broadcast %add3A_87 : i32 to vector<16xi32>
        %add3A_89 = arith.addi %mul3A_86, %add3A_88 : vector<16xi32>
        %gather3A_90 = tpu.vector_load_idx %arg10[%add3A_89] : memref<2048xf32, #tpu.memory_space<vmem>>[vector<16xi32>], vector<16xf32>,
        %gt3A_91 = arith.cmpf ogt, %gather3A_90, %select_n3A_81 : vector<16xf32>
        %not3A_92 = arith.constant dense<true> : vector<16xi1>
        %not3A_93 = arith.xori %gt3A_91, %not3A_92 : vector<16xi1>
        %gt3A_94 = arith.cmpf ogt, %gather3A_90, %select_n3A_73 : vector<16xf32>
        %and3A_95 = arith.andi %not3A_93, %gt3A_94 : vector<16xi1>
        %select_n3A_96 = arith.select %and3A_95, %gather3A_90, %select_n3A_73 : vector<16xi1>, vector<16xf32>
        %select_n3A_97 = arith.select %gt3A_91, %select_n3A_81, %select_n3A_96 : vector<16xi1>, vector<16xf32>
        %jit3A_98 = arith.constant 2 : i32
        %broadcast_in_dim3A_99 = vector.broadcast %jit3A_98 : i32 to vector<16xi32>
        %select_n3A_100 = arith.select %and3A_95, %broadcast_in_dim3A_99, %select_n3A_77 : vector<16xi1>, vector<16xi32>
        %select_n3A_101 = arith.select %gt3A_91, %select_n3A_80, %select_n3A_100 : vector<16xi1>, vector<16xi32>
        %jit3A_102 = arith.constant 2 : i32
        %broadcast_in_dim3A_103 = vector.broadcast %jit3A_102 : i32 to vector<16xi32>
        %select_n3A_104 = arith.select %gt3A_91, %broadcast_in_dim3A_103, %select_n3A_80 : vector<16xi1>, vector<16xi32>
        %select_n3A_105 = arith.select %gt3A_91, %gather3A_90, %select_n3A_81 : vector<16xi1>, vector<16xf32>
        %add3A_106 = vector.broadcast %mul3A_32 : i32 to vector<16xi32>
        %add3A_107 = arith.addi %add3A_106, %iota3A : vector<16xi32>
        %mul3A_108 = arith.constant 16 : i32
        %mul3A_109 = vector.broadcast %mul3A_108 : i32 to vector<16xi32>
        %mul3A_110 = arith.muli %add3A_107, %mul3A_109 : vector<16xi32>
        %add3A_111 = arith.constant 3 : i32
        %add3A_112 = vector.broadcast %add3A_111 : i32 to vector<16xi32>
        %add3A_113 = arith.addi %mul3A_110, %add3A_112 : vector<16xi32>
        %gather3A_114 = tpu.vector_load_idx %arg10[%add3A_113] : memref<2048xf32, #tpu.memory_space<vmem>>[vector<16xi32>], vector<16xf32>,
        %gt3A_115 = arith.cmpf ogt, %gather3A_114, %select_n3A_105 : vector<16xf32>
        %not3A_116 = arith.constant dense<true> : vector<16xi1>
        %not3A_117 = arith.xori %gt3A_115, %not3A_116 : vector<16xi1>
        %gt3A_118 = arith.cmpf ogt, %gather3A_114, %select_n3A_97 : vector<16xf32>
        %and3A_119 = arith.andi %not3A_117, %gt3A_118 : vector<16xi1>
        %select_n3A_120 = arith.select %and3A_119, %gather3A_114, %select_n3A_97 : vector<16xi1>, vector<16xf32>
        %select_n3A_121 = arith.select %gt3A_115, %select_n3A_105, %select_n3A_120 : vector<16xi1>, vector<16xf32>
        %jit3A_122 = arith.constant 3 : i32
        %broadcast_in_dim3A_123 = vector.broadcast %jit3A_122 : i32 to vector<16xi32>
        %select_n3A_124 = arith.select %and3A_119, %broadcast_in_dim3A_123, %select_n3A_101 : vector<16xi1>, vector<16xi32>
        %select_n3A_125 = arith.select %gt3A_115, %select_n3A_104, %select_n3A_124 : vector<16xi1>, vector<16xi32>
        %jit3A_126 = arith.constant 3 : i32
        %broadcast_in_dim3A_127 = vector.broadcast %jit3A_126 : i32 to vector<16xi32>
        %select_n3A_128 = arith.select %gt3A_115, %broadcast_in_dim3A_127, %select_n3A_104 : vector<16xi1>, vector<16xi32>
        %select_n3A_129 = arith.select %gt3A_115, %gather3A_114, %select_n3A_105 : vector<16xi1>, vector<16xf32>
        %add3A_130 = vector.broadcast %mul3A_32 : i32 to vector<16xi32>
        %add3A_131 = arith.addi %add3A_130, %iota3A : vector<16xi32>
        %mul3A_132 = arith.constant 16 : i32
        %mul3A_133 = vector.broadcast %mul3A_132 : i32 to vector<16xi32>
        %mul3A_134 = arith.muli %add3A_131, %mul3A_133 : vector<16xi32>
        %add3A_135 = arith.constant 4 : i32
        %add3A_136 = vector.broadcast %add3A_135 : i32 to vector<16xi32>
        %add3A_137 = arith.addi %mul3A_134, %add3A_136 : vector<16xi32>
        %gather3A_138 = tpu.vector_load_idx %arg10[%add3A_137] : memref<2048xf32, #tpu.memory_space<vmem>>[vector<16xi32>], vector<16xf32>,
        %gt3A_139 = arith.cmpf ogt, %gather3A_138, %select_n3A_129 : vector<16xf32>
        %not3A_140 = arith.constant dense<true> : vector<16xi1>
        %not3A_141 = arith.xori %gt3A_139, %not3A_140 : vector<16xi1>
        %gt3A_142 = arith.cmpf ogt, %gather3A_138, %select_n3A_121 : vector<16xf32>
        %and3A_143 = arith.andi %not3A_141, %gt3A_142 : vector<16xi1>
        %select_n3A_144 = arith.select %and3A_143, %gather3A_138, %select_n3A_121 : vector<16xi1>, vector<16xf32>
        %select_n3A_145 = arith.select %gt3A_139, %select_n3A_129, %select_n3A_144 : vector<16xi1>, vector<16xf32>
        %jit3A_146 = arith.constant 4 : i32
        %broadcast_in_dim3A_147 = vector.broadcast %jit3A_146 : i32 to vector<16xi32>
        %select_n3A_148 = arith.select %and3A_143, %broadcast_in_dim3A_147, %select_n3A_125 : vector<16xi1>, vector<16xi32>
        %select_n3A_149 = arith.select %gt3A_139, %select_n3A_128, %select_n3A_148 : vector<16xi1>, vector<16xi32>
        %jit3A_150 = arith.constant 4 : i32
        %broadcast_in_dim3A_151 = vector.broadcast %jit3A_150 : i32 to vector<16xi32>
        %select_n3A_152 = arith.select %gt3A_139, %broadcast_in_dim3A_151, %select_n3A_128 : vector<16xi1>, vector<16xi32>
        %select_n3A_153 = arith.select %gt3A_139, %gather3A_138, %select_n3A_129 : vector<16xi1>, vector<16xf32>
        %add3A_154 = vector.broadcast %mul3A_32 : i32 to vector<16xi32>
        %add3A_155 = arith.addi %add3A_154, %iota3A : vector<16xi32>
        %mul3A_156 = arith.constant 16 : i32
        %mul3A_157 = vector.broadcast %mul3A_156 : i32 to vector<16xi32>
        %mul3A_158 = arith.muli %add3A_155, %mul3A_157 : vector<16xi32>
        %add3A_159 = arith.constant 5 : i32
        %add3A_160 = vector.broadcast %add3A_159 : i32 to vector<16xi32>
        %add3A_161 = arith.addi %mul3A_158, %add3A_160 : vector<16xi32>
        %gather3A_162 = tpu.vector_load_idx %arg10[%add3A_161] : memref<2048xf32, #tpu.memory_space<vmem>>[vector<16xi32>], vector<16xf32>,
        %gt3A_163 = arith.cmpf ogt, %gather3A_162, %select_n3A_153 : vector<16xf32>
        %not3A_164 = arith.constant dense<true> : vector<16xi1>
        %not3A_165 = arith.xori %gt3A_163, %not3A_164 : vector<16xi1>
        %gt3A_166 = arith.cmpf ogt, %gather3A_162, %select_n3A_145 : vector<16xf32>
        %and3A_167 = arith.andi %not3A_165, %gt3A_166 : vector<16xi1>
        %select_n3A_168 = arith.select %and3A_167, %gather3A_162, %select_n3A_145 : vector<16xi1>, vector<16xf32>
        %select_n3A_169 = arith.select %gt3A_163, %select_n3A_153, %select_n3A_168 : vector<16xi1>, vector<16xf32>
        %jit3A_170 = arith.constant 5 : i32
        %broadcast_in_dim3A_171 = vector.broadcast %jit3A_170 : i32 to vector<16xi32>
        %select_n3A_172 = arith.select %and3A_167, %broadcast_in_dim3A_171, %select_n3A_149 : vector<16xi1>, vector<16xi32>
        %select_n3A_173 = arith.select %gt3A_163, %select_n3A_152, %select_n3A_172 : vector<16xi1>, vector<16xi32>
        %jit3A_174 = arith.constant 5 : i32
        %broadcast_in_dim3A_175 = vector.broadcast %jit3A_174 : i32 to vector<16xi32>
        %select_n3A_176 = arith.select %gt3A_163, %broadcast_in_dim3A_175, %select_n3A_152 : vector<16xi1>, vector<16xi32>
        %select_n3A_177 = arith.select %gt3A_163, %gather3A_162, %select_n3A_153 : vector<16xi1>, vector<16xf32>
        %add3A_178 = vector.broadcast %mul3A_32 : i32 to vector<16xi32>
        %add3A_179 = arith.addi %add3A_178, %iota3A : vector<16xi32>
        %mul3A_180 = arith.constant 16 : i32
        %mul3A_181 = vector.broadcast %mul3A_180 : i32 to vector<16xi32>
        %mul3A_182 = arith.muli %add3A_179, %mul3A_181 : vector<16xi32>
        %add3A_183 = arith.constant 6 : i32
        %add3A_184 = vector.broadcast %add3A_183 : i32 to vector<16xi32>
        %add3A_185 = arith.addi %mul3A_182, %add3A_184 : vector<16xi32>
        %gather3A_186 = tpu.vector_load_idx %arg10[%add3A_185] : memref<2048xf32, #tpu.memory_space<vmem>>[vector<16xi32>], vector<16xf32>,
        %gt3A_187 = arith.cmpf ogt, %gather3A_186, %select_n3A_177 : vector<16xf32>
        %not3A_188 = arith.constant dense<true> : vector<16xi1>
        %not3A_189 = arith.xori %gt3A_187, %not3A_188 : vector<16xi1>
        %gt3A_190 = arith.cmpf ogt, %gather3A_186, %select_n3A_169 : vector<16xf32>
        %and3A_191 = arith.andi %not3A_189, %gt3A_190 : vector<16xi1>
        %select_n3A_192 = arith.select %and3A_191, %gather3A_186, %select_n3A_169 : vector<16xi1>, vector<16xf32>
        %select_n3A_193 = arith.select %gt3A_187, %select_n3A_177, %select_n3A_192 : vector<16xi1>, vector<16xf32>
        %jit3A_194 = arith.constant 6 : i32
        %broadcast_in_dim3A_195 = vector.broadcast %jit3A_194 : i32 to vector<16xi32>
        %select_n3A_196 = arith.select %and3A_191, %broadcast_in_dim3A_195, %select_n3A_173 : vector<16xi1>, vector<16xi32>
        %select_n3A_197 = arith.select %gt3A_187, %select_n3A_176, %select_n3A_196 : vector<16xi1>, vector<16xi32>
        %jit3A_198 = arith.constant 6 : i32
        %broadcast_in_dim3A_199 = vector.broadcast %jit3A_198 : i32 to vector<16xi32>
        %select_n3A_200 = arith.select %gt3A_187, %broadcast_in_dim3A_199, %select_n3A_176 : vector<16xi1>, vector<16xi32>
        %select_n3A_201 = arith.select %gt3A_187, %gather3A_186, %select_n3A_177 : vector<16xi1>, vector<16xf32>
        %add3A_202 = vector.broadcast %mul3A_32 : i32 to vector<16xi32>
        %add3A_203 = arith.addi %add3A_202, %iota3A : vector<16xi32>
        %mul3A_204 = arith.constant 16 : i32
        %mul3A_205 = vector.broadcast %mul3A_204 : i32 to vector<16xi32>
        %mul3A_206 = arith.muli %add3A_203, %mul3A_205 : vector<16xi32>
        %add3A_207 = arith.constant 7 : i32
        %add3A_208 = vector.broadcast %add3A_207 : i32 to vector<16xi32>
        %add3A_209 = arith.addi %mul3A_206, %add3A_208 : vector<16xi32>
        %gather3A_210 = tpu.vector_load_idx %arg10[%add3A_209] : memref<2048xf32, #tpu.memory_space<vmem>>[vector<16xi32>], vector<16xf32>,
        %gt3A_211 = arith.cmpf ogt, %gather3A_210, %select_n3A_201 : vector<16xf32>
        %not3A_212 = arith.constant dense<true> : vector<16xi1>
        %not3A_213 = arith.xori %gt3A_211, %not3A_212 : vector<16xi1>
        %gt3A_214 = arith.cmpf ogt, %gather3A_210, %select_n3A_193 : vector<16xf32>
        %and3A_215 = arith.andi %not3A_213, %gt3A_214 : vector<16xi1>
        %select_n3A_216 = arith.select %and3A_215, %gather3A_210, %select_n3A_193 : vector<16xi1>, vector<16xf32>
        %select_n3A_217 = arith.select %gt3A_211, %select_n3A_201, %select_n3A_216 : vector<16xi1>, vector<16xf32>
        %jit3A_218 = arith.constant 7 : i32
        %broadcast_in_dim3A_219 = vector.broadcast %jit3A_218 : i32 to vector<16xi32>
        %select_n3A_220 = arith.select %and3A_215, %broadcast_in_dim3A_219, %select_n3A_197 : vector<16xi1>, vector<16xi32>
        %select_n3A_221 = arith.select %gt3A_211, %select_n3A_200, %select_n3A_220 : vector<16xi1>, vector<16xi32>
        %jit3A_222 = arith.constant 7 : i32
        %broadcast_in_dim3A_223 = vector.broadcast %jit3A_222 : i32 to vector<16xi32>
        %select_n3A_224 = arith.select %gt3A_211, %broadcast_in_dim3A_223, %select_n3A_200 : vector<16xi1>, vector<16xi32>
        %select_n3A_225 = arith.select %gt3A_211, %gather3A_210, %select_n3A_201 : vector<16xi1>, vector<16xf32>
        %add3A_226 = vector.broadcast %mul3A_32 : i32 to vector<16xi32>
        %add3A_227 = arith.addi %add3A_226, %iota3A : vector<16xi32>
        %mul3A_228 = arith.constant 16 : i32
        %mul3A_229 = vector.broadcast %mul3A_228 : i32 to vector<16xi32>
        %mul3A_230 = arith.muli %add3A_227, %mul3A_229 : vector<16xi32>
        %add3A_231 = arith.constant 8 : i32
        %add3A_232 = vector.broadcast %add3A_231 : i32 to vector<16xi32>
        %add3A_233 = arith.addi %mul3A_230, %add3A_232 : vector<16xi32>
        %gather3A_234 = tpu.vector_load_idx %arg10[%add3A_233] : memref<2048xf32, #tpu.memory_space<vmem>>[vector<16xi32>], vector<16xf32>,
        %gt3A_235 = arith.cmpf ogt, %gather3A_234, %select_n3A_225 : vector<16xf32>
        %not3A_236 = arith.constant dense<true> : vector<16xi1>
        %not3A_237 = arith.xori %gt3A_235, %not3A_236 : vector<16xi1>
        %gt3A_238 = arith.cmpf ogt, %gather3A_234, %select_n3A_217 : vector<16xf32>
        %and3A_239 = arith.andi %not3A_237, %gt3A_238 : vector<16xi1>
        %select_n3A_240 = arith.select %and3A_239, %gather3A_234, %select_n3A_217 : vector<16xi1>, vector<16xf32>
        %select_n3A_241 = arith.select %gt3A_235, %select_n3A_225, %select_n3A_240 : vector<16xi1>, vector<16xf32>
        %jit3A_242 = arith.constant 8 : i32
        %broadcast_in_dim3A_243 = vector.broadcast %jit3A_242 : i32 to vector<16xi32>
        %select_n3A_244 = arith.select %and3A_239, %broadcast_in_dim3A_243, %select_n3A_221 : vector<16xi1>, vector<16xi32>
        %select_n3A_245 = arith.select %gt3A_235, %select_n3A_224, %select_n3A_244 : vector<16xi1>, vector<16xi32>
        %jit3A_246 = arith.constant 8 : i32
        %broadcast_in_dim3A_247 = vector.broadcast %jit3A_246 : i32 to vector<16xi32>
        %select_n3A_248 = arith.select %gt3A_235, %broadcast_in_dim3A_247, %select_n3A_224 : vector<16xi1>, vector<16xi32>
        %select_n3A_249 = arith.select %gt3A_235, %gather3A_234, %select_n3A_225 : vector<16xi1>, vector<16xf32>
        %add3A_250 = vector.broadcast %mul3A_32 : i32 to vector<16xi32>
        %add3A_251 = arith.addi %add3A_250, %iota3A : vector<16xi32>
        %mul3A_252 = arith.constant 16 : i32
        %mul3A_253 = vector.broadcast %mul3A_252 : i32 to vector<16xi32>
        %mul3A_254 = arith.muli %add3A_251, %mul3A_253 : vector<16xi32>
        %add3A_255 = arith.constant 9 : i32
        %add3A_256 = vector.broadcast %add3A_255 : i32 to vector<16xi32>
        %add3A_257 = arith.addi %mul3A_254, %add3A_256 : vector<16xi32>
        %gather3A_258 = tpu.vector_load_idx %arg10[%add3A_257] : memref<2048xf32, #tpu.memory_space<vmem>>[vector<16xi32>], vector<16xf32>,
        %gt3A_259 = arith.cmpf ogt, %gather3A_258, %select_n3A_249 : vector<16xf32>
        %not3A_260 = arith.constant dense<true> : vector<16xi1>
        %not3A_261 = arith.xori %gt3A_259, %not3A_260 : vector<16xi1>
        %gt3A_262 = arith.cmpf ogt, %gather3A_258, %select_n3A_241 : vector<16xf32>
        %and3A_263 = arith.andi %not3A_261, %gt3A_262 : vector<16xi1>
        %select_n3A_264 = arith.select %and3A_263, %gather3A_258, %select_n3A_241 : vector<16xi1>, vector<16xf32>
        %select_n3A_265 = arith.select %gt3A_259, %select_n3A_249, %select_n3A_264 : vector<16xi1>, vector<16xf32>
        %jit3A_266 = arith.constant 9 : i32
        %broadcast_in_dim3A_267 = vector.broadcast %jit3A_266 : i32 to vector<16xi32>
        %select_n3A_268 = arith.select %and3A_263, %broadcast_in_dim3A_267, %select_n3A_245 : vector<16xi1>, vector<16xi32>
        %select_n3A_269 = arith.select %gt3A_259, %select_n3A_248, %select_n3A_268 : vector<16xi1>, vector<16xi32>
        %jit3A_270 = arith.constant 9 : i32
        %broadcast_in_dim3A_271 = vector.broadcast %jit3A_270 : i32 to vector<16xi32>
        %select_n3A_272 = arith.select %gt3A_259, %broadcast_in_dim3A_271, %select_n3A_248 : vector<16xi1>, vector<16xi32>
        %select_n3A_273 = arith.select %gt3A_259, %gather3A_258, %select_n3A_249 : vector<16xi1>, vector<16xf32>
        %add3A_274 = vector.broadcast %mul3A_32 : i32 to vector<16xi32>
        %add3A_275 = arith.addi %add3A_274, %iota3A : vector<16xi32>
        %mul3A_276 = arith.constant 16 : i32
        %mul3A_277 = vector.broadcast %mul3A_276 : i32 to vector<16xi32>
        %mul3A_278 = arith.muli %add3A_275, %mul3A_277 : vector<16xi32>
        %add3A_279 = arith.constant 10 : i32
        %add3A_280 = vector.broadcast %add3A_279 : i32 to vector<16xi32>
        %add3A_281 = arith.addi %mul3A_278, %add3A_280 : vector<16xi32>
        %gather3A_282 = tpu.vector_load_idx %arg10[%add3A_281] : memref<2048xf32, #tpu.memory_space<vmem>>[vector<16xi32>], vector<16xf32>,
        %gt3A_283 = arith.cmpf ogt, %gather3A_282, %select_n3A_273 : vector<16xf32>
        %not3A_284 = arith.constant dense<true> : vector<16xi1>
        %not3A_285 = arith.xori %gt3A_283, %not3A_284 : vector<16xi1>
        %gt3A_286 = arith.cmpf ogt, %gather3A_282, %select_n3A_265 : vector<16xf32>
        %and3A_287 = arith.andi %not3A_285, %gt3A_286 : vector<16xi1>
        %select_n3A_288 = arith.select %and3A_287, %gather3A_282, %select_n3A_265 : vector<16xi1>, vector<16xf32>
        %select_n3A_289 = arith.select %gt3A_283, %select_n3A_273, %select_n3A_288 : vector<16xi1>, vector<16xf32>
        %jit3A_290 = arith.constant 10 : i32
        %broadcast_in_dim3A_291 = vector.broadcast %jit3A_290 : i32 to vector<16xi32>
        %select_n3A_292 = arith.select %and3A_287, %broadcast_in_dim3A_291, %select_n3A_269 : vector<16xi1>, vector<16xi32>
        %select_n3A_293 = arith.select %gt3A_283, %select_n3A_272, %select_n3A_292 : vector<16xi1>, vector<16xi32>
        %jit3A_294 = arith.constant 10 : i32
        %broadcast_in_dim3A_295 = vector.broadcast %jit3A_294 : i32 to vector<16xi32>
        %select_n3A_296 = arith.select %gt3A_283, %broadcast_in_dim3A_295, %select_n3A_272 : vector<16xi1>, vector<16xi32>
        %select_n3A_297 = arith.select %gt3A_283, %gather3A_282, %select_n3A_273 : vector<16xi1>, vector<16xf32>
        %add3A_298 = vector.broadcast %mul3A_32 : i32 to vector<16xi32>
        %add3A_299 = arith.addi %add3A_298, %iota3A : vector<16xi32>
        %mul3A_300 = arith.constant 16 : i32
        %mul3A_301 = vector.broadcast %mul3A_300 : i32 to vector<16xi32>
        %mul3A_302 = arith.muli %add3A_299, %mul3A_301 : vector<16xi32>
        %add3A_303 = arith.constant 11 : i32
        %add3A_304 = vector.broadcast %add3A_303 : i32 to vector<16xi32>
        %add3A_305 = arith.addi %mul3A_302, %add3A_304 : vector<16xi32>
        %gather3A_306 = tpu.vector_load_idx %arg10[%add3A_305] : memref<2048xf32, #tpu.memory_space<vmem>>[vector<16xi32>], vector<16xf32>,
        %gt3A_307 = arith.cmpf ogt, %gather3A_306, %select_n3A_297 : vector<16xf32>
        %not3A_308 = arith.constant dense<true> : vector<16xi1>
        %not3A_309 = arith.xori %gt3A_307, %not3A_308 : vector<16xi1>
        %gt3A_310 = arith.cmpf ogt, %gather3A_306, %select_n3A_289 : vector<16xf32>
        %and3A_311 = arith.andi %not3A_309, %gt3A_310 : vector<16xi1>
        %select_n3A_312 = arith.select %and3A_311, %gather3A_306, %select_n3A_289 : vector<16xi1>, vector<16xf32>
        %select_n3A_313 = arith.select %gt3A_307, %select_n3A_297, %select_n3A_312 : vector<16xi1>, vector<16xf32>
        %jit3A_314 = arith.constant 11 : i32
        %broadcast_in_dim3A_315 = vector.broadcast %jit3A_314 : i32 to vector<16xi32>
        %select_n3A_316 = arith.select %and3A_311, %broadcast_in_dim3A_315, %select_n3A_293 : vector<16xi1>, vector<16xi32>
        %select_n3A_317 = arith.select %gt3A_307, %select_n3A_296, %select_n3A_316 : vector<16xi1>, vector<16xi32>
        %jit3A_318 = arith.constant 11 : i32
        %broadcast_in_dim3A_319 = vector.broadcast %jit3A_318 : i32 to vector<16xi32>
        %select_n3A_320 = arith.select %gt3A_307, %broadcast_in_dim3A_319, %select_n3A_296 : vector<16xi1>, vector<16xi32>
        %select_n3A_321 = arith.select %gt3A_307, %gather3A_306, %select_n3A_297 : vector<16xi1>, vector<16xf32>
        %add3A_322 = vector.broadcast %mul3A_32 : i32 to vector<16xi32>
        %add3A_323 = arith.addi %add3A_322, %iota3A : vector<16xi32>
        %mul3A_324 = arith.constant 16 : i32
        %mul3A_325 = vector.broadcast %mul3A_324 : i32 to vector<16xi32>
        %mul3A_326 = arith.muli %add3A_323, %mul3A_325 : vector<16xi32>
        %add3A_327 = arith.constant 12 : i32
        %add3A_328 = vector.broadcast %add3A_327 : i32 to vector<16xi32>
        %add3A_329 = arith.addi %mul3A_326, %add3A_328 : vector<16xi32>
        %gather3A_330 = tpu.vector_load_idx %arg10[%add3A_329] : memref<2048xf32, #tpu.memory_space<vmem>>[vector<16xi32>], vector<16xf32>,
        %gt3A_331 = arith.cmpf ogt, %gather3A_330, %select_n3A_321 : vector<16xf32>
        %not3A_332 = arith.constant dense<true> : vector<16xi1>
        %not3A_333 = arith.xori %gt3A_331, %not3A_332 : vector<16xi1>
        %gt3A_334 = arith.cmpf ogt, %gather3A_330, %select_n3A_313 : vector<16xf32>
        %and3A_335 = arith.andi %not3A_333, %gt3A_334 : vector<16xi1>
        %select_n3A_336 = arith.select %and3A_335, %gather3A_330, %select_n3A_313 : vector<16xi1>, vector<16xf32>
        %select_n3A_337 = arith.select %gt3A_331, %select_n3A_321, %select_n3A_336 : vector<16xi1>, vector<16xf32>
        %jit3A_338 = arith.constant 12 : i32
        %broadcast_in_dim3A_339 = vector.broadcast %jit3A_338 : i32 to vector<16xi32>
        %select_n3A_340 = arith.select %and3A_335, %broadcast_in_dim3A_339, %select_n3A_317 : vector<16xi1>, vector<16xi32>
        %select_n3A_341 = arith.select %gt3A_331, %select_n3A_320, %select_n3A_340 : vector<16xi1>, vector<16xi32>
        %jit3A_342 = arith.constant 12 : i32
        %broadcast_in_dim3A_343 = vector.broadcast %jit3A_342 : i32 to vector<16xi32>
        %select_n3A_344 = arith.select %gt3A_331, %broadcast_in_dim3A_343, %select_n3A_320 : vector<16xi1>, vector<16xi32>
        %select_n3A_345 = arith.select %gt3A_331, %gather3A_330, %select_n3A_321 : vector<16xi1>, vector<16xf32>
        %add3A_346 = vector.broadcast %mul3A_32 : i32 to vector<16xi32>
        %add3A_347 = arith.addi %add3A_346, %iota3A : vector<16xi32>
        %mul3A_348 = arith.constant 16 : i32
        %mul3A_349 = vector.broadcast %mul3A_348 : i32 to vector<16xi32>
        %mul3A_350 = arith.muli %add3A_347, %mul3A_349 : vector<16xi32>
        %add3A_351 = arith.constant 13 : i32
        %add3A_352 = vector.broadcast %add3A_351 : i32 to vector<16xi32>
        %add3A_353 = arith.addi %mul3A_350, %add3A_352 : vector<16xi32>
        %gather3A_354 = tpu.vector_load_idx %arg10[%add3A_353] : memref<2048xf32, #tpu.memory_space<vmem>>[vector<16xi32>], vector<16xf32>,
        %gt3A_355 = arith.cmpf ogt, %gather3A_354, %select_n3A_345 : vector<16xf32>
        %not3A_356 = arith.constant dense<true> : vector<16xi1>
        %not3A_357 = arith.xori %gt3A_355, %not3A_356 : vector<16xi1>
        %gt3A_358 = arith.cmpf ogt, %gather3A_354, %select_n3A_337 : vector<16xf32>
        %and3A_359 = arith.andi %not3A_357, %gt3A_358 : vector<16xi1>
        %select_n3A_360 = arith.select %and3A_359, %gather3A_354, %select_n3A_337 : vector<16xi1>, vector<16xf32>
        %select_n3A_361 = arith.select %gt3A_355, %select_n3A_345, %select_n3A_360 : vector<16xi1>, vector<16xf32>
        %jit3A_362 = arith.constant 13 : i32
        %broadcast_in_dim3A_363 = vector.broadcast %jit3A_362 : i32 to vector<16xi32>
        %select_n3A_364 = arith.select %and3A_359, %broadcast_in_dim3A_363, %select_n3A_341 : vector<16xi1>, vector<16xi32>
        %select_n3A_365 = arith.select %gt3A_355, %select_n3A_344, %select_n3A_364 : vector<16xi1>, vector<16xi32>
        %jit3A_366 = arith.constant 13 : i32
        %broadcast_in_dim3A_367 = vector.broadcast %jit3A_366 : i32 to vector<16xi32>
        %select_n3A_368 = arith.select %gt3A_355, %broadcast_in_dim3A_367, %select_n3A_344 : vector<16xi1>, vector<16xi32>
        %select_n3A_369 = arith.select %gt3A_355, %gather3A_354, %select_n3A_345 : vector<16xi1>, vector<16xf32>
        %add3A_370 = vector.broadcast %mul3A_32 : i32 to vector<16xi32>
        %add3A_371 = arith.addi %add3A_370, %iota3A : vector<16xi32>
        %mul3A_372 = arith.constant 16 : i32
        %mul3A_373 = vector.broadcast %mul3A_372 : i32 to vector<16xi32>
        %mul3A_374 = arith.muli %add3A_371, %mul3A_373 : vector<16xi32>
        %add3A_375 = arith.constant 14 : i32
        %add3A_376 = vector.broadcast %add3A_375 : i32 to vector<16xi32>
        %add3A_377 = arith.addi %mul3A_374, %add3A_376 : vector<16xi32>
        %gather3A_378 = tpu.vector_load_idx %arg10[%add3A_377] : memref<2048xf32, #tpu.memory_space<vmem>>[vector<16xi32>], vector<16xf32>,
        %gt3A_379 = arith.cmpf ogt, %gather3A_378, %select_n3A_369 : vector<16xf32>
        %not3A_380 = arith.constant dense<true> : vector<16xi1>
        %not3A_381 = arith.xori %gt3A_379, %not3A_380 : vector<16xi1>
        %gt3A_382 = arith.cmpf ogt, %gather3A_378, %select_n3A_361 : vector<16xf32>
        %and3A_383 = arith.andi %not3A_381, %gt3A_382 : vector<16xi1>
        %select_n3A_384 = arith.select %and3A_383, %gather3A_378, %select_n3A_361 : vector<16xi1>, vector<16xf32>
        %select_n3A_385 = arith.select %gt3A_379, %select_n3A_369, %select_n3A_384 : vector<16xi1>, vector<16xf32>
        %jit3A_386 = arith.constant 14 : i32
        %broadcast_in_dim3A_387 = vector.broadcast %jit3A_386 : i32 to vector<16xi32>
        %select_n3A_388 = arith.select %and3A_383, %broadcast_in_dim3A_387, %select_n3A_365 : vector<16xi1>, vector<16xi32>
        %select_n3A_389 = arith.select %gt3A_379, %select_n3A_368, %select_n3A_388 : vector<16xi1>, vector<16xi32>
        %jit3A_390 = arith.constant 14 : i32
        %broadcast_in_dim3A_391 = vector.broadcast %jit3A_390 : i32 to vector<16xi32>
        %select_n3A_392 = arith.select %gt3A_379, %broadcast_in_dim3A_391, %select_n3A_368 : vector<16xi1>, vector<16xi32>
        %select_n3A_393 = arith.select %gt3A_379, %gather3A_378, %select_n3A_369 : vector<16xi1>, vector<16xf32>
        %add3A_394 = vector.broadcast %mul3A_32 : i32 to vector<16xi32>
        %add3A_395 = arith.addi %add3A_394, %iota3A : vector<16xi32>
        %mul3A_396 = arith.constant 16 : i32
        %mul3A_397 = vector.broadcast %mul3A_396 : i32 to vector<16xi32>
        %mul3A_398 = arith.muli %add3A_395, %mul3A_397 : vector<16xi32>
        %add3A_399 = arith.constant 15 : i32
        %add3A_400 = vector.broadcast %add3A_399 : i32 to vector<16xi32>
        %add3A_401 = arith.addi %mul3A_398, %add3A_400 : vector<16xi32>
        %gather3A_402 = tpu.vector_load_idx %arg10[%add3A_401] : memref<2048xf32, #tpu.memory_space<vmem>>[vector<16xi32>], vector<16xf32>,
        %gt3A_403 = arith.cmpf ogt, %gather3A_402, %select_n3A_393 : vector<16xf32>
        %not3A_404 = arith.constant dense<true> : vector<16xi1>
        %not3A_405 = arith.xori %gt3A_403, %not3A_404 : vector<16xi1>
        %gt3A_406 = arith.cmpf ogt, %gather3A_402, %select_n3A_385 : vector<16xf32>
        %and3A_407 = arith.andi %not3A_405, %gt3A_406 : vector<16xi1>
        %select_n3A_408 = arith.select %and3A_407, %gather3A_402, %select_n3A_385 : vector<16xi1>, vector<16xf32>
        %select_n3A_409 = arith.select %gt3A_403, %select_n3A_393, %select_n3A_408 : vector<16xi1>, vector<16xf32>
        %jit3A_410 = arith.constant 15 : i32
        %broadcast_in_dim3A_411 = vector.broadcast %jit3A_410 : i32 to vector<16xi32>
        %select_n3A_412 = arith.select %and3A_407, %broadcast_in_dim3A_411, %select_n3A_389 : vector<16xi1>, vector<16xi32>
        %select_n3A_413 = arith.select %gt3A_403, %select_n3A_392, %select_n3A_412 : vector<16xi1>, vector<16xi32>
        %jit3A_414 = arith.constant 15 : i32
        %broadcast_in_dim3A_415 = vector.broadcast %jit3A_414 : i32 to vector<16xi32>
        %select_n3A_416 = arith.select %gt3A_403, %broadcast_in_dim3A_415, %select_n3A_392 : vector<16xi1>, vector<16xi32>
        %select_n3A_417 = arith.select %gt3A_403, %gather3A_402, %select_n3A_393 : vector<16xi1>, vector<16xf32>
        %sub3A = arith.subf %select_n3A_409, %select_n3A_417 : vector<16xf32>
        %exp3A = math.exp %sub3A : vector<16xf32>
        %add3A_418 = arith.constant 1.000000e+00 : f32
        %add3A_419 = vector.broadcast %add3A_418 : f32 to vector<16xf32>
        %add3A_420 = arith.addf %add3A_419, %exp3A : vector<16xf32>
        %div3A = arith.constant 1.000000e+00 : f32
        %div3A_421 = vector.broadcast %div3A : f32 to vector<16xf32>
        %div3A_422 = arith.divf %div3A_421, %add3A_420 : vector<16xf32>
        %swap3A = arith.index_cast %mul3A_32 : i32 to index
        %swap3A_423 = tpu.vector_load %arg11[%swap3A] {strides = array<i32>} : memref<128xi32, #tpu.memory_space<vmem>>, vector<16xi32>,
        tpu.vector_store %arg11[%swap3A], %select_n3A_416 {strides = array<i32>} : memref<128xi32, #tpu.memory_space<vmem>>, vector<16xi32>,
        %swap3A_424 = arith.index_cast %mul3A_32 : i32 to index
        %swap3A_425 = tpu.vector_load %arg12[%swap3A_424] {strides = array<i32>} : memref<128xi32, #tpu.memory_space<vmem>>, vector<16xi32>,
        tpu.vector_store %arg12[%swap3A_424], %select_n3A_413 {strides = array<i32>} : memref<128xi32, #tpu.memory_space<vmem>>, vector<16xi32>,
        %swap3A_426 = arith.index_cast %mul3A_32 : i32 to index
        %swap3A_427 = tpu.vector_load %arg13[%swap3A_426] {strides = array<i32>} : memref<128xf32, #tpu.memory_space<vmem>>, vector<16xf32>,
        tpu.vector_store %arg13[%swap3A_426], %div3A_422 {strides = array<i32>} : memref<128xf32, #tpu.memory_space<vmem>>, vector<16xf32>,
        %sub3A_428 = arith.constant 1.000000e+00 : f32
        %sub3A_429 = vector.broadcast %sub3A_428 : f32 to vector<16xf32>
        %sub3A_430 = arith.subf %sub3A_429, %div3A_422 : vector<16xf32>
        %swap3A_431 = arith.index_cast %mul3A_32 : i32 to index
        %swap3A_432 = tpu.vector_load %arg14[%swap3A_431] {strides = array<i32>} : memref<128xf32, #tpu.memory_space<vmem>>, vector<16xf32>,
        tpu.vector_store %arg14[%swap3A_431], %sub3A_430 {strides = array<i32>} : memref<128xf32, #tpu.memory_space<vmem>>, vector<16xf32>,
      }
      %scan3A_18 = arith.constant 8 : i32
      %mul3A_19 = arith.constant 128 : i32
      %mul3A_20 = arith.muli %arg1, %mul3A_19 : i32
      "tpu.region"() ({
        %run_scoped3A = tpu.sem_alloc : memref<!tpu.dma_semaphore, #tpu.memory_space<semaphore_mem>>
        %dma_start3A = tpu.memref_slice %arg5[%mul3A_20] : memref<4096xf32, #tpu.memory_space<hbm>> -> memref<128xf32, #tpu.memory_space<hbm>>
        %dma_start3A_30 = tpu.memref_slice %arg5[%mul3A_20] : memref<4096xf32, #tpu.memory_space<hbm>> -> memref<128xf32, #tpu.memory_space<hbm>>
        tpu.enqueue_dma source(%arg13 : memref<128xf32, #tpu.memory_space<vmem>>) target(%dma_start3A_30 : memref<128xf32, #tpu.memory_space<hbm>>) target_semaphore(%run_scoped3A : memref<!tpu.dma_semaphore, #tpu.memory_space<semaphore_mem>>)
        %dma_wait3A = tpu.memref_slice %arg5[%mul3A_20] : memref<4096xf32, #tpu.memory_space<hbm>> -> memref<128xf32, #tpu.memory_space<hbm>>
        %dma_wait3A_31 = tpu.memref_slice %arg5[%mul3A_20] : memref<4096xf32, #tpu.memory_space<hbm>> -> memref<128xf32, #tpu.memory_space<hbm>>
        tpu.wait_dma2 semaphore(%run_scoped3A : memref<!tpu.dma_semaphore, #tpu.memory_space<semaphore_mem>>) src(%arg13 : memref<128xf32, #tpu.memory_space<vmem>>) dst(%dma_wait3A_31 : memref<128xf32, #tpu.memory_space<hbm>>)
        tpu.yield
      }) : () -> ()
      %mul3A_21 = arith.constant 128 : i32
      %mul3A_22 = arith.muli %arg1, %mul3A_21 : i32
      %add3A = arith.constant 2048 : i32
      %add3A_23 = arith.addi %add3A, %mul3A_22 : i32
      "tpu.region"() ({
        %run_scoped3A = tpu.sem_alloc : memref<!tpu.dma_semaphore, #tpu.memory_space<semaphore_mem>>
        %dma_start3A = tpu.memref_slice %arg5[%add3A_23] : memref<4096xf32, #tpu.memory_space<hbm>> -> memref<128xf32, #tpu.memory_space<hbm>>
        %dma_start3A_30 = tpu.memref_slice %arg5[%add3A_23] : memref<4096xf32, #tpu.memory_space<hbm>> -> memref<128xf32, #tpu.memory_space<hbm>>
        tpu.enqueue_dma source(%arg14 : memref<128xf32, #tpu.memory_space<vmem>>) target(%dma_start3A_30 : memref<128xf32, #tpu.memory_space<hbm>>) target_semaphore(%run_scoped3A : memref<!tpu.dma_semaphore, #tpu.memory_space<semaphore_mem>>)
        %dma_wait3A = tpu.memref_slice %arg5[%add3A_23] : memref<4096xf32, #tpu.memory_space<hbm>> -> memref<128xf32, #tpu.memory_space<hbm>>
        %dma_wait3A_31 = tpu.memref_slice %arg5[%add3A_23] : memref<4096xf32, #tpu.memory_space<hbm>> -> memref<128xf32, #tpu.memory_space<hbm>>
        tpu.wait_dma2 semaphore(%run_scoped3A : memref<!tpu.dma_semaphore, #tpu.memory_space<semaphore_mem>>) src(%arg14 : memref<128xf32, #tpu.memory_space<vmem>>) dst(%dma_wait3A_31 : memref<128xf32, #tpu.memory_space<hbm>>)
        tpu.yield
      }) : () -> ()
      %mul3A_24 = arith.constant 128 : i32
      %mul3A_25 = arith.muli %arg1, %mul3A_24 : i32
      "tpu.region"() ({
        %run_scoped3A = tpu.sem_alloc : memref<!tpu.dma_semaphore, #tpu.memory_space<semaphore_mem>>
        %dma_start3A = tpu.memref_slice %arg27[%mul3A_25] : memref<4096xi32, #tpu.memory_space<vmem_shared>> -> memref<128xi32, #tpu.memory_space<vmem_shared>>
        %dma_start3A_30 = tpu.memref_slice %arg27[%mul3A_25] : memref<4096xi32, #tpu.memory_space<vmem_shared>> -> memref<128xi32, #tpu.memory_space<vmem_shared>>
        tpu.enqueue_dma source(%arg11 : memref<128xi32, #tpu.memory_space<vmem>>) target(%dma_start3A_30 : memref<128xi32, #tpu.memory_space<vmem_shared>>) target_semaphore(%run_scoped3A : memref<!tpu.dma_semaphore, #tpu.memory_space<semaphore_mem>>)
        %dma_wait3A = tpu.memref_slice %arg27[%mul3A_25] : memref<4096xi32, #tpu.memory_space<vmem_shared>> -> memref<128xi32, #tpu.memory_space<vmem_shared>>
        %dma_wait3A_31 = tpu.memref_slice %arg27[%mul3A_25] : memref<4096xi32, #tpu.memory_space<vmem_shared>> -> memref<128xi32, #tpu.memory_space<vmem_shared>>
        tpu.wait_dma2 semaphore(%run_scoped3A : memref<!tpu.dma_semaphore, #tpu.memory_space<semaphore_mem>>) src(%arg11 : memref<128xi32, #tpu.memory_space<vmem>>) dst(%dma_wait3A_31 : memref<128xi32, #tpu.memory_space<vmem_shared>>)
        tpu.yield
      }) : () -> ()
      %mul3A_26 = arith.constant 128 : i32
      %mul3A_27 = arith.muli %arg1, %mul3A_26 : i32
      %add3A_28 = arith.constant 2048 : i32
      %add3A_29 = arith.addi %add3A_28, %mul3A_27 : i32
      "tpu.region"() ({
        %run_scoped3A = tpu.sem_alloc : memref<!tpu.dma_semaphore, #tpu.memory_space<semaphore_mem>>
        %dma_start3A = tpu.memref_slice %arg27[%add3A_29] : memref<4096xi32, #tpu.memory_space<vmem_shared>> -> memref<128xi32, #tpu.memory_space<vmem_shared>>
        %dma_start3A_30 = tpu.memref_slice %arg27[%add3A_29] : memref<4096xi32, #tpu.memory_space<vmem_shared>> -> memref<128xi32, #tpu.memory_space<vmem_shared>>
        tpu.enqueue_dma source(%arg12 : memref<128xi32, #tpu.memory_space<vmem>>) target(%dma_start3A_30 : memref<128xi32, #tpu.memory_space<vmem_shared>>) target_semaphore(%run_scoped3A : memref<!tpu.dma_semaphore, #tpu.memory_space<semaphore_mem>>)
        %dma_wait3A = tpu.memref_slice %arg27[%add3A_29] : memref<4096xi32, #tpu.memory_space<vmem_shared>> -> memref<128xi32, #tpu.memory_space<vmem_shared>>
        %dma_wait3A_31 = tpu.memref_slice %arg27[%add3A_29] : memref<4096xi32, #tpu.memory_space<vmem_shared>> -> memref<128xi32, #tpu.memory_space<vmem_shared>>
        tpu.wait_dma2 semaphore(%run_scoped3A : memref<!tpu.dma_semaphore, #tpu.memory_space<semaphore_mem>>) src(%arg12 : memref<128xi32, #tpu.memory_space<vmem>>) dst(%dma_wait3A_31 : memref<128xi32, #tpu.memory_space<vmem_shared>>)
        tpu.yield
      }) : () -> ()
    } else {
    }
    %barrier3A = arith.constant 0 : index
    tpu.barrier barrier_id(%barrier3A)
    %convert_element_type3A_2 = arith.extui %eq3A_0 : i1 to i32
    %cond3A_3 = arith.constant 0 : i32
    %cond3A_4 = arith.cmpi ne, %convert_element_type3A_2, %cond3A_3 : i32
    scf.if %cond3A_4 {
      "tpu.region"() ({
        %run_scoped3A = tpu.sem_alloc : memref<!tpu.dma_semaphore, #tpu.memory_space<semaphore_mem>>
        tpu.enqueue_dma source(%arg27 : memref<4096xi32, #tpu.memory_space<vmem_shared>>) target(%arg15 : memref<4096xi32, #tpu.memory_space<vmem>>) target_semaphore(%run_scoped3A : memref<!tpu.dma_semaphore, #tpu.memory_space<semaphore_mem>>)
        tpu.wait_dma2 semaphore(%run_scoped3A : memref<!tpu.dma_semaphore, #tpu.memory_space<semaphore_mem>>) src(%arg27 : memref<4096xi32, #tpu.memory_space<vmem_shared>>) dst(%arg15 : memref<4096xi32, #tpu.memory_space<vmem>>)
        tpu.yield
      }) : () -> ()
      %broadcast_in_dim3A = arith.constant 0 : i32
      %broadcast_in_dim3A_13 = vector.broadcast %broadcast_in_dim3A : i32 to vector<16xi32>
      %scan3A = arith.constant 0 : i32
      %scan3A_14 = arith.constant 256 : i32
      %scan3A_15 = arith.addi %scan3A, %scan3A_14 : i32
      %scan3A_16 = arith.constant 1 : i32
      %scan3A_17 = scf.for %scan3A_24 = %scan3A to %scan3A_15 step %scan3A_16 iter_args(%scan3A_25 = %broadcast_in_dim3A_13) -> (vector<16xi32>)  : i32 {
        %mul3A = arith.constant 16 : i32
        %mul3A_26 = arith.muli %scan3A_24, %mul3A : i32
        %get3A = arith.index_cast %mul3A_26 : i32 to index
        %get3A_27 = tpu.vector_load %arg15[%get3A] {strides = array<i32>} : memref<4096xi32, #tpu.memory_space<vmem>>, vector<16xi32>,
        %eq3A_28 = vector.broadcast %arg1 : i32 to vector<16xi32>
        %eq3A_29 = arith.cmpi eq, %get3A_27, %eq3A_28 : vector<16xi32>
        %convert_element_type3A_30 = arith.extui %eq3A_29 : vector<16xi1> to vector<16xi32>
        %add3A = arith.addi %scan3A_25, %convert_element_type3A_30 : vector<16xi32>
        scf.yield %add3A : vector<16xi32>
      }
      %scan3A_18 = arith.constant 256 : i32
      %reduce_sum3A = arith.constant true
      %reduce_sum3A_19 = vector.broadcast %reduce_sum3A : i1 to vector<16xi1>
      %reduce_sum3A_20 = tpu.scan <sum>, %scan3A_17 masked %reduce_sum3A_19 : vector<16xi32>, vector<16xi1> -> vector<16xi32>
      %reduce_sum3A_21 = vector.extract %reduce_sum3A_20[15] : i32 from vector<16xi32>
      %broadcast_in_dim3A_22 = vector.broadcast %reduce_sum3A_21 : i32 to vector<16xi32>
      %swap3A = arith.constant 0 : index
      %swap3A_23 = tpu.vector_load %arg17[%swap3A] {strides = array<i32>} : memref<16xi32, #tpu.memory_space<vmem>>, vector<16xi32>,
      tpu.vector_store %arg17[%swap3A], %broadcast_in_dim3A_22 {strides = array<i32>} : memref<16xi32, #tpu.memory_space<vmem>>, vector<16xi32>,
      "tpu.region"() ({
        %run_scoped3A = tpu.sem_alloc : memref<!tpu.dma_semaphore, #tpu.memory_space<semaphore_mem>>
        %dma_start3A = arith.constant 0 : i32
        %dma_start3A_24 = tpu.memref_slice %arg28[%arg1, %dma_start3A] : memref<16x16xi32, #tpu.memory_space<vmem_shared>> -> memref<1x16xi32, #tpu.memory_space<vmem_shared>>
        %dma_start3A_25 = tpu.memref_squeeze %dma_start3A_24 : memref<1x16xi32, #tpu.memory_space<vmem_shared>> -> memref<16xi32, #tpu.memory_space<vmem_shared>>
        %dma_start3A_26 = arith.constant 0 : i32
        %dma_start3A_27 = tpu.memref_slice %arg28[%arg1, %dma_start3A_26] : memref<16x16xi32, #tpu.memory_space<vmem_shared>> -> memref<1x16xi32, #tpu.memory_space<vmem_shared>>
        %dma_start3A_28 = tpu.memref_squeeze %dma_start3A_27 : memref<1x16xi32, #tpu.memory_space<vmem_shared>> -> memref<16xi32, #tpu.memory_space<vmem_shared>>
        tpu.enqueue_dma source(%arg17 : memref<16xi32, #tpu.memory_space<vmem>>) target(%dma_start3A_28 : memref<16xi32, #tpu.memory_space<vmem_shared>>) target_semaphore(%run_scoped3A : memref<!tpu.dma_semaphore, #tpu.memory_space<semaphore_mem>>)
        %dma_wait3A = arith.constant 0 : i32
        %dma_wait3A_29 = tpu.memref_slice %arg28[%arg1, %dma_wait3A] : memref<16x16xi32, #tpu.memory_space<vmem_shared>> -> memref<1x16xi32, #tpu.memory_space<vmem_shared>>
        %dma_wait3A_30 = tpu.memref_squeeze %dma_wait3A_29 : memref<1x16xi32, #tpu.memory_space<vmem_shared>> -> memref<16xi32, #tpu.memory_space<vmem_shared>>
        %dma_wait3A_31 = arith.constant 0 : i32
        %dma_wait3A_32 = tpu.memref_slice %arg28[%arg1, %dma_wait3A_31] : memref<16x16xi32, #tpu.memory_space<vmem_shared>> -> memref<1x16xi32, #tpu.memory_space<vmem_shared>>
        %dma_wait3A_33 = tpu.memref_squeeze %dma_wait3A_32 : memref<1x16xi32, #tpu.memory_space<vmem_shared>> -> memref<16xi32, #tpu.memory_space<vmem_shared>>
        tpu.wait_dma2 semaphore(%run_scoped3A : memref<!tpu.dma_semaphore, #tpu.memory_space<semaphore_mem>>) src(%arg17 : memref<16xi32, #tpu.memory_space<vmem>>) dst(%dma_wait3A_33 : memref<16xi32, #tpu.memory_space<vmem_shared>>)
        tpu.yield
      }) : () -> ()
    } else {
    }
    %barrier3A_5 = arith.constant 0 : index
    tpu.barrier barrier_id(%barrier3A_5)
    %convert_element_type3A_6 = arith.extui %eq3A_0 : i1 to i32
    %cond3A_7 = arith.constant 0 : i32
    %cond3A_8 = arith.cmpi ne, %convert_element_type3A_6, %cond3A_7 : i32
    scf.if %cond3A_8 {
      "tpu.region"() ({
        %run_scoped3A = tpu.sem_alloc : memref<!tpu.dma_semaphore, #tpu.memory_space<semaphore_mem>>
        tpu.enqueue_dma source(%arg28 : memref<16x16xi32, #tpu.memory_space<vmem_shared>>) target(%arg16 : memref<16x16xi32, #tpu.memory_space<vmem>>) target_semaphore(%run_scoped3A : memref<!tpu.dma_semaphore, #tpu.memory_space<semaphore_mem>>)
        tpu.wait_dma2 semaphore(%run_scoped3A : memref<!tpu.dma_semaphore, #tpu.memory_space<semaphore_mem>>) src(%arg28 : memref<16x16xi32, #tpu.memory_space<vmem_shared>>) dst(%arg16 : memref<16x16xi32, #tpu.memory_space<vmem>>)
        tpu.yield
      }) : () -> ()
      %gather3A = tpu.vector_load_idx %arg16[%iota3A, %iota3A] : memref<16x16xi32, #tpu.memory_space<vmem>>[vector<16xi32>, vector<16xi32>], vector<16xi32>,
      %add3A = arith.constant 127 : i32
      %add3A_13 = vector.broadcast %add3A : i32 to vector<16xi32>
      %add3A_14 = arith.addi %gather3A, %add3A_13 : vector<16xi32>
      %shift_right_arithmetic3A = arith.constant 7 : i32
      %shift_right_arithmetic3A_15 = vector.broadcast %shift_right_arithmetic3A : i32 to vector<16xi32>
      %shift_right_arithmetic3A_16 = arith.shrsi %add3A_14, %shift_right_arithmetic3A_15 : vector<16xi32>
      %shift_left3A = arith.constant 7 : i32
      %shift_left3A_17 = vector.broadcast %shift_left3A : i32 to vector<16xi32>
      %shift_left3A_18 = arith.shli %shift_right_arithmetic3A_16, %shift_left3A_17 : vector<16xi32>
      %broadcast_in_dim3A = arith.constant true
      %broadcast_in_dim3A_19 = vector.broadcast %broadcast_in_dim3A : i1 to vector<16xi1>
      %masked_cumsum3A = tpu.scan <sum>, %shift_left3A_18 masked %broadcast_in_dim3A_19 : vector<16xi32>, vector<16xi1> -> vector<16xi32>
      %sub3A = arith.subi %masked_cumsum3A, %shift_left3A_18 : vector<16xi32>
      %scan3A = arith.constant 0 : i32
      %scan3A_20 = arith.constant 0 : i32
      %scan3A_21 = arith.constant 384 : i32
      %scan3A_22 = arith.addi %scan3A_20, %scan3A_21 : i32
      %scan3A_23 = arith.constant 1 : i32
      scf.for %scan3A_50 = %scan3A_20 to %scan3A_22 step %scan3A_23  : i32 {
        %broadcast_in_dim3A_51 = arith.constant 0 : i32
        %broadcast_in_dim3A_52 = vector.broadcast %broadcast_in_dim3A_51 : i32 to vector<16xi32>
        %mul3A = arith.constant 16 : i32
        %mul3A_53 = arith.muli %scan3A_50, %mul3A : i32
        %swap3A = arith.index_cast %mul3A_53 : i32 to index
        %swap3A_54 = tpu.vector_load %arg18[%swap3A] {strides = array<i32>} : memref<6144xi32, #tpu.memory_space<vmem>>, vector<16xi32>,
        tpu.vector_store %arg18[%swap3A], %broadcast_in_dim3A_52 {strides = array<i32>} : memref<6144xi32, #tpu.memory_space<vmem>>, vector<16xi32>,
      }
      %scan3A_24 = arith.constant 384 : i32
      %scan3A_25 = arith.constant 0 : i32
      %scan3A_26 = arith.constant 0 : i32
      %scan3A_27 = arith.constant 256 : i32
      %scan3A_28 = arith.addi %scan3A_26, %scan3A_27 : i32
      %scan3A_29 = arith.constant 1 : i32
      scf.for %scan3A_50 = %scan3A_26 to %scan3A_28 step %scan3A_29  : i32 {
        %broadcast_in_dim3A_51 = arith.constant 0 : i32
        %broadcast_in_dim3A_52 = vector.broadcast %broadcast_in_dim3A_51 : i32 to vector<16xi32>
        %mul3A = arith.constant 16 : i32
        %mul3A_53 = arith.muli %scan3A_50, %mul3A : i32
        %swap3A = arith.index_cast %mul3A_53 : i32 to index
        %swap3A_54 = tpu.vector_load %arg19[%swap3A] {strides = array<i32>} : memref<4096xi32, #tpu.memory_space<vmem>>, vector<16xi32>,
        tpu.vector_store %arg19[%swap3A], %broadcast_in_dim3A_52 {strides = array<i32>} : memref<4096xi32, #tpu.memory_space<vmem>>, vector<16xi32>,
      }
      %scan3A_30 = arith.constant 256 : i32
      %iota3A_31 = tpu.iota {dimensions = array<i32: 0>} : vector<16xi32>
      %eq3A_32 = vector.broadcast %arg1 : i32 to vector<16xi32>
      %eq3A_33 = arith.cmpi eq, %iota3A_31, %eq3A_32 : vector<16xi32>
      %jit3A = arith.constant 0 : i32
      %broadcast_in_dim3A_34 = vector.broadcast %jit3A : i32 to vector<16xi32>
      %select_n3A = arith.select %eq3A_33, %sub3A, %broadcast_in_dim3A_34 : vector<16xi1>, vector<16xi32>
      %reduce_sum3A = arith.constant true
      %reduce_sum3A_35 = vector.broadcast %reduce_sum3A : i1 to vector<16xi1>
      %reduce_sum3A_36 = tpu.scan <sum>, %select_n3A masked %reduce_sum3A_35 : vector<16xi32>, vector<16xi1> -> vector<16xi32>
      %reduce_sum3A_37 = vector.extract %reduce_sum3A_36[15] : i32 from vector<16xi32>
      %broadcast_in_dim3A_38 = vector.broadcast %reduce_sum3A_37 : i32 to vector<16xi32>
      %scan3A_39 = arith.constant 0 : i32
      %scan3A_40 = arith.constant 256 : i32
      %scan3A_41 = arith.addi %scan3A_39, %scan3A_40 : i32
      %scan3A_42 = arith.constant 1 : i32
      %scan3A_43 = scf.for %scan3A_50 = %scan3A_39 to %scan3A_41 step %scan3A_42 iter_args(%scan3A_51 = %broadcast_in_dim3A_38) -> (vector<16xi32>)  : i32 {
        %mul3A = arith.constant 16 : i32
        %mul3A_52 = arith.muli %scan3A_50, %mul3A : i32
        %get3A = arith.index_cast %mul3A_52 : i32 to index
        %get3A_53 = tpu.vector_load %arg15[%get3A] {strides = array<i32>} : memref<4096xi32, #tpu.memory_space<vmem>>, vector<16xi32>,
        %eq3A_54 = vector.broadcast %arg1 : i32 to vector<16xi32>
        %eq3A_55 = arith.cmpi eq, %get3A_53, %eq3A_54 : vector<16xi32>
        %convert_element_type3A_56 = arith.extui %eq3A_55 : vector<16xi1> to vector<16xi32>
        %broadcast_in_dim3A_57 = arith.constant true
        %broadcast_in_dim3A_58 = vector.broadcast %broadcast_in_dim3A_57 : i1 to vector<16xi1>
        %masked_cumsum3A_59 = tpu.scan <sum>, %convert_element_type3A_56 masked %broadcast_in_dim3A_58 : vector<16xi32>, vector<16xi1> -> vector<16xi32>
        %add3A_60 = arith.addi %scan3A_51, %masked_cumsum3A_59 : vector<16xi32>
        %sub3A_61 = arith.subi %add3A_60, %convert_element_type3A_56 : vector<16xi32>
        %mul3A_62 = arith.constant 16 : i32
        %mul3A_63 = arith.muli %scan3A_50, %mul3A_62 : i32
        %add3A_64 = vector.broadcast %mul3A_63 : i32 to vector<16xi32>
        %add3A_65 = arith.addi %add3A_64, %iota3A : vector<16xi32>
        %and3A = arith.constant 2047 : i32
        %and3A_66 = vector.broadcast %and3A : i32 to vector<16xi32>
        %and3A_67 = arith.andi %add3A_65, %and3A_66 : vector<16xi32>
        tpu.vector_store_idx %arg19[%add3A_65], %sub3A_61 masked %eq3A_55 : memref<4096xi32, #tpu.memory_space<vmem>>[vector<16xi32>], vector<16xi32>, vector<16xi1>
        %add3A_68 = arith.constant 1 : i32
        %add3A_69 = vector.broadcast %add3A_68 : i32 to vector<16xi32>
        %add3A_70 = arith.addi %and3A_67, %add3A_69 : vector<16xi32>
        tpu.vector_store_idx %arg18[%sub3A_61], %add3A_70 masked %eq3A_55 : memref<6144xi32, #tpu.memory_space<vmem>>[vector<16xi32>], vector<16xi32>, vector<16xi1>
        %iota3A_71 = tpu.iota {dimensions = array<i32: 0>} : vector<16xi32>
        %eq3A_72 = arith.constant 15 : i32
        %eq3A_73 = vector.broadcast %eq3A_72 : i32 to vector<16xi32>
        %eq3A_74 = arith.cmpi eq, %iota3A_71, %eq3A_73 : vector<16xi32>
        %jit3A_75 = arith.constant 0 : i32
        %broadcast_in_dim3A_76 = vector.broadcast %jit3A_75 : i32 to vector<16xi32>
        %select_n3A_77 = arith.select %eq3A_74, %masked_cumsum3A_59, %broadcast_in_dim3A_76 : vector<16xi1>, vector<16xi32>
        %reduce_sum3A_78 = arith.constant true
        %reduce_sum3A_79 = vector.broadcast %reduce_sum3A_78 : i1 to vector<16xi1>
        %reduce_sum3A_80 = tpu.scan <sum>, %select_n3A_77 masked %reduce_sum3A_79 : vector<16xi32>, vector<16xi1> -> vector<16xi32>
        %reduce_sum3A_81 = vector.extract %reduce_sum3A_80[15] : i32 from vector<16xi32>
        %broadcast_in_dim3A_82 = vector.broadcast %reduce_sum3A_81 : i32 to vector<16xi32>
        %add3A_83 = arith.addi %scan3A_51, %broadcast_in_dim3A_82 : vector<16xi32>
        scf.yield %add3A_83 : vector<16xi32>
      }
      %scan3A_44 = arith.constant 256 : i32
      %eq3A_45 = arith.constant 0 : i32
      %eq3A_46 = arith.cmpi eq, %arg1, %eq3A_45 : i32
      %convert_element_type3A_47 = arith.extui %eq3A_46 : i1 to i32
      %cond3A_48 = arith.constant 0 : i32
      %cond3A_49 = arith.cmpi ne, %convert_element_type3A_47, %cond3A_48 : i32
      scf.if %cond3A_49 {
        %shift_right_arithmetic3A_50 = arith.constant 7 : i32
        %shift_right_arithmetic3A_51 = vector.broadcast %shift_right_arithmetic3A_50 : i32 to vector<16xi32>
        %shift_right_arithmetic3A_52 = arith.shrsi %sub3A, %shift_right_arithmetic3A_51 : vector<16xi32>
        %gt3A = arith.constant 0 : i32
        %gt3A_53 = vector.broadcast %gt3A : i32 to vector<16xi32>
        %gt3A_54 = arith.cmpi sgt, %shift_left3A_18, %gt3A_53 : vector<16xi32>
        %convert_element_type3A_55 = arith.extui %gt3A_54 : vector<16xi1> to vector<16xi32>
        %broadcast_in_dim3A_56 = arith.constant true
        %broadcast_in_dim3A_57 = vector.broadcast %broadcast_in_dim3A_56 : i1 to vector<16xi1>
        %masked_cumsum3A_58 = tpu.scan <sum>, %convert_element_type3A_55 masked %broadcast_in_dim3A_57 : vector<16xi32>, vector<16xi1> -> vector<16xi32>
        %sub3A_59 = arith.subi %masked_cumsum3A_58, %convert_element_type3A_55 : vector<16xi32>
        %broadcast_in_dim3A_60 = arith.constant 0 : i32
        %broadcast_in_dim3A_61 = vector.broadcast %broadcast_in_dim3A_60 : i32 to vector<16xi32>
        %swap3A = arith.constant 0 : index
        %swap3A_62 = tpu.vector_load %arg24[%swap3A] {strides = array<i32>} : memref<16xi32, #tpu.memory_space<vmem>>, vector<16xi32>,
        tpu.vector_store %arg24[%swap3A], %broadcast_in_dim3A_61 {strides = array<i32>} : memref<16xi32, #tpu.memory_space<vmem>>, vector<16xi32>,
        %gt3A_63 = arith.constant 0 : i32
        %gt3A_64 = vector.broadcast %gt3A_63 : i32 to vector<16xi32>
        %gt3A_65 = arith.cmpi sgt, %shift_left3A_18, %gt3A_64 : vector<16xi32>
        tpu.vector_store_idx %arg24[%sub3A_59], %iota3A masked %gt3A_65 : memref<16xi32, #tpu.memory_space<vmem>>[vector<16xi32>], vector<16xi32>, vector<16xi1>
        %swap3A_66 = arith.constant 0 : index
        %swap3A_67 = tpu.vector_load %arg25[%swap3A_66] {strides = array<i32>} : memref<16xi32, #tpu.memory_space<vmem>>, vector<16xi32>,
        tpu.vector_store %arg25[%swap3A_66], %sub3A_59 {strides = array<i32>} : memref<16xi32, #tpu.memory_space<vmem>>, vector<16xi32>,
        %reduce_sum3A_68 = arith.constant true
        %reduce_sum3A_69 = vector.broadcast %reduce_sum3A_68 : i1 to vector<16xi1>
        %reduce_sum3A_70 = tpu.scan <sum>, %shift_left3A_18 masked %reduce_sum3A_69 : vector<16xi32>, vector<16xi1> -> vector<16xi32>
        %reduce_sum3A_71 = vector.extract %reduce_sum3A_70[15] : i32 from vector<16xi32>
        %shift_right_arithmetic3A_72 = arith.constant 7 : i32
        %shift_right_arithmetic3A_73 = arith.shrsi %reduce_sum3A_71, %shift_right_arithmetic3A_72 : i32
        %eq3A_74 = arith.constant 0 : i32
        %eq3A_75 = vector.broadcast %eq3A_74 : i32 to vector<16xi32>
        %eq3A_76 = arith.cmpi eq, %iota3A, %eq3A_75 : vector<16xi32>
        %reduce_sum3A_77 = arith.constant true
        %reduce_sum3A_78 = vector.broadcast %reduce_sum3A_77 : i1 to vector<16xi1>
        %reduce_sum3A_79 = tpu.scan <sum>, %convert_element_type3A_55 masked %reduce_sum3A_78 : vector<16xi32>, vector<16xi1> -> vector<16xi32>
        %reduce_sum3A_80 = vector.extract %reduce_sum3A_79[15] : i32 from vector<16xi32>
        %broadcast_in_dim3A_81 = vector.broadcast %reduce_sum3A_80 : i32 to vector<16xi32>
        %eq3A_82 = arith.constant 1 : i32
        %eq3A_83 = vector.broadcast %eq3A_82 : i32 to vector<16xi32>
        %eq3A_84 = arith.cmpi eq, %iota3A, %eq3A_83 : vector<16xi32>
        %broadcast_in_dim3A_85 = vector.broadcast %shift_right_arithmetic3A_73 : i32 to vector<16xi32>
        %jit3A_86 = arith.constant 0 : i32
        %broadcast_in_dim3A_87 = vector.broadcast %jit3A_86 : i32 to vector<16xi32>
        %select_n3A_88 = arith.select %eq3A_84, %broadcast_in_dim3A_85, %broadcast_in_dim3A_87 : vector<16xi1>, vector<16xi32>
        %select_n3A_89 = arith.select %eq3A_76, %broadcast_in_dim3A_81, %select_n3A_88 : vector<16xi1>, vector<16xi32>
        %swap3A_90 = arith.constant 0 : index
        %swap3A_91 = tpu.vector_load %arg26[%swap3A_90] {strides = array<i32>} : memref<16xi32, #tpu.memory_space<vmem>>, vector<16xi32>,
        tpu.vector_store %arg26[%swap3A_90], %select_n3A_89 {strides = array<i32>} : memref<16xi32, #tpu.memory_space<vmem>>, vector<16xi32>,
        %add3A_92 = arith.constant 0 : i32
        %add3A_93 = vector.broadcast %add3A_92 : i32 to vector<16xi32>
        %add3A_94 = arith.addi %iota3A, %add3A_93 : vector<16xi32>
        %broadcast_in_dim3A_95 = arith.constant 0 : i32
        %broadcast_in_dim3A_96 = vector.broadcast %broadcast_in_dim3A_95 : i32 to vector<16xi32>
        %iota3A_97 = tpu.iota {dimensions = array<i32: 0>} : vector<16xi32>
        %eq3A_98 = arith.constant 0 : i32
        %eq3A_99 = vector.broadcast %eq3A_98 : i32 to vector<16xi32>
        %eq3A_100 = arith.cmpi eq, %iota3A_97, %eq3A_99 : vector<16xi32>
        %jit3A_101 = arith.constant 0 : i32
        %broadcast_in_dim3A_102 = vector.broadcast %jit3A_101 : i32 to vector<16xi32>
        %select_n3A_103 = arith.select %eq3A_100, %shift_right_arithmetic3A_52, %broadcast_in_dim3A_102 : vector<16xi1>, vector<16xi32>
        %reduce_sum3A_104 = arith.constant true
        %reduce_sum3A_105 = vector.broadcast %reduce_sum3A_104 : i1 to vector<16xi1>
        %reduce_sum3A_106 = tpu.scan <sum>, %select_n3A_103 masked %reduce_sum3A_105 : vector<16xi32>, vector<16xi1> -> vector<16xi32>
        %reduce_sum3A_107 = vector.extract %reduce_sum3A_106[15] : i32 from vector<16xi32>
        %broadcast_in_dim3A_108 = vector.broadcast %reduce_sum3A_107 : i32 to vector<16xi32>
        %iota3A_109 = tpu.iota {dimensions = array<i32: 0>} : vector<16xi32>
        %eq3A_110 = arith.constant 0 : i32
        %eq3A_111 = vector.broadcast %eq3A_110 : i32 to vector<16xi32>
        %eq3A_112 = arith.cmpi eq, %iota3A_109, %eq3A_111 : vector<16xi32>
        %jit3A_113 = arith.constant 0 : i32
        %broadcast_in_dim3A_114 = vector.broadcast %jit3A_113 : i32 to vector<16xi32>
        %select_n3A_115 = arith.select %eq3A_112, %shift_left3A_18, %broadcast_in_dim3A_114 : vector<16xi1>, vector<16xi32>
        %reduce_sum3A_116 = arith.constant true
        %reduce_sum3A_117 = vector.broadcast %reduce_sum3A_116 : i1 to vector<16xi1>
        %reduce_sum3A_118 = tpu.scan <sum>, %select_n3A_115 masked %reduce_sum3A_117 : vector<16xi32>, vector<16xi1> -> vector<16xi32>
        %reduce_sum3A_119 = vector.extract %reduce_sum3A_118[15] : i32 from vector<16xi32>
        %broadcast_in_dim3A_120 = vector.broadcast %reduce_sum3A_119 : i32 to vector<16xi32>
        %le3A = arith.cmpi sle, %broadcast_in_dim3A_108, %add3A_94 : vector<16xi32>
        %gt3A_121 = arith.constant 0 : i32
        %gt3A_122 = vector.broadcast %gt3A_121 : i32 to vector<16xi32>
        %gt3A_123 = arith.cmpi sgt, %broadcast_in_dim3A_120, %gt3A_122 : vector<16xi32>
        %and3A = arith.andi %le3A, %gt3A_123 : vector<16xi1>
        %jit3A_124 = arith.constant 0 : i32
        %broadcast_in_dim3A_125 = vector.broadcast %jit3A_124 : i32 to vector<16xi32>
        %select_n3A_126 = arith.select %and3A, %broadcast_in_dim3A_125, %broadcast_in_dim3A_96 : vector<16xi1>, vector<16xi32>
        %iota3A_127 = tpu.iota {dimensions = array<i32: 0>} : vector<16xi32>
        %eq3A_128 = arith.constant 1 : i32
        %eq3A_129 = vector.broadcast %eq3A_128 : i32 to vector<16xi32>
        %eq3A_130 = arith.cmpi eq, %iota3A_127, %eq3A_129 : vector<16xi32>
        %jit3A_131 = arith.constant 0 : i32
        %broadcast_in_dim3A_132 = vector.broadcast %jit3A_131 : i32 to vector<16xi32>
        %select_n3A_133 = arith.select %eq3A_130, %shift_right_arithmetic3A_52, %broadcast_in_dim3A_132 : vector<16xi1>, vector<16xi32>
        %reduce_sum3A_134 = arith.constant true
        %reduce_sum3A_135 = vector.broadcast %reduce_sum3A_134 : i1 to vector<16xi1>
        %reduce_sum3A_136 = tpu.scan <sum>, %select_n3A_133 masked %reduce_sum3A_135 : vector<16xi32>, vector<16xi1> -> vector<16xi32>
        %reduce_sum3A_137 = vector.extract %reduce_sum3A_136[15] : i32 from vector<16xi32>
        %broadcast_in_dim3A_138 = vector.broadcast %reduce_sum3A_137 : i32 to vector<16xi32>
        %iota3A_139 = tpu.iota {dimensions = array<i32: 0>} : vector<16xi32>
        %eq3A_140 = arith.constant 1 : i32
        %eq3A_141 = vector.broadcast %eq3A_140 : i32 to vector<16xi32>
        %eq3A_142 = arith.cmpi eq, %iota3A_139, %eq3A_141 : vector<16xi32>
        %jit3A_143 = arith.constant 0 : i32
        %broadcast_in_dim3A_144 = vector.broadcast %jit3A_143 : i32 to vector<16xi32>
        %select_n3A_145 = arith.select %eq3A_142, %shift_left3A_18, %broadcast_in_dim3A_144 : vector<16xi1>, vector<16xi32>
        %reduce_sum3A_146 = arith.constant true
        %reduce_sum3A_147 = vector.broadcast %reduce_sum3A_146 : i1 to vector<16xi1>
        %reduce_sum3A_148 = tpu.scan <sum>, %select_n3A_145 masked %reduce_sum3A_147 : vector<16xi32>, vector<16xi1> -> vector<16xi32>
        %reduce_sum3A_149 = vector.extract %reduce_sum3A_148[15] : i32 from vector<16xi32>
        %broadcast_in_dim3A_150 = vector.broadcast %reduce_sum3A_149 : i32 to vector<16xi32>
        %le3A_151 = arith.cmpi sle, %broadcast_in_dim3A_138, %add3A_94 : vector<16xi32>
        %gt3A_152 = arith.constant 0 : i32
        %gt3A_153 = vector.broadcast %gt3A_152 : i32 to vector<16xi32>
        %gt3A_154 = arith.cmpi sgt, %broadcast_in_dim3A_150, %gt3A_153 : vector<16xi32>
        %and3A_155 = arith.andi %le3A_151, %gt3A_154 : vector<16xi1>
        %jit3A_156 = arith.constant 1 : i32
        %broadcast_in_dim3A_157 = vector.broadcast %jit3A_156 : i32 to vector<16xi32>
        %select_n3A_158 = arith.select %and3A_155, %broadcast_in_dim3A_157, %select_n3A_126 : vector<16xi1>, vector<16xi32>
        %iota3A_159 = tpu.iota {dimensions = array<i32: 0>} : vector<16xi32>
        %eq3A_160 = arith.constant 2 : i32
        %eq3A_161 = vector.broadcast %eq3A_160 : i32 to vector<16xi32>
        %eq3A_162 = arith.cmpi eq, %iota3A_159, %eq3A_161 : vector<16xi32>
        %jit3A_163 = arith.constant 0 : i32
        %broadcast_in_dim3A_164 = vector.broadcast %jit3A_163 : i32 to vector<16xi32>
        %select_n3A_165 = arith.select %eq3A_162, %shift_right_arithmetic3A_52, %broadcast_in_dim3A_164 : vector<16xi1>, vector<16xi32>
        %reduce_sum3A_166 = arith.constant true
        %reduce_sum3A_167 = vector.broadcast %reduce_sum3A_166 : i1 to vector<16xi1>
        %reduce_sum3A_168 = tpu.scan <sum>, %select_n3A_165 masked %reduce_sum3A_167 : vector<16xi32>, vector<16xi1> -> vector<16xi32>
        %reduce_sum3A_169 = vector.extract %reduce_sum3A_168[15] : i32 from vector<16xi32>
        %broadcast_in_dim3A_170 = vector.broadcast %reduce_sum3A_169 : i32 to vector<16xi32>
        %iota3A_171 = tpu.iota {dimensions = array<i32: 0>} : vector<16xi32>
        %eq3A_172 = arith.constant 2 : i32
        %eq3A_173 = vector.broadcast %eq3A_172 : i32 to vector<16xi32>
        %eq3A_174 = arith.cmpi eq, %iota3A_171, %eq3A_173 : vector<16xi32>
        %jit3A_175 = arith.constant 0 : i32
        %broadcast_in_dim3A_176 = vector.broadcast %jit3A_175 : i32 to vector<16xi32>
        %select_n3A_177 = arith.select %eq3A_174, %shift_left3A_18, %broadcast_in_dim3A_176 : vector<16xi1>, vector<16xi32>
        %reduce_sum3A_178 = arith.constant true
        %reduce_sum3A_179 = vector.broadcast %reduce_sum3A_178 : i1 to vector<16xi1>
        %reduce_sum3A_180 = tpu.scan <sum>, %select_n3A_177 masked %reduce_sum3A_179 : vector<16xi32>, vector<16xi1> -> vector<16xi32>
        %reduce_sum3A_181 = vector.extract %reduce_sum3A_180[15] : i32 from vector<16xi32>
        %broadcast_in_dim3A_182 = vector.broadcast %reduce_sum3A_181 : i32 to vector<16xi32>
        %le3A_183 = arith.cmpi sle, %broadcast_in_dim3A_170, %add3A_94 : vector<16xi32>
        %gt3A_184 = arith.constant 0 : i32
        %gt3A_185 = vector.broadcast %gt3A_184 : i32 to vector<16xi32>
        %gt3A_186 = arith.cmpi sgt, %broadcast_in_dim3A_182, %gt3A_185 : vector<16xi32>
        %and3A_187 = arith.andi %le3A_183, %gt3A_186 : vector<16xi1>
        %jit3A_188 = arith.constant 2 : i32
        %broadcast_in_dim3A_189 = vector.broadcast %jit3A_188 : i32 to vector<16xi32>
        %select_n3A_190 = arith.select %and3A_187, %broadcast_in_dim3A_189, %select_n3A_158 : vector<16xi1>, vector<16xi32>
        %iota3A_191 = tpu.iota {dimensions = array<i32: 0>} : vector<16xi32>
        %eq3A_192 = arith.constant 3 : i32
        %eq3A_193 = vector.broadcast %eq3A_192 : i32 to vector<16xi32>
        %eq3A_194 = arith.cmpi eq, %iota3A_191, %eq3A_193 : vector<16xi32>
        %jit3A_195 = arith.constant 0 : i32
        %broadcast_in_dim3A_196 = vector.broadcast %jit3A_195 : i32 to vector<16xi32>
        %select_n3A_197 = arith.select %eq3A_194, %shift_right_arithmetic3A_52, %broadcast_in_dim3A_196 : vector<16xi1>, vector<16xi32>
        %reduce_sum3A_198 = arith.constant true
        %reduce_sum3A_199 = vector.broadcast %reduce_sum3A_198 : i1 to vector<16xi1>
        %reduce_sum3A_200 = tpu.scan <sum>, %select_n3A_197 masked %reduce_sum3A_199 : vector<16xi32>, vector<16xi1> -> vector<16xi32>
        %reduce_sum3A_201 = vector.extract %reduce_sum3A_200[15] : i32 from vector<16xi32>
        %broadcast_in_dim3A_202 = vector.broadcast %reduce_sum3A_201 : i32 to vector<16xi32>
        %iota3A_203 = tpu.iota {dimensions = array<i32: 0>} : vector<16xi32>
        %eq3A_204 = arith.constant 3 : i32
        %eq3A_205 = vector.broadcast %eq3A_204 : i32 to vector<16xi32>
        %eq3A_206 = arith.cmpi eq, %iota3A_203, %eq3A_205 : vector<16xi32>
        %jit3A_207 = arith.constant 0 : i32
        %broadcast_in_dim3A_208 = vector.broadcast %jit3A_207 : i32 to vector<16xi32>
        %select_n3A_209 = arith.select %eq3A_206, %shift_left3A_18, %broadcast_in_dim3A_208 : vector<16xi1>, vector<16xi32>
        %reduce_sum3A_210 = arith.constant true
        %reduce_sum3A_211 = vector.broadcast %reduce_sum3A_210 : i1 to vector<16xi1>
        %reduce_sum3A_212 = tpu.scan <sum>, %select_n3A_209 masked %reduce_sum3A_211 : vector<16xi32>, vector<16xi1> -> vector<16xi32>
        %reduce_sum3A_213 = vector.extract %reduce_sum3A_212[15] : i32 from vector<16xi32>
        %broadcast_in_dim3A_214 = vector.broadcast %reduce_sum3A_213 : i32 to vector<16xi32>
        %le3A_215 = arith.cmpi sle, %broadcast_in_dim3A_202, %add3A_94 : vector<16xi32>
        %gt3A_216 = arith.constant 0 : i32
        %gt3A_217 = vector.broadcast %gt3A_216 : i32 to vector<16xi32>
        %gt3A_218 = arith.cmpi sgt, %broadcast_in_dim3A_214, %gt3A_217 : vector<16xi32>
        %and3A_219 = arith.andi %le3A_215, %gt3A_218 : vector<16xi1>
        %jit3A_220 = arith.constant 3 : i32
        %broadcast_in_dim3A_221 = vector.broadcast %jit3A_220 : i32 to vector<16xi32>
        %select_n3A_222 = arith.select %and3A_219, %broadcast_in_dim3A_221, %select_n3A_190 : vector<16xi1>, vector<16xi32>
        %iota3A_223 = tpu.iota {dimensions = array<i32: 0>} : vector<16xi32>
        %eq3A_224 = arith.constant 4 : i32
        %eq3A_225 = vector.broadcast %eq3A_224 : i32 to vector<16xi32>
        %eq3A_226 = arith.cmpi eq, %iota3A_223, %eq3A_225 : vector<16xi32>
        %jit3A_227 = arith.constant 0 : i32
        %broadcast_in_dim3A_228 = vector.broadcast %jit3A_227 : i32 to vector<16xi32>
        %select_n3A_229 = arith.select %eq3A_226, %shift_right_arithmetic3A_52, %broadcast_in_dim3A_228 : vector<16xi1>, vector<16xi32>
        %reduce_sum3A_230 = arith.constant true
        %reduce_sum3A_231 = vector.broadcast %reduce_sum3A_230 : i1 to vector<16xi1>
        %reduce_sum3A_232 = tpu.scan <sum>, %select_n3A_229 masked %reduce_sum3A_231 : vector<16xi32>, vector<16xi1> -> vector<16xi32>
        %reduce_sum3A_233 = vector.extract %reduce_sum3A_232[15] : i32 from vector<16xi32>
        %broadcast_in_dim3A_234 = vector.broadcast %reduce_sum3A_233 : i32 to vector<16xi32>
        %iota3A_235 = tpu.iota {dimensions = array<i32: 0>} : vector<16xi32>
        %eq3A_236 = arith.constant 4 : i32
        %eq3A_237 = vector.broadcast %eq3A_236 : i32 to vector<16xi32>
        %eq3A_238 = arith.cmpi eq, %iota3A_235, %eq3A_237 : vector<16xi32>
        %jit3A_239 = arith.constant 0 : i32
        %broadcast_in_dim3A_240 = vector.broadcast %jit3A_239 : i32 to vector<16xi32>
        %select_n3A_241 = arith.select %eq3A_238, %shift_left3A_18, %broadcast_in_dim3A_240 : vector<16xi1>, vector<16xi32>
        %reduce_sum3A_242 = arith.constant true
        %reduce_sum3A_243 = vector.broadcast %reduce_sum3A_242 : i1 to vector<16xi1>
        %reduce_sum3A_244 = tpu.scan <sum>, %select_n3A_241 masked %reduce_sum3A_243 : vector<16xi32>, vector<16xi1> -> vector<16xi32>
        %reduce_sum3A_245 = vector.extract %reduce_sum3A_244[15] : i32 from vector<16xi32>
        %broadcast_in_dim3A_246 = vector.broadcast %reduce_sum3A_245 : i32 to vector<16xi32>
        %le3A_247 = arith.cmpi sle, %broadcast_in_dim3A_234, %add3A_94 : vector<16xi32>
        %gt3A_248 = arith.constant 0 : i32
        %gt3A_249 = vector.broadcast %gt3A_248 : i32 to vector<16xi32>
        %gt3A_250 = arith.cmpi sgt, %broadcast_in_dim3A_246, %gt3A_249 : vector<16xi32>
        %and3A_251 = arith.andi %le3A_247, %gt3A_250 : vector<16xi1>
        %jit3A_252 = arith.constant 4 : i32
        %broadcast_in_dim3A_253 = vector.broadcast %jit3A_252 : i32 to vector<16xi32>
        %select_n3A_254 = arith.select %and3A_251, %broadcast_in_dim3A_253, %select_n3A_222 : vector<16xi1>, vector<16xi32>
        %iota3A_255 = tpu.iota {dimensions = array<i32: 0>} : vector<16xi32>
        %eq3A_256 = arith.constant 5 : i32
        %eq3A_257 = vector.broadcast %eq3A_256 : i32 to vector<16xi32>
        %eq3A_258 = arith.cmpi eq, %iota3A_255, %eq3A_257 : vector<16xi32>
        %jit3A_259 = arith.constant 0 : i32
        %broadcast_in_dim3A_260 = vector.broadcast %jit3A_259 : i32 to vector<16xi32>
        %select_n3A_261 = arith.select %eq3A_258, %shift_right_arithmetic3A_52, %broadcast_in_dim3A_260 : vector<16xi1>, vector<16xi32>
        %reduce_sum3A_262 = arith.constant true
        %reduce_sum3A_263 = vector.broadcast %reduce_sum3A_262 : i1 to vector<16xi1>
        %reduce_sum3A_264 = tpu.scan <sum>, %select_n3A_261 masked %reduce_sum3A_263 : vector<16xi32>, vector<16xi1> -> vector<16xi32>
        %reduce_sum3A_265 = vector.extract %reduce_sum3A_264[15] : i32 from vector<16xi32>
        %broadcast_in_dim3A_266 = vector.broadcast %reduce_sum3A_265 : i32 to vector<16xi32>
        %iota3A_267 = tpu.iota {dimensions = array<i32: 0>} : vector<16xi32>
        %eq3A_268 = arith.constant 5 : i32
        %eq3A_269 = vector.broadcast %eq3A_268 : i32 to vector<16xi32>
        %eq3A_270 = arith.cmpi eq, %iota3A_267, %eq3A_269 : vector<16xi32>
        %jit3A_271 = arith.constant 0 : i32
        %broadcast_in_dim3A_272 = vector.broadcast %jit3A_271 : i32 to vector<16xi32>
        %select_n3A_273 = arith.select %eq3A_270, %shift_left3A_18, %broadcast_in_dim3A_272 : vector<16xi1>, vector<16xi32>
        %reduce_sum3A_274 = arith.constant true
        %reduce_sum3A_275 = vector.broadcast %reduce_sum3A_274 : i1 to vector<16xi1>
        %reduce_sum3A_276 = tpu.scan <sum>, %select_n3A_273 masked %reduce_sum3A_275 : vector<16xi32>, vector<16xi1> -> vector<16xi32>
        %reduce_sum3A_277 = vector.extract %reduce_sum3A_276[15] : i32 from vector<16xi32>
        %broadcast_in_dim3A_278 = vector.broadcast %reduce_sum3A_277 : i32 to vector<16xi32>
        %le3A_279 = arith.cmpi sle, %broadcast_in_dim3A_266, %add3A_94 : vector<16xi32>
        %gt3A_280 = arith.constant 0 : i32
        %gt3A_281 = vector.broadcast %gt3A_280 : i32 to vector<16xi32>
        %gt3A_282 = arith.cmpi sgt, %broadcast_in_dim3A_278, %gt3A_281 : vector<16xi32>
        %and3A_283 = arith.andi %le3A_279, %gt3A_282 : vector<16xi1>
        %jit3A_284 = arith.constant 5 : i32
        %broadcast_in_dim3A_285 = vector.broadcast %jit3A_284 : i32 to vector<16xi32>
        %select_n3A_286 = arith.select %and3A_283, %broadcast_in_dim3A_285, %select_n3A_254 : vector<16xi1>, vector<16xi32>
        %iota3A_287 = tpu.iota {dimensions = array<i32: 0>} : vector<16xi32>
        %eq3A_288 = arith.constant 6 : i32
        %eq3A_289 = vector.broadcast %eq3A_288 : i32 to vector<16xi32>
        %eq3A_290 = arith.cmpi eq, %iota3A_287, %eq3A_289 : vector<16xi32>
        %jit3A_291 = arith.constant 0 : i32
        %broadcast_in_dim3A_292 = vector.broadcast %jit3A_291 : i32 to vector<16xi32>
        %select_n3A_293 = arith.select %eq3A_290, %shift_right_arithmetic3A_52, %broadcast_in_dim3A_292 : vector<16xi1>, vector<16xi32>
        %reduce_sum3A_294 = arith.constant true
        %reduce_sum3A_295 = vector.broadcast %reduce_sum3A_294 : i1 to vector<16xi1>
        %reduce_sum3A_296 = tpu.scan <sum>, %select_n3A_293 masked %reduce_sum3A_295 : vector<16xi32>, vector<16xi1> -> vector<16xi32>
        %reduce_sum3A_297 = vector.extract %reduce_sum3A_296[15] : i32 from vector<16xi32>
        %broadcast_in_dim3A_298 = vector.broadcast %reduce_sum3A_297 : i32 to vector<16xi32>
        %iota3A_299 = tpu.iota {dimensions = array<i32: 0>} : vector<16xi32>
        %eq3A_300 = arith.constant 6 : i32
        %eq3A_301 = vector.broadcast %eq3A_300 : i32 to vector<16xi32>
        %eq3A_302 = arith.cmpi eq, %iota3A_299, %eq3A_301 : vector<16xi32>
        %jit3A_303 = arith.constant 0 : i32
        %broadcast_in_dim3A_304 = vector.broadcast %jit3A_303 : i32 to vector<16xi32>
        %select_n3A_305 = arith.select %eq3A_302, %shift_left3A_18, %broadcast_in_dim3A_304 : vector<16xi1>, vector<16xi32>
        %reduce_sum3A_306 = arith.constant true
        %reduce_sum3A_307 = vector.broadcast %reduce_sum3A_306 : i1 to vector<16xi1>
        %reduce_sum3A_308 = tpu.scan <sum>, %select_n3A_305 masked %reduce_sum3A_307 : vector<16xi32>, vector<16xi1> -> vector<16xi32>
        %reduce_sum3A_309 = vector.extract %reduce_sum3A_308[15] : i32 from vector<16xi32>
        %broadcast_in_dim3A_310 = vector.broadcast %reduce_sum3A_309 : i32 to vector<16xi32>
        %le3A_311 = arith.cmpi sle, %broadcast_in_dim3A_298, %add3A_94 : vector<16xi32>
        %gt3A_312 = arith.constant 0 : i32
        %gt3A_313 = vector.broadcast %gt3A_312 : i32 to vector<16xi32>
        %gt3A_314 = arith.cmpi sgt, %broadcast_in_dim3A_310, %gt3A_313 : vector<16xi32>
        %and3A_315 = arith.andi %le3A_311, %gt3A_314 : vector<16xi1>
        %jit3A_316 = arith.constant 6 : i32
        %broadcast_in_dim3A_317 = vector.broadcast %jit3A_316 : i32 to vector<16xi32>
        %select_n3A_318 = arith.select %and3A_315, %broadcast_in_dim3A_317, %select_n3A_286 : vector<16xi1>, vector<16xi32>
        %iota3A_319 = tpu.iota {dimensions = array<i32: 0>} : vector<16xi32>
        %eq3A_320 = arith.constant 7 : i32
        %eq3A_321 = vector.broadcast %eq3A_320 : i32 to vector<16xi32>
        %eq3A_322 = arith.cmpi eq, %iota3A_319, %eq3A_321 : vector<16xi32>
        %jit3A_323 = arith.constant 0 : i32
        %broadcast_in_dim3A_324 = vector.broadcast %jit3A_323 : i32 to vector<16xi32>
        %select_n3A_325 = arith.select %eq3A_322, %shift_right_arithmetic3A_52, %broadcast_in_dim3A_324 : vector<16xi1>, vector<16xi32>
        %reduce_sum3A_326 = arith.constant true
        %reduce_sum3A_327 = vector.broadcast %reduce_sum3A_326 : i1 to vector<16xi1>
        %reduce_sum3A_328 = tpu.scan <sum>, %select_n3A_325 masked %reduce_sum3A_327 : vector<16xi32>, vector<16xi1> -> vector<16xi32>
        %reduce_sum3A_329 = vector.extract %reduce_sum3A_328[15] : i32 from vector<16xi32>
        %broadcast_in_dim3A_330 = vector.broadcast %reduce_sum3A_329 : i32 to vector<16xi32>
        %iota3A_331 = tpu.iota {dimensions = array<i32: 0>} : vector<16xi32>
        %eq3A_332 = arith.constant 7 : i32
        %eq3A_333 = vector.broadcast %eq3A_332 : i32 to vector<16xi32>
        %eq3A_334 = arith.cmpi eq, %iota3A_331, %eq3A_333 : vector<16xi32>
        %jit3A_335 = arith.constant 0 : i32
        %broadcast_in_dim3A_336 = vector.broadcast %jit3A_335 : i32 to vector<16xi32>
        %select_n3A_337 = arith.select %eq3A_334, %shift_left3A_18, %broadcast_in_dim3A_336 : vector<16xi1>, vector<16xi32>
        %reduce_sum3A_338 = arith.constant true
        %reduce_sum3A_339 = vector.broadcast %reduce_sum3A_338 : i1 to vector<16xi1>
        %reduce_sum3A_340 = tpu.scan <sum>, %select_n3A_337 masked %reduce_sum3A_339 : vector<16xi32>, vector<16xi1> -> vector<16xi32>
        %reduce_sum3A_341 = vector.extract %reduce_sum3A_340[15] : i32 from vector<16xi32>
        %broadcast_in_dim3A_342 = vector.broadcast %reduce_sum3A_341 : i32 to vector<16xi32>
        %le3A_343 = arith.cmpi sle, %broadcast_in_dim3A_330, %add3A_94 : vector<16xi32>
        %gt3A_344 = arith.constant 0 : i32
        %gt3A_345 = vector.broadcast %gt3A_344 : i32 to vector<16xi32>
        %gt3A_346 = arith.cmpi sgt, %broadcast_in_dim3A_342, %gt3A_345 : vector<16xi32>
        %and3A_347 = arith.andi %le3A_343, %gt3A_346 : vector<16xi1>
        %jit3A_348 = arith.constant 7 : i32
        %broadcast_in_dim3A_349 = vector.broadcast %jit3A_348 : i32 to vector<16xi32>
        %select_n3A_350 = arith.select %and3A_347, %broadcast_in_dim3A_349, %select_n3A_318 : vector<16xi1>, vector<16xi32>
        %iota3A_351 = tpu.iota {dimensions = array<i32: 0>} : vector<16xi32>
        %eq3A_352 = arith.constant 8 : i32
        %eq3A_353 = vector.broadcast %eq3A_352 : i32 to vector<16xi32>
        %eq3A_354 = arith.cmpi eq, %iota3A_351, %eq3A_353 : vector<16xi32>
        %jit3A_355 = arith.constant 0 : i32
        %broadcast_in_dim3A_356 = vector.broadcast %jit3A_355 : i32 to vector<16xi32>
        %select_n3A_357 = arith.select %eq3A_354, %shift_right_arithmetic3A_52, %broadcast_in_dim3A_356 : vector<16xi1>, vector<16xi32>
        %reduce_sum3A_358 = arith.constant true
        %reduce_sum3A_359 = vector.broadcast %reduce_sum3A_358 : i1 to vector<16xi1>
        %reduce_sum3A_360 = tpu.scan <sum>, %select_n3A_357 masked %reduce_sum3A_359 : vector<16xi32>, vector<16xi1> -> vector<16xi32>
        %reduce_sum3A_361 = vector.extract %reduce_sum3A_360[15] : i32 from vector<16xi32>
        %broadcast_in_dim3A_362 = vector.broadcast %reduce_sum3A_361 : i32 to vector<16xi32>
        %iota3A_363 = tpu.iota {dimensions = array<i32: 0>} : vector<16xi32>
        %eq3A_364 = arith.constant 8 : i32
        %eq3A_365 = vector.broadcast %eq3A_364 : i32 to vector<16xi32>
        %eq3A_366 = arith.cmpi eq, %iota3A_363, %eq3A_365 : vector<16xi32>
        %jit3A_367 = arith.constant 0 : i32
        %broadcast_in_dim3A_368 = vector.broadcast %jit3A_367 : i32 to vector<16xi32>
        %select_n3A_369 = arith.select %eq3A_366, %shift_left3A_18, %broadcast_in_dim3A_368 : vector<16xi1>, vector<16xi32>
        %reduce_sum3A_370 = arith.constant true
        %reduce_sum3A_371 = vector.broadcast %reduce_sum3A_370 : i1 to vector<16xi1>
        %reduce_sum3A_372 = tpu.scan <sum>, %select_n3A_369 masked %reduce_sum3A_371 : vector<16xi32>, vector<16xi1> -> vector<16xi32>
        %reduce_sum3A_373 = vector.extract %reduce_sum3A_372[15] : i32 from vector<16xi32>
        %broadcast_in_dim3A_374 = vector.broadcast %reduce_sum3A_373 : i32 to vector<16xi32>
        %le3A_375 = arith.cmpi sle, %broadcast_in_dim3A_362, %add3A_94 : vector<16xi32>
        %gt3A_376 = arith.constant 0 : i32
        %gt3A_377 = vector.broadcast %gt3A_376 : i32 to vector<16xi32>
        %gt3A_378 = arith.cmpi sgt, %broadcast_in_dim3A_374, %gt3A_377 : vector<16xi32>
        %and3A_379 = arith.andi %le3A_375, %gt3A_378 : vector<16xi1>
        %jit3A_380 = arith.constant 8 : i32
        %broadcast_in_dim3A_381 = vector.broadcast %jit3A_380 : i32 to vector<16xi32>
        %select_n3A_382 = arith.select %and3A_379, %broadcast_in_dim3A_381, %select_n3A_350 : vector<16xi1>, vector<16xi32>
        %iota3A_383 = tpu.iota {dimensions = array<i32: 0>} : vector<16xi32>
        %eq3A_384 = arith.constant 9 : i32
        %eq3A_385 = vector.broadcast %eq3A_384 : i32 to vector<16xi32>
        %eq3A_386 = arith.cmpi eq, %iota3A_383, %eq3A_385 : vector<16xi32>
        %jit3A_387 = arith.constant 0 : i32
        %broadcast_in_dim3A_388 = vector.broadcast %jit3A_387 : i32 to vector<16xi32>
        %select_n3A_389 = arith.select %eq3A_386, %shift_right_arithmetic3A_52, %broadcast_in_dim3A_388 : vector<16xi1>, vector<16xi32>
        %reduce_sum3A_390 = arith.constant true
        %reduce_sum3A_391 = vector.broadcast %reduce_sum3A_390 : i1 to vector<16xi1>
        %reduce_sum3A_392 = tpu.scan <sum>, %select_n3A_389 masked %reduce_sum3A_391 : vector<16xi32>, vector<16xi1> -> vector<16xi32>
        %reduce_sum3A_393 = vector.extract %reduce_sum3A_392[15] : i32 from vector<16xi32>
        %broadcast_in_dim3A_394 = vector.broadcast %reduce_sum3A_393 : i32 to vector<16xi32>
        %iota3A_395 = tpu.iota {dimensions = array<i32: 0>} : vector<16xi32>
        %eq3A_396 = arith.constant 9 : i32
        %eq3A_397 = vector.broadcast %eq3A_396 : i32 to vector<16xi32>
        %eq3A_398 = arith.cmpi eq, %iota3A_395, %eq3A_397 : vector<16xi32>
        %jit3A_399 = arith.constant 0 : i32
        %broadcast_in_dim3A_400 = vector.broadcast %jit3A_399 : i32 to vector<16xi32>
        %select_n3A_401 = arith.select %eq3A_398, %shift_left3A_18, %broadcast_in_dim3A_400 : vector<16xi1>, vector<16xi32>
        %reduce_sum3A_402 = arith.constant true
        %reduce_sum3A_403 = vector.broadcast %reduce_sum3A_402 : i1 to vector<16xi1>
        %reduce_sum3A_404 = tpu.scan <sum>, %select_n3A_401 masked %reduce_sum3A_403 : vector<16xi32>, vector<16xi1> -> vector<16xi32>
        %reduce_sum3A_405 = vector.extract %reduce_sum3A_404[15] : i32 from vector<16xi32>
        %broadcast_in_dim3A_406 = vector.broadcast %reduce_sum3A_405 : i32 to vector<16xi32>
        %le3A_407 = arith.cmpi sle, %broadcast_in_dim3A_394, %add3A_94 : vector<16xi32>
        %gt3A_408 = arith.constant 0 : i32
        %gt3A_409 = vector.broadcast %gt3A_408 : i32 to vector<16xi32>
        %gt3A_410 = arith.cmpi sgt, %broadcast_in_dim3A_406, %gt3A_409 : vector<16xi32>
        %and3A_411 = arith.andi %le3A_407, %gt3A_410 : vector<16xi1>
        %jit3A_412 = arith.constant 9 : i32
        %broadcast_in_dim3A_413 = vector.broadcast %jit3A_412 : i32 to vector<16xi32>
        %select_n3A_414 = arith.select %and3A_411, %broadcast_in_dim3A_413, %select_n3A_382 : vector<16xi1>, vector<16xi32>
        %iota3A_415 = tpu.iota {dimensions = array<i32: 0>} : vector<16xi32>
        %eq3A_416 = arith.constant 10 : i32
        %eq3A_417 = vector.broadcast %eq3A_416 : i32 to vector<16xi32>
        %eq3A_418 = arith.cmpi eq, %iota3A_415, %eq3A_417 : vector<16xi32>
        %jit3A_419 = arith.constant 0 : i32
        %broadcast_in_dim3A_420 = vector.broadcast %jit3A_419 : i32 to vector<16xi32>
        %select_n3A_421 = arith.select %eq3A_418, %shift_right_arithmetic3A_52, %broadcast_in_dim3A_420 : vector<16xi1>, vector<16xi32>
        %reduce_sum3A_422 = arith.constant true
        %reduce_sum3A_423 = vector.broadcast %reduce_sum3A_422 : i1 to vector<16xi1>
        %reduce_sum3A_424 = tpu.scan <sum>, %select_n3A_421 masked %reduce_sum3A_423 : vector<16xi32>, vector<16xi1> -> vector<16xi32>
        %reduce_sum3A_425 = vector.extract %reduce_sum3A_424[15] : i32 from vector<16xi32>
        %broadcast_in_dim3A_426 = vector.broadcast %reduce_sum3A_425 : i32 to vector<16xi32>
        %iota3A_427 = tpu.iota {dimensions = array<i32: 0>} : vector<16xi32>
        %eq3A_428 = arith.constant 10 : i32
        %eq3A_429 = vector.broadcast %eq3A_428 : i32 to vector<16xi32>
        %eq3A_430 = arith.cmpi eq, %iota3A_427, %eq3A_429 : vector<16xi32>
        %jit3A_431 = arith.constant 0 : i32
        %broadcast_in_dim3A_432 = vector.broadcast %jit3A_431 : i32 to vector<16xi32>
        %select_n3A_433 = arith.select %eq3A_430, %shift_left3A_18, %broadcast_in_dim3A_432 : vector<16xi1>, vector<16xi32>
        %reduce_sum3A_434 = arith.constant true
        %reduce_sum3A_435 = vector.broadcast %reduce_sum3A_434 : i1 to vector<16xi1>
        %reduce_sum3A_436 = tpu.scan <sum>, %select_n3A_433 masked %reduce_sum3A_435 : vector<16xi32>, vector<16xi1> -> vector<16xi32>
        %reduce_sum3A_437 = vector.extract %reduce_sum3A_436[15] : i32 from vector<16xi32>
        %broadcast_in_dim3A_438 = vector.broadcast %reduce_sum3A_437 : i32 to vector<16xi32>
        %le3A_439 = arith.cmpi sle, %broadcast_in_dim3A_426, %add3A_94 : vector<16xi32>
        %gt3A_440 = arith.constant 0 : i32
        %gt3A_441 = vector.broadcast %gt3A_440 : i32 to vector<16xi32>
        %gt3A_442 = arith.cmpi sgt, %broadcast_in_dim3A_438, %gt3A_441 : vector<16xi32>
        %and3A_443 = arith.andi %le3A_439, %gt3A_442 : vector<16xi1>
        %jit3A_444 = arith.constant 10 : i32
        %broadcast_in_dim3A_445 = vector.broadcast %jit3A_444 : i32 to vector<16xi32>
        %select_n3A_446 = arith.select %and3A_443, %broadcast_in_dim3A_445, %select_n3A_414 : vector<16xi1>, vector<16xi32>
        %iota3A_447 = tpu.iota {dimensions = array<i32: 0>} : vector<16xi32>
        %eq3A_448 = arith.constant 11 : i32
        %eq3A_449 = vector.broadcast %eq3A_448 : i32 to vector<16xi32>
        %eq3A_450 = arith.cmpi eq, %iota3A_447, %eq3A_449 : vector<16xi32>
        %jit3A_451 = arith.constant 0 : i32
        %broadcast_in_dim3A_452 = vector.broadcast %jit3A_451 : i32 to vector<16xi32>
        %select_n3A_453 = arith.select %eq3A_450, %shift_right_arithmetic3A_52, %broadcast_in_dim3A_452 : vector<16xi1>, vector<16xi32>
        %reduce_sum3A_454 = arith.constant true
        %reduce_sum3A_455 = vector.broadcast %reduce_sum3A_454 : i1 to vector<16xi1>
        %reduce_sum3A_456 = tpu.scan <sum>, %select_n3A_453 masked %reduce_sum3A_455 : vector<16xi32>, vector<16xi1> -> vector<16xi32>
        %reduce_sum3A_457 = vector.extract %reduce_sum3A_456[15] : i32 from vector<16xi32>
        %broadcast_in_dim3A_458 = vector.broadcast %reduce_sum3A_457 : i32 to vector<16xi32>
        %iota3A_459 = tpu.iota {dimensions = array<i32: 0>} : vector<16xi32>
        %eq3A_460 = arith.constant 11 : i32
        %eq3A_461 = vector.broadcast %eq3A_460 : i32 to vector<16xi32>
        %eq3A_462 = arith.cmpi eq, %iota3A_459, %eq3A_461 : vector<16xi32>
        %jit3A_463 = arith.constant 0 : i32
        %broadcast_in_dim3A_464 = vector.broadcast %jit3A_463 : i32 to vector<16xi32>
        %select_n3A_465 = arith.select %eq3A_462, %shift_left3A_18, %broadcast_in_dim3A_464 : vector<16xi1>, vector<16xi32>
        %reduce_sum3A_466 = arith.constant true
        %reduce_sum3A_467 = vector.broadcast %reduce_sum3A_466 : i1 to vector<16xi1>
        %reduce_sum3A_468 = tpu.scan <sum>, %select_n3A_465 masked %reduce_sum3A_467 : vector<16xi32>, vector<16xi1> -> vector<16xi32>
        %reduce_sum3A_469 = vector.extract %reduce_sum3A_468[15] : i32 from vector<16xi32>
        %broadcast_in_dim3A_470 = vector.broadcast %reduce_sum3A_469 : i32 to vector<16xi32>
        %le3A_471 = arith.cmpi sle, %broadcast_in_dim3A_458, %add3A_94 : vector<16xi32>
        %gt3A_472 = arith.constant 0 : i32
        %gt3A_473 = vector.broadcast %gt3A_472 : i32 to vector<16xi32>
        %gt3A_474 = arith.cmpi sgt, %broadcast_in_dim3A_470, %gt3A_473 : vector<16xi32>
        %and3A_475 = arith.andi %le3A_471, %gt3A_474 : vector<16xi1>
        %jit3A_476 = arith.constant 11 : i32
        %broadcast_in_dim3A_477 = vector.broadcast %jit3A_476 : i32 to vector<16xi32>
        %select_n3A_478 = arith.select %and3A_475, %broadcast_in_dim3A_477, %select_n3A_446 : vector<16xi1>, vector<16xi32>
        %iota3A_479 = tpu.iota {dimensions = array<i32: 0>} : vector<16xi32>
        %eq3A_480 = arith.constant 12 : i32
        %eq3A_481 = vector.broadcast %eq3A_480 : i32 to vector<16xi32>
        %eq3A_482 = arith.cmpi eq, %iota3A_479, %eq3A_481 : vector<16xi32>
        %jit3A_483 = arith.constant 0 : i32
        %broadcast_in_dim3A_484 = vector.broadcast %jit3A_483 : i32 to vector<16xi32>
        %select_n3A_485 = arith.select %eq3A_482, %shift_right_arithmetic3A_52, %broadcast_in_dim3A_484 : vector<16xi1>, vector<16xi32>
        %reduce_sum3A_486 = arith.constant true
        %reduce_sum3A_487 = vector.broadcast %reduce_sum3A_486 : i1 to vector<16xi1>
        %reduce_sum3A_488 = tpu.scan <sum>, %select_n3A_485 masked %reduce_sum3A_487 : vector<16xi32>, vector<16xi1> -> vector<16xi32>
        %reduce_sum3A_489 = vector.extract %reduce_sum3A_488[15] : i32 from vector<16xi32>
        %broadcast_in_dim3A_490 = vector.broadcast %reduce_sum3A_489 : i32 to vector<16xi32>
        %iota3A_491 = tpu.iota {dimensions = array<i32: 0>} : vector<16xi32>
        %eq3A_492 = arith.constant 12 : i32
        %eq3A_493 = vector.broadcast %eq3A_492 : i32 to vector<16xi32>
        %eq3A_494 = arith.cmpi eq, %iota3A_491, %eq3A_493 : vector<16xi32>
        %jit3A_495 = arith.constant 0 : i32
        %broadcast_in_dim3A_496 = vector.broadcast %jit3A_495 : i32 to vector<16xi32>
        %select_n3A_497 = arith.select %eq3A_494, %shift_left3A_18, %broadcast_in_dim3A_496 : vector<16xi1>, vector<16xi32>
        %reduce_sum3A_498 = arith.constant true
        %reduce_sum3A_499 = vector.broadcast %reduce_sum3A_498 : i1 to vector<16xi1>
        %reduce_sum3A_500 = tpu.scan <sum>, %select_n3A_497 masked %reduce_sum3A_499 : vector<16xi32>, vector<16xi1> -> vector<16xi32>
        %reduce_sum3A_501 = vector.extract %reduce_sum3A_500[15] : i32 from vector<16xi32>
        %broadcast_in_dim3A_502 = vector.broadcast %reduce_sum3A_501 : i32 to vector<16xi32>
        %le3A_503 = arith.cmpi sle, %broadcast_in_dim3A_490, %add3A_94 : vector<16xi32>
        %gt3A_504 = arith.constant 0 : i32
        %gt3A_505 = vector.broadcast %gt3A_504 : i32 to vector<16xi32>
        %gt3A_506 = arith.cmpi sgt, %broadcast_in_dim3A_502, %gt3A_505 : vector<16xi32>
        %and3A_507 = arith.andi %le3A_503, %gt3A_506 : vector<16xi1>
        %jit3A_508 = arith.constant 12 : i32
        %broadcast_in_dim3A_509 = vector.broadcast %jit3A_508 : i32 to vector<16xi32>
        %select_n3A_510 = arith.select %and3A_507, %broadcast_in_dim3A_509, %select_n3A_478 : vector<16xi1>, vector<16xi32>
        %iota3A_511 = tpu.iota {dimensions = array<i32: 0>} : vector<16xi32>
        %eq3A_512 = arith.constant 13 : i32
        %eq3A_513 = vector.broadcast %eq3A_512 : i32 to vector<16xi32>
        %eq3A_514 = arith.cmpi eq, %iota3A_511, %eq3A_513 : vector<16xi32>
        %jit3A_515 = arith.constant 0 : i32
        %broadcast_in_dim3A_516 = vector.broadcast %jit3A_515 : i32 to vector<16xi32>
        %select_n3A_517 = arith.select %eq3A_514, %shift_right_arithmetic3A_52, %broadcast_in_dim3A_516 : vector<16xi1>, vector<16xi32>
        %reduce_sum3A_518 = arith.constant true
        %reduce_sum3A_519 = vector.broadcast %reduce_sum3A_518 : i1 to vector<16xi1>
        %reduce_sum3A_520 = tpu.scan <sum>, %select_n3A_517 masked %reduce_sum3A_519 : vector<16xi32>, vector<16xi1> -> vector<16xi32>
        %reduce_sum3A_521 = vector.extract %reduce_sum3A_520[15] : i32 from vector<16xi32>
        %broadcast_in_dim3A_522 = vector.broadcast %reduce_sum3A_521 : i32 to vector<16xi32>
        %iota3A_523 = tpu.iota {dimensions = array<i32: 0>} : vector<16xi32>
        %eq3A_524 = arith.constant 13 : i32
        %eq3A_525 = vector.broadcast %eq3A_524 : i32 to vector<16xi32>
        %eq3A_526 = arith.cmpi eq, %iota3A_523, %eq3A_525 : vector<16xi32>
        %jit3A_527 = arith.constant 0 : i32
        %broadcast_in_dim3A_528 = vector.broadcast %jit3A_527 : i32 to vector<16xi32>
        %select_n3A_529 = arith.select %eq3A_526, %shift_left3A_18, %broadcast_in_dim3A_528 : vector<16xi1>, vector<16xi32>
        %reduce_sum3A_530 = arith.constant true
        %reduce_sum3A_531 = vector.broadcast %reduce_sum3A_530 : i1 to vector<16xi1>
        %reduce_sum3A_532 = tpu.scan <sum>, %select_n3A_529 masked %reduce_sum3A_531 : vector<16xi32>, vector<16xi1> -> vector<16xi32>
        %reduce_sum3A_533 = vector.extract %reduce_sum3A_532[15] : i32 from vector<16xi32>
        %broadcast_in_dim3A_534 = vector.broadcast %reduce_sum3A_533 : i32 to vector<16xi32>
        %le3A_535 = arith.cmpi sle, %broadcast_in_dim3A_522, %add3A_94 : vector<16xi32>
        %gt3A_536 = arith.constant 0 : i32
        %gt3A_537 = vector.broadcast %gt3A_536 : i32 to vector<16xi32>
        %gt3A_538 = arith.cmpi sgt, %broadcast_in_dim3A_534, %gt3A_537 : vector<16xi32>
        %and3A_539 = arith.andi %le3A_535, %gt3A_538 : vector<16xi1>
        %jit3A_540 = arith.constant 13 : i32
        %broadcast_in_dim3A_541 = vector.broadcast %jit3A_540 : i32 to vector<16xi32>
        %select_n3A_542 = arith.select %and3A_539, %broadcast_in_dim3A_541, %select_n3A_510 : vector<16xi1>, vector<16xi32>
        %iota3A_543 = tpu.iota {dimensions = array<i32: 0>} : vector<16xi32>
        %eq3A_544 = arith.constant 14 : i32
        %eq3A_545 = vector.broadcast %eq3A_544 : i32 to vector<16xi32>
        %eq3A_546 = arith.cmpi eq, %iota3A_543, %eq3A_545 : vector<16xi32>
        %jit3A_547 = arith.constant 0 : i32
        %broadcast_in_dim3A_548 = vector.broadcast %jit3A_547 : i32 to vector<16xi32>
        %select_n3A_549 = arith.select %eq3A_546, %shift_right_arithmetic3A_52, %broadcast_in_dim3A_548 : vector<16xi1>, vector<16xi32>
        %reduce_sum3A_550 = arith.constant true
        %reduce_sum3A_551 = vector.broadcast %reduce_sum3A_550 : i1 to vector<16xi1>
        %reduce_sum3A_552 = tpu.scan <sum>, %select_n3A_549 masked %reduce_sum3A_551 : vector<16xi32>, vector<16xi1> -> vector<16xi32>
        %reduce_sum3A_553 = vector.extract %reduce_sum3A_552[15] : i32 from vector<16xi32>
        %broadcast_in_dim3A_554 = vector.broadcast %reduce_sum3A_553 : i32 to vector<16xi32>
        %iota3A_555 = tpu.iota {dimensions = array<i32: 0>} : vector<16xi32>
        %eq3A_556 = arith.constant 14 : i32
        %eq3A_557 = vector.broadcast %eq3A_556 : i32 to vector<16xi32>
        %eq3A_558 = arith.cmpi eq, %iota3A_555, %eq3A_557 : vector<16xi32>
        %jit3A_559 = arith.constant 0 : i32
        %broadcast_in_dim3A_560 = vector.broadcast %jit3A_559 : i32 to vector<16xi32>
        %select_n3A_561 = arith.select %eq3A_558, %shift_left3A_18, %broadcast_in_dim3A_560 : vector<16xi1>, vector<16xi32>
        %reduce_sum3A_562 = arith.constant true
        %reduce_sum3A_563 = vector.broadcast %reduce_sum3A_562 : i1 to vector<16xi1>
        %reduce_sum3A_564 = tpu.scan <sum>, %select_n3A_561 masked %reduce_sum3A_563 : vector<16xi32>, vector<16xi1> -> vector<16xi32>
        %reduce_sum3A_565 = vector.extract %reduce_sum3A_564[15] : i32 from vector<16xi32>
        %broadcast_in_dim3A_566 = vector.broadcast %reduce_sum3A_565 : i32 to vector<16xi32>
        %le3A_567 = arith.cmpi sle, %broadcast_in_dim3A_554, %add3A_94 : vector<16xi32>
        %gt3A_568 = arith.constant 0 : i32
        %gt3A_569 = vector.broadcast %gt3A_568 : i32 to vector<16xi32>
        %gt3A_570 = arith.cmpi sgt, %broadcast_in_dim3A_566, %gt3A_569 : vector<16xi32>
        %and3A_571 = arith.andi %le3A_567, %gt3A_570 : vector<16xi1>
        %jit3A_572 = arith.constant 14 : i32
        %broadcast_in_dim3A_573 = vector.broadcast %jit3A_572 : i32 to vector<16xi32>
        %select_n3A_574 = arith.select %and3A_571, %broadcast_in_dim3A_573, %select_n3A_542 : vector<16xi1>, vector<16xi32>
        %iota3A_575 = tpu.iota {dimensions = array<i32: 0>} : vector<16xi32>
        %eq3A_576 = arith.constant 15 : i32
        %eq3A_577 = vector.broadcast %eq3A_576 : i32 to vector<16xi32>
        %eq3A_578 = arith.cmpi eq, %iota3A_575, %eq3A_577 : vector<16xi32>
        %jit3A_579 = arith.constant 0 : i32
        %broadcast_in_dim3A_580 = vector.broadcast %jit3A_579 : i32 to vector<16xi32>
        %select_n3A_581 = arith.select %eq3A_578, %shift_right_arithmetic3A_52, %broadcast_in_dim3A_580 : vector<16xi1>, vector<16xi32>
        %reduce_sum3A_582 = arith.constant true
        %reduce_sum3A_583 = vector.broadcast %reduce_sum3A_582 : i1 to vector<16xi1>
        %reduce_sum3A_584 = tpu.scan <sum>, %select_n3A_581 masked %reduce_sum3A_583 : vector<16xi32>, vector<16xi1> -> vector<16xi32>
        %reduce_sum3A_585 = vector.extract %reduce_sum3A_584[15] : i32 from vector<16xi32>
        %broadcast_in_dim3A_586 = vector.broadcast %reduce_sum3A_585 : i32 to vector<16xi32>
        %iota3A_587 = tpu.iota {dimensions = array<i32: 0>} : vector<16xi32>
        %eq3A_588 = arith.constant 15 : i32
        %eq3A_589 = vector.broadcast %eq3A_588 : i32 to vector<16xi32>
        %eq3A_590 = arith.cmpi eq, %iota3A_587, %eq3A_589 : vector<16xi32>
        %jit3A_591 = arith.constant 0 : i32
        %broadcast_in_dim3A_592 = vector.broadcast %jit3A_591 : i32 to vector<16xi32>
        %select_n3A_593 = arith.select %eq3A_590, %shift_left3A_18, %broadcast_in_dim3A_592 : vector<16xi1>, vector<16xi32>
        %reduce_sum3A_594 = arith.constant true
        %reduce_sum3A_595 = vector.broadcast %reduce_sum3A_594 : i1 to vector<16xi1>
        %reduce_sum3A_596 = tpu.scan <sum>, %select_n3A_593 masked %reduce_sum3A_595 : vector<16xi32>, vector<16xi1> -> vector<16xi32>
        %reduce_sum3A_597 = vector.extract %reduce_sum3A_596[15] : i32 from vector<16xi32>
        %broadcast_in_dim3A_598 = vector.broadcast %reduce_sum3A_597 : i32 to vector<16xi32>
        %le3A_599 = arith.cmpi sle, %broadcast_in_dim3A_586, %add3A_94 : vector<16xi32>
        %gt3A_600 = arith.constant 0 : i32
        %gt3A_601 = vector.broadcast %gt3A_600 : i32 to vector<16xi32>
        %gt3A_602 = arith.cmpi sgt, %broadcast_in_dim3A_598, %gt3A_601 : vector<16xi32>
        %and3A_603 = arith.andi %le3A_599, %gt3A_602 : vector<16xi1>
        %jit3A_604 = arith.constant 15 : i32
        %broadcast_in_dim3A_605 = vector.broadcast %jit3A_604 : i32 to vector<16xi32>
        %select_n3A_606 = arith.select %and3A_603, %broadcast_in_dim3A_605, %select_n3A_574 : vector<16xi1>, vector<16xi32>
        %swap3A_607 = arith.constant 0 : index
        %swap3A_608 = tpu.vector_load %arg22[%swap3A_607] {strides = array<i32>} : memref<48xi32, #tpu.memory_space<vmem>>, vector<16xi32>,
        tpu.vector_store %arg22[%swap3A_607], %select_n3A_606 {strides = array<i32>} : memref<48xi32, #tpu.memory_space<vmem>>, vector<16xi32>,
        %gather3A_609 = tpu.vector_load_idx %arg25[%select_n3A_606] : memref<16xi32, #tpu.memory_space<vmem>>[vector<16xi32>], vector<16xi32>,
        %swap3A_610 = arith.constant 0 : index
        %swap3A_611 = tpu.vector_load %arg23[%swap3A_610] {strides = array<i32>} : memref<48xi32, #tpu.memory_space<vmem>>, vector<16xi32>,
        tpu.vector_store %arg23[%swap3A_610], %gather3A_609 {strides = array<i32>} : memref<48xi32, #tpu.memory_space<vmem>>, vector<16xi32>,
        %add3A_612 = arith.constant 16 : i32
        %add3A_613 = vector.broadcast %add3A_612 : i32 to vector<16xi32>
        %add3A_614 = arith.addi %iota3A, %add3A_613 : vector<16xi32>
        %broadcast_in_dim3A_615 = arith.constant 0 : i32
        %broadcast_in_dim3A_616 = vector.broadcast %broadcast_in_dim3A_615 : i32 to vector<16xi32>
        %iota3A_617 = tpu.iota {dimensions = array<i32: 0>} : vector<16xi32>
        %eq3A_618 = arith.constant 0 : i32
        %eq3A_619 = vector.broadcast %eq3A_618 : i32 to vector<16xi32>
        %eq3A_620 = arith.cmpi eq, %iota3A_617, %eq3A_619 : vector<16xi32>
        %jit3A_621 = arith.constant 0 : i32
        %broadcast_in_dim3A_622 = vector.broadcast %jit3A_621 : i32 to vector<16xi32>
        %select_n3A_623 = arith.select %eq3A_620, %shift_right_arithmetic3A_52, %broadcast_in_dim3A_622 : vector<16xi1>, vector<16xi32>
        %reduce_sum3A_624 = arith.constant true
        %reduce_sum3A_625 = vector.broadcast %reduce_sum3A_624 : i1 to vector<16xi1>
        %reduce_sum3A_626 = tpu.scan <sum>, %select_n3A_623 masked %reduce_sum3A_625 : vector<16xi32>, vector<16xi1> -> vector<16xi32>
        %reduce_sum3A_627 = vector.extract %reduce_sum3A_626[15] : i32 from vector<16xi32>
        %broadcast_in_dim3A_628 = vector.broadcast %reduce_sum3A_627 : i32 to vector<16xi32>
        %iota3A_629 = tpu.iota {dimensions = array<i32: 0>} : vector<16xi32>
        %eq3A_630 = arith.constant 0 : i32
        %eq3A_631 = vector.broadcast %eq3A_630 : i32 to vector<16xi32>
        %eq3A_632 = arith.cmpi eq, %iota3A_629, %eq3A_631 : vector<16xi32>
        %jit3A_633 = arith.constant 0 : i32
        %broadcast_in_dim3A_634 = vector.broadcast %jit3A_633 : i32 to vector<16xi32>
        %select_n3A_635 = arith.select %eq3A_632, %shift_left3A_18, %broadcast_in_dim3A_634 : vector<16xi1>, vector<16xi32>
        %reduce_sum3A_636 = arith.constant true
        %reduce_sum3A_637 = vector.broadcast %reduce_sum3A_636 : i1 to vector<16xi1>
        %reduce_sum3A_638 = tpu.scan <sum>, %select_n3A_635 masked %reduce_sum3A_637 : vector<16xi32>, vector<16xi1> -> vector<16xi32>
        %reduce_sum3A_639 = vector.extract %reduce_sum3A_638[15] : i32 from vector<16xi32>
        %broadcast_in_dim3A_640 = vector.broadcast %reduce_sum3A_639 : i32 to vector<16xi32>
        %le3A_641 = arith.cmpi sle, %broadcast_in_dim3A_628, %add3A_614 : vector<16xi32>
        %gt3A_642 = arith.constant 0 : i32
        %gt3A_643 = vector.broadcast %gt3A_642 : i32 to vector<16xi32>
        %gt3A_644 = arith.cmpi sgt, %broadcast_in_dim3A_640, %gt3A_643 : vector<16xi32>
        %and3A_645 = arith.andi %le3A_641, %gt3A_644 : vector<16xi1>
        %jit3A_646 = arith.constant 0 : i32
        %broadcast_in_dim3A_647 = vector.broadcast %jit3A_646 : i32 to vector<16xi32>
        %select_n3A_648 = arith.select %and3A_645, %broadcast_in_dim3A_647, %broadcast_in_dim3A_616 : vector<16xi1>, vector<16xi32>
        %iota3A_649 = tpu.iota {dimensions = array<i32: 0>} : vector<16xi32>
        %eq3A_650 = arith.constant 1 : i32
        %eq3A_651 = vector.broadcast %eq3A_650 : i32 to vector<16xi32>
        %eq3A_652 = arith.cmpi eq, %iota3A_649, %eq3A_651 : vector<16xi32>
        %jit3A_653 = arith.constant 0 : i32
        %broadcast_in_dim3A_654 = vector.broadcast %jit3A_653 : i32 to vector<16xi32>
        %select_n3A_655 = arith.select %eq3A_652, %shift_right_arithmetic3A_52, %broadcast_in_dim3A_654 : vector<16xi1>, vector<16xi32>
        %reduce_sum3A_656 = arith.constant true
        %reduce_sum3A_657 = vector.broadcast %reduce_sum3A_656 : i1 to vector<16xi1>
        %reduce_sum3A_658 = tpu.scan <sum>, %select_n3A_655 masked %reduce_sum3A_657 : vector<16xi32>, vector<16xi1> -> vector<16xi32>
        %reduce_sum3A_659 = vector.extract %reduce_sum3A_658[15] : i32 from vector<16xi32>
        %broadcast_in_dim3A_660 = vector.broadcast %reduce_sum3A_659 : i32 to vector<16xi32>
        %iota3A_661 = tpu.iota {dimensions = array<i32: 0>} : vector<16xi32>
        %eq3A_662 = arith.constant 1 : i32
        %eq3A_663 = vector.broadcast %eq3A_662 : i32 to vector<16xi32>
        %eq3A_664 = arith.cmpi eq, %iota3A_661, %eq3A_663 : vector<16xi32>
        %jit3A_665 = arith.constant 0 : i32
        %broadcast_in_dim3A_666 = vector.broadcast %jit3A_665 : i32 to vector<16xi32>
        %select_n3A_667 = arith.select %eq3A_664, %shift_left3A_18, %broadcast_in_dim3A_666 : vector<16xi1>, vector<16xi32>
        %reduce_sum3A_668 = arith.constant true
        %reduce_sum3A_669 = vector.broadcast %reduce_sum3A_668 : i1 to vector<16xi1>
        %reduce_sum3A_670 = tpu.scan <sum>, %select_n3A_667 masked %reduce_sum3A_669 : vector<16xi32>, vector<16xi1> -> vector<16xi32>
        %reduce_sum3A_671 = vector.extract %reduce_sum3A_670[15] : i32 from vector<16xi32>
        %broadcast_in_dim3A_672 = vector.broadcast %reduce_sum3A_671 : i32 to vector<16xi32>
        %le3A_673 = arith.cmpi sle, %broadcast_in_dim3A_660, %add3A_614 : vector<16xi32>
        %gt3A_674 = arith.constant 0 : i32
        %gt3A_675 = vector.broadcast %gt3A_674 : i32 to vector<16xi32>
        %gt3A_676 = arith.cmpi sgt, %broadcast_in_dim3A_672, %gt3A_675 : vector<16xi32>
        %and3A_677 = arith.andi %le3A_673, %gt3A_676 : vector<16xi1>
        %jit3A_678 = arith.constant 1 : i32
        %broadcast_in_dim3A_679 = vector.broadcast %jit3A_678 : i32 to vector<16xi32>
        %select_n3A_680 = arith.select %and3A_677, %broadcast_in_dim3A_679, %select_n3A_648 : vector<16xi1>, vector<16xi32>
        %iota3A_681 = tpu.iota {dimensions = array<i32: 0>} : vector<16xi32>
        %eq3A_682 = arith.constant 2 : i32
        %eq3A_683 = vector.broadcast %eq3A_682 : i32 to vector<16xi32>
        %eq3A_684 = arith.cmpi eq, %iota3A_681, %eq3A_683 : vector<16xi32>
        %jit3A_685 = arith.constant 0 : i32
        %broadcast_in_dim3A_686 = vector.broadcast %jit3A_685 : i32 to vector<16xi32>
        %select_n3A_687 = arith.select %eq3A_684, %shift_right_arithmetic3A_52, %broadcast_in_dim3A_686 : vector<16xi1>, vector<16xi32>
        %reduce_sum3A_688 = arith.constant true
        %reduce_sum3A_689 = vector.broadcast %reduce_sum3A_688 : i1 to vector<16xi1>
        %reduce_sum3A_690 = tpu.scan <sum>, %select_n3A_687 masked %reduce_sum3A_689 : vector<16xi32>, vector<16xi1> -> vector<16xi32>
        %reduce_sum3A_691 = vector.extract %reduce_sum3A_690[15] : i32 from vector<16xi32>
        %broadcast_in_dim3A_692 = vector.broadcast %reduce_sum3A_691 : i32 to vector<16xi32>
        %iota3A_693 = tpu.iota {dimensions = array<i32: 0>} : vector<16xi32>
        %eq3A_694 = arith.constant 2 : i32
        %eq3A_695 = vector.broadcast %eq3A_694 : i32 to vector<16xi32>
        %eq3A_696 = arith.cmpi eq, %iota3A_693, %eq3A_695 : vector<16xi32>
        %jit3A_697 = arith.constant 0 : i32
        %broadcast_in_dim3A_698 = vector.broadcast %jit3A_697 : i32 to vector<16xi32>
        %select_n3A_699 = arith.select %eq3A_696, %shift_left3A_18, %broadcast_in_dim3A_698 : vector<16xi1>, vector<16xi32>
        %reduce_sum3A_700 = arith.constant true
        %reduce_sum3A_701 = vector.broadcast %reduce_sum3A_700 : i1 to vector<16xi1>
        %reduce_sum3A_702 = tpu.scan <sum>, %select_n3A_699 masked %reduce_sum3A_701 : vector<16xi32>, vector<16xi1> -> vector<16xi32>
        %reduce_sum3A_703 = vector.extract %reduce_sum3A_702[15] : i32 from vector<16xi32>
        %broadcast_in_dim3A_704 = vector.broadcast %reduce_sum3A_703 : i32 to vector<16xi32>
        %le3A_705 = arith.cmpi sle, %broadcast_in_dim3A_692, %add3A_614 : vector<16xi32>
        %gt3A_706 = arith.constant 0 : i32
        %gt3A_707 = vector.broadcast %gt3A_706 : i32 to vector<16xi32>
        %gt3A_708 = arith.cmpi sgt, %broadcast_in_dim3A_704, %gt3A_707 : vector<16xi32>
        %and3A_709 = arith.andi %le3A_705, %gt3A_708 : vector<16xi1>
        %jit3A_710 = arith.constant 2 : i32
        %broadcast_in_dim3A_711 = vector.broadcast %jit3A_710 : i32 to vector<16xi32>
        %select_n3A_712 = arith.select %and3A_709, %broadcast_in_dim3A_711, %select_n3A_680 : vector<16xi1>, vector<16xi32>
        %iota3A_713 = tpu.iota {dimensions = array<i32: 0>} : vector<16xi32>
        %eq3A_714 = arith.constant 3 : i32
        %eq3A_715 = vector.broadcast %eq3A_714 : i32 to vector<16xi32>
        %eq3A_716 = arith.cmpi eq, %iota3A_713, %eq3A_715 : vector<16xi32>
        %jit3A_717 = arith.constant 0 : i32
        %broadcast_in_dim3A_718 = vector.broadcast %jit3A_717 : i32 to vector<16xi32>
        %select_n3A_719 = arith.select %eq3A_716, %shift_right_arithmetic3A_52, %broadcast_in_dim3A_718 : vector<16xi1>, vector<16xi32>
        %reduce_sum3A_720 = arith.constant true
        %reduce_sum3A_721 = vector.broadcast %reduce_sum3A_720 : i1 to vector<16xi1>
        %reduce_sum3A_722 = tpu.scan <sum>, %select_n3A_719 masked %reduce_sum3A_721 : vector<16xi32>, vector<16xi1> -> vector<16xi32>
        %reduce_sum3A_723 = vector.extract %reduce_sum3A_722[15] : i32 from vector<16xi32>
        %broadcast_in_dim3A_724 = vector.broadcast %reduce_sum3A_723 : i32 to vector<16xi32>
        %iota3A_725 = tpu.iota {dimensions = array<i32: 0>} : vector<16xi32>
        %eq3A_726 = arith.constant 3 : i32
        %eq3A_727 = vector.broadcast %eq3A_726 : i32 to vector<16xi32>
        %eq3A_728 = arith.cmpi eq, %iota3A_725, %eq3A_727 : vector<16xi32>
        %jit3A_729 = arith.constant 0 : i32
        %broadcast_in_dim3A_730 = vector.broadcast %jit3A_729 : i32 to vector<16xi32>
        %select_n3A_731 = arith.select %eq3A_728, %shift_left3A_18, %broadcast_in_dim3A_730 : vector<16xi1>, vector<16xi32>
        %reduce_sum3A_732 = arith.constant true
        %reduce_sum3A_733 = vector.broadcast %reduce_sum3A_732 : i1 to vector<16xi1>
        %reduce_sum3A_734 = tpu.scan <sum>, %select_n3A_731 masked %reduce_sum3A_733 : vector<16xi32>, vector<16xi1> -> vector<16xi32>
        %reduce_sum3A_735 = vector.extract %reduce_sum3A_734[15] : i32 from vector<16xi32>
        %broadcast_in_dim3A_736 = vector.broadcast %reduce_sum3A_735 : i32 to vector<16xi32>
        %le3A_737 = arith.cmpi sle, %broadcast_in_dim3A_724, %add3A_614 : vector<16xi32>
        %gt3A_738 = arith.constant 0 : i32
        %gt3A_739 = vector.broadcast %gt3A_738 : i32 to vector<16xi32>
        %gt3A_740 = arith.cmpi sgt, %broadcast_in_dim3A_736, %gt3A_739 : vector<16xi32>
        %and3A_741 = arith.andi %le3A_737, %gt3A_740 : vector<16xi1>
        %jit3A_742 = arith.constant 3 : i32
        %broadcast_in_dim3A_743 = vector.broadcast %jit3A_742 : i32 to vector<16xi32>
        %select_n3A_744 = arith.select %and3A_741, %broadcast_in_dim3A_743, %select_n3A_712 : vector<16xi1>, vector<16xi32>
        %iota3A_745 = tpu.iota {dimensions = array<i32: 0>} : vector<16xi32>
        %eq3A_746 = arith.constant 4 : i32
        %eq3A_747 = vector.broadcast %eq3A_746 : i32 to vector<16xi32>
        %eq3A_748 = arith.cmpi eq, %iota3A_745, %eq3A_747 : vector<16xi32>
        %jit3A_749 = arith.constant 0 : i32
        %broadcast_in_dim3A_750 = vector.broadcast %jit3A_749 : i32 to vector<16xi32>
        %select_n3A_751 = arith.select %eq3A_748, %shift_right_arithmetic3A_52, %broadcast_in_dim3A_750 : vector<16xi1>, vector<16xi32>
        %reduce_sum3A_752 = arith.constant true
        %reduce_sum3A_753 = vector.broadcast %reduce_sum3A_752 : i1 to vector<16xi1>
        %reduce_sum3A_754 = tpu.scan <sum>, %select_n3A_751 masked %reduce_sum3A_753 : vector<16xi32>, vector<16xi1> -> vector<16xi32>
        %reduce_sum3A_755 = vector.extract %reduce_sum3A_754[15] : i32 from vector<16xi32>
        %broadcast_in_dim3A_756 = vector.broadcast %reduce_sum3A_755 : i32 to vector<16xi32>
        %iota3A_757 = tpu.iota {dimensions = array<i32: 0>} : vector<16xi32>
        %eq3A_758 = arith.constant 4 : i32
        %eq3A_759 = vector.broadcast %eq3A_758 : i32 to vector<16xi32>
        %eq3A_760 = arith.cmpi eq, %iota3A_757, %eq3A_759 : vector<16xi32>
        %jit3A_761 = arith.constant 0 : i32
        %broadcast_in_dim3A_762 = vector.broadcast %jit3A_761 : i32 to vector<16xi32>
        %select_n3A_763 = arith.select %eq3A_760, %shift_left3A_18, %broadcast_in_dim3A_762 : vector<16xi1>, vector<16xi32>
        %reduce_sum3A_764 = arith.constant true
        %reduce_sum3A_765 = vector.broadcast %reduce_sum3A_764 : i1 to vector<16xi1>
        %reduce_sum3A_766 = tpu.scan <sum>, %select_n3A_763 masked %reduce_sum3A_765 : vector<16xi32>, vector<16xi1> -> vector<16xi32>
        %reduce_sum3A_767 = vector.extract %reduce_sum3A_766[15] : i32 from vector<16xi32>
        %broadcast_in_dim3A_768 = vector.broadcast %reduce_sum3A_767 : i32 to vector<16xi32>
        %le3A_769 = arith.cmpi sle, %broadcast_in_dim3A_756, %add3A_614 : vector<16xi32>
        %gt3A_770 = arith.constant 0 : i32
        %gt3A_771 = vector.broadcast %gt3A_770 : i32 to vector<16xi32>
        %gt3A_772 = arith.cmpi sgt, %broadcast_in_dim3A_768, %gt3A_771 : vector<16xi32>
        %and3A_773 = arith.andi %le3A_769, %gt3A_772 : vector<16xi1>
        %jit3A_774 = arith.constant 4 : i32
        %broadcast_in_dim3A_775 = vector.broadcast %jit3A_774 : i32 to vector<16xi32>
        %select_n3A_776 = arith.select %and3A_773, %broadcast_in_dim3A_775, %select_n3A_744 : vector<16xi1>, vector<16xi32>
        %iota3A_777 = tpu.iota {dimensions = array<i32: 0>} : vector<16xi32>
        %eq3A_778 = arith.constant 5 : i32
        %eq3A_779 = vector.broadcast %eq3A_778 : i32 to vector<16xi32>
        %eq3A_780 = arith.cmpi eq, %iota3A_777, %eq3A_779 : vector<16xi32>
        %jit3A_781 = arith.constant 0 : i32
        %broadcast_in_dim3A_782 = vector.broadcast %jit3A_781 : i32 to vector<16xi32>
        %select_n3A_783 = arith.select %eq3A_780, %shift_right_arithmetic3A_52, %broadcast_in_dim3A_782 : vector<16xi1>, vector<16xi32>
        %reduce_sum3A_784 = arith.constant true
        %reduce_sum3A_785 = vector.broadcast %reduce_sum3A_784 : i1 to vector<16xi1>
        %reduce_sum3A_786 = tpu.scan <sum>, %select_n3A_783 masked %reduce_sum3A_785 : vector<16xi32>, vector<16xi1> -> vector<16xi32>
        %reduce_sum3A_787 = vector.extract %reduce_sum3A_786[15] : i32 from vector<16xi32>
        %broadcast_in_dim3A_788 = vector.broadcast %reduce_sum3A_787 : i32 to vector<16xi32>
        %iota3A_789 = tpu.iota {dimensions = array<i32: 0>} : vector<16xi32>
        %eq3A_790 = arith.constant 5 : i32
        %eq3A_791 = vector.broadcast %eq3A_790 : i32 to vector<16xi32>
        %eq3A_792 = arith.cmpi eq, %iota3A_789, %eq3A_791 : vector<16xi32>
        %jit3A_793 = arith.constant 0 : i32
        %broadcast_in_dim3A_794 = vector.broadcast %jit3A_793 : i32 to vector<16xi32>
        %select_n3A_795 = arith.select %eq3A_792, %shift_left3A_18, %broadcast_in_dim3A_794 : vector<16xi1>, vector<16xi32>
        %reduce_sum3A_796 = arith.constant true
        %reduce_sum3A_797 = vector.broadcast %reduce_sum3A_796 : i1 to vector<16xi1>
        %reduce_sum3A_798 = tpu.scan <sum>, %select_n3A_795 masked %reduce_sum3A_797 : vector<16xi32>, vector<16xi1> -> vector<16xi32>
        %reduce_sum3A_799 = vector.extract %reduce_sum3A_798[15] : i32 from vector<16xi32>
        %broadcast_in_dim3A_800 = vector.broadcast %reduce_sum3A_799 : i32 to vector<16xi32>
        %le3A_801 = arith.cmpi sle, %broadcast_in_dim3A_788, %add3A_614 : vector<16xi32>
        %gt3A_802 = arith.constant 0 : i32
        %gt3A_803 = vector.broadcast %gt3A_802 : i32 to vector<16xi32>
        %gt3A_804 = arith.cmpi sgt, %broadcast_in_dim3A_800, %gt3A_803 : vector<16xi32>
        %and3A_805 = arith.andi %le3A_801, %gt3A_804 : vector<16xi1>
        %jit3A_806 = arith.constant 5 : i32
        %broadcast_in_dim3A_807 = vector.broadcast %jit3A_806 : i32 to vector<16xi32>
        %select_n3A_808 = arith.select %and3A_805, %broadcast_in_dim3A_807, %select_n3A_776 : vector<16xi1>, vector<16xi32>
        %iota3A_809 = tpu.iota {dimensions = array<i32: 0>} : vector<16xi32>
        %eq3A_810 = arith.constant 6 : i32
        %eq3A_811 = vector.broadcast %eq3A_810 : i32 to vector<16xi32>
        %eq3A_812 = arith.cmpi eq, %iota3A_809, %eq3A_811 : vector<16xi32>
        %jit3A_813 = arith.constant 0 : i32
        %broadcast_in_dim3A_814 = vector.broadcast %jit3A_813 : i32 to vector<16xi32>
        %select_n3A_815 = arith.select %eq3A_812, %shift_right_arithmetic3A_52, %broadcast_in_dim3A_814 : vector<16xi1>, vector<16xi32>
        %reduce_sum3A_816 = arith.constant true
        %reduce_sum3A_817 = vector.broadcast %reduce_sum3A_816 : i1 to vector<16xi1>
        %reduce_sum3A_818 = tpu.scan <sum>, %select_n3A_815 masked %reduce_sum3A_817 : vector<16xi32>, vector<16xi1> -> vector<16xi32>
        %reduce_sum3A_819 = vector.extract %reduce_sum3A_818[15] : i32 from vector<16xi32>
        %broadcast_in_dim3A_820 = vector.broadcast %reduce_sum3A_819 : i32 to vector<16xi32>
        %iota3A_821 = tpu.iota {dimensions = array<i32: 0>} : vector<16xi32>
        %eq3A_822 = arith.constant 6 : i32
        %eq3A_823 = vector.broadcast %eq3A_822 : i32 to vector<16xi32>
        %eq3A_824 = arith.cmpi eq, %iota3A_821, %eq3A_823 : vector<16xi32>
        %jit3A_825 = arith.constant 0 : i32
        %broadcast_in_dim3A_826 = vector.broadcast %jit3A_825 : i32 to vector<16xi32>
        %select_n3A_827 = arith.select %eq3A_824, %shift_left3A_18, %broadcast_in_dim3A_826 : vector<16xi1>, vector<16xi32>
        %reduce_sum3A_828 = arith.constant true
        %reduce_sum3A_829 = vector.broadcast %reduce_sum3A_828 : i1 to vector<16xi1>
        %reduce_sum3A_830 = tpu.scan <sum>, %select_n3A_827 masked %reduce_sum3A_829 : vector<16xi32>, vector<16xi1> -> vector<16xi32>
        %reduce_sum3A_831 = vector.extract %reduce_sum3A_830[15] : i32 from vector<16xi32>
        %broadcast_in_dim3A_832 = vector.broadcast %reduce_sum3A_831 : i32 to vector<16xi32>
        %le3A_833 = arith.cmpi sle, %broadcast_in_dim3A_820, %add3A_614 : vector<16xi32>
        %gt3A_834 = arith.constant 0 : i32
        %gt3A_835 = vector.broadcast %gt3A_834 : i32 to vector<16xi32>
        %gt3A_836 = arith.cmpi sgt, %broadcast_in_dim3A_832, %gt3A_835 : vector<16xi32>
        %and3A_837 = arith.andi %le3A_833, %gt3A_836 : vector<16xi1>
        %jit3A_838 = arith.constant 6 : i32
        %broadcast_in_dim3A_839 = vector.broadcast %jit3A_838 : i32 to vector<16xi32>
        %select_n3A_840 = arith.select %and3A_837, %broadcast_in_dim3A_839, %select_n3A_808 : vector<16xi1>, vector<16xi32>
        %iota3A_841 = tpu.iota {dimensions = array<i32: 0>} : vector<16xi32>
        %eq3A_842 = arith.constant 7 : i32
        %eq3A_843 = vector.broadcast %eq3A_842 : i32 to vector<16xi32>
        %eq3A_844 = arith.cmpi eq, %iota3A_841, %eq3A_843 : vector<16xi32>
        %jit3A_845 = arith.constant 0 : i32
        %broadcast_in_dim3A_846 = vector.broadcast %jit3A_845 : i32 to vector<16xi32>
        %select_n3A_847 = arith.select %eq3A_844, %shift_right_arithmetic3A_52, %broadcast_in_dim3A_846 : vector<16xi1>, vector<16xi32>
        %reduce_sum3A_848 = arith.constant true
        %reduce_sum3A_849 = vector.broadcast %reduce_sum3A_848 : i1 to vector<16xi1>
        %reduce_sum3A_850 = tpu.scan <sum>, %select_n3A_847 masked %reduce_sum3A_849 : vector<16xi32>, vector<16xi1> -> vector<16xi32>
        %reduce_sum3A_851 = vector.extract %reduce_sum3A_850[15] : i32 from vector<16xi32>
        %broadcast_in_dim3A_852 = vector.broadcast %reduce_sum3A_851 : i32 to vector<16xi32>
        %iota3A_853 = tpu.iota {dimensions = array<i32: 0>} : vector<16xi32>
        %eq3A_854 = arith.constant 7 : i32
        %eq3A_855 = vector.broadcast %eq3A_854 : i32 to vector<16xi32>
        %eq3A_856 = arith.cmpi eq, %iota3A_853, %eq3A_855 : vector<16xi32>
        %jit3A_857 = arith.constant 0 : i32
        %broadcast_in_dim3A_858 = vector.broadcast %jit3A_857 : i32 to vector<16xi32>
        %select_n3A_859 = arith.select %eq3A_856, %shift_left3A_18, %broadcast_in_dim3A_858 : vector<16xi1>, vector<16xi32>
        %reduce_sum3A_860 = arith.constant true
        %reduce_sum3A_861 = vector.broadcast %reduce_sum3A_860 : i1 to vector<16xi1>
        %reduce_sum3A_862 = tpu.scan <sum>, %select_n3A_859 masked %reduce_sum3A_861 : vector<16xi32>, vector<16xi1> -> vector<16xi32>
        %reduce_sum3A_863 = vector.extract %reduce_sum3A_862[15] : i32 from vector<16xi32>
        %broadcast_in_dim3A_864 = vector.broadcast %reduce_sum3A_863 : i32 to vector<16xi32>
        %le3A_865 = arith.cmpi sle, %broadcast_in_dim3A_852, %add3A_614 : vector<16xi32>
        %gt3A_866 = arith.constant 0 : i32
        %gt3A_867 = vector.broadcast %gt3A_866 : i32 to vector<16xi32>
        %gt3A_868 = arith.cmpi sgt, %broadcast_in_dim3A_864, %gt3A_867 : vector<16xi32>
        %and3A_869 = arith.andi %le3A_865, %gt3A_868 : vector<16xi1>
        %jit3A_870 = arith.constant 7 : i32
        %broadcast_in_dim3A_871 = vector.broadcast %jit3A_870 : i32 to vector<16xi32>
        %select_n3A_872 = arith.select %and3A_869, %broadcast_in_dim3A_871, %select_n3A_840 : vector<16xi1>, vector<16xi32>
        %iota3A_873 = tpu.iota {dimensions = array<i32: 0>} : vector<16xi32>
        %eq3A_874 = arith.constant 8 : i32
        %eq3A_875 = vector.broadcast %eq3A_874 : i32 to vector<16xi32>
        %eq3A_876 = arith.cmpi eq, %iota3A_873, %eq3A_875 : vector<16xi32>
        %jit3A_877 = arith.constant 0 : i32
        %broadcast_in_dim3A_878 = vector.broadcast %jit3A_877 : i32 to vector<16xi32>
        %select_n3A_879 = arith.select %eq3A_876, %shift_right_arithmetic3A_52, %broadcast_in_dim3A_878 : vector<16xi1>, vector<16xi32>
        %reduce_sum3A_880 = arith.constant true
        %reduce_sum3A_881 = vector.broadcast %reduce_sum3A_880 : i1 to vector<16xi1>
        %reduce_sum3A_882 = tpu.scan <sum>, %select_n3A_879 masked %reduce_sum3A_881 : vector<16xi32>, vector<16xi1> -> vector<16xi32>
        %reduce_sum3A_883 = vector.extract %reduce_sum3A_882[15] : i32 from vector<16xi32>
        %broadcast_in_dim3A_884 = vector.broadcast %reduce_sum3A_883 : i32 to vector<16xi32>
        %iota3A_885 = tpu.iota {dimensions = array<i32: 0>} : vector<16xi32>
        %eq3A_886 = arith.constant 8 : i32
        %eq3A_887 = vector.broadcast %eq3A_886 : i32 to vector<16xi32>
        %eq3A_888 = arith.cmpi eq, %iota3A_885, %eq3A_887 : vector<16xi32>
        %jit3A_889 = arith.constant 0 : i32
        %broadcast_in_dim3A_890 = vector.broadcast %jit3A_889 : i32 to vector<16xi32>
        %select_n3A_891 = arith.select %eq3A_888, %shift_left3A_18, %broadcast_in_dim3A_890 : vector<16xi1>, vector<16xi32>
        %reduce_sum3A_892 = arith.constant true
        %reduce_sum3A_893 = vector.broadcast %reduce_sum3A_892 : i1 to vector<16xi1>
        %reduce_sum3A_894 = tpu.scan <sum>, %select_n3A_891 masked %reduce_sum3A_893 : vector<16xi32>, vector<16xi1> -> vector<16xi32>
        %reduce_sum3A_895 = vector.extract %reduce_sum3A_894[15] : i32 from vector<16xi32>
        %broadcast_in_dim3A_896 = vector.broadcast %reduce_sum3A_895 : i32 to vector<16xi32>
        %le3A_897 = arith.cmpi sle, %broadcast_in_dim3A_884, %add3A_614 : vector<16xi32>
        %gt3A_898 = arith.constant 0 : i32
        %gt3A_899 = vector.broadcast %gt3A_898 : i32 to vector<16xi32>
        %gt3A_900 = arith.cmpi sgt, %broadcast_in_dim3A_896, %gt3A_899 : vector<16xi32>
        %and3A_901 = arith.andi %le3A_897, %gt3A_900 : vector<16xi1>
        %jit3A_902 = arith.constant 8 : i32
        %broadcast_in_dim3A_903 = vector.broadcast %jit3A_902 : i32 to vector<16xi32>
        %select_n3A_904 = arith.select %and3A_901, %broadcast_in_dim3A_903, %select_n3A_872 : vector<16xi1>, vector<16xi32>
        %iota3A_905 = tpu.iota {dimensions = array<i32: 0>} : vector<16xi32>
        %eq3A_906 = arith.constant 9 : i32
        %eq3A_907 = vector.broadcast %eq3A_906 : i32 to vector<16xi32>
        %eq3A_908 = arith.cmpi eq, %iota3A_905, %eq3A_907 : vector<16xi32>
        %jit3A_909 = arith.constant 0 : i32
        %broadcast_in_dim3A_910 = vector.broadcast %jit3A_909 : i32 to vector<16xi32>
        %select_n3A_911 = arith.select %eq3A_908, %shift_right_arithmetic3A_52, %broadcast_in_dim3A_910 : vector<16xi1>, vector<16xi32>
        %reduce_sum3A_912 = arith.constant true
        %reduce_sum3A_913 = vector.broadcast %reduce_sum3A_912 : i1 to vector<16xi1>
        %reduce_sum3A_914 = tpu.scan <sum>, %select_n3A_911 masked %reduce_sum3A_913 : vector<16xi32>, vector<16xi1> -> vector<16xi32>
        %reduce_sum3A_915 = vector.extract %reduce_sum3A_914[15] : i32 from vector<16xi32>
        %broadcast_in_dim3A_916 = vector.broadcast %reduce_sum3A_915 : i32 to vector<16xi32>
        %iota3A_917 = tpu.iota {dimensions = array<i32: 0>} : vector<16xi32>
        %eq3A_918 = arith.constant 9 : i32
        %eq3A_919 = vector.broadcast %eq3A_918 : i32 to vector<16xi32>
        %eq3A_920 = arith.cmpi eq, %iota3A_917, %eq3A_919 : vector<16xi32>
        %jit3A_921 = arith.constant 0 : i32
        %broadcast_in_dim3A_922 = vector.broadcast %jit3A_921 : i32 to vector<16xi32>
        %select_n3A_923 = arith.select %eq3A_920, %shift_left3A_18, %broadcast_in_dim3A_922 : vector<16xi1>, vector<16xi32>
        %reduce_sum3A_924 = arith.constant true
        %reduce_sum3A_925 = vector.broadcast %reduce_sum3A_924 : i1 to vector<16xi1>
        %reduce_sum3A_926 = tpu.scan <sum>, %select_n3A_923 masked %reduce_sum3A_925 : vector<16xi32>, vector<16xi1> -> vector<16xi32>
        %reduce_sum3A_927 = vector.extract %reduce_sum3A_926[15] : i32 from vector<16xi32>
        %broadcast_in_dim3A_928 = vector.broadcast %reduce_sum3A_927 : i32 to vector<16xi32>
        %le3A_929 = arith.cmpi sle, %broadcast_in_dim3A_916, %add3A_614 : vector<16xi32>
        %gt3A_930 = arith.constant 0 : i32
        %gt3A_931 = vector.broadcast %gt3A_930 : i32 to vector<16xi32>
        %gt3A_932 = arith.cmpi sgt, %broadcast_in_dim3A_928, %gt3A_931 : vector<16xi32>
        %and3A_933 = arith.andi %le3A_929, %gt3A_932 : vector<16xi1>
        %jit3A_934 = arith.constant 9 : i32
        %broadcast_in_dim3A_935 = vector.broadcast %jit3A_934 : i32 to vector<16xi32>
        %select_n3A_936 = arith.select %and3A_933, %broadcast_in_dim3A_935, %select_n3A_904 : vector<16xi1>, vector<16xi32>
        %iota3A_937 = tpu.iota {dimensions = array<i32: 0>} : vector<16xi32>
        %eq3A_938 = arith.constant 10 : i32
        %eq3A_939 = vector.broadcast %eq3A_938 : i32 to vector<16xi32>
        %eq3A_940 = arith.cmpi eq, %iota3A_937, %eq3A_939 : vector<16xi32>
        %jit3A_941 = arith.constant 0 : i32
        %broadcast_in_dim3A_942 = vector.broadcast %jit3A_941 : i32 to vector<16xi32>
        %select_n3A_943 = arith.select %eq3A_940, %shift_right_arithmetic3A_52, %broadcast_in_dim3A_942 : vector<16xi1>, vector<16xi32>
        %reduce_sum3A_944 = arith.constant true
        %reduce_sum3A_945 = vector.broadcast %reduce_sum3A_944 : i1 to vector<16xi1>
        %reduce_sum3A_946 = tpu.scan <sum>, %select_n3A_943 masked %reduce_sum3A_945 : vector<16xi32>, vector<16xi1> -> vector<16xi32>
        %reduce_sum3A_947 = vector.extract %reduce_sum3A_946[15] : i32 from vector<16xi32>
        %broadcast_in_dim3A_948 = vector.broadcast %reduce_sum3A_947 : i32 to vector<16xi32>
        %iota3A_949 = tpu.iota {dimensions = array<i32: 0>} : vector<16xi32>
        %eq3A_950 = arith.constant 10 : i32
        %eq3A_951 = vector.broadcast %eq3A_950 : i32 to vector<16xi32>
        %eq3A_952 = arith.cmpi eq, %iota3A_949, %eq3A_951 : vector<16xi32>
        %jit3A_953 = arith.constant 0 : i32
        %broadcast_in_dim3A_954 = vector.broadcast %jit3A_953 : i32 to vector<16xi32>
        %select_n3A_955 = arith.select %eq3A_952, %shift_left3A_18, %broadcast_in_dim3A_954 : vector<16xi1>, vector<16xi32>
        %reduce_sum3A_956 = arith.constant true
        %reduce_sum3A_957 = vector.broadcast %reduce_sum3A_956 : i1 to vector<16xi1>
        %reduce_sum3A_958 = tpu.scan <sum>, %select_n3A_955 masked %reduce_sum3A_957 : vector<16xi32>, vector<16xi1> -> vector<16xi32>
        %reduce_sum3A_959 = vector.extract %reduce_sum3A_958[15] : i32 from vector<16xi32>
        %broadcast_in_dim3A_960 = vector.broadcast %reduce_sum3A_959 : i32 to vector<16xi32>
        %le3A_961 = arith.cmpi sle, %broadcast_in_dim3A_948, %add3A_614 : vector<16xi32>
        %gt3A_962 = arith.constant 0 : i32
        %gt3A_963 = vector.broadcast %gt3A_962 : i32 to vector<16xi32>
        %gt3A_964 = arith.cmpi sgt, %broadcast_in_dim3A_960, %gt3A_963 : vector<16xi32>
        %and3A_965 = arith.andi %le3A_961, %gt3A_964 : vector<16xi1>
        %jit3A_966 = arith.constant 10 : i32
        %broadcast_in_dim3A_967 = vector.broadcast %jit3A_966 : i32 to vector<16xi32>
        %select_n3A_968 = arith.select %and3A_965, %broadcast_in_dim3A_967, %select_n3A_936 : vector<16xi1>, vector<16xi32>
        %iota3A_969 = tpu.iota {dimensions = array<i32: 0>} : vector<16xi32>
        %eq3A_970 = arith.constant 11 : i32
        %eq3A_971 = vector.broadcast %eq3A_970 : i32 to vector<16xi32>
        %eq3A_972 = arith.cmpi eq, %iota3A_969, %eq3A_971 : vector<16xi32>
        %jit3A_973 = arith.constant 0 : i32
        %broadcast_in_dim3A_974 = vector.broadcast %jit3A_973 : i32 to vector<16xi32>
        %select_n3A_975 = arith.select %eq3A_972, %shift_right_arithmetic3A_52, %broadcast_in_dim3A_974 : vector<16xi1>, vector<16xi32>
        %reduce_sum3A_976 = arith.constant true
        %reduce_sum3A_977 = vector.broadcast %reduce_sum3A_976 : i1 to vector<16xi1>
        %reduce_sum3A_978 = tpu.scan <sum>, %select_n3A_975 masked %reduce_sum3A_977 : vector<16xi32>, vector<16xi1> -> vector<16xi32>
        %reduce_sum3A_979 = vector.extract %reduce_sum3A_978[15] : i32 from vector<16xi32>
        %broadcast_in_dim3A_980 = vector.broadcast %reduce_sum3A_979 : i32 to vector<16xi32>
        %iota3A_981 = tpu.iota {dimensions = array<i32: 0>} : vector<16xi32>
        %eq3A_982 = arith.constant 11 : i32
        %eq3A_983 = vector.broadcast %eq3A_982 : i32 to vector<16xi32>
        %eq3A_984 = arith.cmpi eq, %iota3A_981, %eq3A_983 : vector<16xi32>
        %jit3A_985 = arith.constant 0 : i32
        %broadcast_in_dim3A_986 = vector.broadcast %jit3A_985 : i32 to vector<16xi32>
        %select_n3A_987 = arith.select %eq3A_984, %shift_left3A_18, %broadcast_in_dim3A_986 : vector<16xi1>, vector<16xi32>
        %reduce_sum3A_988 = arith.constant true
        %reduce_sum3A_989 = vector.broadcast %reduce_sum3A_988 : i1 to vector<16xi1>
        %reduce_sum3A_990 = tpu.scan <sum>, %select_n3A_987 masked %reduce_sum3A_989 : vector<16xi32>, vector<16xi1> -> vector<16xi32>
        %reduce_sum3A_991 = vector.extract %reduce_sum3A_990[15] : i32 from vector<16xi32>
        %broadcast_in_dim3A_992 = vector.broadcast %reduce_sum3A_991 : i32 to vector<16xi32>
        %le3A_993 = arith.cmpi sle, %broadcast_in_dim3A_980, %add3A_614 : vector<16xi32>
        %gt3A_994 = arith.constant 0 : i32
        %gt3A_995 = vector.broadcast %gt3A_994 : i32 to vector<16xi32>
        %gt3A_996 = arith.cmpi sgt, %broadcast_in_dim3A_992, %gt3A_995 : vector<16xi32>
        %and3A_997 = arith.andi %le3A_993, %gt3A_996 : vector<16xi1>
        %jit3A_998 = arith.constant 11 : i32
        %broadcast_in_dim3A_999 = vector.broadcast %jit3A_998 : i32 to vector<16xi32>
        %select_n3A_1000 = arith.select %and3A_997, %broadcast_in_dim3A_999, %select_n3A_968 : vector<16xi1>, vector<16xi32>
        %iota3A_1001 = tpu.iota {dimensions = array<i32: 0>} : vector<16xi32>
        %eq3A_1002 = arith.constant 12 : i32
        %eq3A_1003 = vector.broadcast %eq3A_1002 : i32 to vector<16xi32>
        %eq3A_1004 = arith.cmpi eq, %iota3A_1001, %eq3A_1003 : vector<16xi32>
        %jit3A_1005 = arith.constant 0 : i32
        %broadcast_in_dim3A_1006 = vector.broadcast %jit3A_1005 : i32 to vector<16xi32>
        %select_n3A_1007 = arith.select %eq3A_1004, %shift_right_arithmetic3A_52, %broadcast_in_dim3A_1006 : vector<16xi1>, vector<16xi32>
        %reduce_sum3A_1008 = arith.constant true
        %reduce_sum3A_1009 = vector.broadcast %reduce_sum3A_1008 : i1 to vector<16xi1>
        %reduce_sum3A_1010 = tpu.scan <sum>, %select_n3A_1007 masked %reduce_sum3A_1009 : vector<16xi32>, vector<16xi1> -> vector<16xi32>
        %reduce_sum3A_1011 = vector.extract %reduce_sum3A_1010[15] : i32 from vector<16xi32>
        %broadcast_in_dim3A_1012 = vector.broadcast %reduce_sum3A_1011 : i32 to vector<16xi32>
        %iota3A_1013 = tpu.iota {dimensions = array<i32: 0>} : vector<16xi32>
        %eq3A_1014 = arith.constant 12 : i32
        %eq3A_1015 = vector.broadcast %eq3A_1014 : i32 to vector<16xi32>
        %eq3A_1016 = arith.cmpi eq, %iota3A_1013, %eq3A_1015 : vector<16xi32>
        %jit3A_1017 = arith.constant 0 : i32
        %broadcast_in_dim3A_1018 = vector.broadcast %jit3A_1017 : i32 to vector<16xi32>
        %select_n3A_1019 = arith.select %eq3A_1016, %shift_left3A_18, %broadcast_in_dim3A_1018 : vector<16xi1>, vector<16xi32>
        %reduce_sum3A_1020 = arith.constant true
        %reduce_sum3A_1021 = vector.broadcast %reduce_sum3A_1020 : i1 to vector<16xi1>
        %reduce_sum3A_1022 = tpu.scan <sum>, %select_n3A_1019 masked %reduce_sum3A_1021 : vector<16xi32>, vector<16xi1> -> vector<16xi32>
        %reduce_sum3A_1023 = vector.extract %reduce_sum3A_1022[15] : i32 from vector<16xi32>
        %broadcast_in_dim3A_1024 = vector.broadcast %reduce_sum3A_1023 : i32 to vector<16xi32>
        %le3A_1025 = arith.cmpi sle, %broadcast_in_dim3A_1012, %add3A_614 : vector<16xi32>
        %gt3A_1026 = arith.constant 0 : i32
        %gt3A_1027 = vector.broadcast %gt3A_1026 : i32 to vector<16xi32>
        %gt3A_1028 = arith.cmpi sgt, %broadcast_in_dim3A_1024, %gt3A_1027 : vector<16xi32>
        %and3A_1029 = arith.andi %le3A_1025, %gt3A_1028 : vector<16xi1>
        %jit3A_1030 = arith.constant 12 : i32
        %broadcast_in_dim3A_1031 = vector.broadcast %jit3A_1030 : i32 to vector<16xi32>
        %select_n3A_1032 = arith.select %and3A_1029, %broadcast_in_dim3A_1031, %select_n3A_1000 : vector<16xi1>, vector<16xi32>
        %iota3A_1033 = tpu.iota {dimensions = array<i32: 0>} : vector<16xi32>
        %eq3A_1034 = arith.constant 13 : i32
        %eq3A_1035 = vector.broadcast %eq3A_1034 : i32 to vector<16xi32>
        %eq3A_1036 = arith.cmpi eq, %iota3A_1033, %eq3A_1035 : vector<16xi32>
        %jit3A_1037 = arith.constant 0 : i32
        %broadcast_in_dim3A_1038 = vector.broadcast %jit3A_1037 : i32 to vector<16xi32>
        %select_n3A_1039 = arith.select %eq3A_1036, %shift_right_arithmetic3A_52, %broadcast_in_dim3A_1038 : vector<16xi1>, vector<16xi32>
        %reduce_sum3A_1040 = arith.constant true
        %reduce_sum3A_1041 = vector.broadcast %reduce_sum3A_1040 : i1 to vector<16xi1>
        %reduce_sum3A_1042 = tpu.scan <sum>, %select_n3A_1039 masked %reduce_sum3A_1041 : vector<16xi32>, vector<16xi1> -> vector<16xi32>
        %reduce_sum3A_1043 = vector.extract %reduce_sum3A_1042[15] : i32 from vector<16xi32>
        %broadcast_in_dim3A_1044 = vector.broadcast %reduce_sum3A_1043 : i32 to vector<16xi32>
        %iota3A_1045 = tpu.iota {dimensions = array<i32: 0>} : vector<16xi32>
        %eq3A_1046 = arith.constant 13 : i32
        %eq3A_1047 = vector.broadcast %eq3A_1046 : i32 to vector<16xi32>
        %eq3A_1048 = arith.cmpi eq, %iota3A_1045, %eq3A_1047 : vector<16xi32>
        %jit3A_1049 = arith.constant 0 : i32
        %broadcast_in_dim3A_1050 = vector.broadcast %jit3A_1049 : i32 to vector<16xi32>
        %select_n3A_1051 = arith.select %eq3A_1048, %shift_left3A_18, %broadcast_in_dim3A_1050 : vector<16xi1>, vector<16xi32>
        %reduce_sum3A_1052 = arith.constant true
        %reduce_sum3A_1053 = vector.broadcast %reduce_sum3A_1052 : i1 to vector<16xi1>
        %reduce_sum3A_1054 = tpu.scan <sum>, %select_n3A_1051 masked %reduce_sum3A_1053 : vector<16xi32>, vector<16xi1> -> vector<16xi32>
        %reduce_sum3A_1055 = vector.extract %reduce_sum3A_1054[15] : i32 from vector<16xi32>
        %broadcast_in_dim3A_1056 = vector.broadcast %reduce_sum3A_1055 : i32 to vector<16xi32>
        %le3A_1057 = arith.cmpi sle, %broadcast_in_dim3A_1044, %add3A_614 : vector<16xi32>
        %gt3A_1058 = arith.constant 0 : i32
        %gt3A_1059 = vector.broadcast %gt3A_1058 : i32 to vector<16xi32>
        %gt3A_1060 = arith.cmpi sgt, %broadcast_in_dim3A_1056, %gt3A_1059 : vector<16xi32>
        %and3A_1061 = arith.andi %le3A_1057, %gt3A_1060 : vector<16xi1>
        %jit3A_1062 = arith.constant 13 : i32
        %broadcast_in_dim3A_1063 = vector.broadcast %jit3A_1062 : i32 to vector<16xi32>
        %select_n3A_1064 = arith.select %and3A_1061, %broadcast_in_dim3A_1063, %select_n3A_1032 : vector<16xi1>, vector<16xi32>
        %iota3A_1065 = tpu.iota {dimensions = array<i32: 0>} : vector<16xi32>
        %eq3A_1066 = arith.constant 14 : i32
        %eq3A_1067 = vector.broadcast %eq3A_1066 : i32 to vector<16xi32>
        %eq3A_1068 = arith.cmpi eq, %iota3A_1065, %eq3A_1067 : vector<16xi32>
        %jit3A_1069 = arith.constant 0 : i32
        %broadcast_in_dim3A_1070 = vector.broadcast %jit3A_1069 : i32 to vector<16xi32>
        %select_n3A_1071 = arith.select %eq3A_1068, %shift_right_arithmetic3A_52, %broadcast_in_dim3A_1070 : vector<16xi1>, vector<16xi32>
        %reduce_sum3A_1072 = arith.constant true
        %reduce_sum3A_1073 = vector.broadcast %reduce_sum3A_1072 : i1 to vector<16xi1>
        %reduce_sum3A_1074 = tpu.scan <sum>, %select_n3A_1071 masked %reduce_sum3A_1073 : vector<16xi32>, vector<16xi1> -> vector<16xi32>
        %reduce_sum3A_1075 = vector.extract %reduce_sum3A_1074[15] : i32 from vector<16xi32>
        %broadcast_in_dim3A_1076 = vector.broadcast %reduce_sum3A_1075 : i32 to vector<16xi32>
        %iota3A_1077 = tpu.iota {dimensions = array<i32: 0>} : vector<16xi32>
        %eq3A_1078 = arith.constant 14 : i32
        %eq3A_1079 = vector.broadcast %eq3A_1078 : i32 to vector<16xi32>
        %eq3A_1080 = arith.cmpi eq, %iota3A_1077, %eq3A_1079 : vector<16xi32>
        %jit3A_1081 = arith.constant 0 : i32
        %broadcast_in_dim3A_1082 = vector.broadcast %jit3A_1081 : i32 to vector<16xi32>
        %select_n3A_1083 = arith.select %eq3A_1080, %shift_left3A_18, %broadcast_in_dim3A_1082 : vector<16xi1>, vector<16xi32>
        %reduce_sum3A_1084 = arith.constant true
        %reduce_sum3A_1085 = vector.broadcast %reduce_sum3A_1084 : i1 to vector<16xi1>
        %reduce_sum3A_1086 = tpu.scan <sum>, %select_n3A_1083 masked %reduce_sum3A_1085 : vector<16xi32>, vector<16xi1> -> vector<16xi32>
        %reduce_sum3A_1087 = vector.extract %reduce_sum3A_1086[15] : i32 from vector<16xi32>
        %broadcast_in_dim3A_1088 = vector.broadcast %reduce_sum3A_1087 : i32 to vector<16xi32>
        %le3A_1089 = arith.cmpi sle, %broadcast_in_dim3A_1076, %add3A_614 : vector<16xi32>
        %gt3A_1090 = arith.constant 0 : i32
        %gt3A_1091 = vector.broadcast %gt3A_1090 : i32 to vector<16xi32>
        %gt3A_1092 = arith.cmpi sgt, %broadcast_in_dim3A_1088, %gt3A_1091 : vector<16xi32>
        %and3A_1093 = arith.andi %le3A_1089, %gt3A_1092 : vector<16xi1>
        %jit3A_1094 = arith.constant 14 : i32
        %broadcast_in_dim3A_1095 = vector.broadcast %jit3A_1094 : i32 to vector<16xi32>
        %select_n3A_1096 = arith.select %and3A_1093, %broadcast_in_dim3A_1095, %select_n3A_1064 : vector<16xi1>, vector<16xi32>
        %iota3A_1097 = tpu.iota {dimensions = array<i32: 0>} : vector<16xi32>
        %eq3A_1098 = arith.constant 15 : i32
        %eq3A_1099 = vector.broadcast %eq3A_1098 : i32 to vector<16xi32>
        %eq3A_1100 = arith.cmpi eq, %iota3A_1097, %eq3A_1099 : vector<16xi32>
        %jit3A_1101 = arith.constant 0 : i32
        %broadcast_in_dim3A_1102 = vector.broadcast %jit3A_1101 : i32 to vector<16xi32>
        %select_n3A_1103 = arith.select %eq3A_1100, %shift_right_arithmetic3A_52, %broadcast_in_dim3A_1102 : vector<16xi1>, vector<16xi32>
        %reduce_sum3A_1104 = arith.constant true
        %reduce_sum3A_1105 = vector.broadcast %reduce_sum3A_1104 : i1 to vector<16xi1>
        %reduce_sum3A_1106 = tpu.scan <sum>, %select_n3A_1103 masked %reduce_sum3A_1105 : vector<16xi32>, vector<16xi1> -> vector<16xi32>
        %reduce_sum3A_1107 = vector.extract %reduce_sum3A_1106[15] : i32 from vector<16xi32>
        %broadcast_in_dim3A_1108 = vector.broadcast %reduce_sum3A_1107 : i32 to vector<16xi32>
        %iota3A_1109 = tpu.iota {dimensions = array<i32: 0>} : vector<16xi32>
        %eq3A_1110 = arith.constant 15 : i32
        %eq3A_1111 = vector.broadcast %eq3A_1110 : i32 to vector<16xi32>
        %eq3A_1112 = arith.cmpi eq, %iota3A_1109, %eq3A_1111 : vector<16xi32>
        %jit3A_1113 = arith.constant 0 : i32
        %broadcast_in_dim3A_1114 = vector.broadcast %jit3A_1113 : i32 to vector<16xi32>
        %select_n3A_1115 = arith.select %eq3A_1112, %shift_left3A_18, %broadcast_in_dim3A_1114 : vector<16xi1>, vector<16xi32>
        %reduce_sum3A_1116 = arith.constant true
        %reduce_sum3A_1117 = vector.broadcast %reduce_sum3A_1116 : i1 to vector<16xi1>
        %reduce_sum3A_1118 = tpu.scan <sum>, %select_n3A_1115 masked %reduce_sum3A_1117 : vector<16xi32>, vector<16xi1> -> vector<16xi32>
        %reduce_sum3A_1119 = vector.extract %reduce_sum3A_1118[15] : i32 from vector<16xi32>
        %broadcast_in_dim3A_1120 = vector.broadcast %reduce_sum3A_1119 : i32 to vector<16xi32>
        %le3A_1121 = arith.cmpi sle, %broadcast_in_dim3A_1108, %add3A_614 : vector<16xi32>
        %gt3A_1122 = arith.constant 0 : i32
        %gt3A_1123 = vector.broadcast %gt3A_1122 : i32 to vector<16xi32>
        %gt3A_1124 = arith.cmpi sgt, %broadcast_in_dim3A_1120, %gt3A_1123 : vector<16xi32>
        %and3A_1125 = arith.andi %le3A_1121, %gt3A_1124 : vector<16xi1>
        %jit3A_1126 = arith.constant 15 : i32
        %broadcast_in_dim3A_1127 = vector.broadcast %jit3A_1126 : i32 to vector<16xi32>
        %select_n3A_1128 = arith.select %and3A_1125, %broadcast_in_dim3A_1127, %select_n3A_1096 : vector<16xi1>, vector<16xi32>
        %swap3A_1129 = arith.constant 16 : index
        %swap3A_1130 = tpu.vector_load %arg22[%swap3A_1129] {strides = array<i32>} : memref<48xi32, #tpu.memory_space<vmem>>, vector<16xi32>,
        tpu.vector_store %arg22[%swap3A_1129], %select_n3A_1128 {strides = array<i32>} : memref<48xi32, #tpu.memory_space<vmem>>, vector<16xi32>,
        %gather3A_1131 = tpu.vector_load_idx %arg25[%select_n3A_1128] : memref<16xi32, #tpu.memory_space<vmem>>[vector<16xi32>], vector<16xi32>,
        %swap3A_1132 = arith.constant 16 : index
        %swap3A_1133 = tpu.vector_load %arg23[%swap3A_1132] {strides = array<i32>} : memref<48xi32, #tpu.memory_space<vmem>>, vector<16xi32>,
        tpu.vector_store %arg23[%swap3A_1132], %gather3A_1131 {strides = array<i32>} : memref<48xi32, #tpu.memory_space<vmem>>, vector<16xi32>,
        %add3A_1134 = arith.constant 32 : i32
        %add3A_1135 = vector.broadcast %add3A_1134 : i32 to vector<16xi32>
        %add3A_1136 = arith.addi %iota3A, %add3A_1135 : vector<16xi32>
        %broadcast_in_dim3A_1137 = arith.constant 0 : i32
        %broadcast_in_dim3A_1138 = vector.broadcast %broadcast_in_dim3A_1137 : i32 to vector<16xi32>
        %iota3A_1139 = tpu.iota {dimensions = array<i32: 0>} : vector<16xi32>
        %eq3A_1140 = arith.constant 0 : i32
        %eq3A_1141 = vector.broadcast %eq3A_1140 : i32 to vector<16xi32>
        %eq3A_1142 = arith.cmpi eq, %iota3A_1139, %eq3A_1141 : vector<16xi32>
        %jit3A_1143 = arith.constant 0 : i32
        %broadcast_in_dim3A_1144 = vector.broadcast %jit3A_1143 : i32 to vector<16xi32>
        %select_n3A_1145 = arith.select %eq3A_1142, %shift_right_arithmetic3A_52, %broadcast_in_dim3A_1144 : vector<16xi1>, vector<16xi32>
        %reduce_sum3A_1146 = arith.constant true
        %reduce_sum3A_1147 = vector.broadcast %reduce_sum3A_1146 : i1 to vector<16xi1>
        %reduce_sum3A_1148 = tpu.scan <sum>, %select_n3A_1145 masked %reduce_sum3A_1147 : vector<16xi32>, vector<16xi1> -> vector<16xi32>
        %reduce_sum3A_1149 = vector.extract %reduce_sum3A_1148[15] : i32 from vector<16xi32>
        %broadcast_in_dim3A_1150 = vector.broadcast %reduce_sum3A_1149 : i32 to vector<16xi32>
        %iota3A_1151 = tpu.iota {dimensions = array<i32: 0>} : vector<16xi32>
        %eq3A_1152 = arith.constant 0 : i32
        %eq3A_1153 = vector.broadcast %eq3A_1152 : i32 to vector<16xi32>
        %eq3A_1154 = arith.cmpi eq, %iota3A_1151, %eq3A_1153 : vector<16xi32>
        %jit3A_1155 = arith.constant 0 : i32
        %broadcast_in_dim3A_1156 = vector.broadcast %jit3A_1155 : i32 to vector<16xi32>
        %select_n3A_1157 = arith.select %eq3A_1154, %shift_left3A_18, %broadcast_in_dim3A_1156 : vector<16xi1>, vector<16xi32>
        %reduce_sum3A_1158 = arith.constant true
        %reduce_sum3A_1159 = vector.broadcast %reduce_sum3A_1158 : i1 to vector<16xi1>
        %reduce_sum3A_1160 = tpu.scan <sum>, %select_n3A_1157 masked %reduce_sum3A_1159 : vector<16xi32>, vector<16xi1> -> vector<16xi32>
        %reduce_sum3A_1161 = vector.extract %reduce_sum3A_1160[15] : i32 from vector<16xi32>
        %broadcast_in_dim3A_1162 = vector.broadcast %reduce_sum3A_1161 : i32 to vector<16xi32>
        %le3A_1163 = arith.cmpi sle, %broadcast_in_dim3A_1150, %add3A_1136 : vector<16xi32>
        %gt3A_1164 = arith.constant 0 : i32
        %gt3A_1165 = vector.broadcast %gt3A_1164 : i32 to vector<16xi32>
        %gt3A_1166 = arith.cmpi sgt, %broadcast_in_dim3A_1162, %gt3A_1165 : vector<16xi32>
        %and3A_1167 = arith.andi %le3A_1163, %gt3A_1166 : vector<16xi1>
        %jit3A_1168 = arith.constant 0 : i32
        %broadcast_in_dim3A_1169 = vector.broadcast %jit3A_1168 : i32 to vector<16xi32>
        %select_n3A_1170 = arith.select %and3A_1167, %broadcast_in_dim3A_1169, %broadcast_in_dim3A_1138 : vector<16xi1>, vector<16xi32>
        %iota3A_1171 = tpu.iota {dimensions = array<i32: 0>} : vector<16xi32>
        %eq3A_1172 = arith.constant 1 : i32
        %eq3A_1173 = vector.broadcast %eq3A_1172 : i32 to vector<16xi32>
        %eq3A_1174 = arith.cmpi eq, %iota3A_1171, %eq3A_1173 : vector<16xi32>
        %jit3A_1175 = arith.constant 0 : i32
        %broadcast_in_dim3A_1176 = vector.broadcast %jit3A_1175 : i32 to vector<16xi32>
        %select_n3A_1177 = arith.select %eq3A_1174, %shift_right_arithmetic3A_52, %broadcast_in_dim3A_1176 : vector<16xi1>, vector<16xi32>
        %reduce_sum3A_1178 = arith.constant true
        %reduce_sum3A_1179 = vector.broadcast %reduce_sum3A_1178 : i1 to vector<16xi1>
        %reduce_sum3A_1180 = tpu.scan <sum>, %select_n3A_1177 masked %reduce_sum3A_1179 : vector<16xi32>, vector<16xi1> -> vector<16xi32>
        %reduce_sum3A_1181 = vector.extract %reduce_sum3A_1180[15] : i32 from vector<16xi32>
        %broadcast_in_dim3A_1182 = vector.broadcast %reduce_sum3A_1181 : i32 to vector<16xi32>
        %iota3A_1183 = tpu.iota {dimensions = array<i32: 0>} : vector<16xi32>
        %eq3A_1184 = arith.constant 1 : i32
        %eq3A_1185 = vector.broadcast %eq3A_1184 : i32 to vector<16xi32>
        %eq3A_1186 = arith.cmpi eq, %iota3A_1183, %eq3A_1185 : vector<16xi32>
        %jit3A_1187 = arith.constant 0 : i32
        %broadcast_in_dim3A_1188 = vector.broadcast %jit3A_1187 : i32 to vector<16xi32>
        %select_n3A_1189 = arith.select %eq3A_1186, %shift_left3A_18, %broadcast_in_dim3A_1188 : vector<16xi1>, vector<16xi32>
        %reduce_sum3A_1190 = arith.constant true
        %reduce_sum3A_1191 = vector.broadcast %reduce_sum3A_1190 : i1 to vector<16xi1>
        %reduce_sum3A_1192 = tpu.scan <sum>, %select_n3A_1189 masked %reduce_sum3A_1191 : vector<16xi32>, vector<16xi1> -> vector<16xi32>
        %reduce_sum3A_1193 = vector.extract %reduce_sum3A_1192[15] : i32 from vector<16xi32>
        %broadcast_in_dim3A_1194 = vector.broadcast %reduce_sum3A_1193 : i32 to vector<16xi32>
        %le3A_1195 = arith.cmpi sle, %broadcast_in_dim3A_1182, %add3A_1136 : vector<16xi32>
        %gt3A_1196 = arith.constant 0 : i32
        %gt3A_1197 = vector.broadcast %gt3A_1196 : i32 to vector<16xi32>
        %gt3A_1198 = arith.cmpi sgt, %broadcast_in_dim3A_1194, %gt3A_1197 : vector<16xi32>
        %and3A_1199 = arith.andi %le3A_1195, %gt3A_1198 : vector<16xi1>
        %jit3A_1200 = arith.constant 1 : i32
        %broadcast_in_dim3A_1201 = vector.broadcast %jit3A_1200 : i32 to vector<16xi32>
        %select_n3A_1202 = arith.select %and3A_1199, %broadcast_in_dim3A_1201, %select_n3A_1170 : vector<16xi1>, vector<16xi32>
        %iota3A_1203 = tpu.iota {dimensions = array<i32: 0>} : vector<16xi32>
        %eq3A_1204 = arith.constant 2 : i32
        %eq3A_1205 = vector.broadcast %eq3A_1204 : i32 to vector<16xi32>
        %eq3A_1206 = arith.cmpi eq, %iota3A_1203, %eq3A_1205 : vector<16xi32>
        %jit3A_1207 = arith.constant 0 : i32
        %broadcast_in_dim3A_1208 = vector.broadcast %jit3A_1207 : i32 to vector<16xi32>
        %select_n3A_1209 = arith.select %eq3A_1206, %shift_right_arithmetic3A_52, %broadcast_in_dim3A_1208 : vector<16xi1>, vector<16xi32>
        %reduce_sum3A_1210 = arith.constant true
        %reduce_sum3A_1211 = vector.broadcast %reduce_sum3A_1210 : i1 to vector<16xi1>
        %reduce_sum3A_1212 = tpu.scan <sum>, %select_n3A_1209 masked %reduce_sum3A_1211 : vector<16xi32>, vector<16xi1> -> vector<16xi32>
        %reduce_sum3A_1213 = vector.extract %reduce_sum3A_1212[15] : i32 from vector<16xi32>
        %broadcast_in_dim3A_1214 = vector.broadcast %reduce_sum3A_1213 : i32 to vector<16xi32>
        %iota3A_1215 = tpu.iota {dimensions = array<i32: 0>} : vector<16xi32>
        %eq3A_1216 = arith.constant 2 : i32
        %eq3A_1217 = vector.broadcast %eq3A_1216 : i32 to vector<16xi32>
        %eq3A_1218 = arith.cmpi eq, %iota3A_1215, %eq3A_1217 : vector<16xi32>
        %jit3A_1219 = arith.constant 0 : i32
        %broadcast_in_dim3A_1220 = vector.broadcast %jit3A_1219 : i32 to vector<16xi32>
        %select_n3A_1221 = arith.select %eq3A_1218, %shift_left3A_18, %broadcast_in_dim3A_1220 : vector<16xi1>, vector<16xi32>
        %reduce_sum3A_1222 = arith.constant true
        %reduce_sum3A_1223 = vector.broadcast %reduce_sum3A_1222 : i1 to vector<16xi1>
        %reduce_sum3A_1224 = tpu.scan <sum>, %select_n3A_1221 masked %reduce_sum3A_1223 : vector<16xi32>, vector<16xi1> -> vector<16xi32>
        %reduce_sum3A_1225 = vector.extract %reduce_sum3A_1224[15] : i32 from vector<16xi32>
        %broadcast_in_dim3A_1226 = vector.broadcast %reduce_sum3A_1225 : i32 to vector<16xi32>
        %le3A_1227 = arith.cmpi sle, %broadcast_in_dim3A_1214, %add3A_1136 : vector<16xi32>
        %gt3A_1228 = arith.constant 0 : i32
        %gt3A_1229 = vector.broadcast %gt3A_1228 : i32 to vector<16xi32>
        %gt3A_1230 = arith.cmpi sgt, %broadcast_in_dim3A_1226, %gt3A_1229 : vector<16xi32>
        %and3A_1231 = arith.andi %le3A_1227, %gt3A_1230 : vector<16xi1>
        %jit3A_1232 = arith.constant 2 : i32
        %broadcast_in_dim3A_1233 = vector.broadcast %jit3A_1232 : i32 to vector<16xi32>
        %select_n3A_1234 = arith.select %and3A_1231, %broadcast_in_dim3A_1233, %select_n3A_1202 : vector<16xi1>, vector<16xi32>
        %iota3A_1235 = tpu.iota {dimensions = array<i32: 0>} : vector<16xi32>
        %eq3A_1236 = arith.constant 3 : i32
        %eq3A_1237 = vector.broadcast %eq3A_1236 : i32 to vector<16xi32>
        %eq3A_1238 = arith.cmpi eq, %iota3A_1235, %eq3A_1237 : vector<16xi32>
        %jit3A_1239 = arith.constant 0 : i32
        %broadcast_in_dim3A_1240 = vector.broadcast %jit3A_1239 : i32 to vector<16xi32>
        %select_n3A_1241 = arith.select %eq3A_1238, %shift_right_arithmetic3A_52, %broadcast_in_dim3A_1240 : vector<16xi1>, vector<16xi32>
        %reduce_sum3A_1242 = arith.constant true
        %reduce_sum3A_1243 = vector.broadcast %reduce_sum3A_1242 : i1 to vector<16xi1>
        %reduce_sum3A_1244 = tpu.scan <sum>, %select_n3A_1241 masked %reduce_sum3A_1243 : vector<16xi32>, vector<16xi1> -> vector<16xi32>
        %reduce_sum3A_1245 = vector.extract %reduce_sum3A_1244[15] : i32 from vector<16xi32>
        %broadcast_in_dim3A_1246 = vector.broadcast %reduce_sum3A_1245 : i32 to vector<16xi32>
        %iota3A_1247 = tpu.iota {dimensions = array<i32: 0>} : vector<16xi32>
        %eq3A_1248 = arith.constant 3 : i32
        %eq3A_1249 = vector.broadcast %eq3A_1248 : i32 to vector<16xi32>
        %eq3A_1250 = arith.cmpi eq, %iota3A_1247, %eq3A_1249 : vector<16xi32>
        %jit3A_1251 = arith.constant 0 : i32
        %broadcast_in_dim3A_1252 = vector.broadcast %jit3A_1251 : i32 to vector<16xi32>
        %select_n3A_1253 = arith.select %eq3A_1250, %shift_left3A_18, %broadcast_in_dim3A_1252 : vector<16xi1>, vector<16xi32>
        %reduce_sum3A_1254 = arith.constant true
        %reduce_sum3A_1255 = vector.broadcast %reduce_sum3A_1254 : i1 to vector<16xi1>
        %reduce_sum3A_1256 = tpu.scan <sum>, %select_n3A_1253 masked %reduce_sum3A_1255 : vector<16xi32>, vector<16xi1> -> vector<16xi32>
        %reduce_sum3A_1257 = vector.extract %reduce_sum3A_1256[15] : i32 from vector<16xi32>
        %broadcast_in_dim3A_1258 = vector.broadcast %reduce_sum3A_1257 : i32 to vector<16xi32>
        %le3A_1259 = arith.cmpi sle, %broadcast_in_dim3A_1246, %add3A_1136 : vector<16xi32>
        %gt3A_1260 = arith.constant 0 : i32
        %gt3A_1261 = vector.broadcast %gt3A_1260 : i32 to vector<16xi32>
        %gt3A_1262 = arith.cmpi sgt, %broadcast_in_dim3A_1258, %gt3A_1261 : vector<16xi32>
        %and3A_1263 = arith.andi %le3A_1259, %gt3A_1262 : vector<16xi1>
        %jit3A_1264 = arith.constant 3 : i32
        %broadcast_in_dim3A_1265 = vector.broadcast %jit3A_1264 : i32 to vector<16xi32>
        %select_n3A_1266 = arith.select %and3A_1263, %broadcast_in_dim3A_1265, %select_n3A_1234 : vector<16xi1>, vector<16xi32>
        %iota3A_1267 = tpu.iota {dimensions = array<i32: 0>} : vector<16xi32>
        %eq3A_1268 = arith.constant 4 : i32
        %eq3A_1269 = vector.broadcast %eq3A_1268 : i32 to vector<16xi32>
        %eq3A_1270 = arith.cmpi eq, %iota3A_1267, %eq3A_1269 : vector<16xi32>
        %jit3A_1271 = arith.constant 0 : i32
        %broadcast_in_dim3A_1272 = vector.broadcast %jit3A_1271 : i32 to vector<16xi32>
        %select_n3A_1273 = arith.select %eq3A_1270, %shift_right_arithmetic3A_52, %broadcast_in_dim3A_1272 : vector<16xi1>, vector<16xi32>
        %reduce_sum3A_1274 = arith.constant true
        %reduce_sum3A_1275 = vector.broadcast %reduce_sum3A_1274 : i1 to vector<16xi1>
        %reduce_sum3A_1276 = tpu.scan <sum>, %select_n3A_1273 masked %reduce_sum3A_1275 : vector<16xi32>, vector<16xi1> -> vector<16xi32>
        %reduce_sum3A_1277 = vector.extract %reduce_sum3A_1276[15] : i32 from vector<16xi32>
        %broadcast_in_dim3A_1278 = vector.broadcast %reduce_sum3A_1277 : i32 to vector<16xi32>
        %iota3A_1279 = tpu.iota {dimensions = array<i32: 0>} : vector<16xi32>
        %eq3A_1280 = arith.constant 4 : i32
        %eq3A_1281 = vector.broadcast %eq3A_1280 : i32 to vector<16xi32>
        %eq3A_1282 = arith.cmpi eq, %iota3A_1279, %eq3A_1281 : vector<16xi32>
        %jit3A_1283 = arith.constant 0 : i32
        %broadcast_in_dim3A_1284 = vector.broadcast %jit3A_1283 : i32 to vector<16xi32>
        %select_n3A_1285 = arith.select %eq3A_1282, %shift_left3A_18, %broadcast_in_dim3A_1284 : vector<16xi1>, vector<16xi32>
        %reduce_sum3A_1286 = arith.constant true
        %reduce_sum3A_1287 = vector.broadcast %reduce_sum3A_1286 : i1 to vector<16xi1>
        %reduce_sum3A_1288 = tpu.scan <sum>, %select_n3A_1285 masked %reduce_sum3A_1287 : vector<16xi32>, vector<16xi1> -> vector<16xi32>
        %reduce_sum3A_1289 = vector.extract %reduce_sum3A_1288[15] : i32 from vector<16xi32>
        %broadcast_in_dim3A_1290 = vector.broadcast %reduce_sum3A_1289 : i32 to vector<16xi32>
        %le3A_1291 = arith.cmpi sle, %broadcast_in_dim3A_1278, %add3A_1136 : vector<16xi32>
        %gt3A_1292 = arith.constant 0 : i32
        %gt3A_1293 = vector.broadcast %gt3A_1292 : i32 to vector<16xi32>
        %gt3A_1294 = arith.cmpi sgt, %broadcast_in_dim3A_1290, %gt3A_1293 : vector<16xi32>
        %and3A_1295 = arith.andi %le3A_1291, %gt3A_1294 : vector<16xi1>
        %jit3A_1296 = arith.constant 4 : i32
        %broadcast_in_dim3A_1297 = vector.broadcast %jit3A_1296 : i32 to vector<16xi32>
        %select_n3A_1298 = arith.select %and3A_1295, %broadcast_in_dim3A_1297, %select_n3A_1266 : vector<16xi1>, vector<16xi32>
        %iota3A_1299 = tpu.iota {dimensions = array<i32: 0>} : vector<16xi32>
        %eq3A_1300 = arith.constant 5 : i32
        %eq3A_1301 = vector.broadcast %eq3A_1300 : i32 to vector<16xi32>
        %eq3A_1302 = arith.cmpi eq, %iota3A_1299, %eq3A_1301 : vector<16xi32>
        %jit3A_1303 = arith.constant 0 : i32
        %broadcast_in_dim3A_1304 = vector.broadcast %jit3A_1303 : i32 to vector<16xi32>
        %select_n3A_1305 = arith.select %eq3A_1302, %shift_right_arithmetic3A_52, %broadcast_in_dim3A_1304 : vector<16xi1>, vector<16xi32>
        %reduce_sum3A_1306 = arith.constant true
        %reduce_sum3A_1307 = vector.broadcast %reduce_sum3A_1306 : i1 to vector<16xi1>
        %reduce_sum3A_1308 = tpu.scan <sum>, %select_n3A_1305 masked %reduce_sum3A_1307 : vector<16xi32>, vector<16xi1> -> vector<16xi32>
        %reduce_sum3A_1309 = vector.extract %reduce_sum3A_1308[15] : i32 from vector<16xi32>
        %broadcast_in_dim3A_1310 = vector.broadcast %reduce_sum3A_1309 : i32 to vector<16xi32>
        %iota3A_1311 = tpu.iota {dimensions = array<i32: 0>} : vector<16xi32>
        %eq3A_1312 = arith.constant 5 : i32
        %eq3A_1313 = vector.broadcast %eq3A_1312 : i32 to vector<16xi32>
        %eq3A_1314 = arith.cmpi eq, %iota3A_1311, %eq3A_1313 : vector<16xi32>
        %jit3A_1315 = arith.constant 0 : i32
        %broadcast_in_dim3A_1316 = vector.broadcast %jit3A_1315 : i32 to vector<16xi32>
        %select_n3A_1317 = arith.select %eq3A_1314, %shift_left3A_18, %broadcast_in_dim3A_1316 : vector<16xi1>, vector<16xi32>
        %reduce_sum3A_1318 = arith.constant true
        %reduce_sum3A_1319 = vector.broadcast %reduce_sum3A_1318 : i1 to vector<16xi1>
        %reduce_sum3A_1320 = tpu.scan <sum>, %select_n3A_1317 masked %reduce_sum3A_1319 : vector<16xi32>, vector<16xi1> -> vector<16xi32>
        %reduce_sum3A_1321 = vector.extract %reduce_sum3A_1320[15] : i32 from vector<16xi32>
        %broadcast_in_dim3A_1322 = vector.broadcast %reduce_sum3A_1321 : i32 to vector<16xi32>
        %le3A_1323 = arith.cmpi sle, %broadcast_in_dim3A_1310, %add3A_1136 : vector<16xi32>
        %gt3A_1324 = arith.constant 0 : i32
        %gt3A_1325 = vector.broadcast %gt3A_1324 : i32 to vector<16xi32>
        %gt3A_1326 = arith.cmpi sgt, %broadcast_in_dim3A_1322, %gt3A_1325 : vector<16xi32>
        %and3A_1327 = arith.andi %le3A_1323, %gt3A_1326 : vector<16xi1>
        %jit3A_1328 = arith.constant 5 : i32
        %broadcast_in_dim3A_1329 = vector.broadcast %jit3A_1328 : i32 to vector<16xi32>
        %select_n3A_1330 = arith.select %and3A_1327, %broadcast_in_dim3A_1329, %select_n3A_1298 : vector<16xi1>, vector<16xi32>
        %iota3A_1331 = tpu.iota {dimensions = array<i32: 0>} : vector<16xi32>
        %eq3A_1332 = arith.constant 6 : i32
        %eq3A_1333 = vector.broadcast %eq3A_1332 : i32 to vector<16xi32>
        %eq3A_1334 = arith.cmpi eq, %iota3A_1331, %eq3A_1333 : vector<16xi32>
        %jit3A_1335 = arith.constant 0 : i32
        %broadcast_in_dim3A_1336 = vector.broadcast %jit3A_1335 : i32 to vector<16xi32>
        %select_n3A_1337 = arith.select %eq3A_1334, %shift_right_arithmetic3A_52, %broadcast_in_dim3A_1336 : vector<16xi1>, vector<16xi32>
        %reduce_sum3A_1338 = arith.constant true
        %reduce_sum3A_1339 = vector.broadcast %reduce_sum3A_1338 : i1 to vector<16xi1>
        %reduce_sum3A_1340 = tpu.scan <sum>, %select_n3A_1337 masked %reduce_sum3A_1339 : vector<16xi32>, vector<16xi1> -> vector<16xi32>
        %reduce_sum3A_1341 = vector.extract %reduce_sum3A_1340[15] : i32 from vector<16xi32>
        %broadcast_in_dim3A_1342 = vector.broadcast %reduce_sum3A_1341 : i32 to vector<16xi32>
        %iota3A_1343 = tpu.iota {dimensions = array<i32: 0>} : vector<16xi32>
        %eq3A_1344 = arith.constant 6 : i32
        %eq3A_1345 = vector.broadcast %eq3A_1344 : i32 to vector<16xi32>
        %eq3A_1346 = arith.cmpi eq, %iota3A_1343, %eq3A_1345 : vector<16xi32>
        %jit3A_1347 = arith.constant 0 : i32
        %broadcast_in_dim3A_1348 = vector.broadcast %jit3A_1347 : i32 to vector<16xi32>
        %select_n3A_1349 = arith.select %eq3A_1346, %shift_left3A_18, %broadcast_in_dim3A_1348 : vector<16xi1>, vector<16xi32>
        %reduce_sum3A_1350 = arith.constant true
        %reduce_sum3A_1351 = vector.broadcast %reduce_sum3A_1350 : i1 to vector<16xi1>
        %reduce_sum3A_1352 = tpu.scan <sum>, %select_n3A_1349 masked %reduce_sum3A_1351 : vector<16xi32>, vector<16xi1> -> vector<16xi32>
        %reduce_sum3A_1353 = vector.extract %reduce_sum3A_1352[15] : i32 from vector<16xi32>
        %broadcast_in_dim3A_1354 = vector.broadcast %reduce_sum3A_1353 : i32 to vector<16xi32>
        %le3A_1355 = arith.cmpi sle, %broadcast_in_dim3A_1342, %add3A_1136 : vector<16xi32>
        %gt3A_1356 = arith.constant 0 : i32
        %gt3A_1357 = vector.broadcast %gt3A_1356 : i32 to vector<16xi32>
        %gt3A_1358 = arith.cmpi sgt, %broadcast_in_dim3A_1354, %gt3A_1357 : vector<16xi32>
        %and3A_1359 = arith.andi %le3A_1355, %gt3A_1358 : vector<16xi1>
        %jit3A_1360 = arith.constant 6 : i32
        %broadcast_in_dim3A_1361 = vector.broadcast %jit3A_1360 : i32 to vector<16xi32>
        %select_n3A_1362 = arith.select %and3A_1359, %broadcast_in_dim3A_1361, %select_n3A_1330 : vector<16xi1>, vector<16xi32>
        %iota3A_1363 = tpu.iota {dimensions = array<i32: 0>} : vector<16xi32>
        %eq3A_1364 = arith.constant 7 : i32
        %eq3A_1365 = vector.broadcast %eq3A_1364 : i32 to vector<16xi32>
        %eq3A_1366 = arith.cmpi eq, %iota3A_1363, %eq3A_1365 : vector<16xi32>
        %jit3A_1367 = arith.constant 0 : i32
        %broadcast_in_dim3A_1368 = vector.broadcast %jit3A_1367 : i32 to vector<16xi32>
        %select_n3A_1369 = arith.select %eq3A_1366, %shift_right_arithmetic3A_52, %broadcast_in_dim3A_1368 : vector<16xi1>, vector<16xi32>
        %reduce_sum3A_1370 = arith.constant true
        %reduce_sum3A_1371 = vector.broadcast %reduce_sum3A_1370 : i1 to vector<16xi1>
        %reduce_sum3A_1372 = tpu.scan <sum>, %select_n3A_1369 masked %reduce_sum3A_1371 : vector<16xi32>, vector<16xi1> -> vector<16xi32>
        %reduce_sum3A_1373 = vector.extract %reduce_sum3A_1372[15] : i32 from vector<16xi32>
        %broadcast_in_dim3A_1374 = vector.broadcast %reduce_sum3A_1373 : i32 to vector<16xi32>
        %iota3A_1375 = tpu.iota {dimensions = array<i32: 0>} : vector<16xi32>
        %eq3A_1376 = arith.constant 7 : i32
        %eq3A_1377 = vector.broadcast %eq3A_1376 : i32 to vector<16xi32>
        %eq3A_1378 = arith.cmpi eq, %iota3A_1375, %eq3A_1377 : vector<16xi32>
        %jit3A_1379 = arith.constant 0 : i32
        %broadcast_in_dim3A_1380 = vector.broadcast %jit3A_1379 : i32 to vector<16xi32>
        %select_n3A_1381 = arith.select %eq3A_1378, %shift_left3A_18, %broadcast_in_dim3A_1380 : vector<16xi1>, vector<16xi32>
        %reduce_sum3A_1382 = arith.constant true
        %reduce_sum3A_1383 = vector.broadcast %reduce_sum3A_1382 : i1 to vector<16xi1>
        %reduce_sum3A_1384 = tpu.scan <sum>, %select_n3A_1381 masked %reduce_sum3A_1383 : vector<16xi32>, vector<16xi1> -> vector<16xi32>
        %reduce_sum3A_1385 = vector.extract %reduce_sum3A_1384[15] : i32 from vector<16xi32>
        %broadcast_in_dim3A_1386 = vector.broadcast %reduce_sum3A_1385 : i32 to vector<16xi32>
        %le3A_1387 = arith.cmpi sle, %broadcast_in_dim3A_1374, %add3A_1136 : vector<16xi32>
        %gt3A_1388 = arith.constant 0 : i32
        %gt3A_1389 = vector.broadcast %gt3A_1388 : i32 to vector<16xi32>
        %gt3A_1390 = arith.cmpi sgt, %broadcast_in_dim3A_1386, %gt3A_1389 : vector<16xi32>
        %and3A_1391 = arith.andi %le3A_1387, %gt3A_1390 : vector<16xi1>
        %jit3A_1392 = arith.constant 7 : i32
        %broadcast_in_dim3A_1393 = vector.broadcast %jit3A_1392 : i32 to vector<16xi32>
        %select_n3A_1394 = arith.select %and3A_1391, %broadcast_in_dim3A_1393, %select_n3A_1362 : vector<16xi1>, vector<16xi32>
        %iota3A_1395 = tpu.iota {dimensions = array<i32: 0>} : vector<16xi32>
        %eq3A_1396 = arith.constant 8 : i32
        %eq3A_1397 = vector.broadcast %eq3A_1396 : i32 to vector<16xi32>
        %eq3A_1398 = arith.cmpi eq, %iota3A_1395, %eq3A_1397 : vector<16xi32>
        %jit3A_1399 = arith.constant 0 : i32
        %broadcast_in_dim3A_1400 = vector.broadcast %jit3A_1399 : i32 to vector<16xi32>
        %select_n3A_1401 = arith.select %eq3A_1398, %shift_right_arithmetic3A_52, %broadcast_in_dim3A_1400 : vector<16xi1>, vector<16xi32>
        %reduce_sum3A_1402 = arith.constant true
        %reduce_sum3A_1403 = vector.broadcast %reduce_sum3A_1402 : i1 to vector<16xi1>
        %reduce_sum3A_1404 = tpu.scan <sum>, %select_n3A_1401 masked %reduce_sum3A_1403 : vector<16xi32>, vector<16xi1> -> vector<16xi32>
        %reduce_sum3A_1405 = vector.extract %reduce_sum3A_1404[15] : i32 from vector<16xi32>
        %broadcast_in_dim3A_1406 = vector.broadcast %reduce_sum3A_1405 : i32 to vector<16xi32>
        %iota3A_1407 = tpu.iota {dimensions = array<i32: 0>} : vector<16xi32>
        %eq3A_1408 = arith.constant 8 : i32
        %eq3A_1409 = vector.broadcast %eq3A_1408 : i32 to vector<16xi32>
        %eq3A_1410 = arith.cmpi eq, %iota3A_1407, %eq3A_1409 : vector<16xi32>
        %jit3A_1411 = arith.constant 0 : i32
        %broadcast_in_dim3A_1412 = vector.broadcast %jit3A_1411 : i32 to vector<16xi32>
        %select_n3A_1413 = arith.select %eq3A_1410, %shift_left3A_18, %broadcast_in_dim3A_1412 : vector<16xi1>, vector<16xi32>
        %reduce_sum3A_1414 = arith.constant true
        %reduce_sum3A_1415 = vector.broadcast %reduce_sum3A_1414 : i1 to vector<16xi1>
        %reduce_sum3A_1416 = tpu.scan <sum>, %select_n3A_1413 masked %reduce_sum3A_1415 : vector<16xi32>, vector<16xi1> -> vector<16xi32>
        %reduce_sum3A_1417 = vector.extract %reduce_sum3A_1416[15] : i32 from vector<16xi32>
        %broadcast_in_dim3A_1418 = vector.broadcast %reduce_sum3A_1417 : i32 to vector<16xi32>
        %le3A_1419 = arith.cmpi sle, %broadcast_in_dim3A_1406, %add3A_1136 : vector<16xi32>
        %gt3A_1420 = arith.constant 0 : i32
        %gt3A_1421 = vector.broadcast %gt3A_1420 : i32 to vector<16xi32>
        %gt3A_1422 = arith.cmpi sgt, %broadcast_in_dim3A_1418, %gt3A_1421 : vector<16xi32>
        %and3A_1423 = arith.andi %le3A_1419, %gt3A_1422 : vector<16xi1>
        %jit3A_1424 = arith.constant 8 : i32
        %broadcast_in_dim3A_1425 = vector.broadcast %jit3A_1424 : i32 to vector<16xi32>
        %select_n3A_1426 = arith.select %and3A_1423, %broadcast_in_dim3A_1425, %select_n3A_1394 : vector<16xi1>, vector<16xi32>
        %iota3A_1427 = tpu.iota {dimensions = array<i32: 0>} : vector<16xi32>
        %eq3A_1428 = arith.constant 9 : i32
        %eq3A_1429 = vector.broadcast %eq3A_1428 : i32 to vector<16xi32>
        %eq3A_1430 = arith.cmpi eq, %iota3A_1427, %eq3A_1429 : vector<16xi32>
        %jit3A_1431 = arith.constant 0 : i32
        %broadcast_in_dim3A_1432 = vector.broadcast %jit3A_1431 : i32 to vector<16xi32>
        %select_n3A_1433 = arith.select %eq3A_1430, %shift_right_arithmetic3A_52, %broadcast_in_dim3A_1432 : vector<16xi1>, vector<16xi32>
        %reduce_sum3A_1434 = arith.constant true
        %reduce_sum3A_1435 = vector.broadcast %reduce_sum3A_1434 : i1 to vector<16xi1>
        %reduce_sum3A_1436 = tpu.scan <sum>, %select_n3A_1433 masked %reduce_sum3A_1435 : vector<16xi32>, vector<16xi1> -> vector<16xi32>
        %reduce_sum3A_1437 = vector.extract %reduce_sum3A_1436[15] : i32 from vector<16xi32>
        %broadcast_in_dim3A_1438 = vector.broadcast %reduce_sum3A_1437 : i32 to vector<16xi32>
        %iota3A_1439 = tpu.iota {dimensions = array<i32: 0>} : vector<16xi32>
        %eq3A_1440 = arith.constant 9 : i32
        %eq3A_1441 = vector.broadcast %eq3A_1440 : i32 to vector<16xi32>
        %eq3A_1442 = arith.cmpi eq, %iota3A_1439, %eq3A_1441 : vector<16xi32>
        %jit3A_1443 = arith.constant 0 : i32
        %broadcast_in_dim3A_1444 = vector.broadcast %jit3A_1443 : i32 to vector<16xi32>
        %select_n3A_1445 = arith.select %eq3A_1442, %shift_left3A_18, %broadcast_in_dim3A_1444 : vector<16xi1>, vector<16xi32>
        %reduce_sum3A_1446 = arith.constant true
        %reduce_sum3A_1447 = vector.broadcast %reduce_sum3A_1446 : i1 to vector<16xi1>
        %reduce_sum3A_1448 = tpu.scan <sum>, %select_n3A_1445 masked %reduce_sum3A_1447 : vector<16xi32>, vector<16xi1> -> vector<16xi32>
        %reduce_sum3A_1449 = vector.extract %reduce_sum3A_1448[15] : i32 from vector<16xi32>
        %broadcast_in_dim3A_1450 = vector.broadcast %reduce_sum3A_1449 : i32 to vector<16xi32>
        %le3A_1451 = arith.cmpi sle, %broadcast_in_dim3A_1438, %add3A_1136 : vector<16xi32>
        %gt3A_1452 = arith.constant 0 : i32
        %gt3A_1453 = vector.broadcast %gt3A_1452 : i32 to vector<16xi32>
        %gt3A_1454 = arith.cmpi sgt, %broadcast_in_dim3A_1450, %gt3A_1453 : vector<16xi32>
        %and3A_1455 = arith.andi %le3A_1451, %gt3A_1454 : vector<16xi1>
        %jit3A_1456 = arith.constant 9 : i32
        %broadcast_in_dim3A_1457 = vector.broadcast %jit3A_1456 : i32 to vector<16xi32>
        %select_n3A_1458 = arith.select %and3A_1455, %broadcast_in_dim3A_1457, %select_n3A_1426 : vector<16xi1>, vector<16xi32>
        %iota3A_1459 = tpu.iota {dimensions = array<i32: 0>} : vector<16xi32>
        %eq3A_1460 = arith.constant 10 : i32
        %eq3A_1461 = vector.broadcast %eq3A_1460 : i32 to vector<16xi32>
        %eq3A_1462 = arith.cmpi eq, %iota3A_1459, %eq3A_1461 : vector<16xi32>
        %jit3A_1463 = arith.constant 0 : i32
        %broadcast_in_dim3A_1464 = vector.broadcast %jit3A_1463 : i32 to vector<16xi32>
        %select_n3A_1465 = arith.select %eq3A_1462, %shift_right_arithmetic3A_52, %broadcast_in_dim3A_1464 : vector<16xi1>, vector<16xi32>
        %reduce_sum3A_1466 = arith.constant true
        %reduce_sum3A_1467 = vector.broadcast %reduce_sum3A_1466 : i1 to vector<16xi1>
        %reduce_sum3A_1468 = tpu.scan <sum>, %select_n3A_1465 masked %reduce_sum3A_1467 : vector<16xi32>, vector<16xi1> -> vector<16xi32>
        %reduce_sum3A_1469 = vector.extract %reduce_sum3A_1468[15] : i32 from vector<16xi32>
        %broadcast_in_dim3A_1470 = vector.broadcast %reduce_sum3A_1469 : i32 to vector<16xi32>
        %iota3A_1471 = tpu.iota {dimensions = array<i32: 0>} : vector<16xi32>
        %eq3A_1472 = arith.constant 10 : i32
        %eq3A_1473 = vector.broadcast %eq3A_1472 : i32 to vector<16xi32>
        %eq3A_1474 = arith.cmpi eq, %iota3A_1471, %eq3A_1473 : vector<16xi32>
        %jit3A_1475 = arith.constant 0 : i32
        %broadcast_in_dim3A_1476 = vector.broadcast %jit3A_1475 : i32 to vector<16xi32>
        %select_n3A_1477 = arith.select %eq3A_1474, %shift_left3A_18, %broadcast_in_dim3A_1476 : vector<16xi1>, vector<16xi32>
        %reduce_sum3A_1478 = arith.constant true
        %reduce_sum3A_1479 = vector.broadcast %reduce_sum3A_1478 : i1 to vector<16xi1>
        %reduce_sum3A_1480 = tpu.scan <sum>, %select_n3A_1477 masked %reduce_sum3A_1479 : vector<16xi32>, vector<16xi1> -> vector<16xi32>
        %reduce_sum3A_1481 = vector.extract %reduce_sum3A_1480[15] : i32 from vector<16xi32>
        %broadcast_in_dim3A_1482 = vector.broadcast %reduce_sum3A_1481 : i32 to vector<16xi32>
        %le3A_1483 = arith.cmpi sle, %broadcast_in_dim3A_1470, %add3A_1136 : vector<16xi32>
        %gt3A_1484 = arith.constant 0 : i32
        %gt3A_1485 = vector.broadcast %gt3A_1484 : i32 to vector<16xi32>
        %gt3A_1486 = arith.cmpi sgt, %broadcast_in_dim3A_1482, %gt3A_1485 : vector<16xi32>
        %and3A_1487 = arith.andi %le3A_1483, %gt3A_1486 : vector<16xi1>
        %jit3A_1488 = arith.constant 10 : i32
        %broadcast_in_dim3A_1489 = vector.broadcast %jit3A_1488 : i32 to vector<16xi32>
        %select_n3A_1490 = arith.select %and3A_1487, %broadcast_in_dim3A_1489, %select_n3A_1458 : vector<16xi1>, vector<16xi32>
        %iota3A_1491 = tpu.iota {dimensions = array<i32: 0>} : vector<16xi32>
        %eq3A_1492 = arith.constant 11 : i32
        %eq3A_1493 = vector.broadcast %eq3A_1492 : i32 to vector<16xi32>
        %eq3A_1494 = arith.cmpi eq, %iota3A_1491, %eq3A_1493 : vector<16xi32>
        %jit3A_1495 = arith.constant 0 : i32
        %broadcast_in_dim3A_1496 = vector.broadcast %jit3A_1495 : i32 to vector<16xi32>
        %select_n3A_1497 = arith.select %eq3A_1494, %shift_right_arithmetic3A_52, %broadcast_in_dim3A_1496 : vector<16xi1>, vector<16xi32>
        %reduce_sum3A_1498 = arith.constant true
        %reduce_sum3A_1499 = vector.broadcast %reduce_sum3A_1498 : i1 to vector<16xi1>
        %reduce_sum3A_1500 = tpu.scan <sum>, %select_n3A_1497 masked %reduce_sum3A_1499 : vector<16xi32>, vector<16xi1> -> vector<16xi32>
        %reduce_sum3A_1501 = vector.extract %reduce_sum3A_1500[15] : i32 from vector<16xi32>
        %broadcast_in_dim3A_1502 = vector.broadcast %reduce_sum3A_1501 : i32 to vector<16xi32>
        %iota3A_1503 = tpu.iota {dimensions = array<i32: 0>} : vector<16xi32>
        %eq3A_1504 = arith.constant 11 : i32
        %eq3A_1505 = vector.broadcast %eq3A_1504 : i32 to vector<16xi32>
        %eq3A_1506 = arith.cmpi eq, %iota3A_1503, %eq3A_1505 : vector<16xi32>
        %jit3A_1507 = arith.constant 0 : i32
        %broadcast_in_dim3A_1508 = vector.broadcast %jit3A_1507 : i32 to vector<16xi32>
        %select_n3A_1509 = arith.select %eq3A_1506, %shift_left3A_18, %broadcast_in_dim3A_1508 : vector<16xi1>, vector<16xi32>
        %reduce_sum3A_1510 = arith.constant true
        %reduce_sum3A_1511 = vector.broadcast %reduce_sum3A_1510 : i1 to vector<16xi1>
        %reduce_sum3A_1512 = tpu.scan <sum>, %select_n3A_1509 masked %reduce_sum3A_1511 : vector<16xi32>, vector<16xi1> -> vector<16xi32>
        %reduce_sum3A_1513 = vector.extract %reduce_sum3A_1512[15] : i32 from vector<16xi32>
        %broadcast_in_dim3A_1514 = vector.broadcast %reduce_sum3A_1513 : i32 to vector<16xi32>
        %le3A_1515 = arith.cmpi sle, %broadcast_in_dim3A_1502, %add3A_1136 : vector<16xi32>
        %gt3A_1516 = arith.constant 0 : i32
        %gt3A_1517 = vector.broadcast %gt3A_1516 : i32 to vector<16xi32>
        %gt3A_1518 = arith.cmpi sgt, %broadcast_in_dim3A_1514, %gt3A_1517 : vector<16xi32>
        %and3A_1519 = arith.andi %le3A_1515, %gt3A_1518 : vector<16xi1>
        %jit3A_1520 = arith.constant 11 : i32
        %broadcast_in_dim3A_1521 = vector.broadcast %jit3A_1520 : i32 to vector<16xi32>
        %select_n3A_1522 = arith.select %and3A_1519, %broadcast_in_dim3A_1521, %select_n3A_1490 : vector<16xi1>, vector<16xi32>
        %iota3A_1523 = tpu.iota {dimensions = array<i32: 0>} : vector<16xi32>
        %eq3A_1524 = arith.constant 12 : i32
        %eq3A_1525 = vector.broadcast %eq3A_1524 : i32 to vector<16xi32>
        %eq3A_1526 = arith.cmpi eq, %iota3A_1523, %eq3A_1525 : vector<16xi32>
        %jit3A_1527 = arith.constant 0 : i32
        %broadcast_in_dim3A_1528 = vector.broadcast %jit3A_1527 : i32 to vector<16xi32>
        %select_n3A_1529 = arith.select %eq3A_1526, %shift_right_arithmetic3A_52, %broadcast_in_dim3A_1528 : vector<16xi1>, vector<16xi32>
        %reduce_sum3A_1530 = arith.constant true
        %reduce_sum3A_1531 = vector.broadcast %reduce_sum3A_1530 : i1 to vector<16xi1>
        %reduce_sum3A_1532 = tpu.scan <sum>, %select_n3A_1529 masked %reduce_sum3A_1531 : vector<16xi32>, vector<16xi1> -> vector<16xi32>
        %reduce_sum3A_1533 = vector.extract %reduce_sum3A_1532[15] : i32 from vector<16xi32>
        %broadcast_in_dim3A_1534 = vector.broadcast %reduce_sum3A_1533 : i32 to vector<16xi32>
        %iota3A_1535 = tpu.iota {dimensions = array<i32: 0>} : vector<16xi32>
        %eq3A_1536 = arith.constant 12 : i32
        %eq3A_1537 = vector.broadcast %eq3A_1536 : i32 to vector<16xi32>
        %eq3A_1538 = arith.cmpi eq, %iota3A_1535, %eq3A_1537 : vector<16xi32>
        %jit3A_1539 = arith.constant 0 : i32
        %broadcast_in_dim3A_1540 = vector.broadcast %jit3A_1539 : i32 to vector<16xi32>
        %select_n3A_1541 = arith.select %eq3A_1538, %shift_left3A_18, %broadcast_in_dim3A_1540 : vector<16xi1>, vector<16xi32>
        %reduce_sum3A_1542 = arith.constant true
        %reduce_sum3A_1543 = vector.broadcast %reduce_sum3A_1542 : i1 to vector<16xi1>
        %reduce_sum3A_1544 = tpu.scan <sum>, %select_n3A_1541 masked %reduce_sum3A_1543 : vector<16xi32>, vector<16xi1> -> vector<16xi32>
        %reduce_sum3A_1545 = vector.extract %reduce_sum3A_1544[15] : i32 from vector<16xi32>
        %broadcast_in_dim3A_1546 = vector.broadcast %reduce_sum3A_1545 : i32 to vector<16xi32>
        %le3A_1547 = arith.cmpi sle, %broadcast_in_dim3A_1534, %add3A_1136 : vector<16xi32>
        %gt3A_1548 = arith.constant 0 : i32
        %gt3A_1549 = vector.broadcast %gt3A_1548 : i32 to vector<16xi32>
        %gt3A_1550 = arith.cmpi sgt, %broadcast_in_dim3A_1546, %gt3A_1549 : vector<16xi32>
        %and3A_1551 = arith.andi %le3A_1547, %gt3A_1550 : vector<16xi1>
        %jit3A_1552 = arith.constant 12 : i32
        %broadcast_in_dim3A_1553 = vector.broadcast %jit3A_1552 : i32 to vector<16xi32>
        %select_n3A_1554 = arith.select %and3A_1551, %broadcast_in_dim3A_1553, %select_n3A_1522 : vector<16xi1>, vector<16xi32>
        %iota3A_1555 = tpu.iota {dimensions = array<i32: 0>} : vector<16xi32>
        %eq3A_1556 = arith.constant 13 : i32
        %eq3A_1557 = vector.broadcast %eq3A_1556 : i32 to vector<16xi32>
        %eq3A_1558 = arith.cmpi eq, %iota3A_1555, %eq3A_1557 : vector<16xi32>
        %jit3A_1559 = arith.constant 0 : i32
        %broadcast_in_dim3A_1560 = vector.broadcast %jit3A_1559 : i32 to vector<16xi32>
        %select_n3A_1561 = arith.select %eq3A_1558, %shift_right_arithmetic3A_52, %broadcast_in_dim3A_1560 : vector<16xi1>, vector<16xi32>
        %reduce_sum3A_1562 = arith.constant true
        %reduce_sum3A_1563 = vector.broadcast %reduce_sum3A_1562 : i1 to vector<16xi1>
        %reduce_sum3A_1564 = tpu.scan <sum>, %select_n3A_1561 masked %reduce_sum3A_1563 : vector<16xi32>, vector<16xi1> -> vector<16xi32>
        %reduce_sum3A_1565 = vector.extract %reduce_sum3A_1564[15] : i32 from vector<16xi32>
        %broadcast_in_dim3A_1566 = vector.broadcast %reduce_sum3A_1565 : i32 to vector<16xi32>
        %iota3A_1567 = tpu.iota {dimensions = array<i32: 0>} : vector<16xi32>
        %eq3A_1568 = arith.constant 13 : i32
        %eq3A_1569 = vector.broadcast %eq3A_1568 : i32 to vector<16xi32>
        %eq3A_1570 = arith.cmpi eq, %iota3A_1567, %eq3A_1569 : vector<16xi32>
        %jit3A_1571 = arith.constant 0 : i32
        %broadcast_in_dim3A_1572 = vector.broadcast %jit3A_1571 : i32 to vector<16xi32>
        %select_n3A_1573 = arith.select %eq3A_1570, %shift_left3A_18, %broadcast_in_dim3A_1572 : vector<16xi1>, vector<16xi32>
        %reduce_sum3A_1574 = arith.constant true
        %reduce_sum3A_1575 = vector.broadcast %reduce_sum3A_1574 : i1 to vector<16xi1>
        %reduce_sum3A_1576 = tpu.scan <sum>, %select_n3A_1573 masked %reduce_sum3A_1575 : vector<16xi32>, vector<16xi1> -> vector<16xi32>
        %reduce_sum3A_1577 = vector.extract %reduce_sum3A_1576[15] : i32 from vector<16xi32>
        %broadcast_in_dim3A_1578 = vector.broadcast %reduce_sum3A_1577 : i32 to vector<16xi32>
        %le3A_1579 = arith.cmpi sle, %broadcast_in_dim3A_1566, %add3A_1136 : vector<16xi32>
        %gt3A_1580 = arith.constant 0 : i32
        %gt3A_1581 = vector.broadcast %gt3A_1580 : i32 to vector<16xi32>
        %gt3A_1582 = arith.cmpi sgt, %broadcast_in_dim3A_1578, %gt3A_1581 : vector<16xi32>
        %and3A_1583 = arith.andi %le3A_1579, %gt3A_1582 : vector<16xi1>
        %jit3A_1584 = arith.constant 13 : i32
        %broadcast_in_dim3A_1585 = vector.broadcast %jit3A_1584 : i32 to vector<16xi32>
        %select_n3A_1586 = arith.select %and3A_1583, %broadcast_in_dim3A_1585, %select_n3A_1554 : vector<16xi1>, vector<16xi32>
        %iota3A_1587 = tpu.iota {dimensions = array<i32: 0>} : vector<16xi32>
        %eq3A_1588 = arith.constant 14 : i32
        %eq3A_1589 = vector.broadcast %eq3A_1588 : i32 to vector<16xi32>
        %eq3A_1590 = arith.cmpi eq, %iota3A_1587, %eq3A_1589 : vector<16xi32>
        %jit3A_1591 = arith.constant 0 : i32
        %broadcast_in_dim3A_1592 = vector.broadcast %jit3A_1591 : i32 to vector<16xi32>
        %select_n3A_1593 = arith.select %eq3A_1590, %shift_right_arithmetic3A_52, %broadcast_in_dim3A_1592 : vector<16xi1>, vector<16xi32>
        %reduce_sum3A_1594 = arith.constant true
        %reduce_sum3A_1595 = vector.broadcast %reduce_sum3A_1594 : i1 to vector<16xi1>
        %reduce_sum3A_1596 = tpu.scan <sum>, %select_n3A_1593 masked %reduce_sum3A_1595 : vector<16xi32>, vector<16xi1> -> vector<16xi32>
        %reduce_sum3A_1597 = vector.extract %reduce_sum3A_1596[15] : i32 from vector<16xi32>
        %broadcast_in_dim3A_1598 = vector.broadcast %reduce_sum3A_1597 : i32 to vector<16xi32>
        %iota3A_1599 = tpu.iota {dimensions = array<i32: 0>} : vector<16xi32>
        %eq3A_1600 = arith.constant 14 : i32
        %eq3A_1601 = vector.broadcast %eq3A_1600 : i32 to vector<16xi32>
        %eq3A_1602 = arith.cmpi eq, %iota3A_1599, %eq3A_1601 : vector<16xi32>
        %jit3A_1603 = arith.constant 0 : i32
        %broadcast_in_dim3A_1604 = vector.broadcast %jit3A_1603 : i32 to vector<16xi32>
        %select_n3A_1605 = arith.select %eq3A_1602, %shift_left3A_18, %broadcast_in_dim3A_1604 : vector<16xi1>, vector<16xi32>
        %reduce_sum3A_1606 = arith.constant true
        %reduce_sum3A_1607 = vector.broadcast %reduce_sum3A_1606 : i1 to vector<16xi1>
        %reduce_sum3A_1608 = tpu.scan <sum>, %select_n3A_1605 masked %reduce_sum3A_1607 : vector<16xi32>, vector<16xi1> -> vector<16xi32>
        %reduce_sum3A_1609 = vector.extract %reduce_sum3A_1608[15] : i32 from vector<16xi32>
        %broadcast_in_dim3A_1610 = vector.broadcast %reduce_sum3A_1609 : i32 to vector<16xi32>
        %le3A_1611 = arith.cmpi sle, %broadcast_in_dim3A_1598, %add3A_1136 : vector<16xi32>
        %gt3A_1612 = arith.constant 0 : i32
        %gt3A_1613 = vector.broadcast %gt3A_1612 : i32 to vector<16xi32>
        %gt3A_1614 = arith.cmpi sgt, %broadcast_in_dim3A_1610, %gt3A_1613 : vector<16xi32>
        %and3A_1615 = arith.andi %le3A_1611, %gt3A_1614 : vector<16xi1>
        %jit3A_1616 = arith.constant 14 : i32
        %broadcast_in_dim3A_1617 = vector.broadcast %jit3A_1616 : i32 to vector<16xi32>
        %select_n3A_1618 = arith.select %and3A_1615, %broadcast_in_dim3A_1617, %select_n3A_1586 : vector<16xi1>, vector<16xi32>
        %iota3A_1619 = tpu.iota {dimensions = array<i32: 0>} : vector<16xi32>
        %eq3A_1620 = arith.constant 15 : i32
        %eq3A_1621 = vector.broadcast %eq3A_1620 : i32 to vector<16xi32>
        %eq3A_1622 = arith.cmpi eq, %iota3A_1619, %eq3A_1621 : vector<16xi32>
        %jit3A_1623 = arith.constant 0 : i32
        %broadcast_in_dim3A_1624 = vector.broadcast %jit3A_1623 : i32 to vector<16xi32>
        %select_n3A_1625 = arith.select %eq3A_1622, %shift_right_arithmetic3A_52, %broadcast_in_dim3A_1624 : vector<16xi1>, vector<16xi32>
        %reduce_sum3A_1626 = arith.constant true
        %reduce_sum3A_1627 = vector.broadcast %reduce_sum3A_1626 : i1 to vector<16xi1>
        %reduce_sum3A_1628 = tpu.scan <sum>, %select_n3A_1625 masked %reduce_sum3A_1627 : vector<16xi32>, vector<16xi1> -> vector<16xi32>
        %reduce_sum3A_1629 = vector.extract %reduce_sum3A_1628[15] : i32 from vector<16xi32>
        %broadcast_in_dim3A_1630 = vector.broadcast %reduce_sum3A_1629 : i32 to vector<16xi32>
        %iota3A_1631 = tpu.iota {dimensions = array<i32: 0>} : vector<16xi32>
        %eq3A_1632 = arith.constant 15 : i32
        %eq3A_1633 = vector.broadcast %eq3A_1632 : i32 to vector<16xi32>
        %eq3A_1634 = arith.cmpi eq, %iota3A_1631, %eq3A_1633 : vector<16xi32>
        %jit3A_1635 = arith.constant 0 : i32
        %broadcast_in_dim3A_1636 = vector.broadcast %jit3A_1635 : i32 to vector<16xi32>
        %select_n3A_1637 = arith.select %eq3A_1634, %shift_left3A_18, %broadcast_in_dim3A_1636 : vector<16xi1>, vector<16xi32>
        %reduce_sum3A_1638 = arith.constant true
        %reduce_sum3A_1639 = vector.broadcast %reduce_sum3A_1638 : i1 to vector<16xi1>
        %reduce_sum3A_1640 = tpu.scan <sum>, %select_n3A_1637 masked %reduce_sum3A_1639 : vector<16xi32>, vector<16xi1> -> vector<16xi32>
        %reduce_sum3A_1641 = vector.extract %reduce_sum3A_1640[15] : i32 from vector<16xi32>
        %broadcast_in_dim3A_1642 = vector.broadcast %reduce_sum3A_1641 : i32 to vector<16xi32>
        %le3A_1643 = arith.cmpi sle, %broadcast_in_dim3A_1630, %add3A_1136 : vector<16xi32>
        %gt3A_1644 = arith.constant 0 : i32
        %gt3A_1645 = vector.broadcast %gt3A_1644 : i32 to vector<16xi32>
        %gt3A_1646 = arith.cmpi sgt, %broadcast_in_dim3A_1642, %gt3A_1645 : vector<16xi32>
        %and3A_1647 = arith.andi %le3A_1643, %gt3A_1646 : vector<16xi1>
        %jit3A_1648 = arith.constant 15 : i32
        %broadcast_in_dim3A_1649 = vector.broadcast %jit3A_1648 : i32 to vector<16xi32>
        %select_n3A_1650 = arith.select %and3A_1647, %broadcast_in_dim3A_1649, %select_n3A_1618 : vector<16xi1>, vector<16xi32>
        %swap3A_1651 = arith.constant 32 : index
        %swap3A_1652 = tpu.vector_load %arg22[%swap3A_1651] {strides = array<i32>} : memref<48xi32, #tpu.memory_space<vmem>>, vector<16xi32>,
        tpu.vector_store %arg22[%swap3A_1651], %select_n3A_1650 {strides = array<i32>} : memref<48xi32, #tpu.memory_space<vmem>>, vector<16xi32>,
        %gather3A_1653 = tpu.vector_load_idx %arg25[%select_n3A_1650] : memref<16xi32, #tpu.memory_space<vmem>>[vector<16xi32>], vector<16xi32>,
        %swap3A_1654 = arith.constant 32 : index
        %swap3A_1655 = tpu.vector_load %arg23[%swap3A_1654] {strides = array<i32>} : memref<48xi32, #tpu.memory_space<vmem>>, vector<16xi32>,
        tpu.vector_store %arg23[%swap3A_1654], %gather3A_1653 {strides = array<i32>} : memref<48xi32, #tpu.memory_space<vmem>>, vector<16xi32>,
        "tpu.region"() ({
          %run_scoped3A = tpu.sem_alloc : memref<!tpu.dma_semaphore, #tpu.memory_space<semaphore_mem>>
          tpu.enqueue_dma source(%arg22 : memref<48xi32, #tpu.memory_space<vmem>>) target(%arg6 : memref<48xi32, #tpu.memory_space<hbm>>) target_semaphore(%run_scoped3A : memref<!tpu.dma_semaphore, #tpu.memory_space<semaphore_mem>>)
          tpu.wait_dma2 semaphore(%run_scoped3A : memref<!tpu.dma_semaphore, #tpu.memory_space<semaphore_mem>>) src(%arg22 : memref<48xi32, #tpu.memory_space<vmem>>) dst(%arg6 : memref<48xi32, #tpu.memory_space<hbm>>)
          tpu.yield
        }) : () -> ()
        "tpu.region"() ({
          %run_scoped3A = tpu.sem_alloc : memref<!tpu.dma_semaphore, #tpu.memory_space<semaphore_mem>>
          tpu.enqueue_dma source(%arg23 : memref<48xi32, #tpu.memory_space<vmem>>) target(%arg7 : memref<48xi32, #tpu.memory_space<hbm>>) target_semaphore(%run_scoped3A : memref<!tpu.dma_semaphore, #tpu.memory_space<semaphore_mem>>)
          tpu.wait_dma2 semaphore(%run_scoped3A : memref<!tpu.dma_semaphore, #tpu.memory_space<semaphore_mem>>) src(%arg23 : memref<48xi32, #tpu.memory_space<vmem>>) dst(%arg7 : memref<48xi32, #tpu.memory_space<hbm>>)
          tpu.yield
        }) : () -> ()
        "tpu.region"() ({
          %run_scoped3A = tpu.sem_alloc : memref<!tpu.dma_semaphore, #tpu.memory_space<semaphore_mem>>
          tpu.enqueue_dma source(%arg24 : memref<16xi32, #tpu.memory_space<vmem>>) target(%arg8 : memref<16xi32, #tpu.memory_space<hbm>>) target_semaphore(%run_scoped3A : memref<!tpu.dma_semaphore, #tpu.memory_space<semaphore_mem>>)
          tpu.wait_dma2 semaphore(%run_scoped3A : memref<!tpu.dma_semaphore, #tpu.memory_space<semaphore_mem>>) src(%arg24 : memref<16xi32, #tpu.memory_space<vmem>>) dst(%arg8 : memref<16xi32, #tpu.memory_space<hbm>>)
          tpu.yield
        }) : () -> ()
        "tpu.region"() ({
          %run_scoped3A = tpu.sem_alloc : memref<!tpu.dma_semaphore, #tpu.memory_space<semaphore_mem>>
          tpu.enqueue_dma source(%arg26 : memref<16xi32, #tpu.memory_space<vmem>>) target(%arg9 : memref<16xi32, #tpu.memory_space<hbm>>) target_semaphore(%run_scoped3A : memref<!tpu.dma_semaphore, #tpu.memory_space<semaphore_mem>>)
          tpu.wait_dma2 semaphore(%run_scoped3A : memref<!tpu.dma_semaphore, #tpu.memory_space<semaphore_mem>>) src(%arg26 : memref<16xi32, #tpu.memory_space<vmem>>) dst(%arg9 : memref<16xi32, #tpu.memory_space<hbm>>)
          tpu.yield
        }) : () -> ()
      } else {
      }
      "tpu.region"() ({
        %run_scoped3A = tpu.sem_alloc : memref<!tpu.dma_semaphore, #tpu.memory_space<semaphore_mem>>
        %dma_start3A = arith.constant 0 : i32
        %dma_start3A_50 = tpu.memref_slice %arg29[%arg1, %dma_start3A] : memref<16x6144xi32, #tpu.memory_space<vmem_shared>> -> memref<1x6144xi32, #tpu.memory_space<vmem_shared>>
        %dma_start3A_51 = tpu.memref_squeeze %dma_start3A_50 : memref<1x6144xi32, #tpu.memory_space<vmem_shared>> -> memref<6144xi32, #tpu.memory_space<vmem_shared>>
        %dma_start3A_52 = arith.constant 0 : i32
        %dma_start3A_53 = tpu.memref_slice %arg29[%arg1, %dma_start3A_52] : memref<16x6144xi32, #tpu.memory_space<vmem_shared>> -> memref<1x6144xi32, #tpu.memory_space<vmem_shared>>
        %dma_start3A_54 = tpu.memref_squeeze %dma_start3A_53 : memref<1x6144xi32, #tpu.memory_space<vmem_shared>> -> memref<6144xi32, #tpu.memory_space<vmem_shared>>
        tpu.enqueue_dma source(%arg18 : memref<6144xi32, #tpu.memory_space<vmem>>) target(%dma_start3A_54 : memref<6144xi32, #tpu.memory_space<vmem_shared>>) target_semaphore(%run_scoped3A : memref<!tpu.dma_semaphore, #tpu.memory_space<semaphore_mem>>)
        %dma_wait3A = arith.constant 0 : i32
        %dma_wait3A_55 = tpu.memref_slice %arg29[%arg1, %dma_wait3A] : memref<16x6144xi32, #tpu.memory_space<vmem_shared>> -> memref<1x6144xi32, #tpu.memory_space<vmem_shared>>
        %dma_wait3A_56 = tpu.memref_squeeze %dma_wait3A_55 : memref<1x6144xi32, #tpu.memory_space<vmem_shared>> -> memref<6144xi32, #tpu.memory_space<vmem_shared>>
        %dma_wait3A_57 = arith.constant 0 : i32
        %dma_wait3A_58 = tpu.memref_slice %arg29[%arg1, %dma_wait3A_57] : memref<16x6144xi32, #tpu.memory_space<vmem_shared>> -> memref<1x6144xi32, #tpu.memory_space<vmem_shared>>
        %dma_wait3A_59 = tpu.memref_squeeze %dma_wait3A_58 : memref<1x6144xi32, #tpu.memory_space<vmem_shared>> -> memref<6144xi32, #tpu.memory_space<vmem_shared>>
        tpu.wait_dma2 semaphore(%run_scoped3A : memref<!tpu.dma_semaphore, #tpu.memory_space<semaphore_mem>>) src(%arg18 : memref<6144xi32, #tpu.memory_space<vmem>>) dst(%dma_wait3A_59 : memref<6144xi32, #tpu.memory_space<vmem_shared>>)
        tpu.yield
      }) : () -> ()
      "tpu.region"() ({
        %run_scoped3A = tpu.sem_alloc : memref<!tpu.dma_semaphore, #tpu.memory_space<semaphore_mem>>
        %dma_start3A = arith.constant 0 : i32
        %dma_start3A_50 = tpu.memref_slice %arg30[%arg1, %dma_start3A] : memref<16x4096xi32, #tpu.memory_space<vmem_shared>> -> memref<1x4096xi32, #tpu.memory_space<vmem_shared>>
        %dma_start3A_51 = tpu.memref_squeeze %dma_start3A_50 : memref<1x4096xi32, #tpu.memory_space<vmem_shared>> -> memref<4096xi32, #tpu.memory_space<vmem_shared>>
        %dma_start3A_52 = arith.constant 0 : i32
        %dma_start3A_53 = tpu.memref_slice %arg30[%arg1, %dma_start3A_52] : memref<16x4096xi32, #tpu.memory_space<vmem_shared>> -> memref<1x4096xi32, #tpu.memory_space<vmem_shared>>
        %dma_start3A_54 = tpu.memref_squeeze %dma_start3A_53 : memref<1x4096xi32, #tpu.memory_space<vmem_shared>> -> memref<4096xi32, #tpu.memory_space<vmem_shared>>
        tpu.enqueue_dma source(%arg19 : memref<4096xi32, #tpu.memory_space<vmem>>) target(%dma_start3A_54 : memref<4096xi32, #tpu.memory_space<vmem_shared>>) target_semaphore(%run_scoped3A : memref<!tpu.dma_semaphore, #tpu.memory_space<semaphore_mem>>)
        %dma_wait3A = arith.constant 0 : i32
        %dma_wait3A_55 = tpu.memref_slice %arg30[%arg1, %dma_wait3A] : memref<16x4096xi32, #tpu.memory_space<vmem_shared>> -> memref<1x4096xi32, #tpu.memory_space<vmem_shared>>
        %dma_wait3A_56 = tpu.memref_squeeze %dma_wait3A_55 : memref<1x4096xi32, #tpu.memory_space<vmem_shared>> -> memref<4096xi32, #tpu.memory_space<vmem_shared>>
        %dma_wait3A_57 = arith.constant 0 : i32
        %dma_wait3A_58 = tpu.memref_slice %arg30[%arg1, %dma_wait3A_57] : memref<16x4096xi32, #tpu.memory_space<vmem_shared>> -> memref<1x4096xi32, #tpu.memory_space<vmem_shared>>
        %dma_wait3A_59 = tpu.memref_squeeze %dma_wait3A_58 : memref<1x4096xi32, #tpu.memory_space<vmem_shared>> -> memref<4096xi32, #tpu.memory_space<vmem_shared>>
        tpu.wait_dma2 semaphore(%run_scoped3A : memref<!tpu.dma_semaphore, #tpu.memory_space<semaphore_mem>>) src(%arg19 : memref<4096xi32, #tpu.memory_space<vmem>>) dst(%dma_wait3A_59 : memref<4096xi32, #tpu.memory_space<vmem_shared>>)
        tpu.yield
      }) : () -> ()
    } else {
    }
    %barrier3A_9 = arith.constant 0 : index
    tpu.barrier barrier_id(%barrier3A_9)
    %convert_element_type3A_10 = arith.extui %eq3A_0 : i1 to i32
    %cond3A_11 = arith.constant 0 : i32
    %cond3A_12 = arith.cmpi ne, %convert_element_type3A_10, %cond3A_11 : i32
    scf.if %cond3A_12 {
      %mul3A = arith.constant 384 : i32
      %mul3A_13 = arith.muli %arg1, %mul3A : i32
      "tpu.region"() ({
        %run_scoped3A_32 = tpu.sem_alloc : memref<!tpu.dma_semaphore, #tpu.memory_space<semaphore_mem>>
        %dma_start3A = arith.constant 0 : i32
        %dma_start3A_33 = tpu.memref_slice %arg29[%dma_start3A, %mul3A_13] : memref<16x6144xi32, #tpu.memory_space<vmem_shared>> -> memref<16x384xi32, #tpu.memory_space<vmem_shared>>
        %dma_start3A_34 = arith.constant 0 : i32
        %dma_start3A_35 = tpu.memref_slice %arg29[%dma_start3A_34, %mul3A_13] : memref<16x6144xi32, #tpu.memory_space<vmem_shared>> -> memref<16x384xi32, #tpu.memory_space<vmem_shared>>
        tpu.enqueue_dma source(%dma_start3A_35 : memref<16x384xi32, #tpu.memory_space<vmem_shared>>) target(%arg20 : memref<16x384xi32, #tpu.memory_space<vmem>>) target_semaphore(%run_scoped3A_32 : memref<!tpu.dma_semaphore, #tpu.memory_space<semaphore_mem>>)
        %dma_wait3A = arith.constant 0 : i32
        %dma_wait3A_36 = tpu.memref_slice %arg29[%dma_wait3A, %mul3A_13] : memref<16x6144xi32, #tpu.memory_space<vmem_shared>> -> memref<16x384xi32, #tpu.memory_space<vmem_shared>>
        %dma_wait3A_37 = arith.constant 0 : i32
        %dma_wait3A_38 = tpu.memref_slice %arg29[%dma_wait3A_37, %mul3A_13] : memref<16x6144xi32, #tpu.memory_space<vmem_shared>> -> memref<16x384xi32, #tpu.memory_space<vmem_shared>>
        tpu.wait_dma2 semaphore(%run_scoped3A_32 : memref<!tpu.dma_semaphore, #tpu.memory_space<semaphore_mem>>) src(%dma_wait3A_38 : memref<16x384xi32, #tpu.memory_space<vmem_shared>>) dst(%arg20 : memref<16x384xi32, #tpu.memory_space<vmem>>)
        tpu.yield
      }) : () -> ()
      %mul3A_14 = arith.constant 256 : i32
      %mul3A_15 = arith.muli %arg1, %mul3A_14 : i32
      "tpu.region"() ({
        %run_scoped3A_32 = tpu.sem_alloc : memref<!tpu.dma_semaphore, #tpu.memory_space<semaphore_mem>>
        %dma_start3A = arith.constant 0 : i32
        %dma_start3A_33 = tpu.memref_slice %arg30[%dma_start3A, %mul3A_15] : memref<16x4096xi32, #tpu.memory_space<vmem_shared>> -> memref<16x256xi32, #tpu.memory_space<vmem_shared>>
        %dma_start3A_34 = arith.constant 0 : i32
        %dma_start3A_35 = tpu.memref_slice %arg30[%dma_start3A_34, %mul3A_15] : memref<16x4096xi32, #tpu.memory_space<vmem_shared>> -> memref<16x256xi32, #tpu.memory_space<vmem_shared>>
        tpu.enqueue_dma source(%dma_start3A_35 : memref<16x256xi32, #tpu.memory_space<vmem_shared>>) target(%arg21 : memref<16x256xi32, #tpu.memory_space<vmem>>) target_semaphore(%run_scoped3A_32 : memref<!tpu.dma_semaphore, #tpu.memory_space<semaphore_mem>>)
        %dma_wait3A = arith.constant 0 : i32
        %dma_wait3A_36 = tpu.memref_slice %arg30[%dma_wait3A, %mul3A_15] : memref<16x4096xi32, #tpu.memory_space<vmem_shared>> -> memref<16x256xi32, #tpu.memory_space<vmem_shared>>
        %dma_wait3A_37 = arith.constant 0 : i32
        %dma_wait3A_38 = tpu.memref_slice %arg30[%dma_wait3A_37, %mul3A_15] : memref<16x4096xi32, #tpu.memory_space<vmem_shared>> -> memref<16x256xi32, #tpu.memory_space<vmem_shared>>
        tpu.wait_dma2 semaphore(%run_scoped3A_32 : memref<!tpu.dma_semaphore, #tpu.memory_space<semaphore_mem>>) src(%dma_wait3A_38 : memref<16x256xi32, #tpu.memory_space<vmem_shared>>) dst(%arg21 : memref<16x256xi32, #tpu.memory_space<vmem>>)
        tpu.yield
      }) : () -> ()
      %scan3A = arith.constant 0 : i32
      %scan3A_16 = arith.constant 0 : i32
      %scan3A_17 = arith.constant 24 : i32
      %scan3A_18 = arith.addi %scan3A_16, %scan3A_17 : i32
      %scan3A_19 = arith.constant 1 : i32
      scf.for %scan3A_32 = %scan3A_16 to %scan3A_18 step %scan3A_19  : i32 {
        %mul3A_33 = arith.constant 16 : i32
        %mul3A_34 = arith.muli %scan3A_32, %mul3A_33 : i32
        %get3A = arith.constant 0 : i32
        %get3A_35 = arith.index_cast %get3A : i32 to index
        %get3A_36 = arith.index_cast %mul3A_34 : i32 to index
        %get3A_37 = tpu.vector_load %arg20[%get3A_35, %get3A_36] {strides = array<i32>} : memref<16x384xi32, #tpu.memory_space<vmem>>, vector<16xi32>,
        %mul3A_38 = arith.constant 16 : i32
        %mul3A_39 = arith.muli %scan3A_32, %mul3A_38 : i32
        %get3A_40 = arith.constant 1 : i32
        %get3A_41 = arith.index_cast %get3A_40 : i32 to index
        %get3A_42 = arith.index_cast %mul3A_39 : i32 to index
        %get3A_43 = tpu.vector_load %arg20[%get3A_41, %get3A_42] {strides = array<i32>} : memref<16x384xi32, #tpu.memory_space<vmem>>, vector<16xi32>,
        %add3A = arith.addi %get3A_37, %get3A_43 : vector<16xi32>
        %mul3A_44 = arith.constant 16 : i32
        %mul3A_45 = arith.muli %scan3A_32, %mul3A_44 : i32
        %get3A_46 = arith.constant 2 : i32
        %get3A_47 = arith.index_cast %get3A_46 : i32 to index
        %get3A_48 = arith.index_cast %mul3A_45 : i32 to index
        %get3A_49 = tpu.vector_load %arg20[%get3A_47, %get3A_48] {strides = array<i32>} : memref<16x384xi32, #tpu.memory_space<vmem>>, vector<16xi32>,
        %add3A_50 = arith.addi %add3A, %get3A_49 : vector<16xi32>
        %mul3A_51 = arith.constant 16 : i32
        %mul3A_52 = arith.muli %scan3A_32, %mul3A_51 : i32
        %get3A_53 = arith.constant 3 : i32
        %get3A_54 = arith.index_cast %get3A_53 : i32 to index
        %get3A_55 = arith.index_cast %mul3A_52 : i32 to index
        %get3A_56 = tpu.vector_load %arg20[%get3A_54, %get3A_55] {strides = array<i32>} : memref<16x384xi32, #tpu.memory_space<vmem>>, vector<16xi32>,
        %add3A_57 = arith.addi %add3A_50, %get3A_56 : vector<16xi32>
        %mul3A_58 = arith.constant 16 : i32
        %mul3A_59 = arith.muli %scan3A_32, %mul3A_58 : i32
        %get3A_60 = arith.constant 4 : i32
        %get3A_61 = arith.index_cast %get3A_60 : i32 to index
        %get3A_62 = arith.index_cast %mul3A_59 : i32 to index
        %get3A_63 = tpu.vector_load %arg20[%get3A_61, %get3A_62] {strides = array<i32>} : memref<16x384xi32, #tpu.memory_space<vmem>>, vector<16xi32>,
        %add3A_64 = arith.addi %add3A_57, %get3A_63 : vector<16xi32>
        %mul3A_65 = arith.constant 16 : i32
        %mul3A_66 = arith.muli %scan3A_32, %mul3A_65 : i32
        %get3A_67 = arith.constant 5 : i32
        %get3A_68 = arith.index_cast %get3A_67 : i32 to index
        %get3A_69 = arith.index_cast %mul3A_66 : i32 to index
        %get3A_70 = tpu.vector_load %arg20[%get3A_68, %get3A_69] {strides = array<i32>} : memref<16x384xi32, #tpu.memory_space<vmem>>, vector<16xi32>,
        %add3A_71 = arith.addi %add3A_64, %get3A_70 : vector<16xi32>
        %mul3A_72 = arith.constant 16 : i32
        %mul3A_73 = arith.muli %scan3A_32, %mul3A_72 : i32
        %get3A_74 = arith.constant 6 : i32
        %get3A_75 = arith.index_cast %get3A_74 : i32 to index
        %get3A_76 = arith.index_cast %mul3A_73 : i32 to index
        %get3A_77 = tpu.vector_load %arg20[%get3A_75, %get3A_76] {strides = array<i32>} : memref<16x384xi32, #tpu.memory_space<vmem>>, vector<16xi32>,
        %add3A_78 = arith.addi %add3A_71, %get3A_77 : vector<16xi32>
        %mul3A_79 = arith.constant 16 : i32
        %mul3A_80 = arith.muli %scan3A_32, %mul3A_79 : i32
        %get3A_81 = arith.constant 7 : i32
        %get3A_82 = arith.index_cast %get3A_81 : i32 to index
        %get3A_83 = arith.index_cast %mul3A_80 : i32 to index
        %get3A_84 = tpu.vector_load %arg20[%get3A_82, %get3A_83] {strides = array<i32>} : memref<16x384xi32, #tpu.memory_space<vmem>>, vector<16xi32>,
        %add3A_85 = arith.addi %add3A_78, %get3A_84 : vector<16xi32>
        %mul3A_86 = arith.constant 16 : i32
        %mul3A_87 = arith.muli %scan3A_32, %mul3A_86 : i32
        %get3A_88 = arith.constant 8 : i32
        %get3A_89 = arith.index_cast %get3A_88 : i32 to index
        %get3A_90 = arith.index_cast %mul3A_87 : i32 to index
        %get3A_91 = tpu.vector_load %arg20[%get3A_89, %get3A_90] {strides = array<i32>} : memref<16x384xi32, #tpu.memory_space<vmem>>, vector<16xi32>,
        %add3A_92 = arith.addi %add3A_85, %get3A_91 : vector<16xi32>
        %mul3A_93 = arith.constant 16 : i32
        %mul3A_94 = arith.muli %scan3A_32, %mul3A_93 : i32
        %get3A_95 = arith.constant 9 : i32
        %get3A_96 = arith.index_cast %get3A_95 : i32 to index
        %get3A_97 = arith.index_cast %mul3A_94 : i32 to index
        %get3A_98 = tpu.vector_load %arg20[%get3A_96, %get3A_97] {strides = array<i32>} : memref<16x384xi32, #tpu.memory_space<vmem>>, vector<16xi32>,
        %add3A_99 = arith.addi %add3A_92, %get3A_98 : vector<16xi32>
        %mul3A_100 = arith.constant 16 : i32
        %mul3A_101 = arith.muli %scan3A_32, %mul3A_100 : i32
        %get3A_102 = arith.constant 10 : i32
        %get3A_103 = arith.index_cast %get3A_102 : i32 to index
        %get3A_104 = arith.index_cast %mul3A_101 : i32 to index
        %get3A_105 = tpu.vector_load %arg20[%get3A_103, %get3A_104] {strides = array<i32>} : memref<16x384xi32, #tpu.memory_space<vmem>>, vector<16xi32>,
        %add3A_106 = arith.addi %add3A_99, %get3A_105 : vector<16xi32>
        %mul3A_107 = arith.constant 16 : i32
        %mul3A_108 = arith.muli %scan3A_32, %mul3A_107 : i32
        %get3A_109 = arith.constant 11 : i32
        %get3A_110 = arith.index_cast %get3A_109 : i32 to index
        %get3A_111 = arith.index_cast %mul3A_108 : i32 to index
        %get3A_112 = tpu.vector_load %arg20[%get3A_110, %get3A_111] {strides = array<i32>} : memref<16x384xi32, #tpu.memory_space<vmem>>, vector<16xi32>,
        %add3A_113 = arith.addi %add3A_106, %get3A_112 : vector<16xi32>
        %mul3A_114 = arith.constant 16 : i32
        %mul3A_115 = arith.muli %scan3A_32, %mul3A_114 : i32
        %get3A_116 = arith.constant 12 : i32
        %get3A_117 = arith.index_cast %get3A_116 : i32 to index
        %get3A_118 = arith.index_cast %mul3A_115 : i32 to index
        %get3A_119 = tpu.vector_load %arg20[%get3A_117, %get3A_118] {strides = array<i32>} : memref<16x384xi32, #tpu.memory_space<vmem>>, vector<16xi32>,
        %add3A_120 = arith.addi %add3A_113, %get3A_119 : vector<16xi32>
        %mul3A_121 = arith.constant 16 : i32
        %mul3A_122 = arith.muli %scan3A_32, %mul3A_121 : i32
        %get3A_123 = arith.constant 13 : i32
        %get3A_124 = arith.index_cast %get3A_123 : i32 to index
        %get3A_125 = arith.index_cast %mul3A_122 : i32 to index
        %get3A_126 = tpu.vector_load %arg20[%get3A_124, %get3A_125] {strides = array<i32>} : memref<16x384xi32, #tpu.memory_space<vmem>>, vector<16xi32>,
        %add3A_127 = arith.addi %add3A_120, %get3A_126 : vector<16xi32>
        %mul3A_128 = arith.constant 16 : i32
        %mul3A_129 = arith.muli %scan3A_32, %mul3A_128 : i32
        %get3A_130 = arith.constant 14 : i32
        %get3A_131 = arith.index_cast %get3A_130 : i32 to index
        %get3A_132 = arith.index_cast %mul3A_129 : i32 to index
        %get3A_133 = tpu.vector_load %arg20[%get3A_131, %get3A_132] {strides = array<i32>} : memref<16x384xi32, #tpu.memory_space<vmem>>, vector<16xi32>,
        %add3A_134 = arith.addi %add3A_127, %get3A_133 : vector<16xi32>
        %mul3A_135 = arith.constant 16 : i32
        %mul3A_136 = arith.muli %scan3A_32, %mul3A_135 : i32
        %get3A_137 = arith.constant 15 : i32
        %get3A_138 = arith.index_cast %get3A_137 : i32 to index
        %get3A_139 = arith.index_cast %mul3A_136 : i32 to index
        %get3A_140 = tpu.vector_load %arg20[%get3A_138, %get3A_139] {strides = array<i32>} : memref<16x384xi32, #tpu.memory_space<vmem>>, vector<16xi32>,
        %add3A_141 = arith.addi %add3A_134, %get3A_140 : vector<16xi32>
        %mul3A_142 = arith.constant 384 : i32
        %mul3A_143 = arith.muli %arg1, %mul3A_142 : i32
        %mul3A_144 = arith.constant 16 : i32
        %mul3A_145 = arith.muli %scan3A_32, %mul3A_144 : i32
        %add3A_146 = arith.addi %mul3A_143, %mul3A_145 : i32
        %add3A_147 = vector.broadcast %add3A_146 : i32 to vector<16xi32>
        %add3A_148 = arith.addi %add3A_147, %iota3A : vector<16xi32>
        %and3A = arith.constant 2047 : i32
        %and3A_149 = vector.broadcast %and3A : i32 to vector<16xi32>
        %and3A_150 = arith.andi %add3A_148, %and3A_149 : vector<16xi32>
        %gt3A = arith.constant 0 : i32
        %gt3A_151 = vector.broadcast %gt3A : i32 to vector<16xi32>
        %gt3A_152 = arith.cmpi sgt, %add3A_141, %gt3A_151 : vector<16xi32>
        %sub3A = arith.constant 1 : i32
        %sub3A_153 = vector.broadcast %sub3A : i32 to vector<16xi32>
        %sub3A_154 = arith.subi %add3A_141, %sub3A_153 : vector<16xi32>
        %select_n3A = arith.select %gt3A_152, %sub3A_154, %and3A_150 : vector<16xi1>, vector<16xi32>
        %mul3A_155 = arith.constant 16 : i32
        %mul3A_156 = arith.muli %scan3A_32, %mul3A_155 : i32
        %swap3A = arith.constant 0 : i32
        %swap3A_157 = arith.index_cast %swap3A : i32 to index
        %swap3A_158 = arith.index_cast %mul3A_156 : i32 to index
        %swap3A_159 = tpu.vector_load %arg20[%swap3A_157, %swap3A_158] {strides = array<i32>} : memref<16x384xi32, #tpu.memory_space<vmem>>, vector<16xi32>,
        tpu.vector_store %arg20[%swap3A_157, %swap3A_158], %select_n3A {strides = array<i32>} : memref<16x384xi32, #tpu.memory_space<vmem>>, vector<16xi32>,
      }
      %scan3A_20 = arith.constant 24 : i32
      %mul3A_21 = arith.constant 384 : i32
      %mul3A_22 = arith.muli %arg1, %mul3A_21 : i32
      %run_scoped3A = arith.constant 0 : i32
      "tpu.region"() ({
        %run_scoped3A_32 = tpu.sem_alloc : memref<!tpu.dma_semaphore, #tpu.memory_space<semaphore_mem>>
        %dma_start3A = arith.constant 0 : i32
        %dma_start3A_33 = tpu.memref_slice %arg20[%run_scoped3A, %dma_start3A] : memref<16x384xi32, #tpu.memory_space<vmem>> -> memref<1x384xi32, #tpu.memory_space<vmem>>
        %dma_start3A_34 = tpu.memref_squeeze %dma_start3A_33 : memref<1x384xi32, #tpu.memory_space<vmem>> -> memref<384xi32, #tpu.memory_space<vmem>>
        %dma_start3A_35 = tpu.memref_slice %arg3[%mul3A_22] : memref<6144xi32, #tpu.memory_space<hbm>> -> memref<384xi32, #tpu.memory_space<hbm>>
        %dma_start3A_36 = tpu.memref_slice %arg3[%mul3A_22] : memref<6144xi32, #tpu.memory_space<hbm>> -> memref<384xi32, #tpu.memory_space<hbm>>
        %dma_start3A_37 = arith.constant 0 : i32
        %dma_start3A_38 = tpu.memref_slice %arg20[%run_scoped3A, %dma_start3A_37] : memref<16x384xi32, #tpu.memory_space<vmem>> -> memref<1x384xi32, #tpu.memory_space<vmem>>
        %dma_start3A_39 = tpu.memref_squeeze %dma_start3A_38 : memref<1x384xi32, #tpu.memory_space<vmem>> -> memref<384xi32, #tpu.memory_space<vmem>>
        tpu.enqueue_dma source(%dma_start3A_39 : memref<384xi32, #tpu.memory_space<vmem>>) target(%dma_start3A_36 : memref<384xi32, #tpu.memory_space<hbm>>) target_semaphore(%run_scoped3A_32 : memref<!tpu.dma_semaphore, #tpu.memory_space<semaphore_mem>>)
        %dma_wait3A = arith.constant 0 : i32
        %dma_wait3A_40 = tpu.memref_slice %arg20[%run_scoped3A, %dma_wait3A] : memref<16x384xi32, #tpu.memory_space<vmem>> -> memref<1x384xi32, #tpu.memory_space<vmem>>
        %dma_wait3A_41 = tpu.memref_squeeze %dma_wait3A_40 : memref<1x384xi32, #tpu.memory_space<vmem>> -> memref<384xi32, #tpu.memory_space<vmem>>
        %dma_wait3A_42 = tpu.memref_slice %arg3[%mul3A_22] : memref<6144xi32, #tpu.memory_space<hbm>> -> memref<384xi32, #tpu.memory_space<hbm>>
        %dma_wait3A_43 = tpu.memref_slice %arg3[%mul3A_22] : memref<6144xi32, #tpu.memory_space<hbm>> -> memref<384xi32, #tpu.memory_space<hbm>>
        %dma_wait3A_44 = arith.constant 0 : i32
        %dma_wait3A_45 = tpu.memref_slice %arg20[%run_scoped3A, %dma_wait3A_44] : memref<16x384xi32, #tpu.memory_space<vmem>> -> memref<1x384xi32, #tpu.memory_space<vmem>>
        %dma_wait3A_46 = tpu.memref_squeeze %dma_wait3A_45 : memref<1x384xi32, #tpu.memory_space<vmem>> -> memref<384xi32, #tpu.memory_space<vmem>>
        tpu.wait_dma2 semaphore(%run_scoped3A_32 : memref<!tpu.dma_semaphore, #tpu.memory_space<semaphore_mem>>) src(%dma_wait3A_46 : memref<384xi32, #tpu.memory_space<vmem>>) dst(%dma_wait3A_43 : memref<384xi32, #tpu.memory_space<hbm>>)
        tpu.yield
      }) : () -> ()
      %scan3A_23 = arith.constant 0 : i32
      %scan3A_24 = arith.constant 0 : i32
      %scan3A_25 = arith.constant 16 : i32
      %scan3A_26 = arith.addi %scan3A_24, %scan3A_25 : i32
      %scan3A_27 = arith.constant 1 : i32
      scf.for %scan3A_32 = %scan3A_24 to %scan3A_26 step %scan3A_27  : i32 {
        %mul3A_33 = arith.constant 16 : i32
        %mul3A_34 = arith.muli %scan3A_32, %mul3A_33 : i32
        %get3A = arith.constant 0 : i32
        %get3A_35 = arith.index_cast %get3A : i32 to index
        %get3A_36 = arith.index_cast %mul3A_34 : i32 to index
        %get3A_37 = tpu.vector_load %arg21[%get3A_35, %get3A_36] {strides = array<i32>} : memref<16x256xi32, #tpu.memory_space<vmem>>, vector<16xi32>,
        %mul3A_38 = arith.constant 16 : i32
        %mul3A_39 = arith.muli %scan3A_32, %mul3A_38 : i32
        %get3A_40 = arith.constant 1 : i32
        %get3A_41 = arith.index_cast %get3A_40 : i32 to index
        %get3A_42 = arith.index_cast %mul3A_39 : i32 to index
        %get3A_43 = tpu.vector_load %arg21[%get3A_41, %get3A_42] {strides = array<i32>} : memref<16x256xi32, #tpu.memory_space<vmem>>, vector<16xi32>,
        %add3A = arith.addi %get3A_37, %get3A_43 : vector<16xi32>
        %mul3A_44 = arith.constant 16 : i32
        %mul3A_45 = arith.muli %scan3A_32, %mul3A_44 : i32
        %get3A_46 = arith.constant 2 : i32
        %get3A_47 = arith.index_cast %get3A_46 : i32 to index
        %get3A_48 = arith.index_cast %mul3A_45 : i32 to index
        %get3A_49 = tpu.vector_load %arg21[%get3A_47, %get3A_48] {strides = array<i32>} : memref<16x256xi32, #tpu.memory_space<vmem>>, vector<16xi32>,
        %add3A_50 = arith.addi %add3A, %get3A_49 : vector<16xi32>
        %mul3A_51 = arith.constant 16 : i32
        %mul3A_52 = arith.muli %scan3A_32, %mul3A_51 : i32
        %get3A_53 = arith.constant 3 : i32
        %get3A_54 = arith.index_cast %get3A_53 : i32 to index
        %get3A_55 = arith.index_cast %mul3A_52 : i32 to index
        %get3A_56 = tpu.vector_load %arg21[%get3A_54, %get3A_55] {strides = array<i32>} : memref<16x256xi32, #tpu.memory_space<vmem>>, vector<16xi32>,
        %add3A_57 = arith.addi %add3A_50, %get3A_56 : vector<16xi32>
        %mul3A_58 = arith.constant 16 : i32
        %mul3A_59 = arith.muli %scan3A_32, %mul3A_58 : i32
        %get3A_60 = arith.constant 4 : i32
        %get3A_61 = arith.index_cast %get3A_60 : i32 to index
        %get3A_62 = arith.index_cast %mul3A_59 : i32 to index
        %get3A_63 = tpu.vector_load %arg21[%get3A_61, %get3A_62] {strides = array<i32>} : memref<16x256xi32, #tpu.memory_space<vmem>>, vector<16xi32>,
        %add3A_64 = arith.addi %add3A_57, %get3A_63 : vector<16xi32>
        %mul3A_65 = arith.constant 16 : i32
        %mul3A_66 = arith.muli %scan3A_32, %mul3A_65 : i32
        %get3A_67 = arith.constant 5 : i32
        %get3A_68 = arith.index_cast %get3A_67 : i32 to index
        %get3A_69 = arith.index_cast %mul3A_66 : i32 to index
        %get3A_70 = tpu.vector_load %arg21[%get3A_68, %get3A_69] {strides = array<i32>} : memref<16x256xi32, #tpu.memory_space<vmem>>, vector<16xi32>,
        %add3A_71 = arith.addi %add3A_64, %get3A_70 : vector<16xi32>
        %mul3A_72 = arith.constant 16 : i32
        %mul3A_73 = arith.muli %scan3A_32, %mul3A_72 : i32
        %get3A_74 = arith.constant 6 : i32
        %get3A_75 = arith.index_cast %get3A_74 : i32 to index
        %get3A_76 = arith.index_cast %mul3A_73 : i32 to index
        %get3A_77 = tpu.vector_load %arg21[%get3A_75, %get3A_76] {strides = array<i32>} : memref<16x256xi32, #tpu.memory_space<vmem>>, vector<16xi32>,
        %add3A_78 = arith.addi %add3A_71, %get3A_77 : vector<16xi32>
        %mul3A_79 = arith.constant 16 : i32
        %mul3A_80 = arith.muli %scan3A_32, %mul3A_79 : i32
        %get3A_81 = arith.constant 7 : i32
        %get3A_82 = arith.index_cast %get3A_81 : i32 to index
        %get3A_83 = arith.index_cast %mul3A_80 : i32 to index
        %get3A_84 = tpu.vector_load %arg21[%get3A_82, %get3A_83] {strides = array<i32>} : memref<16x256xi32, #tpu.memory_space<vmem>>, vector<16xi32>,
        %add3A_85 = arith.addi %add3A_78, %get3A_84 : vector<16xi32>
        %mul3A_86 = arith.constant 16 : i32
        %mul3A_87 = arith.muli %scan3A_32, %mul3A_86 : i32
        %get3A_88 = arith.constant 8 : i32
        %get3A_89 = arith.index_cast %get3A_88 : i32 to index
        %get3A_90 = arith.index_cast %mul3A_87 : i32 to index
        %get3A_91 = tpu.vector_load %arg21[%get3A_89, %get3A_90] {strides = array<i32>} : memref<16x256xi32, #tpu.memory_space<vmem>>, vector<16xi32>,
        %add3A_92 = arith.addi %add3A_85, %get3A_91 : vector<16xi32>
        %mul3A_93 = arith.constant 16 : i32
        %mul3A_94 = arith.muli %scan3A_32, %mul3A_93 : i32
        %get3A_95 = arith.constant 9 : i32
        %get3A_96 = arith.index_cast %get3A_95 : i32 to index
        %get3A_97 = arith.index_cast %mul3A_94 : i32 to index
        %get3A_98 = tpu.vector_load %arg21[%get3A_96, %get3A_97] {strides = array<i32>} : memref<16x256xi32, #tpu.memory_space<vmem>>, vector<16xi32>,
        %add3A_99 = arith.addi %add3A_92, %get3A_98 : vector<16xi32>
        %mul3A_100 = arith.constant 16 : i32
        %mul3A_101 = arith.muli %scan3A_32, %mul3A_100 : i32
        %get3A_102 = arith.constant 10 : i32
        %get3A_103 = arith.index_cast %get3A_102 : i32 to index
        %get3A_104 = arith.index_cast %mul3A_101 : i32 to index
        %get3A_105 = tpu.vector_load %arg21[%get3A_103, %get3A_104] {strides = array<i32>} : memref<16x256xi32, #tpu.memory_space<vmem>>, vector<16xi32>,
        %add3A_106 = arith.addi %add3A_99, %get3A_105 : vector<16xi32>
        %mul3A_107 = arith.constant 16 : i32
        %mul3A_108 = arith.muli %scan3A_32, %mul3A_107 : i32
        %get3A_109 = arith.constant 11 : i32
        %get3A_110 = arith.index_cast %get3A_109 : i32 to index
        %get3A_111 = arith.index_cast %mul3A_108 : i32 to index
        %get3A_112 = tpu.vector_load %arg21[%get3A_110, %get3A_111] {strides = array<i32>} : memref<16x256xi32, #tpu.memory_space<vmem>>, vector<16xi32>,
        %add3A_113 = arith.addi %add3A_106, %get3A_112 : vector<16xi32>
        %mul3A_114 = arith.constant 16 : i32
        %mul3A_115 = arith.muli %scan3A_32, %mul3A_114 : i32
        %get3A_116 = arith.constant 12 : i32
        %get3A_117 = arith.index_cast %get3A_116 : i32 to index
        %get3A_118 = arith.index_cast %mul3A_115 : i32 to index
        %get3A_119 = tpu.vector_load %arg21[%get3A_117, %get3A_118] {strides = array<i32>} : memref<16x256xi32, #tpu.memory_space<vmem>>, vector<16xi32>,
        %add3A_120 = arith.addi %add3A_113, %get3A_119 : vector<16xi32>
        %mul3A_121 = arith.constant 16 : i32
        %mul3A_122 = arith.muli %scan3A_32, %mul3A_121 : i32
        %get3A_123 = arith.constant 13 : i32
        %get3A_124 = arith.index_cast %get3A_123 : i32 to index
        %get3A_125 = arith.index_cast %mul3A_122 : i32 to index
        %get3A_126 = tpu.vector_load %arg21[%get3A_124, %get3A_125] {strides = array<i32>} : memref<16x256xi32, #tpu.memory_space<vmem>>, vector<16xi32>,
        %add3A_127 = arith.addi %add3A_120, %get3A_126 : vector<16xi32>
        %mul3A_128 = arith.constant 16 : i32
        %mul3A_129 = arith.muli %scan3A_32, %mul3A_128 : i32
        %get3A_130 = arith.constant 14 : i32
        %get3A_131 = arith.index_cast %get3A_130 : i32 to index
        %get3A_132 = arith.index_cast %mul3A_129 : i32 to index
        %get3A_133 = tpu.vector_load %arg21[%get3A_131, %get3A_132] {strides = array<i32>} : memref<16x256xi32, #tpu.memory_space<vmem>>, vector<16xi32>,
        %add3A_134 = arith.addi %add3A_127, %get3A_133 : vector<16xi32>
        %mul3A_135 = arith.constant 16 : i32
        %mul3A_136 = arith.muli %scan3A_32, %mul3A_135 : i32
        %get3A_137 = arith.constant 15 : i32
        %get3A_138 = arith.index_cast %get3A_137 : i32 to index
        %get3A_139 = arith.index_cast %mul3A_136 : i32 to index
        %get3A_140 = tpu.vector_load %arg21[%get3A_138, %get3A_139] {strides = array<i32>} : memref<16x256xi32, #tpu.memory_space<vmem>>, vector<16xi32>,
        %add3A_141 = arith.addi %add3A_134, %get3A_140 : vector<16xi32>
        %mul3A_142 = arith.constant 16 : i32
        %mul3A_143 = arith.muli %scan3A_32, %mul3A_142 : i32
        %swap3A = arith.constant 0 : i32
        %swap3A_144 = arith.index_cast %swap3A : i32 to index
        %swap3A_145 = arith.index_cast %mul3A_143 : i32 to index
        %swap3A_146 = tpu.vector_load %arg21[%swap3A_144, %swap3A_145] {strides = array<i32>} : memref<16x256xi32, #tpu.memory_space<vmem>>, vector<16xi32>,
        tpu.vector_store %arg21[%swap3A_144, %swap3A_145], %add3A_141 {strides = array<i32>} : memref<16x256xi32, #tpu.memory_space<vmem>>, vector<16xi32>,
      }
      %scan3A_28 = arith.constant 16 : i32
      %mul3A_29 = arith.constant 256 : i32
      %mul3A_30 = arith.muli %arg1, %mul3A_29 : i32
      %run_scoped3A_31 = arith.constant 0 : i32
      "tpu.region"() ({
        %run_scoped3A_32 = tpu.sem_alloc : memref<!tpu.dma_semaphore, #tpu.memory_space<semaphore_mem>>
        %dma_start3A = arith.constant 0 : i32
        %dma_start3A_33 = tpu.memref_slice %arg21[%run_scoped3A_31, %dma_start3A] : memref<16x256xi32, #tpu.memory_space<vmem>> -> memref<1x256xi32, #tpu.memory_space<vmem>>
        %dma_start3A_34 = tpu.memref_squeeze %dma_start3A_33 : memref<1x256xi32, #tpu.memory_space<vmem>> -> memref<256xi32, #tpu.memory_space<vmem>>
        %dma_start3A_35 = tpu.memref_slice %arg4[%mul3A_30] : memref<4096xi32, #tpu.memory_space<hbm>> -> memref<256xi32, #tpu.memory_space<hbm>>
        %dma_start3A_36 = tpu.memref_slice %arg4[%mul3A_30] : memref<4096xi32, #tpu.memory_space<hbm>> -> memref<256xi32, #tpu.memory_space<hbm>>
        %dma_start3A_37 = arith.constant 0 : i32
        %dma_start3A_38 = tpu.memref_slice %arg21[%run_scoped3A_31, %dma_start3A_37] : memref<16x256xi32, #tpu.memory_space<vmem>> -> memref<1x256xi32, #tpu.memory_space<vmem>>
        %dma_start3A_39 = tpu.memref_squeeze %dma_start3A_38 : memref<1x256xi32, #tpu.memory_space<vmem>> -> memref<256xi32, #tpu.memory_space<vmem>>
        tpu.enqueue_dma source(%dma_start3A_39 : memref<256xi32, #tpu.memory_space<vmem>>) target(%dma_start3A_36 : memref<256xi32, #tpu.memory_space<hbm>>) target_semaphore(%run_scoped3A_32 : memref<!tpu.dma_semaphore, #tpu.memory_space<semaphore_mem>>)
        %dma_wait3A = arith.constant 0 : i32
        %dma_wait3A_40 = tpu.memref_slice %arg21[%run_scoped3A_31, %dma_wait3A] : memref<16x256xi32, #tpu.memory_space<vmem>> -> memref<1x256xi32, #tpu.memory_space<vmem>>
        %dma_wait3A_41 = tpu.memref_squeeze %dma_wait3A_40 : memref<1x256xi32, #tpu.memory_space<vmem>> -> memref<256xi32, #tpu.memory_space<vmem>>
        %dma_wait3A_42 = tpu.memref_slice %arg4[%mul3A_30] : memref<4096xi32, #tpu.memory_space<hbm>> -> memref<256xi32, #tpu.memory_space<hbm>>
        %dma_wait3A_43 = tpu.memref_slice %arg4[%mul3A_30] : memref<4096xi32, #tpu.memory_space<hbm>> -> memref<256xi32, #tpu.memory_space<hbm>>
        %dma_wait3A_44 = arith.constant 0 : i32
        %dma_wait3A_45 = tpu.memref_slice %arg21[%run_scoped3A_31, %dma_wait3A_44] : memref<16x256xi32, #tpu.memory_space<vmem>> -> memref<1x256xi32, #tpu.memory_space<vmem>>
        %dma_wait3A_46 = tpu.memref_squeeze %dma_wait3A_45 : memref<1x256xi32, #tpu.memory_space<vmem>> -> memref<256xi32, #tpu.memory_space<vmem>>
        tpu.wait_dma2 semaphore(%run_scoped3A_32 : memref<!tpu.dma_semaphore, #tpu.memory_space<semaphore_mem>>) src(%dma_wait3A_46 : memref<256xi32, #tpu.memory_space<vmem>>) dst(%dma_wait3A_43 : memref<256xi32, #tpu.memory_space<hbm>>)
        tpu.yield
      }) : () -> ()
    } else {
    }
    return
  }
}

module attributes {stable_mosaic.version = 14 : i64} {
  func.func @_k3_body(%arg0: i32, %arg1: memref<48xi32, #tpu.memory_space<smem>>, %arg2: memref<48xi32, #tpu.memory_space<smem>>, %arg3: memref<16xi32, #tpu.memory_space<smem>>, %arg4: memref<16xi32, #tpu.memory_space<smem>>, %arg5: memref<128x768xf32, #tpu.memory_space<vmem>>, %arg6: memref<16x768x768xf32, #tpu.memory_space<any>>, %arg7: memref<16x768x768xf32, #tpu.memory_space<any>>, %arg8: memref<16x768x768xf32, #tpu.memory_space<any>>, %arg9: memref<128x768xf32, #tpu.memory_space<vmem>>, %arg10: memref<3x768x768xf32, #tpu.memory_space<vmem>>, %arg11: memref<3x768x768xf32, #tpu.memory_space<vmem>>, %arg12: memref<3x768x768xf32, #tpu.memory_space<vmem>>, %arg13: memref<3x!tpu.dma_semaphore, #tpu.memory_space<semaphore_mem>>, %arg14: memref<3x!tpu.dma_semaphore, #tpu.memory_space<semaphore_mem>>, %arg15: memref<3x!tpu.dma_semaphore, #tpu.memory_space<semaphore_mem>>) attributes {dimension_semantics = [#tpu.dimension_semantics<arbitrary>], iteration_bounds = array<i64: 48>, scalar_prefetch = 4 : i64, scratch_operands = 6 : i64, tpu.core_type = #tpu.core_type<tc>, window_params = [{transform_indices = @transform_0, window_bounds = array<i64: 128, 768>}, {}, {}, {}, {transform_indices = @transform_4, window_bounds = array<i64: 128, 768>}]} {
    %get3A = arith.constant 0 : index
    %get3A_0 = memref.load %arg4[%get3A] : memref<16xi32, #tpu.memory_space<smem>>
    %get3A_1 = arith.index_cast %arg0 : i32 to index
    %get3A_2 = memref.load %arg2[%get3A_1] : memref<48xi32, #tpu.memory_space<smem>>
    %eq3A = arith.constant 0 : i32
    %eq3A_3 = arith.cmpi eq, %arg0, %eq3A : i32
    %convert_element_type3A = arith.extui %eq3A_3 : i1 to i32
    %cond3A = arith.constant 0 : i32
    %cond3A_4 = arith.cmpi ne, %convert_element_type3A, %cond3A : i32
    scf.if %cond3A_4 {
      %gt3A_18 = arith.constant 0 : i32
      %gt3A_19 = arith.cmpi sgt, %get3A_0, %gt3A_18 : i32
      %convert_element_type3A_20 = arith.extui %gt3A_19 : i1 to i32
      %cond3A_21 = arith.constant 0 : i32
      %cond3A_22 = arith.cmpi ne, %convert_element_type3A_20, %cond3A_21 : i32
      scf.if %cond3A_22 {
        %get3A_71 = arith.constant 0 : index
        %get3A_72 = memref.load %arg3[%get3A_71] : memref<16xi32, #tpu.memory_space<smem>>
        %dma_start3A = arith.constant 0 : i32
        %dma_start3A_73 = arith.constant 0 : i32
        %dma_start3A_74 = tpu.memref_slice %arg13[%dma_start3A_73] : memref<3x!tpu.dma_semaphore, #tpu.memory_space<semaphore_mem>> -> memref<1x!tpu.dma_semaphore, #tpu.memory_space<semaphore_mem>>
        %dma_start3A_75 = tpu.memref_squeeze %dma_start3A_74 : memref<1x!tpu.dma_semaphore, #tpu.memory_space<semaphore_mem>> -> memref<!tpu.dma_semaphore, #tpu.memory_space<semaphore_mem>>
        %dma_start3A_76 = arith.constant 0 : i32
        %dma_start3A_77 = arith.constant 0 : i32
        %dma_start3A_78 = tpu.memref_slice %arg10[%dma_start3A, %dma_start3A_76, %dma_start3A_77] : memref<3x768x768xf32, #tpu.memory_space<vmem>> -> memref<1x768x768xf32, #tpu.memory_space<vmem>>
        %dma_start3A_79 = tpu.memref_squeeze %dma_start3A_78 : memref<1x768x768xf32, #tpu.memory_space<vmem>> -> memref<768x768xf32, #tpu.memory_space<vmem>>
        %dma_start3A_80 = arith.constant 0 : i32
        %dma_start3A_81 = arith.constant 0 : i32
        %dma_start3A_82 = tpu.memref_slice %arg6[%get3A_72, %dma_start3A_80, %dma_start3A_81] : memref<16x768x768xf32, #tpu.memory_space<any>> -> memref<1x768x768xf32, #tpu.memory_space<any>>
        %dma_start3A_83 = tpu.memref_squeeze %dma_start3A_82 : memref<1x768x768xf32, #tpu.memory_space<any>> -> memref<768x768xf32, #tpu.memory_space<any>>
        tpu.enqueue_dma source(%dma_start3A_83 : memref<768x768xf32, #tpu.memory_space<any>>) target(%dma_start3A_79 : memref<768x768xf32, #tpu.memory_space<vmem>>) target_semaphore(%dma_start3A_75 : memref<!tpu.dma_semaphore, #tpu.memory_space<semaphore_mem>>)
        %dma_start3A_84 = arith.constant 0 : i32
        %dma_start3A_85 = arith.constant 0 : i32
        %dma_start3A_86 = tpu.memref_slice %arg14[%dma_start3A_85] : memref<3x!tpu.dma_semaphore, #tpu.memory_space<semaphore_mem>> -> memref<1x!tpu.dma_semaphore, #tpu.memory_space<semaphore_mem>>
        %dma_start3A_87 = tpu.memref_squeeze %dma_start3A_86 : memref<1x!tpu.dma_semaphore, #tpu.memory_space<semaphore_mem>> -> memref<!tpu.dma_semaphore, #tpu.memory_space<semaphore_mem>>
        %dma_start3A_88 = arith.constant 0 : i32
        %dma_start3A_89 = arith.constant 0 : i32
        %dma_start3A_90 = tpu.memref_slice %arg11[%dma_start3A_84, %dma_start3A_88, %dma_start3A_89] : memref<3x768x768xf32, #tpu.memory_space<vmem>> -> memref<1x768x768xf32, #tpu.memory_space<vmem>>
        %dma_start3A_91 = tpu.memref_squeeze %dma_start3A_90 : memref<1x768x768xf32, #tpu.memory_space<vmem>> -> memref<768x768xf32, #tpu.memory_space<vmem>>
        %dma_start3A_92 = arith.constant 0 : i32
        %dma_start3A_93 = arith.constant 0 : i32
        %dma_start3A_94 = tpu.memref_slice %arg7[%get3A_72, %dma_start3A_92, %dma_start3A_93] : memref<16x768x768xf32, #tpu.memory_space<any>> -> memref<1x768x768xf32, #tpu.memory_space<any>>
        %dma_start3A_95 = tpu.memref_squeeze %dma_start3A_94 : memref<1x768x768xf32, #tpu.memory_space<any>> -> memref<768x768xf32, #tpu.memory_space<any>>
        tpu.enqueue_dma source(%dma_start3A_95 : memref<768x768xf32, #tpu.memory_space<any>>) target(%dma_start3A_91 : memref<768x768xf32, #tpu.memory_space<vmem>>) target_semaphore(%dma_start3A_87 : memref<!tpu.dma_semaphore, #tpu.memory_space<semaphore_mem>>)
        %dma_start3A_96 = arith.constant 0 : i32
        %dma_start3A_97 = arith.constant 0 : i32
        %dma_start3A_98 = tpu.memref_slice %arg15[%dma_start3A_97] : memref<3x!tpu.dma_semaphore, #tpu.memory_space<semaphore_mem>> -> memref<1x!tpu.dma_semaphore, #tpu.memory_space<semaphore_mem>>
        %dma_start3A_99 = tpu.memref_squeeze %dma_start3A_98 : memref<1x!tpu.dma_semaphore, #tpu.memory_space<semaphore_mem>> -> memref<!tpu.dma_semaphore, #tpu.memory_space<semaphore_mem>>
        %dma_start3A_100 = arith.constant 0 : i32
        %dma_start3A_101 = arith.constant 0 : i32
        %dma_start3A_102 = tpu.memref_slice %arg12[%dma_start3A_96, %dma_start3A_100, %dma_start3A_101] : memref<3x768x768xf32, #tpu.memory_space<vmem>> -> memref<1x768x768xf32, #tpu.memory_space<vmem>>
        %dma_start3A_103 = tpu.memref_squeeze %dma_start3A_102 : memref<1x768x768xf32, #tpu.memory_space<vmem>> -> memref<768x768xf32, #tpu.memory_space<vmem>>
        %dma_start3A_104 = arith.constant 0 : i32
        %dma_start3A_105 = arith.constant 0 : i32
        %dma_start3A_106 = tpu.memref_slice %arg8[%get3A_72, %dma_start3A_104, %dma_start3A_105] : memref<16x768x768xf32, #tpu.memory_space<any>> -> memref<1x768x768xf32, #tpu.memory_space<any>>
        %dma_start3A_107 = tpu.memref_squeeze %dma_start3A_106 : memref<1x768x768xf32, #tpu.memory_space<any>> -> memref<768x768xf32, #tpu.memory_space<any>>
        tpu.enqueue_dma source(%dma_start3A_107 : memref<768x768xf32, #tpu.memory_space<any>>) target(%dma_start3A_103 : memref<768x768xf32, #tpu.memory_space<vmem>>) target_semaphore(%dma_start3A_99 : memref<!tpu.dma_semaphore, #tpu.memory_space<semaphore_mem>>)
      } else {
      }
      %gt3A_23 = arith.constant 1 : i32
      %gt3A_24 = arith.cmpi sgt, %get3A_0, %gt3A_23 : i32
      %convert_element_type3A_25 = arith.extui %gt3A_24 : i1 to i32
      %cond3A_26 = arith.constant 0 : i32
      %cond3A_27 = arith.cmpi ne, %convert_element_type3A_25, %cond3A_26 : i32
      scf.if %cond3A_27 {
        %get3A_71 = arith.constant 1 : index
        %get3A_72 = memref.load %arg3[%get3A_71] : memref<16xi32, #tpu.memory_space<smem>>
        %dma_start3A = arith.constant 1 : i32
        %dma_start3A_73 = arith.constant 1 : i32
        %dma_start3A_74 = tpu.memref_slice %arg13[%dma_start3A_73] : memref<3x!tpu.dma_semaphore, #tpu.memory_space<semaphore_mem>> -> memref<1x!tpu.dma_semaphore, #tpu.memory_space<semaphore_mem>>
        %dma_start3A_75 = tpu.memref_squeeze %dma_start3A_74 : memref<1x!tpu.dma_semaphore, #tpu.memory_space<semaphore_mem>> -> memref<!tpu.dma_semaphore, #tpu.memory_space<semaphore_mem>>
        %dma_start3A_76 = arith.constant 0 : i32
        %dma_start3A_77 = arith.constant 0 : i32
        %dma_start3A_78 = tpu.memref_slice %arg10[%dma_start3A, %dma_start3A_76, %dma_start3A_77] : memref<3x768x768xf32, #tpu.memory_space<vmem>> -> memref<1x768x768xf32, #tpu.memory_space<vmem>>
        %dma_start3A_79 = tpu.memref_squeeze %dma_start3A_78 : memref<1x768x768xf32, #tpu.memory_space<vmem>> -> memref<768x768xf32, #tpu.memory_space<vmem>>
        %dma_start3A_80 = arith.constant 0 : i32
        %dma_start3A_81 = arith.constant 0 : i32
        %dma_start3A_82 = tpu.memref_slice %arg6[%get3A_72, %dma_start3A_80, %dma_start3A_81] : memref<16x768x768xf32, #tpu.memory_space<any>> -> memref<1x768x768xf32, #tpu.memory_space<any>>
        %dma_start3A_83 = tpu.memref_squeeze %dma_start3A_82 : memref<1x768x768xf32, #tpu.memory_space<any>> -> memref<768x768xf32, #tpu.memory_space<any>>
        tpu.enqueue_dma source(%dma_start3A_83 : memref<768x768xf32, #tpu.memory_space<any>>) target(%dma_start3A_79 : memref<768x768xf32, #tpu.memory_space<vmem>>) target_semaphore(%dma_start3A_75 : memref<!tpu.dma_semaphore, #tpu.memory_space<semaphore_mem>>)
        %dma_start3A_84 = arith.constant 1 : i32
        %dma_start3A_85 = arith.constant 1 : i32
        %dma_start3A_86 = tpu.memref_slice %arg14[%dma_start3A_85] : memref<3x!tpu.dma_semaphore, #tpu.memory_space<semaphore_mem>> -> memref<1x!tpu.dma_semaphore, #tpu.memory_space<semaphore_mem>>
        %dma_start3A_87 = tpu.memref_squeeze %dma_start3A_86 : memref<1x!tpu.dma_semaphore, #tpu.memory_space<semaphore_mem>> -> memref<!tpu.dma_semaphore, #tpu.memory_space<semaphore_mem>>
        %dma_start3A_88 = arith.constant 0 : i32
        %dma_start3A_89 = arith.constant 0 : i32
        %dma_start3A_90 = tpu.memref_slice %arg11[%dma_start3A_84, %dma_start3A_88, %dma_start3A_89] : memref<3x768x768xf32, #tpu.memory_space<vmem>> -> memref<1x768x768xf32, #tpu.memory_space<vmem>>
        %dma_start3A_91 = tpu.memref_squeeze %dma_start3A_90 : memref<1x768x768xf32, #tpu.memory_space<vmem>> -> memref<768x768xf32, #tpu.memory_space<vmem>>
        %dma_start3A_92 = arith.constant 0 : i32
        %dma_start3A_93 = arith.constant 0 : i32
        %dma_start3A_94 = tpu.memref_slice %arg7[%get3A_72, %dma_start3A_92, %dma_start3A_93] : memref<16x768x768xf32, #tpu.memory_space<any>> -> memref<1x768x768xf32, #tpu.memory_space<any>>
        %dma_start3A_95 = tpu.memref_squeeze %dma_start3A_94 : memref<1x768x768xf32, #tpu.memory_space<any>> -> memref<768x768xf32, #tpu.memory_space<any>>
        tpu.enqueue_dma source(%dma_start3A_95 : memref<768x768xf32, #tpu.memory_space<any>>) target(%dma_start3A_91 : memref<768x768xf32, #tpu.memory_space<vmem>>) target_semaphore(%dma_start3A_87 : memref<!tpu.dma_semaphore, #tpu.memory_space<semaphore_mem>>)
        %dma_start3A_96 = arith.constant 1 : i32
        %dma_start3A_97 = arith.constant 1 : i32
        %dma_start3A_98 = tpu.memref_slice %arg15[%dma_start3A_97] : memref<3x!tpu.dma_semaphore, #tpu.memory_space<semaphore_mem>> -> memref<1x!tpu.dma_semaphore, #tpu.memory_space<semaphore_mem>>
        %dma_start3A_99 = tpu.memref_squeeze %dma_start3A_98 : memref<1x!tpu.dma_semaphore, #tpu.memory_space<semaphore_mem>> -> memref<!tpu.dma_semaphore, #tpu.memory_space<semaphore_mem>>
        %dma_start3A_100 = arith.constant 0 : i32
        %dma_start3A_101 = arith.constant 0 : i32
        %dma_start3A_102 = tpu.memref_slice %arg12[%dma_start3A_96, %dma_start3A_100, %dma_start3A_101] : memref<3x768x768xf32, #tpu.memory_space<vmem>> -> memref<1x768x768xf32, #tpu.memory_space<vmem>>
        %dma_start3A_103 = tpu.memref_squeeze %dma_start3A_102 : memref<1x768x768xf32, #tpu.memory_space<vmem>> -> memref<768x768xf32, #tpu.memory_space<vmem>>
        %dma_start3A_104 = arith.constant 0 : i32
        %dma_start3A_105 = arith.constant 0 : i32
        %dma_start3A_106 = tpu.memref_slice %arg8[%get3A_72, %dma_start3A_104, %dma_start3A_105] : memref<16x768x768xf32, #tpu.memory_space<any>> -> memref<1x768x768xf32, #tpu.memory_space<any>>
        %dma_start3A_107 = tpu.memref_squeeze %dma_start3A_106 : memref<1x768x768xf32, #tpu.memory_space<any>> -> memref<768x768xf32, #tpu.memory_space<any>>
        tpu.enqueue_dma source(%dma_start3A_107 : memref<768x768xf32, #tpu.memory_space<any>>) target(%dma_start3A_103 : memref<768x768xf32, #tpu.memory_space<vmem>>) target_semaphore(%dma_start3A_99 : memref<!tpu.dma_semaphore, #tpu.memory_space<semaphore_mem>>)
      } else {
      }
      %gt3A_28 = arith.constant 2 : i32
      %gt3A_29 = arith.cmpi sgt, %get3A_0, %gt3A_28 : i32
      %convert_element_type3A_30 = arith.extui %gt3A_29 : i1 to i32
      %cond3A_31 = arith.constant 0 : i32
      %cond3A_32 = arith.cmpi ne, %convert_element_type3A_30, %cond3A_31 : i32
      scf.if %cond3A_32 {
        %get3A_71 = arith.constant 2 : index
        %get3A_72 = memref.load %arg3[%get3A_71] : memref<16xi32, #tpu.memory_space<smem>>
        %dma_start3A = arith.constant 2 : i32
        %dma_start3A_73 = arith.constant 2 : i32
        %dma_start3A_74 = tpu.memref_slice %arg13[%dma_start3A_73] : memref<3x!tpu.dma_semaphore, #tpu.memory_space<semaphore_mem>> -> memref<1x!tpu.dma_semaphore, #tpu.memory_space<semaphore_mem>>
        %dma_start3A_75 = tpu.memref_squeeze %dma_start3A_74 : memref<1x!tpu.dma_semaphore, #tpu.memory_space<semaphore_mem>> -> memref<!tpu.dma_semaphore, #tpu.memory_space<semaphore_mem>>
        %dma_start3A_76 = arith.constant 0 : i32
        %dma_start3A_77 = arith.constant 0 : i32
        %dma_start3A_78 = tpu.memref_slice %arg10[%dma_start3A, %dma_start3A_76, %dma_start3A_77] : memref<3x768x768xf32, #tpu.memory_space<vmem>> -> memref<1x768x768xf32, #tpu.memory_space<vmem>>
        %dma_start3A_79 = tpu.memref_squeeze %dma_start3A_78 : memref<1x768x768xf32, #tpu.memory_space<vmem>> -> memref<768x768xf32, #tpu.memory_space<vmem>>
        %dma_start3A_80 = arith.constant 0 : i32
        %dma_start3A_81 = arith.constant 0 : i32
        %dma_start3A_82 = tpu.memref_slice %arg6[%get3A_72, %dma_start3A_80, %dma_start3A_81] : memref<16x768x768xf32, #tpu.memory_space<any>> -> memref<1x768x768xf32, #tpu.memory_space<any>>
        %dma_start3A_83 = tpu.memref_squeeze %dma_start3A_82 : memref<1x768x768xf32, #tpu.memory_space<any>> -> memref<768x768xf32, #tpu.memory_space<any>>
        tpu.enqueue_dma source(%dma_start3A_83 : memref<768x768xf32, #tpu.memory_space<any>>) target(%dma_start3A_79 : memref<768x768xf32, #tpu.memory_space<vmem>>) target_semaphore(%dma_start3A_75 : memref<!tpu.dma_semaphore, #tpu.memory_space<semaphore_mem>>)
        %dma_start3A_84 = arith.constant 2 : i32
        %dma_start3A_85 = arith.constant 2 : i32
        %dma_start3A_86 = tpu.memref_slice %arg14[%dma_start3A_85] : memref<3x!tpu.dma_semaphore, #tpu.memory_space<semaphore_mem>> -> memref<1x!tpu.dma_semaphore, #tpu.memory_space<semaphore_mem>>
        %dma_start3A_87 = tpu.memref_squeeze %dma_start3A_86 : memref<1x!tpu.dma_semaphore, #tpu.memory_space<semaphore_mem>> -> memref<!tpu.dma_semaphore, #tpu.memory_space<semaphore_mem>>
        %dma_start3A_88 = arith.constant 0 : i32
        %dma_start3A_89 = arith.constant 0 : i32
        %dma_start3A_90 = tpu.memref_slice %arg11[%dma_start3A_84, %dma_start3A_88, %dma_start3A_89] : memref<3x768x768xf32, #tpu.memory_space<vmem>> -> memref<1x768x768xf32, #tpu.memory_space<vmem>>
        %dma_start3A_91 = tpu.memref_squeeze %dma_start3A_90 : memref<1x768x768xf32, #tpu.memory_space<vmem>> -> memref<768x768xf32, #tpu.memory_space<vmem>>
        %dma_start3A_92 = arith.constant 0 : i32
        %dma_start3A_93 = arith.constant 0 : i32
        %dma_start3A_94 = tpu.memref_slice %arg7[%get3A_72, %dma_start3A_92, %dma_start3A_93] : memref<16x768x768xf32, #tpu.memory_space<any>> -> memref<1x768x768xf32, #tpu.memory_space<any>>
        %dma_start3A_95 = tpu.memref_squeeze %dma_start3A_94 : memref<1x768x768xf32, #tpu.memory_space<any>> -> memref<768x768xf32, #tpu.memory_space<any>>
        tpu.enqueue_dma source(%dma_start3A_95 : memref<768x768xf32, #tpu.memory_space<any>>) target(%dma_start3A_91 : memref<768x768xf32, #tpu.memory_space<vmem>>) target_semaphore(%dma_start3A_87 : memref<!tpu.dma_semaphore, #tpu.memory_space<semaphore_mem>>)
        %dma_start3A_96 = arith.constant 2 : i32
        %dma_start3A_97 = arith.constant 2 : i32
        %dma_start3A_98 = tpu.memref_slice %arg15[%dma_start3A_97] : memref<3x!tpu.dma_semaphore, #tpu.memory_space<semaphore_mem>> -> memref<1x!tpu.dma_semaphore, #tpu.memory_space<semaphore_mem>>
        %dma_start3A_99 = tpu.memref_squeeze %dma_start3A_98 : memref<1x!tpu.dma_semaphore, #tpu.memory_space<semaphore_mem>> -> memref<!tpu.dma_semaphore, #tpu.memory_space<semaphore_mem>>
        %dma_start3A_100 = arith.constant 0 : i32
        %dma_start3A_101 = arith.constant 0 : i32
        %dma_start3A_102 = tpu.memref_slice %arg12[%dma_start3A_96, %dma_start3A_100, %dma_start3A_101] : memref<3x768x768xf32, #tpu.memory_space<vmem>> -> memref<1x768x768xf32, #tpu.memory_space<vmem>>
        %dma_start3A_103 = tpu.memref_squeeze %dma_start3A_102 : memref<1x768x768xf32, #tpu.memory_space<vmem>> -> memref<768x768xf32, #tpu.memory_space<vmem>>
        %dma_start3A_104 = arith.constant 0 : i32
        %dma_start3A_105 = arith.constant 0 : i32
        %dma_start3A_106 = tpu.memref_slice %arg8[%get3A_72, %dma_start3A_104, %dma_start3A_105] : memref<16x768x768xf32, #tpu.memory_space<any>> -> memref<1x768x768xf32, #tpu.memory_space<any>>
        %dma_start3A_107 = tpu.memref_squeeze %dma_start3A_106 : memref<1x768x768xf32, #tpu.memory_space<any>> -> memref<768x768xf32, #tpu.memory_space<any>>
        tpu.enqueue_dma source(%dma_start3A_107 : memref<768x768xf32, #tpu.memory_space<any>>) target(%dma_start3A_103 : memref<768x768xf32, #tpu.memory_space<vmem>>) target_semaphore(%dma_start3A_99 : memref<!tpu.dma_semaphore, #tpu.memory_space<semaphore_mem>>)
      } else {
      }
      %dma_wait3A = arith.constant 0 : i32
      %dma_wait3A_33 = arith.constant 0 : i32
      %dma_wait3A_34 = arith.constant 0 : i32
      %dma_wait3A_35 = tpu.memref_slice %arg13[%dma_wait3A_34] : memref<3x!tpu.dma_semaphore, #tpu.memory_space<semaphore_mem>> -> memref<1x!tpu.dma_semaphore, #tpu.memory_space<semaphore_mem>>
      %dma_wait3A_36 = tpu.memref_squeeze %dma_wait3A_35 : memref<1x!tpu.dma_semaphore, #tpu.memory_space<semaphore_mem>> -> memref<!tpu.dma_semaphore, #tpu.memory_space<semaphore_mem>>
      %dma_wait3A_37 = arith.constant 0 : i32
      %dma_wait3A_38 = arith.constant 0 : i32
      %dma_wait3A_39 = tpu.memref_slice %arg10[%dma_wait3A_33, %dma_wait3A_37, %dma_wait3A_38] : memref<3x768x768xf32, #tpu.memory_space<vmem>> -> memref<1x768x768xf32, #tpu.memory_space<vmem>>
      %dma_wait3A_40 = tpu.memref_squeeze %dma_wait3A_39 : memref<1x768x768xf32, #tpu.memory_space<vmem>> -> memref<768x768xf32, #tpu.memory_space<vmem>>
      %dma_wait3A_41 = arith.constant 0 : i32
      %dma_wait3A_42 = arith.constant 0 : i32
      %dma_wait3A_43 = tpu.memref_slice %arg6[%dma_wait3A, %dma_wait3A_41, %dma_wait3A_42] : memref<16x768x768xf32, #tpu.memory_space<any>> -> memref<1x768x768xf32, #tpu.memory_space<any>>
      %dma_wait3A_44 = tpu.memref_squeeze %dma_wait3A_43 : memref<1x768x768xf32, #tpu.memory_space<any>> -> memref<768x768xf32, #tpu.memory_space<any>>
      tpu.wait_dma2 semaphore(%dma_wait3A_36 : memref<!tpu.dma_semaphore, #tpu.memory_space<semaphore_mem>>) src(%dma_wait3A_44 : memref<768x768xf32, #tpu.memory_space<any>>) dst(%dma_wait3A_40 : memref<768x768xf32, #tpu.memory_space<vmem>>)
      %dma_wait3A_45 = arith.constant 0 : i32
      %dma_wait3A_46 = arith.constant 0 : i32
      %dma_wait3A_47 = arith.constant 0 : i32
      %dma_wait3A_48 = tpu.memref_slice %arg14[%dma_wait3A_47] : memref<3x!tpu.dma_semaphore, #tpu.memory_space<semaphore_mem>> -> memref<1x!tpu.dma_semaphore, #tpu.memory_space<semaphore_mem>>
      %dma_wait3A_49 = tpu.memref_squeeze %dma_wait3A_48 : memref<1x!tpu.dma_semaphore, #tpu.memory_space<semaphore_mem>> -> memref<!tpu.dma_semaphore, #tpu.memory_space<semaphore_mem>>
      %dma_wait3A_50 = arith.constant 0 : i32
      %dma_wait3A_51 = arith.constant 0 : i32
      %dma_wait3A_52 = tpu.memref_slice %arg11[%dma_wait3A_46, %dma_wait3A_50, %dma_wait3A_51] : memref<3x768x768xf32, #tpu.memory_space<vmem>> -> memref<1x768x768xf32, #tpu.memory_space<vmem>>
      %dma_wait3A_53 = tpu.memref_squeeze %dma_wait3A_52 : memref<1x768x768xf32, #tpu.memory_space<vmem>> -> memref<768x768xf32, #tpu.memory_space<vmem>>
      %dma_wait3A_54 = arith.constant 0 : i32
      %dma_wait3A_55 = arith.constant 0 : i32
      %dma_wait3A_56 = tpu.memref_slice %arg7[%dma_wait3A_45, %dma_wait3A_54, %dma_wait3A_55] : memref<16x768x768xf32, #tpu.memory_space<any>> -> memref<1x768x768xf32, #tpu.memory_space<any>>
      %dma_wait3A_57 = tpu.memref_squeeze %dma_wait3A_56 : memref<1x768x768xf32, #tpu.memory_space<any>> -> memref<768x768xf32, #tpu.memory_space<any>>
      tpu.wait_dma2 semaphore(%dma_wait3A_49 : memref<!tpu.dma_semaphore, #tpu.memory_space<semaphore_mem>>) src(%dma_wait3A_57 : memref<768x768xf32, #tpu.memory_space<any>>) dst(%dma_wait3A_53 : memref<768x768xf32, #tpu.memory_space<vmem>>)
      %dma_wait3A_58 = arith.constant 0 : i32
      %dma_wait3A_59 = arith.constant 0 : i32
      %dma_wait3A_60 = arith.constant 0 : i32
      %dma_wait3A_61 = tpu.memref_slice %arg15[%dma_wait3A_60] : memref<3x!tpu.dma_semaphore, #tpu.memory_space<semaphore_mem>> -> memref<1x!tpu.dma_semaphore, #tpu.memory_space<semaphore_mem>>
      %dma_wait3A_62 = tpu.memref_squeeze %dma_wait3A_61 : memref<1x!tpu.dma_semaphore, #tpu.memory_space<semaphore_mem>> -> memref<!tpu.dma_semaphore, #tpu.memory_space<semaphore_mem>>
      %dma_wait3A_63 = arith.constant 0 : i32
      %dma_wait3A_64 = arith.constant 0 : i32
      %dma_wait3A_65 = tpu.memref_slice %arg12[%dma_wait3A_59, %dma_wait3A_63, %dma_wait3A_64] : memref<3x768x768xf32, #tpu.memory_space<vmem>> -> memref<1x768x768xf32, #tpu.memory_space<vmem>>
      %dma_wait3A_66 = tpu.memref_squeeze %dma_wait3A_65 : memref<1x768x768xf32, #tpu.memory_space<vmem>> -> memref<768x768xf32, #tpu.memory_space<vmem>>
      %dma_wait3A_67 = arith.constant 0 : i32
      %dma_wait3A_68 = arith.constant 0 : i32
      %dma_wait3A_69 = tpu.memref_slice %arg8[%dma_wait3A_58, %dma_wait3A_67, %dma_wait3A_68] : memref<16x768x768xf32, #tpu.memory_space<any>> -> memref<1x768x768xf32, #tpu.memory_space<any>>
      %dma_wait3A_70 = tpu.memref_squeeze %dma_wait3A_69 : memref<1x768x768xf32, #tpu.memory_space<any>> -> memref<768x768xf32, #tpu.memory_space<any>>
      tpu.wait_dma2 semaphore(%dma_wait3A_62 : memref<!tpu.dma_semaphore, #tpu.memory_space<semaphore_mem>>) src(%dma_wait3A_70 : memref<768x768xf32, #tpu.memory_space<any>>) dst(%dma_wait3A_66 : memref<768x768xf32, #tpu.memory_space<vmem>>)
    } else {
    }
    %gt3A = arith.constant 0 : i32
    %gt3A_5 = arith.cmpi sgt, %arg0, %gt3A : i32
    %sub3A = arith.constant 1 : i32
    %sub3A_6 = arith.subi %arg0, %sub3A : i32
    %max3A = arith.constant 0 : i32
    %max3A_7 = arith.maxsi %sub3A_6, %max3A : i32
    %get3A_8 = arith.index_cast %max3A_7 : i32 to index
    %get3A_9 = memref.load %arg2[%get3A_8] : memref<48xi32, #tpu.memory_space<smem>>
    %ne3A = arith.cmpi ne, %get3A_2, %get3A_9 : i32
    %and3A = arith.andi %gt3A_5, %ne3A : i1
    %convert_element_type3A_10 = arith.extui %and3A : i1 to i32
    %cond3A_11 = arith.constant 0 : i32
    %cond3A_12 = arith.cmpi ne, %convert_element_type3A_10, %cond3A_11 : i32
    scf.if %cond3A_12 {
      %add3A = arith.constant 3 : i32
      %add3A_18 = arith.addi %get3A_2, %add3A : i32
      %sub3A_19 = arith.constant 1 : i32
      %sub3A_20 = arith.subi %add3A_18, %sub3A_19 : i32
      %lt3A_21 = arith.cmpi slt, %sub3A_20, %get3A_0 : i32
      %convert_element_type3A_22 = arith.extui %lt3A_21 : i1 to i32
      %cond3A_23 = arith.constant 0 : i32
      %cond3A_24 = arith.cmpi ne, %convert_element_type3A_22, %cond3A_23 : i32
      scf.if %cond3A_24 {
        %get3A_58 = arith.index_cast %sub3A_20 : i32 to index
        %get3A_59 = memref.load %arg3[%get3A_58] : memref<16xi32, #tpu.memory_space<smem>>
        %rem3A_60 = arith.constant 3 : i32
        %rem3A_61 = arith.remsi %sub3A_20, %rem3A_60 : i32
        %dma_start3A = tpu.memref_slice %arg13[%rem3A_61] : memref<3x!tpu.dma_semaphore, #tpu.memory_space<semaphore_mem>> -> memref<1x!tpu.dma_semaphore, #tpu.memory_space<semaphore_mem>>
        %dma_start3A_62 = tpu.memref_squeeze %dma_start3A : memref<1x!tpu.dma_semaphore, #tpu.memory_space<semaphore_mem>> -> memref<!tpu.dma_semaphore, #tpu.memory_space<semaphore_mem>>
        %dma_start3A_63 = arith.constant 0 : i32
        %dma_start3A_64 = arith.constant 0 : i32
        %dma_start3A_65 = tpu.memref_slice %arg10[%rem3A_61, %dma_start3A_63, %dma_start3A_64] : memref<3x768x768xf32, #tpu.memory_space<vmem>> -> memref<1x768x768xf32, #tpu.memory_space<vmem>>
        %dma_start3A_66 = tpu.memref_squeeze %dma_start3A_65 : memref<1x768x768xf32, #tpu.memory_space<vmem>> -> memref<768x768xf32, #tpu.memory_space<vmem>>
        %dma_start3A_67 = arith.constant 0 : i32
        %dma_start3A_68 = arith.constant 0 : i32
        %dma_start3A_69 = tpu.memref_slice %arg6[%get3A_59, %dma_start3A_67, %dma_start3A_68] : memref<16x768x768xf32, #tpu.memory_space<any>> -> memref<1x768x768xf32, #tpu.memory_space<any>>
        %dma_start3A_70 = tpu.memref_squeeze %dma_start3A_69 : memref<1x768x768xf32, #tpu.memory_space<any>> -> memref<768x768xf32, #tpu.memory_space<any>>
        tpu.enqueue_dma source(%dma_start3A_70 : memref<768x768xf32, #tpu.memory_space<any>>) target(%dma_start3A_66 : memref<768x768xf32, #tpu.memory_space<vmem>>) target_semaphore(%dma_start3A_62 : memref<!tpu.dma_semaphore, #tpu.memory_space<semaphore_mem>>)
        %dma_start3A_71 = tpu.memref_slice %arg14[%rem3A_61] : memref<3x!tpu.dma_semaphore, #tpu.memory_space<semaphore_mem>> -> memref<1x!tpu.dma_semaphore, #tpu.memory_space<semaphore_mem>>
        %dma_start3A_72 = tpu.memref_squeeze %dma_start3A_71 : memref<1x!tpu.dma_semaphore, #tpu.memory_space<semaphore_mem>> -> memref<!tpu.dma_semaphore, #tpu.memory_space<semaphore_mem>>
        %dma_start3A_73 = arith.constant 0 : i32
        %dma_start3A_74 = arith.constant 0 : i32
        %dma_start3A_75 = tpu.memref_slice %arg11[%rem3A_61, %dma_start3A_73, %dma_start3A_74] : memref<3x768x768xf32, #tpu.memory_space<vmem>> -> memref<1x768x768xf32, #tpu.memory_space<vmem>>
        %dma_start3A_76 = tpu.memref_squeeze %dma_start3A_75 : memref<1x768x768xf32, #tpu.memory_space<vmem>> -> memref<768x768xf32, #tpu.memory_space<vmem>>
        %dma_start3A_77 = arith.constant 0 : i32
        %dma_start3A_78 = arith.constant 0 : i32
        %dma_start3A_79 = tpu.memref_slice %arg7[%get3A_59, %dma_start3A_77, %dma_start3A_78] : memref<16x768x768xf32, #tpu.memory_space<any>> -> memref<1x768x768xf32, #tpu.memory_space<any>>
        %dma_start3A_80 = tpu.memref_squeeze %dma_start3A_79 : memref<1x768x768xf32, #tpu.memory_space<any>> -> memref<768x768xf32, #tpu.memory_space<any>>
        tpu.enqueue_dma source(%dma_start3A_80 : memref<768x768xf32, #tpu.memory_space<any>>) target(%dma_start3A_76 : memref<768x768xf32, #tpu.memory_space<vmem>>) target_semaphore(%dma_start3A_72 : memref<!tpu.dma_semaphore, #tpu.memory_space<semaphore_mem>>)
        %dma_start3A_81 = tpu.memref_slice %arg15[%rem3A_61] : memref<3x!tpu.dma_semaphore, #tpu.memory_space<semaphore_mem>> -> memref<1x!tpu.dma_semaphore, #tpu.memory_space<semaphore_mem>>
        %dma_start3A_82 = tpu.memref_squeeze %dma_start3A_81 : memref<1x!tpu.dma_semaphore, #tpu.memory_space<semaphore_mem>> -> memref<!tpu.dma_semaphore, #tpu.memory_space<semaphore_mem>>
        %dma_start3A_83 = arith.constant 0 : i32
        %dma_start3A_84 = arith.constant 0 : i32
        %dma_start3A_85 = tpu.memref_slice %arg12[%rem3A_61, %dma_start3A_83, %dma_start3A_84] : memref<3x768x768xf32, #tpu.memory_space<vmem>> -> memref<1x768x768xf32, #tpu.memory_space<vmem>>
        %dma_start3A_86 = tpu.memref_squeeze %dma_start3A_85 : memref<1x768x768xf32, #tpu.memory_space<vmem>> -> memref<768x768xf32, #tpu.memory_space<vmem>>
        %dma_start3A_87 = arith.constant 0 : i32
        %dma_start3A_88 = arith.constant 0 : i32
        %dma_start3A_89 = tpu.memref_slice %arg8[%get3A_59, %dma_start3A_87, %dma_start3A_88] : memref<16x768x768xf32, #tpu.memory_space<any>> -> memref<1x768x768xf32, #tpu.memory_space<any>>
        %dma_start3A_90 = tpu.memref_squeeze %dma_start3A_89 : memref<1x768x768xf32, #tpu.memory_space<any>> -> memref<768x768xf32, #tpu.memory_space<any>>
        tpu.enqueue_dma source(%dma_start3A_90 : memref<768x768xf32, #tpu.memory_space<any>>) target(%dma_start3A_86 : memref<768x768xf32, #tpu.memory_space<vmem>>) target_semaphore(%dma_start3A_82 : memref<!tpu.dma_semaphore, #tpu.memory_space<semaphore_mem>>)
      } else {
      }
      %rem3A = arith.constant 3 : i32
      %rem3A_25 = arith.remsi %get3A_2, %rem3A : i32
      %dma_wait3A = arith.constant 0 : i32
      %dma_wait3A_26 = tpu.memref_slice %arg13[%rem3A_25] : memref<3x!tpu.dma_semaphore, #tpu.memory_space<semaphore_mem>> -> memref<1x!tpu.dma_semaphore, #tpu.memory_space<semaphore_mem>>
      %dma_wait3A_27 = tpu.memref_squeeze %dma_wait3A_26 : memref<1x!tpu.dma_semaphore, #tpu.memory_space<semaphore_mem>> -> memref<!tpu.dma_semaphore, #tpu.memory_space<semaphore_mem>>
      %dma_wait3A_28 = arith.constant 0 : i32
      %dma_wait3A_29 = arith.constant 0 : i32
      %dma_wait3A_30 = tpu.memref_slice %arg10[%rem3A_25, %dma_wait3A_28, %dma_wait3A_29] : memref<3x768x768xf32, #tpu.memory_space<vmem>> -> memref<1x768x768xf32, #tpu.memory_space<vmem>>
      %dma_wait3A_31 = tpu.memref_squeeze %dma_wait3A_30 : memref<1x768x768xf32, #tpu.memory_space<vmem>> -> memref<768x768xf32, #tpu.memory_space<vmem>>
      %dma_wait3A_32 = arith.constant 0 : i32
      %dma_wait3A_33 = arith.constant 0 : i32
      %dma_wait3A_34 = tpu.memref_slice %arg6[%dma_wait3A, %dma_wait3A_32, %dma_wait3A_33] : memref<16x768x768xf32, #tpu.memory_space<any>> -> memref<1x768x768xf32, #tpu.memory_space<any>>
      %dma_wait3A_35 = tpu.memref_squeeze %dma_wait3A_34 : memref<1x768x768xf32, #tpu.memory_space<any>> -> memref<768x768xf32, #tpu.memory_space<any>>
      tpu.wait_dma2 semaphore(%dma_wait3A_27 : memref<!tpu.dma_semaphore, #tpu.memory_space<semaphore_mem>>) src(%dma_wait3A_35 : memref<768x768xf32, #tpu.memory_space<any>>) dst(%dma_wait3A_31 : memref<768x768xf32, #tpu.memory_space<vmem>>)
      %dma_wait3A_36 = arith.constant 0 : i32
      %dma_wait3A_37 = tpu.memref_slice %arg14[%rem3A_25] : memref<3x!tpu.dma_semaphore, #tpu.memory_space<semaphore_mem>> -> memref<1x!tpu.dma_semaphore, #tpu.memory_space<semaphore_mem>>
      %dma_wait3A_38 = tpu.memref_squeeze %dma_wait3A_37 : memref<1x!tpu.dma_semaphore, #tpu.memory_space<semaphore_mem>> -> memref<!tpu.dma_semaphore, #tpu.memory_space<semaphore_mem>>
      %dma_wait3A_39 = arith.constant 0 : i32
      %dma_wait3A_40 = arith.constant 0 : i32
      %dma_wait3A_41 = tpu.memref_slice %arg11[%rem3A_25, %dma_wait3A_39, %dma_wait3A_40] : memref<3x768x768xf32, #tpu.memory_space<vmem>> -> memref<1x768x768xf32, #tpu.memory_space<vmem>>
      %dma_wait3A_42 = tpu.memref_squeeze %dma_wait3A_41 : memref<1x768x768xf32, #tpu.memory_space<vmem>> -> memref<768x768xf32, #tpu.memory_space<vmem>>
      %dma_wait3A_43 = arith.constant 0 : i32
      %dma_wait3A_44 = arith.constant 0 : i32
      %dma_wait3A_45 = tpu.memref_slice %arg7[%dma_wait3A_36, %dma_wait3A_43, %dma_wait3A_44] : memref<16x768x768xf32, #tpu.memory_space<any>> -> memref<1x768x768xf32, #tpu.memory_space<any>>
      %dma_wait3A_46 = tpu.memref_squeeze %dma_wait3A_45 : memref<1x768x768xf32, #tpu.memory_space<any>> -> memref<768x768xf32, #tpu.memory_space<any>>
      tpu.wait_dma2 semaphore(%dma_wait3A_38 : memref<!tpu.dma_semaphore, #tpu.memory_space<semaphore_mem>>) src(%dma_wait3A_46 : memref<768x768xf32, #tpu.memory_space<any>>) dst(%dma_wait3A_42 : memref<768x768xf32, #tpu.memory_space<vmem>>)
      %dma_wait3A_47 = arith.constant 0 : i32
      %dma_wait3A_48 = tpu.memref_slice %arg15[%rem3A_25] : memref<3x!tpu.dma_semaphore, #tpu.memory_space<semaphore_mem>> -> memref<1x!tpu.dma_semaphore, #tpu.memory_space<semaphore_mem>>
      %dma_wait3A_49 = tpu.memref_squeeze %dma_wait3A_48 : memref<1x!tpu.dma_semaphore, #tpu.memory_space<semaphore_mem>> -> memref<!tpu.dma_semaphore, #tpu.memory_space<semaphore_mem>>
      %dma_wait3A_50 = arith.constant 0 : i32
      %dma_wait3A_51 = arith.constant 0 : i32
      %dma_wait3A_52 = tpu.memref_slice %arg12[%rem3A_25, %dma_wait3A_50, %dma_wait3A_51] : memref<3x768x768xf32, #tpu.memory_space<vmem>> -> memref<1x768x768xf32, #tpu.memory_space<vmem>>
      %dma_wait3A_53 = tpu.memref_squeeze %dma_wait3A_52 : memref<1x768x768xf32, #tpu.memory_space<vmem>> -> memref<768x768xf32, #tpu.memory_space<vmem>>
      %dma_wait3A_54 = arith.constant 0 : i32
      %dma_wait3A_55 = arith.constant 0 : i32
      %dma_wait3A_56 = tpu.memref_slice %arg8[%dma_wait3A_47, %dma_wait3A_54, %dma_wait3A_55] : memref<16x768x768xf32, #tpu.memory_space<any>> -> memref<1x768x768xf32, #tpu.memory_space<any>>
      %dma_wait3A_57 = tpu.memref_squeeze %dma_wait3A_56 : memref<1x768x768xf32, #tpu.memory_space<any>> -> memref<768x768xf32, #tpu.memory_space<any>>
      tpu.wait_dma2 semaphore(%dma_wait3A_49 : memref<!tpu.dma_semaphore, #tpu.memory_space<semaphore_mem>>) src(%dma_wait3A_57 : memref<768x768xf32, #tpu.memory_space<any>>) dst(%dma_wait3A_53 : memref<768x768xf32, #tpu.memory_space<vmem>>)
    } else {
    }
    %get3A_13 = arith.constant 1 : index
    %get3A_14 = memref.load %arg4[%get3A_13] : memref<16xi32, #tpu.memory_space<smem>>
    %lt3A = arith.cmpi slt, %arg0, %get3A_14 : i32
    %convert_element_type3A_15 = arith.extui %lt3A : i1 to i32
    %cond3A_16 = arith.constant 0 : i32
    %cond3A_17 = arith.cmpi ne, %convert_element_type3A_15, %cond3A_16 : i32
    scf.if %cond3A_17 {
      %rem3A = arith.constant 3 : i32
      %rem3A_18 = arith.remsi %get3A_2, %rem3A : i32
      %get3A_19 = arith.constant 0 : index
      %get3A_20 = arith.constant 0 : index
      %get3A_21 = vector.load %arg5[%get3A_19, %get3A_20] : memref<128x768xf32, #tpu.memory_space<vmem>>, vector<128x768xf32>
      %get3A_22 = arith.index_cast %rem3A_18 : i32 to index
      %get3A_23 = arith.constant 0 : index
      %get3A_24 = arith.constant 0 : index
      %get3A_25 = vector.load %arg10[%get3A_22, %get3A_23, %get3A_24] : memref<3x768x768xf32, #tpu.memory_space<vmem>>, vector<1x768x768xf32>
      %get3A_26 = vector.shape_cast %get3A_25 : vector<1x768x768xf32> to vector<768x768xf32>
      %dot_general3A = arith.constant dense<0.000000e+00> : vector<128x768xf32>
      %dot_general3A_27 = tpu.matmul %get3A_21, %get3A_26, %dot_general3A {dimension_numbers = #tpu.dot_dimension_numbers<[1], [1], [0], [0], [0, 0, 1, 0], [], []>, transpose_lhs_hint = false} : vector<128x768xf32>, vector<768x768xf32>, vector<128x768xf32> -> vector<128x768xf32>
      %get3A_28 = arith.index_cast %rem3A_18 : i32 to index
      %get3A_29 = arith.constant 0 : index
      %get3A_30 = arith.constant 0 : index
      %get3A_31 = vector.load %arg12[%get3A_28, %get3A_29, %get3A_30] : memref<3x768x768xf32, #tpu.memory_space<vmem>>, vector<1x768x768xf32>
      %get3A_32 = vector.shape_cast %get3A_31 : vector<1x768x768xf32> to vector<768x768xf32>
      %dot_general3A_33 = arith.constant dense<0.000000e+00> : vector<128x768xf32>
      %dot_general3A_34 = tpu.matmul %get3A_21, %get3A_32, %dot_general3A_33 {dimension_numbers = #tpu.dot_dimension_numbers<[1], [1], [0], [0], [0, 0, 1, 0], [], []>, transpose_lhs_hint = false} : vector<128x768xf32>, vector<768x768xf32>, vector<128x768xf32> -> vector<128x768xf32>
      %logistic3A = arith.negf %dot_general3A_27 : vector<128x768xf32>
      %logistic3A_35 = math.exp %logistic3A : vector<128x768xf32>
      %logistic3A_36 = arith.constant 1.000000e+00 : f32
      %logistic3A_37 = vector.broadcast %logistic3A_36 : f32 to vector<128x768xf32>
      %logistic3A_38 = arith.addf %logistic3A_37, %logistic3A_35 : vector<128x768xf32>
      %logistic3A_39 = arith.divf %logistic3A_37, %logistic3A_38 : vector<128x768xf32>
      %mul3A = arith.mulf %dot_general3A_27, %logistic3A_39 : vector<128x768xf32>
      %mul3A_40 = arith.mulf %mul3A, %dot_general3A_34 : vector<128x768xf32>
      %get3A_41 = arith.index_cast %rem3A_18 : i32 to index
      %get3A_42 = arith.constant 0 : index
      %get3A_43 = arith.constant 0 : index
      %get3A_44 = vector.load %arg11[%get3A_41, %get3A_42, %get3A_43] : memref<3x768x768xf32, #tpu.memory_space<vmem>>, vector<1x768x768xf32>
      %get3A_45 = vector.shape_cast %get3A_44 : vector<1x768x768xf32> to vector<768x768xf32>
      %dot_general3A_46 = arith.constant dense<0.000000e+00> : vector<128x768xf32>
      %dot_general3A_47 = tpu.matmul %mul3A_40, %get3A_45, %dot_general3A_46 {dimension_numbers = #tpu.dot_dimension_numbers<[1], [1], [0], [0], [0, 0, 1, 0], [], []>, transpose_lhs_hint = false} : vector<128x768xf32>, vector<768x768xf32>, vector<128x768xf32> -> vector<128x768xf32>
      %swap3A = arith.constant 0 : index
      %swap3A_48 = arith.constant 0 : index
      %swap3A_49 = vector.load %arg9[%swap3A, %swap3A_48] : memref<128x768xf32, #tpu.memory_space<vmem>>, vector<128x768xf32>
      tpu.vector_store %arg9[%swap3A, %swap3A_48], %dot_general3A_47 {strides = array<i32>} : memref<128x768xf32, #tpu.memory_space<vmem>>, vector<128x768xf32>,
    } else {
    }
    return
  }
  func.func @transform_0(%arg0: i32, %arg1: memref<48xi32, #tpu.memory_space<smem>>, %arg2: memref<48xi32, #tpu.memory_space<smem>>, %arg3: memref<16xi32, #tpu.memory_space<smem>>, %arg4: memref<16xi32, #tpu.memory_space<smem>>) -> (i32, i32) {
    %c0_i32 = arith.constant 0 : i32
    %c0_i32_0 = arith.constant 0 : i32
    return %arg0, %c0_i32 : i32, i32
  }
  func.func @transform_4(%arg0: i32, %arg1: memref<48xi32, #tpu.memory_space<smem>>, %arg2: memref<48xi32, #tpu.memory_space<smem>>, %arg3: memref<16xi32, #tpu.memory_space<smem>>, %arg4: memref<16xi32, #tpu.memory_space<smem>>) -> (i32, i32) {
    %c0_i32 = arith.constant 0 : i32
    %c0_i32_0 = arith.constant 0 : i32
    return %arg0, %c0_i32 : i32, i32
  }
}

module attributes {stable_mosaic.version = 14 : i64} {
  func.func @_k1b_body(%arg0: i32, %arg1: memref<256x768xf32, #tpu.memory_space<vmem>>, %arg2: memref<768x768xf32, #tpu.memory_space<vmem>>, %arg3: memref<768x768xf32, #tpu.memory_space<vmem>>, %arg4: memref<768x768xf32, #tpu.memory_space<vmem>>, %arg5: memref<256x768xf32, #tpu.memory_space<vmem>>) attributes {dimension_semantics = [#tpu.dimension_semantics<arbitrary>], iteration_bounds = array<i64: 8>, scalar_prefetch = 0 : i64, scratch_operands = 0 : i64, tpu.core_type = #tpu.core_type<tc>, window_params = [{transform_indices = @transform_0, window_bounds = array<i64: 256, 768>}, {pipeline_mode = #tpu.pipeline_mode<synchronous>, transform_indices = @transform_1, window_bounds = array<i64: 768, 768>}, {pipeline_mode = #tpu.pipeline_mode<synchronous>, transform_indices = @transform_2, window_bounds = array<i64: 768, 768>}, {pipeline_mode = #tpu.pipeline_mode<synchronous>, transform_indices = @transform_3, window_bounds = array<i64: 768, 768>}, {transform_indices = @transform_4, window_bounds = array<i64: 256, 768>}]} {
    %get3A = arith.constant 0 : index
    %get3A_0 = arith.constant 0 : index
    %get3A_1 = vector.load %arg1[%get3A, %get3A_0] : memref<256x768xf32, #tpu.memory_space<vmem>>, vector<256x768xf32>
    %get3A_2 = arith.constant 0 : index
    %get3A_3 = arith.constant 0 : index
    %get3A_4 = vector.load %arg2[%get3A_2, %get3A_3] : memref<768x768xf32, #tpu.memory_space<vmem>>, vector<768x768xf32>
    %dot_general3A = arith.constant dense<0.000000e+00> : vector<256x768xf32>
    %dot_general3A_5 = tpu.matmul %get3A_1, %get3A_4, %dot_general3A {dimension_numbers = #tpu.dot_dimension_numbers<[1], [1], [0], [0], [0, 0, 1, 0], [], []>, transpose_lhs_hint = false} : vector<256x768xf32>, vector<768x768xf32>, vector<256x768xf32> -> vector<256x768xf32>
    %get3A_6 = arith.constant 0 : index
    %get3A_7 = arith.constant 0 : index
    %get3A_8 = vector.load %arg4[%get3A_6, %get3A_7] : memref<768x768xf32, #tpu.memory_space<vmem>>, vector<768x768xf32>
    %dot_general3A_9 = arith.constant dense<0.000000e+00> : vector<256x768xf32>
    %dot_general3A_10 = tpu.matmul %get3A_1, %get3A_8, %dot_general3A_9 {dimension_numbers = #tpu.dot_dimension_numbers<[1], [1], [0], [0], [0, 0, 1, 0], [], []>, transpose_lhs_hint = false} : vector<256x768xf32>, vector<768x768xf32>, vector<256x768xf32> -> vector<256x768xf32>
    %logistic3A = arith.negf %dot_general3A_5 : vector<256x768xf32>
    %logistic3A_11 = math.exp %logistic3A : vector<256x768xf32>
    %logistic3A_12 = arith.constant 1.000000e+00 : f32
    %logistic3A_13 = vector.broadcast %logistic3A_12 : f32 to vector<256x768xf32>
    %logistic3A_14 = arith.addf %logistic3A_13, %logistic3A_11 : vector<256x768xf32>
    %logistic3A_15 = arith.divf %logistic3A_13, %logistic3A_14 : vector<256x768xf32>
    %mul3A = arith.mulf %dot_general3A_5, %logistic3A_15 : vector<256x768xf32>
    %mul3A_16 = arith.mulf %mul3A, %dot_general3A_10 : vector<256x768xf32>
    %get3A_17 = arith.constant 0 : index
    %get3A_18 = arith.constant 0 : index
    %get3A_19 = vector.load %arg3[%get3A_17, %get3A_18] : memref<768x768xf32, #tpu.memory_space<vmem>>, vector<768x768xf32>
    %dot_general3A_20 = arith.constant dense<0.000000e+00> : vector<256x768xf32>
    %dot_general3A_21 = tpu.matmul %mul3A_16, %get3A_19, %dot_general3A_20 {dimension_numbers = #tpu.dot_dimension_numbers<[1], [1], [0], [0], [0, 0, 1, 0], [], []>, transpose_lhs_hint = false} : vector<256x768xf32>, vector<768x768xf32>, vector<256x768xf32> -> vector<256x768xf32>
    %swap3A = arith.constant 0 : index
    %swap3A_22 = arith.constant 0 : index
    %swap3A_23 = vector.load %arg5[%swap3A, %swap3A_22] : memref<256x768xf32, #tpu.memory_space<vmem>>, vector<256x768xf32>
    tpu.vector_store %arg5[%swap3A, %swap3A_22], %dot_general3A_21 {strides = array<i32>} : memref<256x768xf32, #tpu.memory_space<vmem>>, vector<256x768xf32>,
    return
  }
  func.func @transform_0(%arg0: i32) -> (i32, i32) {
    %c0_i32 = arith.constant 0 : i32
    %c0_i32_0 = arith.constant 0 : i32
    return %arg0, %c0_i32 : i32, i32
  }
  func.func @transform_1(%arg0: i32) -> (i32, i32) {
    %c0_i32 = arith.constant 0 : i32
    %c0_i32_0 = arith.constant 0 : i32
    %c0_i32_1 = arith.constant 0 : i32
    return %c0_i32, %c0_i32_0 : i32, i32
  }
  func.func @transform_2(%arg0: i32) -> (i32, i32) {
    %c0_i32 = arith.constant 0 : i32
    %c0_i32_0 = arith.constant 0 : i32
    %c0_i32_1 = arith.constant 0 : i32
    return %c0_i32, %c0_i32_0 : i32, i32
  }
  func.func @transform_3(%arg0: i32) -> (i32, i32) {
    %c0_i32 = arith.constant 0 : i32
    %c0_i32_0 = arith.constant 0 : i32
    %c0_i32_1 = arith.constant 0 : i32
    return %c0_i32, %c0_i32_0 : i32, i32
  }
  func.func @transform_4(%arg0: i32) -> (i32, i32) {
    %c0_i32 = arith.constant 0 : i32
    %c0_i32_0 = arith.constant 0 : i32
    return %arg0, %c0_i32 : i32, i32
  }
}

module attributes {stable_mosaic.version = 14 : i64} {
  func.func @_k1a_body(%arg0: i32, %arg1: memref<2048x768xf32, #tpu.memory_space<vmem>>, %arg2: memref<16x768xf32, #tpu.memory_space<vmem>>, %arg3: memref<2048x16xf32, #tpu.memory_space<vmem>>) attributes {dimension_semantics = [#tpu.dimension_semantics<arbitrary>], iteration_bounds = array<i64: 1>, scalar_prefetch = 0 : i64, scratch_operands = 0 : i64, tpu.core_type = #tpu.core_type<tc>, window_params = [{pipeline_mode = #tpu.pipeline_mode<synchronous>, transform_indices = @transform_0, window_bounds = array<i64: 2048, 768>}, {pipeline_mode = #tpu.pipeline_mode<synchronous>, transform_indices = @transform_1, window_bounds = array<i64: 16, 768>}, {pipeline_mode = #tpu.pipeline_mode<synchronous>, transform_indices = @transform_2, window_bounds = array<i64: 2048, 16>}]} {
    %get3A = arith.constant 0 : index
    %get3A_0 = arith.constant 0 : index
    %get3A_1 = vector.load %arg1[%get3A, %get3A_0] : memref<2048x768xf32, #tpu.memory_space<vmem>>, vector<2048x768xf32>
    %get3A_2 = arith.constant 0 : index
    %get3A_3 = arith.constant 0 : index
    %get3A_4 = vector.load %arg2[%get3A_2, %get3A_3] : memref<16x768xf32, #tpu.memory_space<vmem>>, vector<16x768xf32>
    %dot_general3A = arith.constant dense<0.000000e+00> : vector<2048x16xf32>
    %dot_general3A_5 = tpu.matmul %get3A_1, %get3A_4, %dot_general3A {dimension_numbers = #tpu.dot_dimension_numbers<[1], [1], [0], [0], [0, 0, 1, 0], [], []>, transpose_lhs_hint = false} : vector<2048x768xf32>, vector<16x768xf32>, vector<2048x16xf32> -> vector<2048x16xf32>
    %swap3A = arith.constant 0 : index
    %swap3A_6 = arith.constant 0 : index
    %swap3A_7 = vector.load %arg3[%swap3A, %swap3A_6] : memref<2048x16xf32, #tpu.memory_space<vmem>>, vector<2048x16xf32>
    tpu.vector_store %arg3[%swap3A, %swap3A_6], %dot_general3A_5 {strides = array<i32>} : memref<2048x16xf32, #tpu.memory_space<vmem>>, vector<2048x16xf32>,
    return
  }
  func.func @transform_0(%arg0: i32) -> (i32, i32) {
    %c0_i32 = arith.constant 0 : i32
    %c0_i32_0 = arith.constant 0 : i32
    %c0_i32_1 = arith.constant 0 : i32
    return %c0_i32, %c0_i32_0 : i32, i32
  }
  func.func @transform_1(%arg0: i32) -> (i32, i32) {
    %c0_i32 = arith.constant 0 : i32
    %c0_i32_0 = arith.constant 0 : i32
    %c0_i32_1 = arith.constant 0 : i32
    return %c0_i32, %c0_i32_0 : i32, i32
  }
  func.func @transform_2(%arg0: i32) -> (i32, i32) {
    %c0_i32 = arith.constant 0 : i32
    %c0_i32_0 = arith.constant 0 : i32
    %c0_i32_1 = arith.constant 0 : i32
    return %c0_i32, %c0_i32_0 : i32, i32
  }
}

</mosaic_0001>

<sc_bundles>
// kernel: kernel.11.cloned.1.call-start
scs
__scs_entry_jumppad:
0x0: {  	(pc) =	sbr.rel $0x88, $3  }
0x1: {  	(tag) =	ssettag $0x0;
	lr =	simm.s32 $0x1  }
0x2: {  	[smem:$0x3F99] =	sst lr;
	_ =	strace $0xD0000000  }
0x3: {  	_ = 	snop  }
0x4: {  	_ = 	snop  }
0x5: {  	_ = 	snop  }
0x6: {  	_ = 	snop  }
0x7: {  	_ = 	snop  }
__scs_overlays_trampoline_lowered:
0x8: {  	[smem:$0x3FA8] =	sst s0  }
0x9: {  	[smem:$0x3FA9] =	sst s1  }
0xa: {  	[smem:$0x3FAA] =	sst s2  }
0xb: {  	[smem:$0x3FAB] =	sst s3  }
0xc: {  	[smem:$0x3FAC] =	sst s4  }
0xd: {  	[smem:$0x3FAD] =	sst s5  }
0xe: {  	[smem:$0x3FAE] =	sst s6  }
0xf: {  	[smem:$0x3FAF] =	sst s7  }
0x10: {  	[smem:$0x3FB0] =	sst s8  }
0x11: {  	[smem:$0x3FB1] =	sst s9;
	s0 =	simm.s32 @!p0 $0x0  }
0x12: {  	s1 =	sld [smem:$0x3F97];
	s0 =	simm.s32 @p0 $0x1  }
0x13: {  	[smem:$0x3FB2] =	sst s0;
	s0 =	simm.s32 @!p1 $0x0  }
0x14: {  	s2 =	sld [smem:$0x3F96];
	s0 =	simm.s32 @p1 $0x1  }
0x15: {  	[smem:$0x3FB3] =	sst s0;
	s0 =	simm.s32 @!p2 $0x0  }
0x16: {  	s3 =	sld [smem:$0x3FDB];
	s0 =	simm.s32 @p2 $0x1  }
0x17: {  	s4 =	simm.s32 $0x1BF5;
	[smem:$0x3FB5] =	sst s0  }
0x18: {  	s0 =	sld [smem:$0x3F98];
	_ =	swait.ge [sflag:s4], $0x0  }
0x19: {  	s7 =	sld [smem:$0x3F99]  }
0x1a: {  	s8 =	sadd.s32 $0xFFFFE003, lr  }
0x1b: {  	s9 =	sadd.s32 $0xFFFFFEF7, lr;
	s5 =	simm.s32 $0xFFFFFFFF;
	p2 =	slt.u32 s8, $0xFFFFF086  }
0x1c: {  	p1 =	slt.u32 s9, $0xF7A;
	s5 =	simm.s32 @!p2 $0x0  }
0x1d: {  	s5 =	simm.s32 @p1 $0x1;
	p0 =	seq.s32 s7, s2  }
0x1e: {  	s7 =	smul.u32 @!p0 $0xF7A, s2;
	p2 =	seq.s32 @!p0 s5, $0x0  }
0x1f: {  	s9 =	smul.u32 $0xF7A, s1;
	s8 =	simm.s32 @!p0 $0x1BF5;
	p2 =	por !p2, p0  }
0x20: {  	[sflag:s8] =	ssyncset.s32 @!p0 $0xFFFFF086;
	s6 =	sadd.s32 @!p0 s3, s7;
	s7 =	simm.s32 @!p0 $0x108  }
0x21: {  	s3 =	sadd.s32 s3, s9;
	s6 =	sadd.s32 @!p0 $0x88, s6;
	s7 =	simm.s32 @p2 $0x1082  }
0x22: {  	[simem:s7], [sflag:s8] =	dma.local @!p0 [hbm:s6], $0xF7A  }
0x23: {  	s9 =	sor.u32 $0xD0000000, s2;
	s6 =	simm.s32 $0x108;
	_ =	swait.ge @!p0 [sflag:s8], $0x0  }
0x24: {  	s3 =	sadd.s32 $0x88, s3;
	s6 =	simm.s32 @!p1 $0x1082;
	[sflag:s4] =	ssyncset.s32 $0xFFFFF086  }
0x25: {  	[simem:s6], [sflag:s4] =	dma.local [hbm:s3], $0xF7A  }
0x26: {  	[smem:$0x3F99] =	sst s1;
	(tag) =	ssettag s2;
	_ =	strace s9  }
0x27: {  	s1 =	sld [smem:$0x3FA9]  }
0x28: {  	s2 =	sld [smem:$0x3FAA]  }
0x29: {  	s4 =	sld [smem:$0x3FAC]  }
0x2a: {  	p0 =	seq.s32 s5, $0x0;
	s5 =	sld [smem:$0x3FAD]  }
0x2b: {  	s6 =	sld [smem:$0x3FAE]  }
0x2c: {  	s7 =	sld [smem:$0x3FAF]  }
0x2d: {  	s3 =	simm.s32 $0x108;
	s8 =	sld [smem:$0x3FB0]  }
0x2e: {  	s3 =	simm.s32 @!p0 $0x1082;
	s9 =	sld [smem:$0x3FB1]  }
0x2f: {  	lr =	sadd.s32 s0, s3;
	s0 =	sld [smem:$0x3FA8]  }
0x30: {  	s3 =	sld [smem:$0x3FAB]  }
0x31: {  	[smem:$0x3FB4] =	sst s10  }
0x32: {  	s10 =	sld [smem:$0x3FB2];
	_ =	sdelay $0x3  }
0x33: {  	p0 =	seq.s32 s10, $0x1;
	s10 =	sld [smem:$0x3FB4];
	_ =	sdelay $0x3  }
0x34: {  	[smem:$0x3FB4] =	sst s10  }
0x35: {  	s10 =	sld [smem:$0x3FB3];
	_ =	sdelay $0x3  }
0x36: {  	p1 =	seq.s32 s10, $0x1;
	s10 =	sld [smem:$0x3FB4];
	_ =	sdelay $0x3  }
0x37: {  	[smem:$0x3FB4] =	sst s10  }
0x38: {  	s10 =	sld [smem:$0x3FB5]  }
0x39: {  	_ = 	snop;
	(pc) =	sbr.ind lr, $3  }
0x3a: {  	_ = 	snop  }
0x3b: {  	_ = 	snop  }
0x3c: {  	p2 =	seq.s32 s10, $0x1;
	s10 =	sld [smem:$0x3FB4]  }
0x3d: {  	_ =	shalt  }
0x3e: {  	_ =	shalt  }
0x3f: {  	_ =	shalt  }
0x40: {  	_ =	shalt  }
0x41: {  	_ =	shalt  }
0x42: {  	_ =	shalt  }
0x43: {  	_ =	shalt  }
0x44: {  	_ =	shalt  }
0x45: {  	_ =	shalt  }
0x46: {  	_ =	shalt  }
0x47: {  	_ =	shalt  }
0x48: {  	_ =	shalt  }
0x49: {  	_ =	shalt  }
0x4a: {  	_ =	shalt  }
0x4b: {  	_ =	shalt  }
0x4c: {  	_ =	shalt  }
0x4d: {  	_ =	shalt  }
0x4e: {  	_ =	shalt  }
0x4f: {  	_ =	shalt  }
0x50: {  	_ =	shalt  }
0x51: {  	_ =	shalt  }
0x52: {  	_ =	shalt  }
0x53: {  	_ =	shalt  }
0x54: {  	_ =	shalt  }
0x55: {  	_ =	shalt  }
0x56: {  	_ =	shalt  }
0x57: {  	_ =	shalt  }
0x58: {  	_ =	shalt  }
0x59: {  	_ =	shalt  }
0x5a: {  	_ =	shalt  }
0x5b: {  	_ =	shalt  }
0x5c: {  	_ =	shalt  }
0x5d: {  	_ =	shalt  }
0x5e: {  	_ =	shalt  }
0x5f: {  	_ =	shalt  }
0x60: {  	_ =	shalt  }
0x61: {  	_ =	shalt  }
0x62: {  	_ =	shalt  }
0x63: {  	_ =	shalt  }
0x64: {  	_ =	shalt  }
0x65: {  	_ =	shalt  }
0x66: {  	_ =	shalt  }
0x67: {  	_ =	shalt  }
0x68: {  	_ =	shalt  }
0x69: {  	_ =	shalt  }
0x6a: {  	_ =	shalt  }
0x6b: {  	_ =	shalt  }
0x6c: {  	_ =	shalt  }
0x6d: {  	_ =	shalt  }
0x6e: {  	_ =	shalt  }
0x6f: {  	_ =	shalt  }
0x70: {  	_ =	shalt  }
0x71: {  	_ =	shalt  }
0x72: {  	_ =	shalt  }
0x73: {  	_ =	shalt  }
0x74: {  	_ =	shalt  }
0x75: {  	_ =	shalt  }
0x76: {  	_ =	shalt  }
0x77: {  	_ =	shalt  }
0x78: {  	_ =	shalt  }
0x79: {  	_ =	shalt  }
0x7a: {  	_ =	shalt  }
0x7b: {  	_ =	shalt  }
0x7c: {  	_ =	shalt  }
0x7d: {  	_ =	shalt  }
0x7e: {  	_ =	shalt  }
0x7f: {  	_ =	shalt  }
0x80: {  	_ =	shalt  }
0x81: {  	_ =	shalt  }
0x82: {  	_ =	shalt  }
0x83: {  	_ =	shalt  }
0x84: {  	_ =	shalt  }
0x85: {  	_ =	shalt  }
0x86: {  	_ =	shalt  }
0x87: {  	_ =	shalt  }
.Lfunc_end0:
.L_simem_size_0:
called_computation.1_lowered:
.L_overlay_start_0:
0x88: {  	s2 =	sld [smem:$0x3FD9]  }
0x89: {  	s3 =	sld [smem:$0x3FFE];
	_ =	sdelay $0x1  }
0x8a: {  	s1 =	srdreg.scid  }
0x8b: {  	s0 =	sand.u32 $0x1, s1  }
0x8c: {  	s17 =	sshll.u32 s0, $0xA;
	s2 =	sadd.s32 s3, s2  }
0x8d: {  	s2 =	sadd.s32 s2, s17  }
0x8e: {  	[smem:$0x3FC0] =	sst s2  }
0x8f: {  	_ = 	snop  }
0x90: {  	s2 =	sld [smem:$0x3FC9];
	(tm) =	ssettm $0x1  }
0x91: {  	s18 =	sld [smem:$0x3FFB];
	_ =	sdelay $0x3  }
0x92: {  	_ =	strace s18  }
0x93: {  	s3 =	sld [smem:$0x3FFC];
	_ =	sdelay $0x3  }
0x94: {  	_ =	strace s3  }
0x95: {  	s3 =	sld [smem:$0x3FFD];
	_ =	sdelay $0x3  }
0x96: {  	_ =	strace s3  }
0x97: {  	_ =	strace $0x8FFFFFFF  }
0x98: {  	s19 =	sld [smem:$0x3FDB];
	_ =	sdelay $0x1  }
0x99: {  	s4 =	simm.s32 $_scs_section_size  }
0x9a: {  	s5 =	simm.s32 $_size__tile_overlayer_lowered;
	s6 =	simm.s32 $_tile_overlayer_lowered  }
0x9b: {  	s22 =	simm.s32 $0x1BFF;
	s21 =	sshll.u32 s6, $0x1;
	s3 =	sadd.s32 s4, s19  }
0x9c: {  	s7 =	simm.s32 $0x0;
	s20 =	sshll.u32 s5, $0x1;
	s5 =	sadd.s32 s21, s3  }
0x9d: {  	[timem:s7], [sflag:s22] =	dma.local [hbm:s5], s20  }
0x9e: {  	_ =	swait.ge [sflag:s22], s20  }
0x9f: {  	s4 =	ssub.s32 $0x0, s20;
	[sflag:s22] =	ssyncset.done $0x0  }
0xa0: {  	[sflag:s22] =	ssyncadd.s32 s4;
	_ =	sdelay $0x1  }
0xa1: {  	s23 =	simm.s32 $0x1B8B  }
0xa2: {  	_ =	swait.ge [sflag:s23], $0x1  }
0xa3: {  	[sflag:s23] =	ssyncset.done $0x0  }
0xa4: {  	s25 =	simm.s32 $0x1B8E;
	s24 =	sld [smem:$0x3FFE];
	[sflag:s23] =	ssyncadd.s32 $0xFFFFFFFF  }
0xa5: {  	s26 =	simm.s32 $execute0_lowered;
	[smem:$0x3FD2] =	sst s25  }
0xa6: {  	s5 =	sshll.u32 s26, $0x1;
	_ =	strace $0x80000049;
	[dreg:$0x1] =	wrdreg $0xFFFFFFFF  }
0xa7: {  	s28 =	simm.s32 $_size_execute0_lowered;
	s3 =	sadd.s32 s3, s5;
	[dreg:$0x0] =	wrdreg $0x0  }
0xa8: {  	s5 =	sshll.u32 s28, $0x1;
	[dreg:$0x2] =	wrdreg s3  }
0xa9: {  	[dreg:$0x3] =	wrdreg s5  }
0xaa: {  	[dreg:$0x4] =	wrdreg $0xC0  }
0xab: {  	_ =	task [dreg:s7], $0x5FFFF  }
0xac: {  	[dreg:$0x1] =	wrdreg $0xFFFFFFFF  }
0xad: {  	[dreg:$0x0] =	wrdreg $0x60  }
0xae: {  	[dreg:$0x2] =	wrdreg s24  }
0xaf: {  	[dreg:$0x3] =	wrdreg s2  }
0xb0: {  	[dreg:$0x4] =	wrdreg $0x9  }
0xb1: {  	_ =	task.clear_ibuf [dreg:s7], $0x5FFFF;
	_ =	strace $0x90000049  }
0xb2: {  	s29 =	simm.s32 $0x9;
	_ =	strace $0x8000004B  }
0xb3: {  	_ =	swait.ge [sflag:s29], $0x1  }
0xb4: {  	[sflag:s29] =	ssyncadd.s32 $0xFFFFFFFF  }
0xb5: {  	_ =	strace $0x9000004B  }
0xb6: {  	_ =	sfence  }
0xb7: {  	s30 =	sld [smem:$0x0];
	_ =	sdelay $0x2  }
0xb8: {  	s31 =	sshll.u32 s1, $0xD;
	s1 =	sshrl.u32 s1, $0x2  }
0xb9: {  	s3 =	sand.u32 $0x4000, s31;
	s1 =	sadd.s32 s1, s30  }
0xba: {  	s0 =	sor.u32 s3, s0;
	s1 =	sshll.u32 s1, $0x11  }
0xbb: {  	s0 =	sor.u32 s1, s0  }
0xbc: {  	s0 =	sadd.s32 $0x8F2B, s0  }
0xbd: {  	[sflag:s0] =	ssyncadd.remote.s32 $0x1  }
0xbe: {  	_ =	sfence.sel $0xFFFF  }
0xbf: {  	[dreg:$0x0] =	wrdreg $0xFFFFFFFF;
	(pc) =	sbr.abs _section_cstart, $3  }
0xc0: {  	[dreg:$0x1] =	wrdreg $0xFFFFFFFF  }
0xc1: {  	_ =	task.clear_ibuf [dreg:s7], $0x2FFFF;
	_ =	strace $0x9FFFFFFF  }
0xc2: {  	(tm) =	ssettm $0x7FFFFFFF  }
0xc3: {  	_ =	shalt  }
tec
execute0_lowered:
.L_overlay_start_1:
0x0: {  	(tag) =	ssettag $0x1  }
0x1: {  	s4 =	rddreg [dreg:$0x0]  }
0x2: {  	s2 =	rddreg [dreg:$0x1];
	s3 =	simm.s32 $0x0  }
0x3: {  	s7 =	simm.s32 $0xD900;
	[smem:$0x7FF] =	sst s3  }
0x4: {  	s8 =	simm.s32 $0xE100;
	_ =	strace $0x8000004A;
	[dreg:$0xb] =	wrdreg s7  }
0x5: {  	s9 =	simm.s32 $0xE900;
	[dreg:$0xc] =	wrdreg s8  }
0x6: {  	s10 =	simm.s32 $0xF100;
	[dreg:$0xd] =	wrdreg s9  }
0x7: {  	s11 =	simm.s32 $0xF900;
	[dreg:$0xe] =	wrdreg s10  }
0x8: {  	s12 =	simm.s32 $0x10100;
	[dreg:$0xf] =	wrdreg s11  }
0x9: {  	s0 =	srdreg.scid;
	s13 =	simm.s32 $0x10900;
	[dreg:$0x10] =	wrdreg s12  }
0xa: {  	s1 =	stileid.u32;
	s14 =	simm.s32 $0x11100;
	[dreg:$0x11] =	wrdreg s13  }
0xb: {  	s15 =	simm.s32 $0x11900;
	s16 =	simm.s32 $0x12900;
	[dreg:$0x12] =	wrdreg s14  }
0xc: {  	s17 =	simm.s32 $0x13100;
	s18 =	simm.s32 $0x13900;
	[dreg:$0x13] =	wrdreg s15  }
0xd: {  	s19 =	simm.s32 $0x14100;
	s20 =	simm.s32 $0x14900;
	[dreg:$0x14] =	wrdreg s16  }
0xe: {  	s21 =	simm.s32 $0x15100;
	s28 =	simm.s32 $0x3100;
	[dreg:$0x15] =	wrdreg s17  }
0xf: {  	s0 =	sand.u32 $0x1, s0;
	s1 =	sshll.u32 s1, $0x1;
	[dreg:$0x16] =	wrdreg s18  }
0x10: {  	s29 =	simm.s32 $0x3900;
	s1 =	sor.u32 s0, s1;
	[dreg:$0x17] =	wrdreg s19  }
0x11: {  	s30 =	simm.s32 $0x4100;
	[dreg:$0x18] =	wrdreg s20;
	s1 =	smul.u32 $0xC0, s1  }
0x12: {  	s31 =	simm.s32 $0x4900;
	s0 =	ssub.s32 $0x2, s0;
	[dreg:$0x19] =	wrdreg s21  }
0x13: {  	s9 =	simm.s32 $0x1;
	s12 =	simm.s32 $0x2;
	s1 =	sshrl.u32 s1, $0x3  }
0x14: {  	s14 =	simm.s32 $0x5;
	s16 =	simm.s32 $0x6;
	s5 =	smul.u32 $0x1800, s1  }
0x15: {  	s21 =	simm.s32 $0x100;
	s6 =	sadd.s32 s1, s4;
	s1 =	smul.u32 $0x300, s1  }
0x16: {  	s4 =	sadd.s32 $0x3E00, s4;
	s6 =	sadd.s32 $0x2E00, s6;
	s5 =	sshrl.u32 s5, $0x3  }
0x17: {  	[dreg:$0x3] =	wrdreg s6;
	s5 =	sadd.s32 s4, s5;
	s4 =	sadd.s32 s4, s1  }
0x18: {  	s11 =	simm.s32 $0x6900;
	s22 =	sadd.s32 $0xC00, s5;
	[dreg:$0x1f] =	wrdreg s4  }
0x19: {  	s13 =	simm.s32 $0x7100;
	s23 =	sadd.s32 $0x1800, s4;
	[dreg:$0x4] =	wrdreg s22  }
0x1a: {  	s15 =	simm.s32 $0x8900;
	s24 =	sadd.s32 $0x2400, s4;
	[dreg:$0x5] =	wrdreg s23  }
0x1b: {  	s17 =	simm.s32 $0x9100;
	s25 =	sadd.s32 $0x3000, s4;
	[dreg:$0x6] =	wrdreg s24  }
0x1c: {  	s18 =	simm.s32 $0x9900;
	s26 =	sadd.s32 $0x3C00, s4;
	[dreg:$0x7] =	wrdreg s25  }
0x1d: {  	s10 =	simm.s32 $0xC100;
	s4 =	simm.s32 $0xC900;
	[dreg:$0x8] =	wrdreg s26  }
0x1e: {  	s6 =	sshrl.u32 s0, $0x1;
	s5 =	simm.s32 $0xD100;
	[dreg:$0x9] =	wrdreg s4  }
0x1f: {  	s0 =	ssub.s32 s0, s6;
	[dreg:$0xa] =	wrdreg s5;
	s22 =	simm.s32 $0x15900  }
0x20: {  	s6 =	sadd.s32 $0x200, s2;
	s23 =	simm.s32 $0x16100;
	[dreg:$0x1a] =	wrdreg s22  }
0x21: {  	s7 =	smax.u32 s0, $0x1;
	s24 =	simm.s32 $0x16900;
	[dreg:$0x1b] =	wrdreg s23  }
0x22: {  	s5 =	sadd.s32 $0x100, s2;
	s25 =	simm.s32 $0x17100;
	[dreg:$0x1c] =	wrdreg s24  }
0x23: {  	v2 =	vlaneseq.u32;
	s26 =	simm.s32 $0x17900;
	s4 =	simm.s32 $0x5900;
	[dreg:$0x1d] =	wrdreg s25  }
0x24: {  	vm0 =	vmmov $0xffff;
	v1 =	vshrl.u32 v2, $0x3;
	[dreg:$0x1e] =	wrdreg s26;
	s22 =	simm.s32 $0x900;
	s23 =	simm.s32 $0x1100  }
0x25: {  	v0 =	vand.u32 $0x7, v2;
	v2 =	vor.u32 $0x8, v2;
	v1 =	vmul.u32 $0x8, v1;
	s24 =	simm.s32 $0x1900;
	s25 =	simm.s32 $0x2100;
	s26 =	simm.s32 $0x2900  }
.LBB2_1:
0x26: {  	s19 =	rddreg [dreg:$0x3];
	s0 =	simm.s32 $0x9  }
0x27: {  	[tilespmem:s3], [sflag:$0x9] =	stream.linear.gather [hbm4b:s19+s3], $0xC0, $0x38;
	[tilespmem:$0x18100] =	vst v63  }
0x28: {  	_ =	swait.ge [sflag:s0], $0xC0  }
0x29: {  	[sflag:s0] =	ssyncset.done $0x0  }
0x2a: {  	[sflag:s0] =	ssyncadd.s32 $0xFFFFFF40  }
0x2b: {  	v3 =	vld [tilespmem:$0x0];
	_ =	sdelay $0x4  }
0x2c: {  	v4 =	vshrl.u32 v3, $0x3  }
0x2d: {  	v4 =	vmul.u32 $0x30, v4  }
0x2e: {  	v3 =	vand.u32 $0x7, v3  }
0x2f: {  	v3 =	vor.u32 v3, v4  }
0x30: {  	v4 =	vperm.xlane v3, v0;
	_ =	sdelay $0x1  }
0x31: {  	v4 =	vadd.s32 v1, v4;
	_ =	sdelay $0x3  }
0x32: {  	v3 =	vperm.xlane v3, v2  }
0x33: {  	[tilespmem:s21], [sflag:$0x1] =	stream.indirect_vreg.gather [hbm4b:s2+s3], $0x80, v4, vm0, $0xb8;
	[tilespmem:$0x18100] =	vst v63  }
0x34: {  	v3 =	vadd.s32 v1, v3  }
0x35: {  	[tilespmem:s22], [sflag:$0x1] =	stream.indirect_vreg.gather [hbm4b:s5+s3], $0x80, v4, vm0, $0xb8;
	[tilespmem:$0x18100] =	vst v63  }
0x36: {  	_ = 	snop  }
0x37: {  	[tilespmem:s23], [sflag:$0x1] =	stream.indirect_vreg.gather [hbm4b:s6+s3], $0x80, v4, vm0, $0xb8;
	[tilespmem:$0x18100] =	vst v63  }
0x38: {  	_ = 	snop  }
0x39: {  	[tilespmem:s24], [sflag:$0x1] =	stream.indirect_vreg.gather [hbm4b:s2+s3], $0x80, v3, vm0, $0xb8;
	[tilespmem:$0x18100] =	vst v63  }
0x3a: {  	_ = 	snop  }
0x3b: {  	[tilespmem:s25], [sflag:$0x1] =	stream.indirect_vreg.gather [hbm4b:s5+s3], $0x80, v3, vm0, $0xb8;
	[tilespmem:$0x18100] =	vst v63  }
0x3c: {  	_ = 	snop  }
0x3d: {  	[tilespmem:s26], [sflag:$0x1] =	stream.indirect_vreg.gather [hbm4b:s6+s3], $0x80, v3, vm0, $0xb8;
	[tilespmem:$0x18100] =	vst v63  }
0x3e: {  	v3 =	vld [tilespmem:$0x10];
	_ =	sdelay $0x4  }
0x3f: {  	v53 =	vshrl.u32 v3, $0x3  }
0x40: {  	v4 =	vmul.u32 $0x30, v53  }
0x41: {  	v3 =	vand.u32 $0x7, v3  }
0x42: {  	v3 =	vor.u32 v3, v4  }
0x43: {  	v4 =	vperm.xlane v3, v0;
	_ =	sdelay $0x1  }
0x44: {  	v4 =	vadd.s32 v1, v4;
	_ =	sdelay $0x3  }
0x45: {  	v3 =	vperm.xlane v3, v2  }
0x46: {  	[tilespmem:s28], [sflag:$0x1] =	stream.indirect_vreg.gather [hbm4b:s2+s3], $0x80, v4, vm0, $0xb8;
	[tilespmem:$0x18100] =	vst v63  }
0x47: {  	v3 =	vadd.s32 v1, v3  }
0x48: {  	[tilespmem:s29], [sflag:$0x1] =	stream.indirect_vreg.gather [hbm4b:s5+s3], $0x80, v4, vm0, $0xb8;
	[tilespmem:$0x18100] =	vst v63  }
0x49: {  	_ = 	snop  }
0x4a: {  	[tilespmem:s30], [sflag:$0x1] =	stream.indirect_vreg.gather [hbm4b:s6+s3], $0x80, v4, vm0, $0xb8;
	[tilespmem:$0x18100] =	vst v63  }
0x4b: {  	_ = 	snop  }
0x4c: {  	[tilespmem:s31], [sflag:$0x1] =	stream.indirect_vreg.gather [hbm4b:s2+s3], $0x80, v3, vm0, $0xb8;
	[tilespmem:$0x18100] =	vst v63  }
0x4d: {  	s1 =	simm.s32 $0x5100  }
0x4e: {  	[tilespmem:s1], [sflag:$0x1] =	stream.indirect_vreg.gather [hbm4b:s5+s3], $0x80, v3, vm0, $0xb8;
	[tilespmem:$0x18100] =	vst v63  }
0x4f: {  	_ = 	snop  }
0x50: {  	[tilespmem:s4], [sflag:$0x1] =	stream.indirect_vreg.gather [hbm4b:s6+s3], $0x80, v3, vm0, $0xb8;
	[tilespmem:$0x18100] =	vst v63  }
0x51: {  	v3 =	vld [tilespmem:$0x20];
	_ =	sdelay $0x4  }
0x52: {  	v54 =	vshrl.u32 v3, $0x3  }
0x53: {  	v4 =	vmul.u32 $0x30, v54  }
0x54: {  	v3 =	vand.u32 $0x7, v3  }
0x55: {  	v3 =	vor.u32 v3, v4  }
0x56: {  	v4 =	vperm.xlane v3, v0;
	_ =	sdelay $0x1  }
0x57: {  	v4 =	vadd.s32 v1, v4;
	_ =	sdelay $0x3  }
0x58: {  	s0 =	simm.s32 $0x6100;
	v3 =	vperm.xlane v3, v2  }
0x59: {  	[tilespmem:s0], [sflag:$0x2] =	stream.indirect_vreg.gather [hbm4b:s2+s3], $0x80, v4, vm0, $0xb8;
	[tilespmem:$0x18100] =	vst v63  }
0x5a: {  	v3 =	vadd.s32 v1, v3  }
0x5b: {  	[tilespmem:s11], [sflag:$0x2] =	stream.indirect_vreg.gather [hbm4b:s5+s3], $0x80, v4, vm0, $0xb8;
	[tilespmem:$0x18100] =	vst v63  }
0x5c: {  	_ = 	snop  }
0x5d: {  	[tilespmem:s13], [sflag:$0x2] =	stream.indirect_vreg.gather [hbm4b:s6+s3], $0x80, v4, vm0, $0xb8;
	[tilespmem:$0x18100] =	vst v63  }
0x5e: {  	s8 =	simm.s32 $0x7900  }
0x5f: {  	[tilespmem:s8], [sflag:$0x2] =	stream.indirect_vreg.gather [hbm4b:s2+s3], $0x80, v3, vm0, $0xb8;
	[tilespmem:$0x18100] =	vst v63  }
0x60: {  	s19 =	simm.s32 $0x8100  }
0x61: {  	[tilespmem:s19], [sflag:$0x2] =	stream.indirect_vreg.gather [hbm4b:s5+s3], $0x80, v3, vm0, $0xb8;
	[tilespmem:$0x18100] =	vst v63  }
0x62: {  	_ = 	snop  }
0x63: {  	[tilespmem:s15], [sflag:$0x2] =	stream.indirect_vreg.gather [hbm4b:s6+s3], $0x80, v3, vm0, $0xb8;
	[tilespmem:$0x18100] =	vst v63  }
0x64: {  	v3 =	vld [tilespmem:$0x30];
	_ =	sdelay $0x4  }
0x65: {  	v55 =	vshrl.u32 v3, $0x3  }
0x66: {  	v4 =	vmul.u32 $0x30, v55  }
0x67: {  	v3 =	vand.u32 $0x7, v3  }
0x68: {  	v3 =	vor.u32 v3, v4  }
0x69: {  	v4 =	vperm.xlane v3, v0;
	_ =	sdelay $0x1  }
0x6a: {  	v4 =	vadd.s32 v1, v4;
	_ =	sdelay $0x3  }
0x6b: {  	v3 =	vperm.xlane v3, v2  }
0x6c: {  	[tilespmem:s17], [sflag:$0x2] =	stream.indirect_vreg.gather [hbm4b:s2+s3], $0x80, v4, vm0, $0xb8;
	[tilespmem:$0x18100] =	vst v63  }
0x6d: {  	v3 =	vadd.s32 v1, v3  }
0x6e: {  	[tilespmem:s18], [sflag:$0x2] =	stream.indirect_vreg.gather [hbm4b:s5+s3], $0x80, v4, vm0, $0xb8;
	[tilespmem:$0x18100] =	vst v63  }
0x6f: {  	s20 =	simm.s32 $0xA100  }
0x70: {  	[tilespmem:s20], [sflag:$0x2] =	stream.indirect_vreg.gather [hbm4b:s6+s3], $0x80, v4, vm0, $0xb8;
	[tilespmem:$0x18100] =	vst v63  }
0x71: {  	s19 =	simm.s32 $0xA900  }
0x72: {  	[tilespmem:s19], [sflag:$0x2] =	stream.indirect_vreg.gather [hbm4b:s2+s3], $0x80, v3, vm0, $0xb8;
	[tilespmem:$0x18100] =	vst v63  }
0x73: {  	s20 =	simm.s32 $0xB100  }
0x74: {  	[tilespmem:s20], [sflag:$0x2] =	stream.indirect_vreg.gather [hbm4b:s5+s3], $0x80, v3, vm0, $0xb8;
	[tilespmem:$0x18100] =	vst v63  }
0x75: {  	s19 =	simm.s32 $0xB900  }
0x76: {  	[tilespmem:s19], [sflag:$0x2] =	stream.indirect_vreg.gather [hbm4b:s6+s3], $0x80, v3, vm0, $0xb8;
	[tilespmem:$0x18100] =	vst v63  }
0x77: {  	_ =	swait.ge [sflag:s9], $0x6000  }
0x78: {  	[sflag:s9] =	ssyncset.done $0x0  }
0x79: {  	s20 =	rddreg [dreg:$0x1f];
	[sflag:s9] =	ssyncadd.s32 $0xFFFFA000  }
0x7a: {  	[hbm4b:s20+s3] =	stream.linear.scatter [tilespmem:s21], [sflag:$0x5], $0x6000, $0x38;
	[tilespmem:$0x18100] =	vst v63  }
0x7b: {  	v3 =	vld [tilespmem:$0x40];
	_ =	sdelay $0x4  }
0x7c: {  	v56 =	vshrl.u32 v3, $0x3  }
0x7d: {  	v4 =	vmul.u32 $0x30, v56  }
0x7e: {  	v3 =	vand.u32 $0x7, v3  }
0x7f: {  	v3 =	vor.u32 v3, v4  }
0x80: {  	v4 =	vperm.xlane v3, v0;
	_ =	sdelay $0x1  }
0x81: {  	v4 =	vadd.s32 v1, v4;
	_ =	sdelay $0x3  }
0x82: {  	v3 =	vperm.xlane v3, v2  }
0x83: {  	[tilespmem:s10], [sflag:$0x3] =	stream.indirect_vreg.gather [hbm4b:s2+s3], $0x80, v4, vm0, $0xb8;
	[tilespmem:$0x18100] =	vst v63  }
0x84: {  	s8 =	rddreg [dreg:$0x9];
	v3 =	vadd.s32 v1, v3  }
0x85: {  	[tilespmem:s8], [sflag:$0x3] =	stream.indirect_vreg.gather [hbm4b:s5+s3], $0x80, v4, vm0, $0xb8;
	[tilespmem:$0x18100] =	vst v63  }
0x86: {  	s20 =	rddreg [dreg:$0xa]  }
0x87: {  	[tilespmem:s20], [sflag:$0x3] =	stream.indirect_vreg.gather [hbm4b:s6+s3], $0x80, v4, vm0, $0xb8;
	[tilespmem:$0x18100] =	vst v63  }
0x88: {  	s8 =	rddreg [dreg:$0xb]  }
0x89: {  	[tilespmem:s8], [sflag:$0x3] =	stream.indirect_vreg.gather [hbm4b:s2+s3], $0x80, v3, vm0, $0xb8;
	[tilespmem:$0x18100] =	vst v63  }
0x8a: {  	s20 =	rddreg [dreg:$0xc]  }
0x8b: {  	[tilespmem:s20], [sflag:$0x3] =	stream.indirect_vreg.gather [hbm4b:s5+s3], $0x80, v3, vm0, $0xb8;
	[tilespmem:$0x18100] =	vst v63  }
0x8c: {  	s8 =	rddreg [dreg:$0xd]  }
0x8d: {  	[tilespmem:s8], [sflag:$0x3] =	stream.indirect_vreg.gather [hbm4b:s6+s3], $0x80, v3, vm0, $0xb8;
	[tilespmem:$0x18100] =	vst v63  }
0x8e: {  	v3 =	vld [tilespmem:$0x50];
	_ =	sdelay $0x4  }
0x8f: {  	v57 =	vshrl.u32 v3, $0x3  }
0x90: {  	v4 =	vmul.u32 $0x30, v57  }
0x91: {  	v3 =	vand.u32 $0x7, v3  }
0x92: {  	v3 =	vor.u32 v3, v4  }
0x93: {  	v4 =	vperm.xlane v3, v0;
	_ =	sdelay $0x1  }
0x94: {  	v4 =	vadd.s32 v1, v4;
	_ =	sdelay $0x3  }
0x95: {  	s20 =	rddreg [dreg:$0xe];
	v3 =	vperm.xlane v3, v2  }
0x96: {  	[tilespmem:s20], [sflag:$0x3] =	stream.indirect_vreg.gather [hbm4b:s2+s3], $0x80, v4, vm0, $0xb8;
	[tilespmem:$0x18100] =	vst v63  }
0x97: {  	s8 =	rddreg [dreg:$0xf];
	v3 =	vadd.s32 v1, v3  }
0x98: {  	[tilespmem:s8], [sflag:$0x3] =	stream.indirect_vreg.gather [hbm4b:s5+s3], $0x80, v4, vm0, $0xb8;
	[tilespmem:$0x18100] =	vst v63  }
0x99: {  	s19 =	rddreg [dreg:$0x10]  }
0x9a: {  	[tilespmem:s19], [sflag:$0x3] =	stream.indirect_vreg.gather [hbm4b:s6+s3], $0x80, v4, vm0, $0xb8;
	[tilespmem:$0x18100] =	vst v63  }
0x9b: {  	s8 =	rddreg [dreg:$0x11]  }
0x9c: {  	[tilespmem:s8], [sflag:$0x3] =	stream.indirect_vreg.gather [hbm4b:s2+s3], $0x80, v3, vm0, $0xb8;
	[tilespmem:$0x18100] =	vst v63  }
0x9d: {  	s19 =	rddreg [dreg:$0x12]  }
0x9e: {  	[tilespmem:s19], [sflag:$0x3] =	stream.indirect_vreg.gather [hbm4b:s5+s3], $0x80, v3, vm0, $0xb8;
	[tilespmem:$0x18100] =	vst v63  }
0x9f: {  	s8 =	rddreg [dreg:$0x13]  }
0xa0: {  	[tilespmem:s8], [sflag:$0x3] =	stream.indirect_vreg.gather [hbm4b:s6+s3], $0x80, v3, vm0, $0xb8;
	[tilespmem:$0x18100] =	vst v63  }
0xa1: {  	_ =	swait.ge [sflag:s12], $0x6000  }
0xa2: {  	[sflag:s12] =	ssyncset.done $0x0  }
0xa3: {  	s8 =	rddreg [dreg:$0x4];
	[sflag:s12] =	ssyncadd.s32 $0xFFFFA000  }
0xa4: {  	[hbm4b:s8+s3] =	stream.linear.scatter [tilespmem:s0], [sflag:$0x6], $0x6000, $0x38;
	[tilespmem:$0x18100] =	vst v63  }
0xa5: {  	v3 =	vld [tilespmem:$0x60];
	_ =	sdelay $0x4  }
0xa6: {  	v58 =	vshrl.u32 v3, $0x3  }
0xa7: {  	v4 =	vmul.u32 $0x30, v58  }
0xa8: {  	v3 =	vand.u32 $0x7, v3  }
0xa9: {  	v3 =	vor.u32 v3, v4  }
0xaa: {  	v4 =	vperm.xlane v3, v0;
	_ =	sdelay $0x1  }
0xab: {  	v4 =	vadd.s32 v1, v4;
	_ =	sdelay $0x3  }
0xac: {  	s8 =	simm.s32 $0x12100;
	v3 =	vperm.xlane v3, v2  }
0xad: {  	[tilespmem:s8], [sflag:$0x4] =	stream.indirect_vreg.gather [hbm4b:s2+s3], $0x80, v4, vm0, $0xb8;
	[tilespmem:$0x18100] =	vst v63  }
0xae: {  	s19 =	rddreg [dreg:$0x14];
	v3 =	vadd.s32 v1, v3  }
0xaf: {  	[tilespmem:s19], [sflag:$0x4] =	stream.indirect_vreg.gather [hbm4b:s5+s3], $0x80, v4, vm0, $0xb8;
	[tilespmem:$0x18100] =	vst v63  }
0xb0: {  	s20 =	rddreg [dreg:$0x15]  }
0xb1: {  	[tilespmem:s20], [sflag:$0x4] =	stream.indirect_vreg.gather [hbm4b:s6+s3], $0x80, v4, vm0, $0xb8;
	[tilespmem:$0x18100] =	vst v63  }
0xb2: {  	s19 =	rddreg [dreg:$0x16]  }
0xb3: {  	[tilespmem:s19], [sflag:$0x4] =	stream.indirect_vreg.gather [hbm4b:s2+s3], $0x80, v3, vm0, $0xb8;
	[tilespmem:$0x18100] =	vst v63  }
0xb4: {  	s20 =	rddreg [dreg:$0x17]  }
0xb5: {  	[tilespmem:s20], [sflag:$0x4] =	stream.indirect_vreg.gather [hbm4b:s5+s3], $0x80, v3, vm0, $0xb8;
	[tilespmem:$0x18100] =	vst v63  }
0xb6: {  	s19 =	rddreg [dreg:$0x18]  }
0xb7: {  	[tilespmem:s19], [sflag:$0x4] =	stream.indirect_vreg.gather [hbm4b:s6+s3], $0x80, v3, vm0, $0xb8;
	[tilespmem:$0x18100] =	vst v63  }
0xb8: {  	v3 =	vld [tilespmem:$0x70];
	_ =	sdelay $0x4  }
0xb9: {  	v59 =	vshrl.u32 v3, $0x3  }
0xba: {  	v4 =	vmul.u32 $0x30, v59  }
0xbb: {  	v3 =	vand.u32 $0x7, v3  }
0xbc: {  	v3 =	vor.u32 v3, v4  }
0xbd: {  	v4 =	vperm.xlane v3, v0;
	_ =	sdelay $0x1  }
0xbe: {  	v4 =	vadd.s32 v1, v4;
	_ =	sdelay $0x3  }
0xbf: {  	s19 =	rddreg [dreg:$0x19];
	v3 =	vperm.xlane v3, v2  }
0xc0: {  	[tilespmem:s19], [sflag:$0x4] =	stream.indirect_vreg.gather [hbm4b:s2+s3], $0x80, v4, vm0, $0xb8;
	[tilespmem:$0x18100] =	vst v63  }
0xc1: {  	s20 =	rddreg [dreg:$0x1a];
	v3 =	vadd.s32 v1, v3  }
0xc2: {  	[tilespmem:s20], [sflag:$0x4] =	stream.indirect_vreg.gather [hbm4b:s5+s3], $0x80, v4, vm0, $0xb8;
	[tilespmem:$0x18100] =	vst v63  }
0xc3: {  	s19 =	rddreg [dreg:$0x1b]  }
0xc4: {  	[tilespmem:s19], [sflag:$0x4] =	stream.indirect_vreg.gather [hbm4b:s6+s3], $0x80, v4, vm0, $0xb8;
	[tilespmem:$0x18100] =	vst v63  }
0xc5: {  	s20 =	rddreg [dreg:$0x1c]  }
0xc6: {  	[tilespmem:s20], [sflag:$0x4] =	stream.indirect_vreg.gather [hbm4b:s2+s3], $0x80, v3, vm0, $0xb8;
	[tilespmem:$0x18100] =	vst v63  }
0xc7: {  	s19 =	rddreg [dreg:$0x1d]  }
0xc8: {  	[tilespmem:s19], [sflag:$0x4] =	stream.indirect_vreg.gather [hbm4b:s5+s3], $0x80, v3, vm0, $0xb8;
	[tilespmem:$0x18100] =	vst v63  }
0xc9: {  	s20 =	rddreg [dreg:$0x1e]  }
0xca: {  	[tilespmem:s20], [sflag:$0x4] =	stream.indirect_vreg.gather [hbm4b:s6+s3], $0x80, v3, vm0, $0xb8;
	[tilespmem:$0x18100] =	vst v63  }
0xcb: {  	s20 =	simm.s32 $0x3  }
0xcc: {  	_ =	swait.ge [sflag:s20], $0x6000  }
0xcd: {  	[sflag:s20] =	ssyncset.done $0x0  }
0xce: {  	s19 =	rddreg [dreg:$0x5];
	[sflag:s20] =	ssyncadd.s32 $0xFFFFA000  }
0xcf: {  	[hbm4b:s19+s3] =	stream.linear.scatter [tilespmem:s10], [sflag:$0x7], $0x6000, $0x38;
	[tilespmem:$0x18100] =	vst v63  }
0xd0: {  	_ =	swait.ge [sflag:s14], $0x6000  }
0xd1: {  	[sflag:s14] =	ssyncset.done $0x0  }
0xd2: {  	[sflag:s14] =	ssyncadd.s32 $0xFFFFA000  }
0xd3: {  	v3 =	vld [tilespmem:$0x80];
	_ =	sdelay $0x4  }
0xd4: {  	v60 =	vshrl.u32 v3, $0x3  }
0xd5: {  	v4 =	vmul.u32 $0x30, v60  }
0xd6: {  	v3 =	vand.u32 $0x7, v3  }
0xd7: {  	v3 =	vor.u32 v3, v4  }
0xd8: {  	v4 =	vperm.xlane v3, v0;
	_ =	sdelay $0x1  }
0xd9: {  	v4 =	vadd.s32 v1, v4;
	_ =	sdelay $0x3  }
0xda: {  	v3 =	vperm.xlane v3, v2  }
0xdb: {  	[tilespmem:s21], [sflag:$0x1] =	stream.indirect_vreg.gather [hbm4b:s2+s3], $0x80, v4, vm0, $0xb8;
	[tilespmem:$0x18100] =	vst v63  }
0xdc: {  	v3 =	vadd.s32 v1, v3  }
0xdd: {  	[tilespmem:s22], [sflag:$0x1] =	stream.indirect_vreg.gather [hbm4b:s5+s3], $0x80, v4, vm0, $0xb8;
	[tilespmem:$0x18100] =	vst v63  }
0xde: {  	_ = 	snop  }
0xdf: {  	[tilespmem:s23], [sflag:$0x1] =	stream.indirect_vreg.gather [hbm4b:s6+s3], $0x80, v4, vm0, $0xb8;
	[tilespmem:$0x18100] =	vst v63  }
0xe0: {  	_ = 	snop  }
0xe1: {  	[tilespmem:s24], [sflag:$0x1] =	stream.indirect_vreg.gather [hbm4b:s2+s3], $0x80, v3, vm0, $0xb8;
	[tilespmem:$0x18100] =	vst v63  }
0xe2: {  	_ = 	snop  }
0xe3: {  	[tilespmem:s25], [sflag:$0x1] =	stream.indirect_vreg.gather [hbm4b:s5+s3], $0x80, v3, vm0, $0xb8;
	[tilespmem:$0x18100] =	vst v63  }
0xe4: {  	_ = 	snop  }
0xe5: {  	[tilespmem:s26], [sflag:$0x1] =	stream.indirect_vreg.gather [hbm4b:s6+s3], $0x80, v3, vm0, $0xb8;
	[tilespmem:$0x18100] =	vst v63  }
0xe6: {  	v3 =	vld [tilespmem:$0x90];
	_ =	sdelay $0x4  }
0xe7: {  	v61 =	vshrl.u32 v3, $0x3  }
0xe8: {  	v4 =	vmul.u32 $0x30, v61  }
0xe9: {  	v3 =	vand.u32 $0x7, v3  }
0xea: {  	v3 =	vor.u32 v3, v4  }
0xeb: {  	v4 =	vperm.xlane v3, v0;
	_ =	sdelay $0x1  }
0xec: {  	v4 =	vadd.s32 v1, v4;
	_ =	sdelay $0x3  }
0xed: {  	v3 =	vperm.xlane v3, v2  }
0xee: {  	[tilespmem:s28], [sflag:$0x1] =	stream.indirect_vreg.gather [hbm4b:s2+s3], $0x80, v4, vm0, $0xb8;
	[tilespmem:$0x18100] =	vst v63  }
0xef: {  	v3 =	vadd.s32 v1, v3  }
0xf0: {  	[tilespmem:s29], [sflag:$0x1] =	stream.indirect_vreg.gather [hbm4b:s5+s3], $0x80, v4, vm0, $0xb8;
	[tilespmem:$0x18100] =	vst v63  }
0xf1: {  	_ = 	snop  }
0xf2: {  	[tilespmem:s30], [sflag:$0x1] =	stream.indirect_vreg.gather [hbm4b:s6+s3], $0x80, v4, vm0, $0xb8;
	[tilespmem:$0x18100] =	vst v63  }
0xf3: {  	_ = 	snop  }
0xf4: {  	[tilespmem:s31], [sflag:$0x1] =	stream.indirect_vreg.gather [hbm4b:s2+s3], $0x80, v3, vm0, $0xb8;
	[tilespmem:$0x18100] =	vst v63  }
0xf5: {  	_ = 	snop  }
0xf6: {  	[tilespmem:s1], [sflag:$0x1] =	stream.indirect_vreg.gather [hbm4b:s5+s3], $0x80, v3, vm0, $0xb8;
	[tilespmem:$0x18100] =	vst v63  }
0xf7: {  	s19 =	simm.s32 $0x4  }
0xf8: {  	[tilespmem:s4], [sflag:$0x1] =	stream.indirect_vreg.gather [hbm4b:s6+s3], $0x80, v3, vm0, $0xb8;
	[tilespmem:$0x18100] =	vst v63  }
0xf9: {  	_ =	swait.ge [sflag:s19], $0x6000  }
0xfa: {  	[sflag:s19] =	ssyncset.done $0x0  }
0xfb: {  	s20 =	rddreg [dreg:$0x6];
	[sflag:s19] =	ssyncadd.s32 $0xFFFFA000  }
0xfc: {  	[hbm4b:s20+s3] =	stream.linear.scatter [tilespmem:s8], [sflag:$0x8], $0x6000, $0x38;
	[tilespmem:$0x18100] =	vst v63  }
0xfd: {  	_ =	swait.ge [sflag:s16], $0x6000  }
0xfe: {  	[sflag:s16] =	ssyncset.done $0x0  }
0xff: {  	[sflag:s16] =	ssyncadd.s32 $0xFFFFA000  }
0x100: {  	v3 =	vld [tilespmem:$0xA0];
	_ =	sdelay $0x4  }
0x101: {  	v62 =	vshrl.u32 v3, $0x3  }
0x102: {  	v4 =	vmul.u32 $0x30, v62  }
0x103: {  	v3 =	vand.u32 $0x7, v3  }
0x104: {  	v3 =	vor.u32 v3, v4  }
0x105: {  	v4 =	vperm.xlane v3, v0;
	_ =	sdelay $0x1  }
0x106: {  	v4 =	vadd.s32 v1, v4;
	_ =	sdelay $0x3  }
0x107: {  	v3 =	vperm.xlane v3, v2  }
0x108: {  	[tilespmem:s0], [sflag:$0x2] =	stream.indirect_vreg.gather [hbm4b:s2+s3], $0x80, v4, vm0, $0xb8;
	[tilespmem:$0x18100] =	vst v63  }
0x109: {  	v3 =	vadd.s32 v1, v3  }
0x10a: {  	[tilespmem:s11], [sflag:$0x2] =	stream.indirect_vreg.gather [hbm4b:s5+s3], $0x80, v4, vm0, $0xb8;
	[tilespmem:$0x18100] =	vst v63  }
0x10b: {  	_ = 	snop  }
0x10c: {  	[tilespmem:s13], [sflag:$0x2] =	stream.indirect_vreg.gather [hbm4b:s6+s3], $0x80, v4, vm0, $0xb8;
	[tilespmem:$0x18100] =	vst v63  }
0x10d: {  	s8 =	simm.s32 $0x7900  }
0x10e: {  	[tilespmem:s8], [sflag:$0x2] =	stream.indirect_vreg.gather [hbm4b:s2+s3], $0x80, v3, vm0, $0xb8;
	[tilespmem:$0x18100] =	vst v63  }
0x10f: {  	s19 =	simm.s32 $0x8100  }
0x110: {  	[tilespmem:s19], [sflag:$0x2] =	stream.indirect_vreg.gather [hbm4b:s5+s3], $0x80, v3, vm0, $0xb8;
	[tilespmem:$0x18100] =	vst v63  }
0x111: {  	_ = 	snop  }
0x112: {  	[tilespmem:s15], [sflag:$0x2] =	stream.indirect_vreg.gather [hbm4b:s6+s3], $0x80, v3, vm0, $0xb8;
	[tilespmem:$0x18100] =	vst v63  }
0x113: {  	v3 =	vld [tilespmem:$0xB0];
	_ =	sdelay $0x4  }
0x114: {  	v63 =	vshrl.u32 v3, $0x3  }
0x115: {  	v4 =	vmul.u32 $0x30, v63  }
0x116: {  	v3 =	vand.u32 $0x7, v3  }
0x117: {  	v3 =	vor.u32 v3, v4  }
0x118: {  	v4 =	vperm.xlane v3, v0;
	_ =	sdelay $0x1  }
0x119: {  	v4 =	vadd.s32 v1, v4;
	_ =	sdelay $0x3  }
0x11a: {  	v3 =	vperm.xlane v3, v2  }
0x11b: {  	[tilespmem:s17], [sflag:$0x2] =	stream.indirect_vreg.gather [hbm4b:s2+s3], $0x80, v4, vm0, $0xb8;
	[tilespmem:$0x18100] =	vst v63  }
0x11c: {  	v3 =	vadd.s32 v1, v3  }
0x11d: {  	[tilespmem:s18], [sflag:$0x2] =	stream.indirect_vreg.gather [hbm4b:s5+s3], $0x80, v4, vm0, $0xb8;
	[tilespmem:$0x18100] =	vst v63  }
0x11e: {  	s20 =	simm.s32 $0xA100  }
0x11f: {  	[tilespmem:s20], [sflag:$0x2] =	stream.indirect_vreg.gather [hbm4b:s6+s3], $0x80, v4, vm0, $0xb8;
	[tilespmem:$0x18100] =	vst v63  }
0x120: {  	s8 =	simm.s32 $0xA900  }
0x121: {  	[tilespmem:s8], [sflag:$0x2] =	stream.indirect_vreg.gather [hbm4b:s2+s3], $0x80, v3, vm0, $0xb8;
	[tilespmem:$0x18100] =	vst v63  }
0x122: {  	s19 =	simm.s32 $0xB100  }
0x123: {  	[tilespmem:s19], [sflag:$0x2] =	stream.indirect_vreg.gather [hbm4b:s5+s3], $0x80, v3, vm0, $0xb8;
	[tilespmem:$0x18100] =	vst v63  }
0x124: {  	s20 =	simm.s32 $0xB900  }
0x125: {  	[tilespmem:s20], [sflag:$0x2] =	stream.indirect_vreg.gather [hbm4b:s6+s3], $0x80, v3, vm0, $0xb8;
	[tilespmem:$0x18100] =	vst v63  }
0x126: {  	_ =	swait.ge [sflag:s9], $0x6000  }
0x127: {  	[sflag:s9] =	ssyncset.done $0x0  }
0x128: {  	s1 =	rddreg [dreg:$0x7];
	[sflag:s9] =	ssyncadd.s32 $0xFFFFA000  }
0x129: {  	[hbm4b:s1+s3] =	stream.linear.scatter [tilespmem:s21], [sflag:$0x5], $0x6000, $0x38;
	[tilespmem:$0x18100] =	vst v63  }
0x12a: {  	_ =	swait.ge [sflag:s12], $0x6000  }
0x12b: {  	[sflag:s12] =	ssyncset.done $0x0  }
0x12c: {  	s19 =	simm.s32 $0x7;
	s8 =	rddreg [dreg:$0x8];
	[sflag:s12] =	ssyncadd.s32 $0xFFFFA000  }
0x12d: {  	[hbm4b:s8+s3] =	stream.linear.scatter [tilespmem:s0], [sflag:$0x6], $0x6000, $0x38;
	[tilespmem:$0x18100] =	vst v63  }
0x12e: {  	_ =	swait.ge [sflag:s19], $0x6000  }
0x12f: {  	[sflag:s19] =	ssyncset.done $0x0  }
0x130: {  	s20 =	simm.s32 $0x8;
	[sflag:s19] =	ssyncadd.s32 $0xFFFFA000  }
0x131: {  	_ =	swait.ge [sflag:s20], $0x6000  }
0x132: {  	[sflag:s20] =	ssyncset.done $0x0  }
0x133: {  	[sflag:s20] =	ssyncadd.s32 $0xFFFFA000  }
0x134: {  	p0 =	sne.s32 s7, $0x1;
	_ =	swait.ge [sflag:s14], $0x6000  }
.Ltmp0:
0x135: {  	[sflag:s14] =	ssyncset.done $0x0;
	(pc) =	sbr.rel @p0 .LBB2_1-.Ltmp0, $4  }
0x136: {  	[sflag:s14] =	ssyncadd.s32 $0xFFFFA000  }
0x137: {  	_ =	swait.ge [sflag:s16], $0x6000  }
0x138: {  	[sflag:s16] =	ssyncset.done $0x0  }
0x139: {  	s7 =	sadd.s32 $0xFFFFFFFF, s7;
	[sflag:s16] =	ssyncadd.s32 $0xFFFFA000  }
0x13a: {  	_ =	sfence.sel $0x180000  }
0x13b: {  	[bflag:$0x0] =	sbarrier.arrive $0xFFFF  }
0x13c: {  	_ =	strace $0x9000004A  }
0x13d: {  	s0 =	stileid.u32;
	[bflag:$0x2] =	sbarrier.arrive $0xFFFF  }
0x13e: {  	p0 =	sne.s32 s0, $0x0;
	s0 =	rddreg [dreg:$0x2]  }
0x13f: {  	s0 =	sadd.s32 @!p0 $0x100000, s0  }
0x140: {  	[sflag:s0] =	ssyncadd.tile.s32 @!p0 $0x1;
	_ =	shalt  }
.Lfunc_end2:
_tile_overlayer_lowered:
.L_overlay_start_2:
0x141: {  	(tag) =	ssettag $0x2  }
0x142: {  	s0 =	rddreg [dreg:$0x0];
	s2 =	stileid.u32  }
0x143: {  	s1 =	rddreg [dreg:$0x1];
	p0 =	sne.s32 s2, $0x0  }
0x144: {  	s3 =	rddreg [dreg:$0x2];
	[bflag:$0x3] =	sbarrier.arrive $0xFFFF;
	s2 =	simm.s32 @!p0 $0x1C09  }
0x145: {  	[timem:s3], [sflag:s2] =	dma.local @!p0 [hbm:s0], s1  }
0x146: {  	s0 =	simm.s32 @!p0 $0x9  }
0x147: {  	_ =	swait.ge @!p0 [sflag:s0], s1  }
0x148: {  	s1 =	ssub.s32 @!p0 $0x0, s1;
	[sflag:s0] =	ssyncset.done @!p0 $0x0  }
0x149: {  	[sflag:s0] =	ssyncadd.s32 @!p0 s1  }
0x14a: {  	[bflag:$0x3] =	sbarrier.arrive $0xFFFF  }
0x14b: {  	_ =	shalt  }

// kernel: kernel.14.cloned.1.call-start
scs
__scs_entry_jumppad:
0x0: {  	(pc) =	sbr.rel $0x88, $3  }
0x1: {  	(tag) =	ssettag $0x0;
	lr =	simm.s32 $0x1  }
0x2: {  	[smem:$0x3F99] =	sst lr;
	_ =	strace $0xD0000000  }
0x3: {  	_ = 	snop  }
0x4: {  	_ = 	snop  }
0x5: {  	_ = 	snop  }
0x6: {  	_ = 	snop  }
0x7: {  	_ = 	snop  }
__scs_overlays_trampoline_lowered:
0x8: {  	[smem:$0x3FA8] =	sst s0  }
0x9: {  	[smem:$0x3FA9] =	sst s1  }
0xa: {  	[smem:$0x3FAA] =	sst s2  }
0xb: {  	[smem:$0x3FAB] =	sst s3  }
0xc: {  	[smem:$0x3FAC] =	sst s4  }
0xd: {  	[smem:$0x3FAD] =	sst s5  }
0xe: {  	[smem:$0x3FAE] =	sst s6  }
0xf: {  	[smem:$0x3FAF] =	sst s7  }
0x10: {  	[smem:$0x3FB0] =	sst s8  }
0x11: {  	[smem:$0x3FB1] =	sst s9;
	s0 =	simm.s32 @!p0 $0x0  }
0x12: {  	s1 =	sld [smem:$0x3F97];
	s0 =	simm.s32 @p0 $0x1  }
0x13: {  	[smem:$0x3FB2] =	sst s0;
	s0 =	simm.s32 @!p1 $0x0  }
0x14: {  	s2 =	sld [smem:$0x3F96];
	s0 =	simm.s32 @p1 $0x1  }
0x15: {  	[smem:$0x3FB3] =	sst s0;
	s0 =	simm.s32 @!p2 $0x0  }
0x16: {  	s3 =	sld [smem:$0x3FDB];
	s0 =	simm.s32 @p2 $0x1  }
0x17: {  	s4 =	simm.s32 $0x1BF5;
	[smem:$0x3FB5] =	sst s0  }
0x18: {  	s0 =	sld [smem:$0x3F98];
	_ =	swait.ge [sflag:s4], $0x0  }
0x19: {  	s7 =	sld [smem:$0x3F99]  }
0x1a: {  	s8 =	sadd.s32 $0xFFFFE003, lr  }
0x1b: {  	s9 =	sadd.s32 $0xFFFFFEF7, lr;
	s5 =	simm.s32 $0xFFFFFFFF;
	p2 =	slt.u32 s8, $0xFFFFF086  }
0x1c: {  	p1 =	slt.u32 s9, $0xF7A;
	s5 =	simm.s32 @!p2 $0x0  }
0x1d: {  	s5 =	simm.s32 @p1 $0x1;
	p0 =	seq.s32 s7, s2  }
0x1e: {  	s7 =	smul.u32 @!p0 $0xF7A, s2;
	p2 =	seq.s32 @!p0 s5, $0x0  }
0x1f: {  	s9 =	smul.u32 $0xF7A, s1;
	s8 =	simm.s32 @!p0 $0x1BF5;
	p2 =	por !p2, p0  }
0x20: {  	[sflag:s8] =	ssyncset.s32 @!p0 $0xFFFFF086;
	s6 =	sadd.s32 @!p0 s3, s7;
	s7 =	simm.s32 @!p0 $0x108  }
0x21: {  	s3 =	sadd.s32 s3, s9;
	s6 =	sadd.s32 @!p0 $0x88, s6;
	s7 =	simm.s32 @p2 $0x1082  }
0x22: {  	[simem:s7], [sflag:s8] =	dma.local @!p0 [hbm:s6], $0xF7A  }
0x23: {  	s9 =	sor.u32 $0xD0000000, s2;
	s6 =	simm.s32 $0x108;
	_ =	swait.ge @!p0 [sflag:s8], $0x0  }
0x24: {  	s3 =	sadd.s32 $0x88, s3;
	s6 =	simm.s32 @!p1 $0x1082;
	[sflag:s4] =	ssyncset.s32 $0xFFFFF086  }
0x25: {  	[simem:s6], [sflag:s4] =	dma.local [hbm:s3], $0xF7A  }
0x26: {  	[smem:$0x3F99] =	sst s1;
	(tag) =	ssettag s2;
	_ =	strace s9  }
0x27: {  	s1 =	sld [smem:$0x3FA9]  }
0x28: {  	s2 =	sld [smem:$0x3FAA]  }
0x29: {  	s4 =	sld [smem:$0x3FAC]  }
0x2a: {  	p0 =	seq.s32 s5, $0x0;
	s5 =	sld [smem:$0x3FAD]  }
0x2b: {  	s6 =	sld [smem:$0x3FAE]  }
0x2c: {  	s7 =	sld [smem:$0x3FAF]  }
0x2d: {  	s3 =	simm.s32 $0x108;
	s8 =	sld [smem:$0x3FB0]  }
0x2e: {  	s3 =	simm.s32 @!p0 $0x1082;
	s9 =	sld [smem:$0x3FB1]  }
0x2f: {  	lr =	sadd.s32 s0, s3;
	s0 =	sld [smem:$0x3FA8]  }
0x30: {  	s3 =	sld [smem:$0x3FAB]  }
0x31: {  	[smem:$0x3FB4] =	sst s10  }
0x32: {  	s10 =	sld [smem:$0x3FB2];
	_ =	sdelay $0x3  }
0x33: {  	p0 =	seq.s32 s10, $0x1;
	s10 =	sld [smem:$0x3FB4];
	_ =	sdelay $0x3  }
0x34: {  	[smem:$0x3FB4] =	sst s10  }
0x35: {  	s10 =	sld [smem:$0x3FB3];
	_ =	sdelay $0x3  }
0x36: {  	p1 =	seq.s32 s10, $0x1;
	s10 =	sld [smem:$0x3FB4];
	_ =	sdelay $0x3  }
0x37: {  	[smem:$0x3FB4] =	sst s10  }
0x38: {  	s10 =	sld [smem:$0x3FB5]  }
0x39: {  	_ = 	snop;
	(pc) =	sbr.ind lr, $3  }
0x3a: {  	_ = 	snop  }
0x3b: {  	_ = 	snop  }
0x3c: {  	p2 =	seq.s32 s10, $0x1;
	s10 =	sld [smem:$0x3FB4]  }
0x3d: {  	_ =	shalt  }
0x3e: {  	_ =	shalt  }
0x3f: {  	_ =	shalt  }
0x40: {  	_ =	shalt  }
0x41: {  	_ =	shalt  }
0x42: {  	_ =	shalt  }
0x43: {  	_ =	shalt  }
0x44: {  	_ =	shalt  }
0x45: {  	_ =	shalt  }
0x46: {  	_ =	shalt  }
0x47: {  	_ =	shalt  }
0x48: {  	_ =	shalt  }
0x49: {  	_ =	shalt  }
0x4a: {  	_ =	shalt  }
0x4b: {  	_ =	shalt  }
0x4c: {  	_ =	shalt  }
0x4d: {  	_ =	shalt  }
0x4e: {  	_ =	shalt  }
0x4f: {  	_ =	shalt  }
0x50: {  	_ =	shalt  }
0x51: {  	_ =	shalt  }
0x52: {  	_ =	shalt  }
0x53: {  	_ =	shalt  }
0x54: {  	_ =	shalt  }
0x55: {  	_ =	shalt  }
0x56: {  	_ =	shalt  }
0x57: {  	_ =	shalt  }
0x58: {  	_ =	shalt  }
0x59: {  	_ =	shalt  }
0x5a: {  	_ =	shalt  }
0x5b: {  	_ =	shalt  }
0x5c: {  	_ =	shalt  }
0x5d: {  	_ =	shalt  }
0x5e: {  	_ =	shalt  }
0x5f: {  	_ =	shalt  }
0x60: {  	_ =	shalt  }
0x61: {  	_ =	shalt  }
0x62: {  	_ =	shalt  }
0x63: {  	_ =	shalt  }
0x64: {  	_ =	shalt  }
0x65: {  	_ =	shalt  }
0x66: {  	_ =	shalt  }
0x67: {  	_ =	shalt  }
0x68: {  	_ =	shalt  }
0x69: {  	_ =	shalt  }
0x6a: {  	_ =	shalt  }
0x6b: {  	_ =	shalt  }
0x6c: {  	_ =	shalt  }
0x6d: {  	_ =	shalt  }
0x6e: {  	_ =	shalt  }
0x6f: {  	_ =	shalt  }
0x70: {  	_ =	shalt  }
0x71: {  	_ =	shalt  }
0x72: {  	_ =	shalt  }
0x73: {  	_ =	shalt  }
0x74: {  	_ =	shalt  }
0x75: {  	_ =	shalt  }
0x76: {  	_ =	shalt  }
0x77: {  	_ =	shalt  }
0x78: {  	_ =	shalt  }
0x79: {  	_ =	shalt  }
0x7a: {  	_ =	shalt  }
0x7b: {  	_ =	shalt  }
0x7c: {  	_ =	shalt  }
0x7d: {  	_ =	shalt  }
0x7e: {  	_ =	shalt  }
0x7f: {  	_ =	shalt  }
0x80: {  	_ =	shalt  }
0x81: {  	_ =	shalt  }
0x82: {  	_ =	shalt  }
0x83: {  	_ =	shalt  }
0x84: {  	_ =	shalt  }
0x85: {  	_ =	shalt  }
0x86: {  	_ =	shalt  }
0x87: {  	_ =	shalt  }
.Lfunc_end0:
.L_simem_size_0:
called_computation.2_lowered:
.L_overlay_start_0:
0x88: {  	s2 =	sld [smem:$0x3FD9]  }
0x89: {  	s3 =	sld [smem:$0x3FFE];
	_ =	sdelay $0x1  }
0x8a: {  	s1 =	srdreg.scid  }
0x8b: {  	s0 =	sand.u32 $0x1, s1  }
0x8c: {  	s17 =	sshll.u32 s0, $0xA;
	s2 =	sadd.s32 s3, s2  }
0x8d: {  	s2 =	sadd.s32 s2, s17  }
0x8e: {  	[smem:$0x3FC0] =	sst s2  }
0x8f: {  	_ = 	snop  }
0x90: {  	s2 =	sld [smem:$0x3FD0];
	(tm) =	ssettm $0x1  }
0x91: {  	s18 =	sld [smem:$0x3FFB];
	_ =	sdelay $0x3  }
0x92: {  	_ =	strace s18  }
0x93: {  	s3 =	sld [smem:$0x3FFC];
	_ =	sdelay $0x3  }
0x94: {  	_ =	strace s3  }
0x95: {  	s3 =	sld [smem:$0x3FFD];
	_ =	sdelay $0x3  }
0x96: {  	_ =	strace s3  }
0x97: {  	_ =	strace $0x8FFFFFFF  }
0x98: {  	s19 =	sld [smem:$0x3FDB];
	_ =	sdelay $0x1  }
0x99: {  	s4 =	simm.s32 $_scs_section_size  }
0x9a: {  	s5 =	simm.s32 $_size__tile_overlayer_lowered;
	s6 =	simm.s32 $_tile_overlayer_lowered  }
0x9b: {  	s22 =	simm.s32 $0x1BFF;
	s21 =	sshll.u32 s6, $0x1;
	s3 =	sadd.s32 s4, s19  }
0x9c: {  	s7 =	simm.s32 $0x0;
	s20 =	sshll.u32 s5, $0x1;
	s5 =	sadd.s32 s21, s3  }
0x9d: {  	[timem:s7], [sflag:s22] =	dma.local [hbm:s5], s20  }
0x9e: {  	_ =	swait.ge [sflag:s22], s20  }
0x9f: {  	s4 =	ssub.s32 $0x0, s20;
	[sflag:s22] =	ssyncset.done $0x0  }
0xa0: {  	[sflag:s22] =	ssyncadd.s32 s4;
	_ =	sdelay $0x1  }
0xa1: {  	s23 =	simm.s32 $0x1B8B  }
0xa2: {  	_ =	swait.ge [sflag:s23], $0x1  }
0xa3: {  	[sflag:s23] =	ssyncset.done $0x0  }
0xa4: {  	s25 =	simm.s32 $0x1B8E;
	s24 =	sld [smem:$0x3FFE];
	[sflag:s23] =	ssyncadd.s32 $0xFFFFFFFF  }
0xa5: {  	s26 =	simm.s32 $execute0_lowered;
	[smem:$0x3FD2] =	sst s25  }
0xa6: {  	s5 =	sshll.u32 s26, $0x1;
	_ =	strace $0x8000004C;
	[dreg:$0x1] =	wrdreg $0xFFFFFFFF  }
0xa7: {  	s28 =	simm.s32 $_size_execute0_lowered;
	s3 =	sadd.s32 s3, s5;
	[dreg:$0x0] =	wrdreg $0x0  }
0xa8: {  	s5 =	sshll.u32 s28, $0x1;
	[dreg:$0x2] =	wrdreg s3  }
0xa9: {  	[dreg:$0x3] =	wrdreg s5  }
0xaa: {  	[dreg:$0x4] =	wrdreg $0xC0  }
0xab: {  	_ =	task [dreg:s7], $0x5FFFF  }
0xac: {  	[dreg:$0x1] =	wrdreg $0xFFFFFFFF  }
0xad: {  	[dreg:$0x0] =	wrdreg $0x60  }
0xae: {  	[dreg:$0x2] =	wrdreg s24  }
0xaf: {  	[dreg:$0x3] =	wrdreg s2  }
0xb0: {  	[dreg:$0x4] =	wrdreg $0x9  }
0xb1: {  	_ =	task.clear_ibuf [dreg:s7], $0x5FFFF;
	_ =	strace $0x9000004C  }
0xb2: {  	s29 =	simm.s32 $0x9;
	_ =	strace $0x8000004E  }
0xb3: {  	_ =	swait.ge [sflag:s29], $0x1  }
0xb4: {  	[sflag:s29] =	ssyncadd.s32 $0xFFFFFFFF  }
0xb5: {  	_ =	strace $0x9000004E  }
0xb6: {  	_ =	sfence  }
0xb7: {  	s30 =	sld [smem:$0x0];
	_ =	sdelay $0x2  }
0xb8: {  	s31 =	sshll.u32 s1, $0xD;
	s1 =	sshrl.u32 s1, $0x2  }
0xb9: {  	s3 =	sand.u32 $0x4000, s31;
	s1 =	sadd.s32 s1, s30  }
0xba: {  	s0 =	sor.u32 s3, s0;
	s1 =	sshll.u32 s1, $0x11  }
0xbb: {  	s0 =	sor.u32 s1, s0  }
0xbc: {  	s0 =	sadd.s32 $0x8F2B, s0  }
0xbd: {  	[sflag:s0] =	ssyncadd.remote.s32 $0x1  }
0xbe: {  	_ =	sfence.sel $0xFFFF  }
0xbf: {  	[dreg:$0x0] =	wrdreg $0xFFFFFFFF;
	(pc) =	sbr.abs _section_cstart, $3  }
0xc0: {  	[dreg:$0x1] =	wrdreg $0xFFFFFFFF  }
0xc1: {  	_ =	task.clear_ibuf [dreg:s7], $0x2FFFF;
	_ =	strace $0x9FFFFFFF  }
0xc2: {  	(tm) =	ssettm $0x7FFFFFFF  }
0xc3: {  	_ =	shalt  }
tec
execute0_lowered:
.L_overlay_start_1:
0x0: {  	(tag) =	ssettag $0x1  }
0x1: {  	s0 =	rddreg [dreg:$0x0]  }
0x2: {  	s2 =	rddreg [dreg:$0x1];
	s1 =	simm.s32 $0x0;
	s4 =	srdreg.scid  }
0x3: {  	s7 =	stileid.u32;
	s13 =	simm.s32 $0x8A00;
	s14 =	simm.s32 $0x9A00  }
0x4: {  	s15 =	simm.s32 $0xAA00;
	s16 =	simm.s32 $0xBA00;
	s17 =	simm.s32 $0x1  }
0x5: {  	s18 =	simm.s32 $0x3;
	s28 =	simm.s32 $0x0;
	[smem:$0x7FF] =	sst s1  }
0x6: {  	s3 =	sadd.s32 $0x3E00, s0;
	s5 =	sadd.s32 $0x93E00, s0;
	s4 =	sand.u32 $0x1, s4  }
0x7: {  	s7 =	sshll.u32 s7, $0x4;
	s10 =	sadd.s32 $0x3A00, s0;
	s19 =	sadd.s32 $0x3C00, s0  }
0x8: {  	_ =	strace $0x8000004D;
	s6 =	ssub.s32 $0x2, s4;
	s4 =	sshll.u32 s4, $0x3  }
0x9: {  	s8 =	sshrl.u32 s6, $0x1;
	s4 =	sor.u32 s4, s7;
	s7 =	simm.s32 $0x80  }
0xa: {  	s6 =	ssub.s32 s6, s8;
	s20 =	sor.u32 $0x100, s4;
	s9 =	sadd.s32 s10, s4  }
0xb: {  	s11 =	smul.u32 $0x300, s4;
	s22 =	sadd.s32 s19, s4;
	s24 =	sor.u32 $0x4, s4  }
0xc: {  	s4 =	sor.u32 $0x104, s4;
	[dreg:$0x3] =	wrdreg s9;
	s21 =	sadd.s32 s10, s20  }
0xd: {  	[dreg:$0x5] =	wrdreg s22;
	s8 =	sadd.s32 s19, s20;
	s9 =	sadd.s32 $0x4000, s0  }
0xe: {  	s25 =	smul.u32 $0x300, s24;
	s12 =	sadd.s32 s10, s24;
	[dreg:$0x4] =	wrdreg s21  }
0xf: {  	s10 =	sadd.s32 s10, s4;
	s26 =	sadd.s32 s19, s4;
	[dreg:$0x6] =	wrdreg s8  }
0x10: {  	s31 =	smax.u32 s6, $0x1;
	s20 =	simm.s32 $0x9200;
	[dreg:$0x9] =	wrdreg s12  }
0x11: {  	s22 =	simm.s32 $0xB200;
	s8 =	sadd.s32 $0x3F00, s0;
	[dreg:$0xa] =	wrdreg s10  }
0x12: {  	s23 =	sadd.s32 s5, s11;
	s11 =	sadd.s32 s2, s11;
	[dreg:$0xc] =	wrdreg s26  }
0x13: {  	s0 =	sadd.s32 s19, s24;
	[dreg:$0xf] =	wrdreg s31;
	s19 =	simm.s32 $0x5  }
0x14: {  	s10 =	simm.s32 $0x7200;
	s12 =	simm.s32 $0x8200;
	[dreg:$0x7] =	wrdreg s23  }
0x15: {  	s21 =	simm.s32 $0xA200;
	s24 =	simm.s32 $0x2;
	[dreg:$0x8] =	wrdreg s11  }
0x16: {  	v0 =	vlaneseq.u32;
	s26 =	simm.s32 $0x4;
	[dreg:$0xb] =	wrdreg s0;
	s29 =	sadd.s32 s5, s25  }
0x17: {  	vm0 =	vmmov $0xffff;
	v2 =	vshrl.u32 v0, $0x3;
	s30 =	sadd.s32 s2, s25;
	s11 =	simm.s32 $0x7A00;
	[dreg:$0xd] =	wrdreg s29  }
0x18: {  	v1 =	vand.u32 $0x7, v0;
	v3 =	vor.u32 $0x8, v0;
	v2 =	vmul.u32 $0x8, v2;
	s23 =	simm.s32 $0xC200;
	s25 =	simm.s32 $0x12200;
	[dreg:$0xe] =	wrdreg s30  }
.LBB2_1:
0x19: {  	s0 =	rddreg [dreg:$0x3]  }
0x1a: {  	[tilespmem:s1], [sflag:$0x5] =	stream.linear.gather [hbm4b:s0+s1], $0x20, $0x38;
	[tilespmem:$0x18200] =	vst v63  }
0x1b: {  	_ =	swait.ge [sflag:s19], $0x20  }
0x1c: {  	[sflag:s19] =	ssyncset.done $0x0  }
0x1d: {  	s30 =	rddreg [dreg:$0x4];
	[sflag:s19] =	ssyncadd.s32 $0xFFFFFFE0  }
0x1e: {  	[tilespmem:s7], [sflag:$0x5] =	stream.linear.gather [hbm4b:s30+s1], $0x20, $0x38;
	[tilespmem:$0x18200] =	vst v63  }
0x1f: {  	_ =	swait.ge [sflag:s19], $0x20  }
0x20: {  	[sflag:s19] =	ssyncset.done $0x0  }
0x21: {  	s2 =	simm.s32 $0x100;
	s31 =	rddreg [dreg:$0x5];
	[sflag:s19] =	ssyncadd.s32 $0xFFFFFFE0  }
0x22: {  	[tilespmem:s2], [sflag:$0x5] =	stream.linear.gather [hbm4b:s31+s1], $0x20, $0x38;
	[tilespmem:$0x18200] =	vst v63  }
0x23: {  	_ =	swait.ge [sflag:s19], $0x20  }
0x24: {  	[sflag:s19] =	ssyncset.done $0x0  }
0x25: {  	s5 =	simm.s32 $0x180;
	s4 =	rddreg [dreg:$0x6];
	[sflag:s19] =	ssyncadd.s32 $0xFFFFFFE0  }
0x26: {  	[tilespmem:s5], [sflag:$0x5] =	stream.linear.gather [hbm4b:s4+s1], $0x20, $0x38;
	[tilespmem:$0x18200] =	vst v63  }
0x27: {  	_ =	swait.ge [sflag:s19], $0x20  }
0x28: {  	[sflag:s19] =	ssyncset.done $0x0  }
0x29: {  	[sflag:s19] =	ssyncadd.s32 $0xFFFFFFE0  }
0x2a: {  	v4 =	vld [tilespmem:$0x0];
	_ =	sdelay $0x4  }
0x2b: {  	v5 =	vshrl.u32 v4, $0x3  }
0x2c: {  	v5 =	vmul.u32 $0x30, v5  }
0x2d: {  	v4 =	vand.u32 $0x7, v4  }
0x2e: {  	v4 =	vor.u32 v4, v5  }
0x2f: {  	v5 =	vperm.xlane v4, v1;
	_ =	sdelay $0x1  }
0x30: {  	v5 =	vadd.s32 v2, v5;
	_ =	sdelay $0x3  }
0x31: {  	s6 =	simm.s32 $0x200;
	v4 =	vperm.xlane v4, v3  }
0x32: {  	[tilespmem:s6], [sflag:$0x1] =	stream.indirect_vreg.gather [hbm4b:s3+s1], $0x80, v5, vm0, $0xb8;
	[tilespmem:$0x18200] =	vst v63  }
0x33: {  	s30 =	simm.s32 $0xA00;
	v4 =	vadd.s32 v2, v4  }
0x34: {  	[tilespmem:s30], [sflag:$0x1] =	stream.indirect_vreg.gather [hbm4b:s8+s1], $0x80, v5, vm0, $0xb8;
	[tilespmem:$0x18200] =	vst v63  }
0x35: {  	s31 =	simm.s32 $0x1200  }
0x36: {  	[tilespmem:s31], [sflag:$0x1] =	stream.indirect_vreg.gather [hbm4b:s9+s1], $0x80, v5, vm0, $0xb8;
	[tilespmem:$0x18200] =	vst v63  }
0x37: {  	s2 =	simm.s32 $0x1A00  }
0x38: {  	[tilespmem:s2], [sflag:$0x1] =	stream.indirect_vreg.gather [hbm4b:s3+s1], $0x80, v4, vm0, $0xb8;
	[tilespmem:$0x18200] =	vst v63  }
0x39: {  	s4 =	simm.s32 $0x2200  }
0x3a: {  	[tilespmem:s4], [sflag:$0x1] =	stream.indirect_vreg.gather [hbm4b:s8+s1], $0x80, v4, vm0, $0xb8;
	[tilespmem:$0x18200] =	vst v63  }
0x3b: {  	s5 =	simm.s32 $0x2A00  }
0x3c: {  	[tilespmem:s5], [sflag:$0x1] =	stream.indirect_vreg.gather [hbm4b:s9+s1], $0x80, v4, vm0, $0xb8;
	[tilespmem:$0x18200] =	vst v63  }
0x3d: {  	v4 =	vld [tilespmem:$0x10];
	_ =	sdelay $0x4  }
0x3e: {  	v5 =	vshrl.u32 v4, $0x3  }
0x3f: {  	v5 =	vmul.u32 $0x30, v5  }
0x40: {  	v4 =	vand.u32 $0x7, v4  }
0x41: {  	v4 =	vor.u32 v4, v5  }
0x42: {  	v5 =	vperm.xlane v4, v1;
	_ =	sdelay $0x1  }
0x43: {  	v5 =	vadd.s32 v2, v5;
	_ =	sdelay $0x3  }
0x44: {  	s6 =	simm.s32 $0x3200;
	v4 =	vperm.xlane v4, v3  }
0x45: {  	[tilespmem:s6], [sflag:$0x1] =	stream.indirect_vreg.gather [hbm4b:s3+s1], $0x80, v5, vm0, $0xb8;
	[tilespmem:$0x18200] =	vst v63  }
0x46: {  	s30 =	simm.s32 $0x3A00;
	v4 =	vadd.s32 v2, v4  }
0x47: {  	[tilespmem:s30], [sflag:$0x1] =	stream.indirect_vreg.gather [hbm4b:s8+s1], $0x80, v5, vm0, $0xb8;
	[tilespmem:$0x18200] =	vst v63  }
0x48: {  	s31 =	simm.s32 $0x4200  }
0x49: {  	[tilespmem:s31], [sflag:$0x1] =	stream.indirect_vreg.gather [hbm4b:s9+s1], $0x80, v5, vm0, $0xb8;
	[tilespmem:$0x18200] =	vst v63  }
0x4a: {  	s2 =	simm.s32 $0x4A00  }
0x4b: {  	[tilespmem:s2], [sflag:$0x1] =	stream.indirect_vreg.gather [hbm4b:s3+s1], $0x80, v4, vm0, $0xb8;
	[tilespmem:$0x18200] =	vst v63  }
0x4c: {  	s4 =	simm.s32 $0x5200  }
0x4d: {  	[tilespmem:s4], [sflag:$0x1] =	stream.indirect_vreg.gather [hbm4b:s8+s1], $0x80, v4, vm0, $0xb8;
	[tilespmem:$0x18200] =	vst v63  }
0x4e: {  	s5 =	simm.s32 $0x5A00  }
0x4f: {  	[tilespmem:s5], [sflag:$0x1] =	stream.indirect_vreg.gather [hbm4b:s9+s1], $0x80, v4, vm0, $0xb8;
	[tilespmem:$0x18200] =	vst v63  }
0x50: {  	v4 =	vld [tilespmem:$0x80];
	_ =	sdelay $0x4  }
0x51: {  	v5 =	vshrl.u32 v4, $0x3  }
0x52: {  	v5 =	vmul.u32 $0x30, v5  }
0x53: {  	v4 =	vand.u32 $0x7, v4  }
0x54: {  	v4 =	vor.u32 v4, v5  }
0x55: {  	v5 =	vperm.xlane v4, v1;
	_ =	sdelay $0x1  }
0x56: {  	v5 =	vadd.s32 v2, v5;
	_ =	sdelay $0x3  }
0x57: {  	s6 =	simm.s32 $0x6200;
	v4 =	vperm.xlane v4, v3  }
0x58: {  	[tilespmem:s6], [sflag:$0x2] =	stream.indirect_vreg.gather [hbm4b:s3+s1], $0x80, v5, vm0, $0xb8;
	[tilespmem:$0x18200] =	vst v63  }
0x59: {  	s30 =	simm.s32 $0x6A00;
	v4 =	vadd.s32 v2, v4  }
0x5a: {  	[tilespmem:s30], [sflag:$0x2] =	stream.indirect_vreg.gather [hbm4b:s8+s1], $0x80, v5, vm0, $0xb8;
	[tilespmem:$0x18200] =	vst v63  }
0x5b: {  	_ = 	snop  }
0x5c: {  	[tilespmem:s10], [sflag:$0x2] =	stream.indirect_vreg.gather [hbm4b:s9+s1], $0x80, v5, vm0, $0xb8;
	[tilespmem:$0x18200] =	vst v63  }
0x5d: {  	_ = 	snop  }
0x5e: {  	[tilespmem:s11], [sflag:$0x2] =	stream.indirect_vreg.gather [hbm4b:s3+s1], $0x80, v4, vm0, $0xb8;
	[tilespmem:$0x18200] =	vst v63  }
0x5f: {  	_ = 	snop  }
0x60: {  	[tilespmem:s12], [sflag:$0x2] =	stream.indirect_vreg.gather [hbm4b:s8+s1], $0x80, v4, vm0, $0xb8;
	[tilespmem:$0x18200] =	vst v63  }
0x61: {  	_ = 	snop  }
0x62: {  	[tilespmem:s13], [sflag:$0x2] =	stream.indirect_vreg.gather [hbm4b:s9+s1], $0x80, v4, vm0, $0xb8;
	[tilespmem:$0x18200] =	vst v63  }
0x63: {  	v4 =	vld [tilespmem:$0x90];
	_ =	sdelay $0x4  }
0x64: {  	v5 =	vshrl.u32 v4, $0x3  }
0x65: {  	v5 =	vmul.u32 $0x30, v5  }
0x66: {  	v4 =	vand.u32 $0x7, v4  }
0x67: {  	v4 =	vor.u32 v4, v5  }
0x68: {  	v5 =	vperm.xlane v4, v1;
	_ =	sdelay $0x1  }
0x69: {  	v5 =	vadd.s32 v2, v5;
	_ =	sdelay $0x3  }
0x6a: {  	v4 =	vperm.xlane v4, v3  }
0x6b: {  	[tilespmem:s20], [sflag:$0x2] =	stream.indirect_vreg.gather [hbm4b:s3+s1], $0x80, v5, vm0, $0xb8;
	[tilespmem:$0x18200] =	vst v63  }
0x6c: {  	v4 =	vadd.s32 v2, v4  }
0x6d: {  	[tilespmem:s14], [sflag:$0x2] =	stream.indirect_vreg.gather [hbm4b:s8+s1], $0x80, v5, vm0, $0xb8;
	[tilespmem:$0x18200] =	vst v63  }
0x6e: {  	_ = 	snop  }
0x6f: {  	[tilespmem:s21], [sflag:$0x2] =	stream.indirect_vreg.gather [hbm4b:s9+s1], $0x80, v5, vm0, $0xb8;
	[tilespmem:$0x18200] =	vst v63  }
0x70: {  	_ = 	snop  }
0x71: {  	[tilespmem:s15], [sflag:$0x2] =	stream.indirect_vreg.gather [hbm4b:s3+s1], $0x80, v4, vm0, $0xb8;
	[tilespmem:$0x18200] =	vst v63  }
0x72: {  	_ = 	snop  }
0x73: {  	[tilespmem:s22], [sflag:$0x2] =	stream.indirect_vreg.gather [hbm4b:s8+s1], $0x80, v4, vm0, $0xb8;
	[tilespmem:$0x18200] =	vst v63  }
0x74: {  	_ = 	snop  }
0x75: {  	[tilespmem:s16], [sflag:$0x2] =	stream.indirect_vreg.gather [hbm4b:s9+s1], $0x80, v4, vm0, $0xb8;
	[tilespmem:$0x18200] =	vst v63  }
0x76: {  	s31 =	rddreg [dreg:$0x7]  }
0x77: {  	[tilespmem:s23], [sflag:$0x3] =	stream.linear.gather [hbm4b:s31+s1], $0x6000, $0x38;
	[tilespmem:$0x18200] =	vst v63  }
0x78: {  	_ =	swait.ge [sflag:s17], $0x6000  }
0x79: {  	[sflag:s17] =	ssyncset.done $0x0  }
0x7a: {  	[sflag:s17] =	ssyncadd.s32 $0xFFFFA000  }
0x7b: {  	_ =	swait.ge [sflag:s24], $0x6000  }
0x7c: {  	[sflag:s24] =	ssyncset.done $0x0  }
0x7d: {  	[sflag:s24] =	ssyncadd.s32 $0xFFFFA000  }
0x7e: {  	_ =	swait.ge [sflag:s18], $0x6000  }
0x7f: {  	[sflag:s18] =	ssyncset.done $0x0  }
0x80: {  	s29 =	simm.s32 $0x0;
	[sflag:s18] =	ssyncadd.s32 $0xFFFFA000  }
.LBB2_2:
0x81: {  	s0 =	sand.u32 $0x10, s29  }
0x82: {  	v4 =	vld [tilespmem:s0+$0x100]  }
0x83: {  	v5 =	vld [tilespmem:s0+$0x180]  }
0x84: {  	s5 =	sand.u32 $0xF, s29  }
0x85: {  	v6 =	vmov s5  }
0x86: {  	vm1 =	veq.s32 v6, v0  }
0x87: {  	v4 =	vnsel vm1, $0x0, v4  }
0x88: {  	(xrf2) =	vadd.scan.msk.f32 $0xffff, v4;
	v4 =	vnsel vm1, $0x0, v5  }
0x89: {  	(xrf2) =	vadd.scan.msk.f32 $0xffff, v4  }
0x8a: {  	s6 =	sshrl.u32 s29, $0x3  }
0x8b: {  	s2 =	sshll.u32 s29, $0x7;
	s0 =	smul.u32 $0x1800, s6  }
0x8c: {  	s4 =	simm.s32 $0x0;
	s2 =	sand.u32 $0x380, s2  }
0x8d: {  	s31 =	sor.u32 s2, s0;
	s2 =	sand.u32 $0x1C00, s4  }
0x8e: {  	s4 =	sand.u32 $0x70, s4;
	s0 =	sadd.s32 s31, s2  }
0x8f: {  	s30 =	sor.u32 s4, s0  }
0x90: {  	v7 =	vld [tilespmem:s30+$0x200]  }
0x91: {  	v8 =	vld [tilespmem:s30+$0x6200]  }
0x92: {  	s5 =	simm.s32 $0x80;
	v4, _, _ =	vpop (xrf2)  }
0x93: {  	s6 =	simm.s32 $0x10;
	s0 =	sand.u32 $0x1C00, s5;
	v5, _, _ =	vpop (xrf2)  }
0x94: {  	s2 =	sand.u32 $0x70, s6;
	s0 =	sadd.s32 s31, s0;
	v4 =	vbroadcast v4, $0xF;
	v5 =	vbroadcast v5, $0xF  }
0x95: {  	v6 =	vld [tilespmem:s30+$0xC200];
	s0 =	sor.u32 s2, s0  }
0x96: {  	v9 =	vmul.f32 v7, v4;
	v7 =	vld [tilespmem:s0+$0x200];
	v10 =	vmul.f32 v8, v5  }
0x97: {  	v8 =	vld [tilespmem:s0+$0x6200]  }
0x98: {  	s4 =	simm.s32 $0x100;
	s2 =	simm.s32 $0x20;
	v9 =	vadd.f32 v10, v9  }
.LBB2_3:
0x99: {  	s5 =	sand.u32 $0x70, s2;
	s6 =	sand.u32 $0x1C00, s4;
	p0 =	sne.s32 s2, $0x2F0  }
.Ltmp0:
0x9a: {  	s2 =	sadd.s32 $0x10, s2;
	s6 =	sadd.s32 s31, s6;
	v9 =	vadd.f32 v9, v6;
	(pc) =	sbr.rel @p0 .LBB2_3-.Ltmp0, $4  }
0x9b: {  	s5 =	sor.u32 s5, s6;
	v6 =	vld [tilespmem:s0+$0xC200]  }
0x9c: {  	v10 =	vmul.f32 v7, v4;
	v7 =	vld [tilespmem:s5+$0x200];
	v11 =	vmul.f32 v8, v5;
	[tilespmem:s30+$0x12200] =	vst v9;
	s30 =	smov.u32 s0;
	s0 =	smov.u32 s5  }
0x9d: {  	v8 =	vld [tilespmem:s0+$0x6200]  }
0x9e: {  	s4 =	sadd.s32 $0x80, s4;
	v9 =	vadd.f32 v11, v10  }
0x9f: {  	_ =	sdelay $0x1  }
0xa0: {  	v10 =	vld [tilespmem:s0+$0xC200]  }
0xa1: {  	s29 =	sadd.s32 $0x1, s29;
	v4 =	vmul.f32 v7, v4;
	v5 =	vmul.f32 v8, v5  }
0xa2: {  	p0 =	sne.s32 s29, $0x20  }
.Ltmp1:
0xa3: {  	v4 =	vadd.f32 v5, v4;
	(pc) =	sbr.rel @p0 .LBB2_2-.Ltmp1, $4  }
0xa4: {  	v5 =	vadd.f32 v9, v6  }
0xa5: {  	v4 =	vadd.f32 v4, v10  }
0xa6: {  	[tilespmem:s30+$0x12200] =	vst v5  }
0xa7: {  	[tilespmem:s0+$0x12200] =	vst v4  }
0xa8: {  	s29 =	simm.s32 $0x0;
	s0 =	rddreg [dreg:$0x8]  }
0xa9: {  	[hbm4b:s0+s29] =	stream.linear.scatter [tilespmem:s25], [sflag:$0x4], $0x6000, $0x38;
	[tilespmem:$0x18200] =	vst v63  }
0xaa: {  	s5 =	rddreg [dreg:$0x9]  }
0xab: {  	[tilespmem:s29], [sflag:$0x5] =	stream.linear.gather [hbm4b:s5+s29], $0x20, $0x38;
	[tilespmem:$0x18200] =	vst v63  }
0xac: {  	_ =	swait.ge [sflag:s19], $0x20  }
0xad: {  	[sflag:s19] =	ssyncset.done $0x0  }
0xae: {  	s6 =	rddreg [dreg:$0xa];
	[sflag:s19] =	ssyncadd.s32 $0xFFFFFFE0  }
0xaf: {  	[tilespmem:s7], [sflag:$0x5] =	stream.linear.gather [hbm4b:s6+s29], $0x20, $0x38;
	[tilespmem:$0x18200] =	vst v63  }
0xb0: {  	_ =	swait.ge [sflag:s19], $0x20  }
0xb1: {  	[sflag:s19] =	ssyncset.done $0x0  }
0xb2: {  	s2 =	simm.s32 $0x100;
	s31 =	rddreg [dreg:$0xb];
	[sflag:s19] =	ssyncadd.s32 $0xFFFFFFE0  }
0xb3: {  	[tilespmem:s2], [sflag:$0x5] =	stream.linear.gather [hbm4b:s31+s29], $0x20, $0x38;
	[tilespmem:$0x18200] =	vst v63  }
0xb4: {  	_ =	swait.ge [sflag:s19], $0x20  }
0xb5: {  	[sflag:s19] =	ssyncset.done $0x0  }
0xb6: {  	s5 =	simm.s32 $0x180;
	s4 =	rddreg [dreg:$0xc];
	[sflag:s19] =	ssyncadd.s32 $0xFFFFFFE0  }
0xb7: {  	[tilespmem:s5], [sflag:$0x5] =	stream.linear.gather [hbm4b:s4+s29], $0x20, $0x38;
	[tilespmem:$0x18200] =	vst v63  }
0xb8: {  	_ =	swait.ge [sflag:s19], $0x20  }
0xb9: {  	[sflag:s19] =	ssyncset.done $0x0  }
0xba: {  	[sflag:s19] =	ssyncadd.s32 $0xFFFFFFE0  }
0xbb: {  	v4 =	vld [tilespmem:$0x0];
	_ =	sdelay $0x4  }
0xbc: {  	v5 =	vshrl.u32 v4, $0x3  }
0xbd: {  	v5 =	vmul.u32 $0x30, v5  }
0xbe: {  	v4 =	vand.u32 $0x7, v4  }
0xbf: {  	v4 =	vor.u32 v4, v5  }
0xc0: {  	v5 =	vperm.xlane v4, v1;
	_ =	sdelay $0x1  }
0xc1: {  	v5 =	vadd.s32 v2, v5;
	_ =	sdelay $0x3  }
0xc2: {  	s6 =	simm.s32 $0x200;
	v4 =	vperm.xlane v4, v3  }
0xc3: {  	[tilespmem:s6], [sflag:$0x1] =	stream.indirect_vreg.gather [hbm4b:s3+s29], $0x80, v5, vm0, $0xb8;
	[tilespmem:$0x18200] =	vst v63  }
0xc4: {  	s7 =	simm.s32 $0xA00;
	v4 =	vadd.s32 v2, v4  }
0xc5: {  	[tilespmem:s7], [sflag:$0x1] =	stream.indirect_vreg.gather [hbm4b:s8+s29], $0x80, v5, vm0, $0xb8;
	[tilespmem:$0x18200] =	vst v63  }
0xc6: {  	s31 =	simm.s32 $0x1200  }
0xc7: {  	[tilespmem:s31], [sflag:$0x1] =	stream.indirect_vreg.gather [hbm4b:s9+s29], $0x80, v5, vm0, $0xb8;
	[tilespmem:$0x18200] =	vst v63  }
0xc8: {  	s2 =	simm.s32 $0x1A00  }
0xc9: {  	[tilespmem:s2], [sflag:$0x1] =	stream.indirect_vreg.gather [hbm4b:s3+s29], $0x80, v4, vm0, $0xb8;
	[tilespmem:$0x18200] =	vst v63  }
0xca: {  	s4 =	simm.s32 $0x2200  }
0xcb: {  	[tilespmem:s4], [sflag:$0x1] =	stream.indirect_vreg.gather [hbm4b:s8+s29], $0x80, v4, vm0, $0xb8;
	[tilespmem:$0x18200] =	vst v63  }
0xcc: {  	s5 =	simm.s32 $0x2A00  }
0xcd: {  	[tilespmem:s5], [sflag:$0x1] =	stream.indirect_vreg.gather [hbm4b:s9+s29], $0x80, v4, vm0, $0xb8;
	[tilespmem:$0x18200] =	vst v63  }
0xce: {  	v4 =	vld [tilespmem:$0x10];
	_ =	sdelay $0x4  }
0xcf: {  	v5 =	vshrl.u32 v4, $0x3  }
0xd0: {  	v5 =	vmul.u32 $0x30, v5  }
0xd1: {  	v4 =	vand.u32 $0x7, v4  }
0xd2: {  	v4 =	vor.u32 v4, v5  }
0xd3: {  	v5 =	vperm.xlane v4, v1;
	_ =	sdelay $0x1  }
0xd4: {  	v5 =	vadd.s32 v2, v5;
	_ =	sdelay $0x3  }
0xd5: {  	s6 =	simm.s32 $0x3200;
	v4 =	vperm.xlane v4, v3  }
0xd6: {  	[tilespmem:s6], [sflag:$0x1] =	stream.indirect_vreg.gather [hbm4b:s3+s29], $0x80, v5, vm0, $0xb8;
	[tilespmem:$0x18200] =	vst v63  }
0xd7: {  	s7 =	simm.s32 $0x3A00;
	v4 =	vadd.s32 v2, v4  }
0xd8: {  	[tilespmem:s7], [sflag:$0x1] =	stream.indirect_vreg.gather [hbm4b:s8+s29], $0x80, v5, vm0, $0xb8;
	[tilespmem:$0x18200] =	vst v63  }
0xd9: {  	s31 =	simm.s32 $0x4200  }
0xda: {  	[tilespmem:s31], [sflag:$0x1] =	stream.indirect_vreg.gather [hbm4b:s9+s29], $0x80, v5, vm0, $0xb8;
	[tilespmem:$0x18200] =	vst v63  }
0xdb: {  	s2 =	simm.s32 $0x4A00  }
0xdc: {  	[tilespmem:s2], [sflag:$0x1] =	stream.indirect_vreg.gather [hbm4b:s3+s29], $0x80, v4, vm0, $0xb8;
	[tilespmem:$0x18200] =	vst v63  }
0xdd: {  	s4 =	simm.s32 $0x5200  }
0xde: {  	[tilespmem:s4], [sflag:$0x1] =	stream.indirect_vreg.gather [hbm4b:s8+s29], $0x80, v4, vm0, $0xb8;
	[tilespmem:$0x18200] =	vst v63  }
0xdf: {  	s5 =	simm.s32 $0x5A00  }
0xe0: {  	[tilespmem:s5], [sflag:$0x1] =	stream.indirect_vreg.gather [hbm4b:s9+s29], $0x80, v4, vm0, $0xb8;
	[tilespmem:$0x18200] =	vst v63  }
0xe1: {  	v4 =	vld [tilespmem:$0x80];
	_ =	sdelay $0x4  }
0xe2: {  	v5 =	vshrl.u32 v4, $0x3  }
0xe3: {  	v5 =	vmul.u32 $0x30, v5  }
0xe4: {  	v4 =	vand.u32 $0x7, v4  }
0xe5: {  	v4 =	vor.u32 v4, v5  }
0xe6: {  	v5 =	vperm.xlane v4, v1;
	_ =	sdelay $0x1  }
0xe7: {  	v5 =	vadd.s32 v2, v5;
	_ =	sdelay $0x3  }
0xe8: {  	s6 =	simm.s32 $0x6200;
	v4 =	vperm.xlane v4, v3  }
0xe9: {  	[tilespmem:s6], [sflag:$0x2] =	stream.indirect_vreg.gather [hbm4b:s3+s29], $0x80, v5, vm0, $0xb8;
	[tilespmem:$0x18200] =	vst v63  }
0xea: {  	s7 =	simm.s32 $0x6A00;
	v4 =	vadd.s32 v2, v4  }
0xeb: {  	[tilespmem:s7], [sflag:$0x2] =	stream.indirect_vreg.gather [hbm4b:s8+s29], $0x80, v5, vm0, $0xb8;
	[tilespmem:$0x18200] =	vst v63  }
0xec: {  	_ = 	snop  }
0xed: {  	[tilespmem:s10], [sflag:$0x2] =	stream.indirect_vreg.gather [hbm4b:s9+s29], $0x80, v5, vm0, $0xb8;
	[tilespmem:$0x18200] =	vst v63  }
0xee: {  	_ = 	snop  }
0xef: {  	[tilespmem:s11], [sflag:$0x2] =	stream.indirect_vreg.gather [hbm4b:s3+s29], $0x80, v4, vm0, $0xb8;
	[tilespmem:$0x18200] =	vst v63  }
0xf0: {  	_ = 	snop  }
0xf1: {  	[tilespmem:s12], [sflag:$0x2] =	stream.indirect_vreg.gather [hbm4b:s8+s29], $0x80, v4, vm0, $0xb8;
	[tilespmem:$0x18200] =	vst v63  }
0xf2: {  	_ = 	snop  }
0xf3: {  	[tilespmem:s13], [sflag:$0x2] =	stream.indirect_vreg.gather [hbm4b:s9+s29], $0x80, v4, vm0, $0xb8;
	[tilespmem:$0x18200] =	vst v63  }
0xf4: {  	v4 =	vld [tilespmem:$0x90];
	_ =	sdelay $0x4  }
0xf5: {  	v5 =	vshrl.u32 v4, $0x3  }
0xf6: {  	v5 =	vmul.u32 $0x30, v5  }
0xf7: {  	v4 =	vand.u32 $0x7, v4  }
0xf8: {  	v4 =	vor.u32 v4, v5  }
0xf9: {  	v5 =	vperm.xlane v4, v1;
	_ =	sdelay $0x1  }
0xfa: {  	v5 =	vadd.s32 v2, v5;
	_ =	sdelay $0x3  }
0xfb: {  	v4 =	vperm.xlane v4, v3  }
0xfc: {  	[tilespmem:s20], [sflag:$0x2] =	stream.indirect_vreg.gather [hbm4b:s3+s29], $0x80, v5, vm0, $0xb8;
	[tilespmem:$0x18200] =	vst v63  }
0xfd: {  	v4 =	vadd.s32 v2, v4  }
0xfe: {  	[tilespmem:s14], [sflag:$0x2] =	stream.indirect_vreg.gather [hbm4b:s8+s29], $0x80, v5, vm0, $0xb8;
	[tilespmem:$0x18200] =	vst v63  }
0xff: {  	_ = 	snop  }
0x100: {  	[tilespmem:s21], [sflag:$0x2] =	stream.indirect_vreg.gather [hbm4b:s9+s29], $0x80, v5, vm0, $0xb8;
	[tilespmem:$0x18200] =	vst v63  }
0x101: {  	_ = 	snop  }
0x102: {  	[tilespmem:s15], [sflag:$0x2] =	stream.indirect_vreg.gather [hbm4b:s3+s29], $0x80, v4, vm0, $0xb8;
	[tilespmem:$0x18200] =	vst v63  }
0x103: {  	_ = 	snop  }
0x104: {  	[tilespmem:s22], [sflag:$0x2] =	stream.indirect_vreg.gather [hbm4b:s8+s29], $0x80, v4, vm0, $0xb8;
	[tilespmem:$0x18200] =	vst v63  }
0x105: {  	_ = 	snop  }
0x106: {  	[tilespmem:s16], [sflag:$0x2] =	stream.indirect_vreg.gather [hbm4b:s9+s29], $0x80, v4, vm0, $0xb8;
	[tilespmem:$0x18200] =	vst v63  }
0x107: {  	s31 =	rddreg [dreg:$0xd]  }
0x108: {  	[tilespmem:s23], [sflag:$0x3] =	stream.linear.gather [hbm4b:s31+s29], $0x6000, $0x38;
	[tilespmem:$0x18200] =	vst v63  }
0x109: {  	_ =	swait.ge [sflag:s17], $0x6000  }
0x10a: {  	[sflag:s17] =	ssyncset.done $0x0  }
0x10b: {  	[sflag:s17] =	ssyncadd.s32 $0xFFFFA000  }
0x10c: {  	_ =	swait.ge [sflag:s24], $0x6000  }
0x10d: {  	[sflag:s24] =	ssyncset.done $0x0  }
0x10e: {  	[sflag:s24] =	ssyncadd.s32 $0xFFFFA000  }
0x10f: {  	_ =	swait.ge [sflag:s18], $0x6000  }
0x110: {  	[sflag:s18] =	ssyncset.done $0x0  }
0x111: {  	[sflag:s18] =	ssyncadd.s32 $0xFFFFA000  }
0x112: {  	_ =	swait.ge [sflag:s26], $0x6000  }
0x113: {  	[sflag:s26] =	ssyncset.done $0x0  }
0x114: {  	s30 =	simm.s32 $0x0;
	[sflag:s26] =	ssyncadd.s32 $0xFFFFA000  }
.LBB2_6:
0x115: {  	s0 =	sand.u32 $0x10, s30  }
0x116: {  	v4 =	vld [tilespmem:s0+$0x100]  }
0x117: {  	v5 =	vld [tilespmem:s0+$0x180]  }
0x118: {  	s2 =	sand.u32 $0xF, s30  }
0x119: {  	v6 =	vmov s2  }
0x11a: {  	vm1 =	veq.s32 v6, v0  }
0x11b: {  	v4 =	vnsel vm1, $0x0, v4  }
0x11c: {  	(xrf2) =	vadd.scan.msk.f32 $0xffff, v4;
	v4 =	vnsel vm1, $0x0, v5  }
0x11d: {  	(xrf2) =	vadd.scan.msk.f32 $0xffff, v4  }
0x11e: {  	s4 =	sshrl.u32 s30, $0x3  }
0x11f: {  	s0 =	smul.u32 $0x1800, s4;
	s2 =	sshll.u32 s30, $0x7  }
0x120: {  	s2 =	sand.u32 $0x380, s2  }
0x121: {  	s5 =	sand.u32 $0x1C00, s29;
	s0 =	sor.u32 s2, s0  }
0x122: {  	s4 =	sand.u32 $0x70, s29;
	s2 =	sadd.s32 s0, s5  }
0x123: {  	s31 =	sor.u32 s4, s2  }
0x124: {  	v7 =	vld [tilespmem:s31+$0x200]  }
0x125: {  	v8 =	vld [tilespmem:s31+$0x6200]  }
0x126: {  	s6 =	simm.s32 $0x80;
	v4, _, _ =	vpop (xrf2)  }
0x127: {  	s7 =	simm.s32 $0x10;
	s2 =	sand.u32 $0x1C00, s6;
	v5, _, _ =	vpop (xrf2)  }
0x128: {  	s4 =	sand.u32 $0x70, s7;
	s2 =	sadd.s32 s0, s2;
	v4 =	vbroadcast v4, $0xF;
	v5 =	vbroadcast v5, $0xF  }
0x129: {  	v6 =	vld [tilespmem:s31+$0xC200];
	s2 =	sor.u32 s4, s2  }
0x12a: {  	v9 =	vmul.f32 v7, v4;
	v7 =	vld [tilespmem:s2+$0x200];
	v10 =	vmul.f32 v8, v5  }
0x12b: {  	v8 =	vld [tilespmem:s2+$0x6200]  }
0x12c: {  	s5 =	simm.s32 $0x100;
	s4 =	simm.s32 $0x20;
	v9 =	vadd.f32 v10, v9  }
.LBB2_7:
0x12d: {  	s6 =	sand.u32 $0x70, s4;
	s7 =	sand.u32 $0x1C00, s5;
	p0 =	sne.s32 s4, $0x2F0  }
.Ltmp2:
0x12e: {  	s4 =	sadd.s32 $0x10, s4;
	s7 =	sadd.s32 s0, s7;
	v9 =	vadd.f32 v9, v6;
	(pc) =	sbr.rel @p0 .LBB2_7-.Ltmp2, $4  }
0x12f: {  	s6 =	sor.u32 s6, s7;
	v6 =	vld [tilespmem:s2+$0xC200]  }
0x130: {  	v10 =	vmul.f32 v7, v4;
	v7 =	vld [tilespmem:s6+$0x200];
	v11 =	vmul.f32 v8, v5;
	[tilespmem:s31+$0x12200] =	vst v9;
	s31 =	smov.u32 s2;
	s2 =	smov.u32 s6  }
0x131: {  	v8 =	vld [tilespmem:s2+$0x6200]  }
0x132: {  	s5 =	sadd.s32 $0x80, s5;
	v9 =	vadd.f32 v11, v10  }
0x133: {  	_ =	sdelay $0x1  }
0x134: {  	v10 =	vld [tilespmem:s2+$0xC200]  }
0x135: {  	s30 =	sadd.s32 $0x1, s30;
	v4 =	vmul.f32 v7, v4;
	v5 =	vmul.f32 v8, v5  }
0x136: {  	p0 =	sne.s32 s30, $0x20  }
.Ltmp3:
0x137: {  	v4 =	vadd.f32 v5, v4;
	(pc) =	sbr.rel @p0 .LBB2_6-.Ltmp3, $4  }
0x138: {  	v5 =	vadd.f32 v9, v6  }
0x139: {  	v4 =	vadd.f32 v4, v10  }
0x13a: {  	[tilespmem:s31+$0x12200] =	vst v5  }
0x13b: {  	[tilespmem:s2+$0x12200] =	vst v4  }
0x13c: {  	s0 =	rddreg [dreg:$0xe]  }
0x13d: {  	[hbm4b:s0+s1] =	stream.linear.scatter [tilespmem:s25], [sflag:$0x4], $0x6000, $0x38;
	[tilespmem:$0x18200] =	vst v63  }
0x13e: {  	_ =	swait.ge [sflag:s26], $0x6000  }
0x13f: {  	s28 =	sadd.s32 $0x1, s28;
	s31 =	rddreg [dreg:$0xf]  }
0x140: {  	p0 =	sne.s32 s28, s31  }
.Ltmp4:
0x141: {  	_ = 	snop;
	(pc) =	sbr.rel @p0 .LBB2_1-.Ltmp4, $3  }
0x142: {  	_ =	sdelay $0x1  }
0x143: {  	[sflag:s26] =	ssyncset.done $0x0  }
0x144: {  	s7 =	simm.s32 $0x80;
	[sflag:s26] =	ssyncadd.s32 $0xFFFFA000  }
0x145: {  	_ =	sfence.sel $0x180000  }
0x146: {  	[bflag:$0x0] =	sbarrier.arrive $0xFFFF  }
0x147: {  	_ =	strace $0x9000004D  }
0x148: {  	s0 =	stileid.u32;
	[bflag:$0x2] =	sbarrier.arrive $0xFFFF  }
0x149: {  	p0 =	sne.s32 s0, $0x0;
	s0 =	rddreg [dreg:$0x2]  }
0x14a: {  	s0 =	sadd.s32 @!p0 $0x100000, s0  }
0x14b: {  	[sflag:s0] =	ssyncadd.tile.s32 @!p0 $0x1;
	_ =	shalt  }
.Lfunc_end2:
_tile_overlayer_lowered:
.L_overlay_start_2:
0x14c: {  	(tag) =	ssettag $0x2  }
0x14d: {  	s0 =	rddreg [dreg:$0x0];
	s2 =	stileid.u32  }
0x14e: {  	s1 =	rddreg [dreg:$0x1];
	p0 =	sne.s32 s2, $0x0  }
0x14f: {  	s3 =	rddreg [dreg:$0x2];
	[bflag:$0x3] =	sbarrier.arrive $0xFFFF;
	s2 =	simm.s32 @!p0 $0x1C05  }
0x150: {  	[timem:s3], [sflag:s2] =	dma.local @!p0 [hbm:s0], s1  }
0x151: {  	s0 =	simm.s32 @!p0 $0x5  }
0x152: {  	_ =	swait.ge @!p0 [sflag:s0], s1  }
0x153: {  	s1 =	ssub.s32 @!p0 $0x0, s1;
	[sflag:s0] =	ssyncset.done @!p0 $0x0  }
0x154: {  	[sflag:s0] =	ssyncadd.s32 @!p0 s1  }
0x155: {  	[bflag:$0x3] =	sbarrier.arrive $0xFFFF  }
0x156: {  	_ =	shalt  }

// kernel: kernel.8.cloned.1.call-start
scs
__scs_entry_jumppad:
0x0: {  	(pc) =	sbr.rel $0x88, $3  }
0x1: {  	(tag) =	ssettag $0x0;
	lr =	simm.s32 $0x1  }
0x2: {  	[smem:$0x3F99] =	sst lr;
	_ =	strace $0xD0000000  }
0x3: {  	_ = 	snop  }
0x4: {  	_ = 	snop  }
0x5: {  	_ = 	snop  }
0x6: {  	_ = 	snop  }
0x7: {  	_ = 	snop  }
__scs_overlays_trampoline_lowered:
0x8: {  	[smem:$0x3FA8] =	sst s0  }
0x9: {  	[smem:$0x3FA9] =	sst s1  }
0xa: {  	[smem:$0x3FAA] =	sst s2  }
0xb: {  	[smem:$0x3FAB] =	sst s3  }
0xc: {  	[smem:$0x3FAC] =	sst s4  }
0xd: {  	[smem:$0x3FAD] =	sst s5  }
0xe: {  	[smem:$0x3FAE] =	sst s6  }
0xf: {  	[smem:$0x3FAF] =	sst s7  }
0x10: {  	[smem:$0x3FB0] =	sst s8  }
0x11: {  	[smem:$0x3FB1] =	sst s9;
	s0 =	simm.s32 @!p0 $0x0  }
0x12: {  	s1 =	sld [smem:$0x3F97];
	s0 =	simm.s32 @p0 $0x1  }
0x13: {  	[smem:$0x3FB2] =	sst s0;
	s0 =	simm.s32 @!p1 $0x0  }
0x14: {  	s2 =	sld [smem:$0x3F96];
	s0 =	simm.s32 @p1 $0x1  }
0x15: {  	[smem:$0x3FB3] =	sst s0;
	s0 =	simm.s32 @!p2 $0x0  }
0x16: {  	s3 =	sld [smem:$0x3FDB];
	s0 =	simm.s32 @p2 $0x1  }
0x17: {  	s4 =	simm.s32 $0x1BF5;
	[smem:$0x3FB5] =	sst s0  }
0x18: {  	s0 =	sld [smem:$0x3F98];
	_ =	swait.ge [sflag:s4], $0x0  }
0x19: {  	s7 =	sld [smem:$0x3F99]  }
0x1a: {  	s8 =	sadd.s32 $0xFFFFE003, lr  }
0x1b: {  	s9 =	sadd.s32 $0xFFFFFEF7, lr;
	s5 =	simm.s32 $0xFFFFFFFF;
	p2 =	slt.u32 s8, $0xFFFFF086  }
0x1c: {  	p1 =	slt.u32 s9, $0xF7A;
	s5 =	simm.s32 @!p2 $0x0  }
0x1d: {  	s5 =	simm.s32 @p1 $0x1;
	p0 =	seq.s32 s7, s2  }
0x1e: {  	s7 =	smul.u32 @!p0 $0xF7A, s2;
	p2 =	seq.s32 @!p0 s5, $0x0  }
0x1f: {  	s9 =	smul.u32 $0xF7A, s1;
	s8 =	simm.s32 @!p0 $0x1BF5;
	p2 =	por !p2, p0  }
0x20: {  	[sflag:s8] =	ssyncset.s32 @!p0 $0xFFFFF086;
	s6 =	sadd.s32 @!p0 s3, s7;
	s7 =	simm.s32 @!p0 $0x108  }
0x21: {  	s3 =	sadd.s32 s3, s9;
	s6 =	sadd.s32 @!p0 $0x88, s6;
	s7 =	simm.s32 @p2 $0x1082  }
0x22: {  	[simem:s7], [sflag:s8] =	dma.local @!p0 [hbm:s6], $0xF7A  }
0x23: {  	s9 =	sor.u32 $0xD0000000, s2;
	s6 =	simm.s32 $0x108;
	_ =	swait.ge @!p0 [sflag:s8], $0x0  }
0x24: {  	s3 =	sadd.s32 $0x88, s3;
	s6 =	simm.s32 @!p1 $0x1082;
	[sflag:s4] =	ssyncset.s32 $0xFFFFF086  }
0x25: {  	[simem:s6], [sflag:s4] =	dma.local [hbm:s3], $0xF7A  }
0x26: {  	[smem:$0x3F99] =	sst s1;
	(tag) =	ssettag s2;
	_ =	strace s9  }
0x27: {  	s1 =	sld [smem:$0x3FA9]  }
0x28: {  	s2 =	sld [smem:$0x3FAA]  }
0x29: {  	s4 =	sld [smem:$0x3FAC]  }
0x2a: {  	p0 =	seq.s32 s5, $0x0;
	s5 =	sld [smem:$0x3FAD]  }
0x2b: {  	s6 =	sld [smem:$0x3FAE]  }
0x2c: {  	s7 =	sld [smem:$0x3FAF]  }
0x2d: {  	s3 =	simm.s32 $0x108;
	s8 =	sld [smem:$0x3FB0]  }
0x2e: {  	s3 =	simm.s32 @!p0 $0x1082;
	s9 =	sld [smem:$0x3FB1]  }
0x2f: {  	lr =	sadd.s32 s0, s3;
	s0 =	sld [smem:$0x3FA8]  }
0x30: {  	s3 =	sld [smem:$0x3FAB]  }
0x31: {  	[smem:$0x3FB4] =	sst s10  }
0x32: {  	s10 =	sld [smem:$0x3FB2];
	_ =	sdelay $0x3  }
0x33: {  	p0 =	seq.s32 s10, $0x1;
	s10 =	sld [smem:$0x3FB4];
	_ =	sdelay $0x3  }
0x34: {  	[smem:$0x3FB4] =	sst s10  }
0x35: {  	s10 =	sld [smem:$0x3FB3];
	_ =	sdelay $0x3  }
0x36: {  	p1 =	seq.s32 s10, $0x1;
	s10 =	sld [smem:$0x3FB4];
	_ =	sdelay $0x3  }
0x37: {  	[smem:$0x3FB4] =	sst s10  }
0x38: {  	s10 =	sld [smem:$0x3FB5]  }
0x39: {  	_ = 	snop;
	(pc) =	sbr.ind lr, $3  }
0x3a: {  	_ = 	snop  }
0x3b: {  	_ = 	snop  }
0x3c: {  	p2 =	seq.s32 s10, $0x1;
	s10 =	sld [smem:$0x3FB4]  }
0x3d: {  	_ =	shalt  }
0x3e: {  	_ =	shalt  }
0x3f: {  	_ =	shalt  }
0x40: {  	_ =	shalt  }
0x41: {  	_ =	shalt  }
0x42: {  	_ =	shalt  }
0x43: {  	_ =	shalt  }
0x44: {  	_ =	shalt  }
0x45: {  	_ =	shalt  }
0x46: {  	_ =	shalt  }
0x47: {  	_ =	shalt  }
0x48: {  	_ =	shalt  }
0x49: {  	_ =	shalt  }
0x4a: {  	_ =	shalt  }
0x4b: {  	_ =	shalt  }
0x4c: {  	_ =	shalt  }
0x4d: {  	_ =	shalt  }
0x4e: {  	_ =	shalt  }
0x4f: {  	_ =	shalt  }
0x50: {  	_ =	shalt  }
0x51: {  	_ =	shalt  }
0x52: {  	_ =	shalt  }
0x53: {  	_ =	shalt  }
0x54: {  	_ =	shalt  }
0x55: {  	_ =	shalt  }
0x56: {  	_ =	shalt  }
0x57: {  	_ =	shalt  }
0x58: {  	_ =	shalt  }
0x59: {  	_ =	shalt  }
0x5a: {  	_ =	shalt  }
0x5b: {  	_ =	shalt  }
0x5c: {  	_ =	shalt  }
0x5d: {  	_ =	shalt  }
0x5e: {  	_ =	shalt  }
0x5f: {  	_ =	shalt  }
0x60: {  	_ =	shalt  }
0x61: {  	_ =	shalt  }
0x62: {  	_ =	shalt  }
0x63: {  	_ =	shalt  }
0x64: {  	_ =	shalt  }
0x65: {  	_ =	shalt  }
0x66: {  	_ =	shalt  }
0x67: {  	_ =	shalt  }
0x68: {  	_ =	shalt  }
0x69: {  	_ =	shalt  }
0x6a: {  	_ =	shalt  }
0x6b: {  	_ =	shalt  }
0x6c: {  	_ =	shalt  }
0x6d: {  	_ =	shalt  }
0x6e: {  	_ =	shalt  }
0x6f: {  	_ =	shalt  }
0x70: {  	_ =	shalt  }
0x71: {  	_ =	shalt  }
0x72: {  	_ =	shalt  }
0x73: {  	_ =	shalt  }
0x74: {  	_ =	shalt  }
0x75: {  	_ =	shalt  }
0x76: {  	_ =	shalt  }
0x77: {  	_ =	shalt  }
0x78: {  	_ =	shalt  }
0x79: {  	_ =	shalt  }
0x7a: {  	_ =	shalt  }
0x7b: {  	_ =	shalt  }
0x7c: {  	_ =	shalt  }
0x7d: {  	_ =	shalt  }
0x7e: {  	_ =	shalt  }
0x7f: {  	_ =	shalt  }
0x80: {  	_ =	shalt  }
0x81: {  	_ =	shalt  }
0x82: {  	_ =	shalt  }
0x83: {  	_ =	shalt  }
0x84: {  	_ =	shalt  }
0x85: {  	_ =	shalt  }
0x86: {  	_ =	shalt  }
0x87: {  	_ =	shalt  }
.Lfunc_end0:
.L_simem_size_0:
called_computation_lowered:
.L_overlay_start_0:
0x88: {  	s2 =	sld [smem:$0x3FD9]  }
0x89: {  	s3 =	sld [smem:$0x3FFE];
	_ =	sdelay $0x1  }
0x8a: {  	s1 =	srdreg.scid  }
0x8b: {  	s0 =	sand.u32 $0x1, s1  }
0x8c: {  	s17 =	sshll.u32 s0, $0xA;
	s2 =	sadd.s32 s3, s2  }
0x8d: {  	s2 =	sadd.s32 s2, s17  }
0x8e: {  	[smem:$0x3FC0] =	sst s2  }
0x8f: {  	_ = 	snop  }
0x90: {  	s2 =	sld [smem:$0x3FD0];
	(tm) =	ssettm $0x1  }
0x91: {  	s18 =	sld [smem:$0x3FFB];
	_ =	sdelay $0x3  }
0x92: {  	_ =	strace s18  }
0x93: {  	s3 =	sld [smem:$0x3FFC];
	_ =	sdelay $0x3  }
0x94: {  	_ =	strace s3  }
0x95: {  	s3 =	sld [smem:$0x3FFD];
	_ =	sdelay $0x3  }
0x96: {  	_ =	strace s3  }
0x97: {  	_ =	strace $0x8FFFFFFF  }
0x98: {  	s19 =	sld [smem:$0x3FDB];
	_ =	sdelay $0x1  }
0x99: {  	s4 =	simm.s32 $_scs_section_size  }
0x9a: {  	s5 =	simm.s32 $_size__tile_overlayer_lowered;
	s6 =	simm.s32 $_tile_overlayer_lowered  }
0x9b: {  	s22 =	simm.s32 $0x1BFF;
	s21 =	sshll.u32 s6, $0x1;
	s3 =	sadd.s32 s4, s19  }
0x9c: {  	s7 =	simm.s32 $0x0;
	s20 =	sshll.u32 s5, $0x1;
	s5 =	sadd.s32 s21, s3  }
0x9d: {  	[timem:s7], [sflag:s22] =	dma.local [hbm:s5], s20  }
0x9e: {  	_ =	swait.ge [sflag:s22], s20  }
0x9f: {  	s4 =	ssub.s32 $0x0, s20;
	[sflag:s22] =	ssyncset.done $0x0  }
0xa0: {  	[sflag:s22] =	ssyncadd.s32 s4;
	_ =	sdelay $0x1  }
0xa1: {  	s23 =	simm.s32 $0x1B8B  }
0xa2: {  	_ =	swait.ge [sflag:s23], $0x1  }
0xa3: {  	[sflag:s23] =	ssyncset.done $0x0  }
0xa4: {  	s25 =	simm.s32 $0x1B8E;
	s24 =	sld [smem:$0x3FFE];
	[sflag:s23] =	ssyncadd.s32 $0xFFFFFFFF  }
0xa5: {  	s26 =	simm.s32 $execute0_lowered;
	[smem:$0x3FD2] =	sst s25  }
0xa6: {  	s5 =	sshll.u32 s26, $0x1;
	_ =	strace $0x80000046;
	[dreg:$0x1] =	wrdreg $0xFFFFFFFF  }
0xa7: {  	s28 =	simm.s32 $_size_execute0_lowered;
	s3 =	sadd.s32 s3, s5;
	[dreg:$0x0] =	wrdreg $0x0  }
0xa8: {  	s5 =	sshll.u32 s28, $0x1;
	[dreg:$0x2] =	wrdreg s3  }
0xa9: {  	[dreg:$0x3] =	wrdreg s5  }
0xaa: {  	[dreg:$0x4] =	wrdreg $0xC0  }
0xab: {  	_ =	task [dreg:s7], $0x5FFFF  }
0xac: {  	[dreg:$0x1] =	wrdreg $0xFFFFFFFF  }
0xad: {  	[dreg:$0x0] =	wrdreg $0x60  }
0xae: {  	[dreg:$0x2] =	wrdreg s2  }
0xaf: {  	[dreg:$0x3] =	wrdreg s24  }
0xb0: {  	[dreg:$0x4] =	wrdreg $0x76000  }
0xb1: {  	[dreg:$0x5] =	wrdreg $0x75000  }
0xb2: {  	[dreg:$0x6] =	wrdreg $0x76100  }
0xb3: {  	[dreg:$0x7] =	wrdreg $0x8E100  }
0xb4: {  	[dreg:$0x8] =	wrdreg $0x9  }
0xb5: {  	_ =	task.clear_ibuf [dreg:s7], $0x9FFFF;
	_ =	strace $0x90000046  }
0xb6: {  	s29 =	simm.s32 $0x9;
	_ =	strace $0x80000048  }
0xb7: {  	_ =	swait.ge [sflag:s29], $0x1  }
0xb8: {  	[sflag:s29] =	ssyncadd.s32 $0xFFFFFFFF  }
0xb9: {  	_ =	strace $0x90000048  }
0xba: {  	_ =	sfence  }
0xbb: {  	s30 =	sld [smem:$0x0];
	_ =	sdelay $0x2  }
0xbc: {  	s31 =	sshll.u32 s1, $0xD;
	s1 =	sshrl.u32 s1, $0x2  }
0xbd: {  	s3 =	sand.u32 $0x4000, s31;
	s1 =	sadd.s32 s1, s30  }
0xbe: {  	s0 =	sor.u32 s3, s0;
	s1 =	sshll.u32 s1, $0x11  }
0xbf: {  	s0 =	sor.u32 s1, s0  }
0xc0: {  	s0 =	sadd.s32 $0x8F2B, s0  }
0xc1: {  	[sflag:s0] =	ssyncadd.remote.s32 $0x1  }
0xc2: {  	_ =	sfence.sel $0xFFFF  }
0xc3: {  	[dreg:$0x0] =	wrdreg $0xFFFFFFFF;
	(pc) =	sbr.abs _section_cstart, $3  }
0xc4: {  	[dreg:$0x1] =	wrdreg $0xFFFFFFFF  }
0xc5: {  	_ =	task.clear_ibuf [dreg:s7], $0x2FFFF;
	_ =	strace $0x9FFFFFFF  }
0xc6: {  	(tm) =	ssettm $0x7FFFFFFF  }
0xc7: {  	_ =	shalt  }
tec
execute0_lowered:
.L_overlay_start_1:
0x0: {  	(tag) =	ssettag $0x1  }
0x1: {  	s0 =	rddreg [dreg:$0x0]  }
0x2: {  	s1 =	rddreg [dreg:$0x1]  }
0x3: {  	s19 =	rddreg [dreg:$0x2]  }
0x4: {  	s13 =	rddreg [dreg:$0x3]  }
0x5: {  	s2 =	rddreg [dreg:$0x4]  }
0x6: {  	s5 =	rddreg [dreg:$0x5];
	s6 =	stileid.u32;
	s3 =	simm.s32 $0x0  }
0x7: {  	s9 =	srdreg.scid;
	s31 =	simm.s32 $0x3A80;
	s28 =	simm.s32 $0x6280  }
0x8: {  	s4 =	smul.u32 $0x180, s6;
	[smem:$0x7FF] =	sst s3;
	s8 =	sshll.u32 s6, $0x5  }
0x9: {  	s11 =	sadd.s32 $0x3C00, s1;
	s22 =	sand.u32 $0x1, s9;
	s16 =	sadd.s32 $0x3200, s1  }
0xa: {  	s17 =	sadd.s32 $0x3400, s1;
	s10 =	sadd.s32 $0x3600, s1;
	s21 =	sshll.u32 s6, $0x8  }
0xb: {  	s14 =	sshll.u32 s6, $0x7;
	s15 =	sshrl.u32 s6, $0x3;
	s24 =	sshll.u32 s6, $0x4  }
0xc: {  	s30 =	sshll.u32 s6, $0xB;
	_ =	strace $0x80000047;
	[dreg:$0x7] =	wrdreg s16  }
0xd: {  	p0 =	sne.s32 s6, $0x0;
	s8 =	sadd.s32 s8, s1;
	[dreg:$0x8] =	wrdreg s17  }
0xe: {  	s18 =	ssub.s32 $0x2, s22;
	[dreg:$0x9] =	wrdreg s10;
	s9 =	sadd.s32 s0, s21  }
0xf: {  	s23 =	sor.u32 $0x800, s14;
	s16 =	smul.u32 $0x30000, s15;
	s10 =	sadd.s32 s11, s24  }
0x10: {  	s25 =	sand.u32 $0x380, s14;
	s17 =	sshll.u32 s15, $0xF;
	p1 =	sne.s32 s22, $0x0  }
0x11: {  	s22 =	simm.s32 $0x1;
	s0 =	simm.s32 $0x2280;
	s24 =	simm.s32 $0x4A80  }
0x12: {  	s7 =	sshrl.u32 s4, $0x3;
	s20 =	sshrl.u32 s18, $0x1;
	s12 =	sshrl.u32 s23, $0x3  }
0x13: {  	s26 =	sadd.s32 s17, s5;
	s7 =	sadd.s32 s7, s1;
	s1 =	sadd.s32 $0x3800, s1  }
0x14: {  	s11 =	sadd.s32 s11, s12;
	s12 =	sadd.s32 s14, s13;
	s13 =	sadd.s32 s23, s13  }
0x15: {  	s16 =	sshrl.u32 s16, $0x2;
	s14 =	sadd.s32 s14, s19;
	[dreg:$0xa] =	wrdreg s1  }
.Ltmp0:
0x16: {  	s1 =	ssub.s32 s18, s20;
	s16 =	sadd.s32 s16, s2;
	(pc) =	sbr.rel .LBB2_1-.Ltmp0, $4  }
0x17: {  	s18 =	smul.u32 $0x3000, s6;
	s19 =	sadd.s32 $0x2E00, s7;
	s20 =	sadd.s32 $0x3A00, s8  }
0x18: {  	v1 =	vmov s6;
	s6 =	simm.s32 $0x80;
	s7 =	simm.s32 $0x400;
	s15 =	sadd.s32 s25, s16  }
0x19: {  	v0 =	vlaneseq.u32;
	s16 =	sadd.s32 s25, s26;
	s21 =	smax.u32 s1, $0x1;
	s29 =	sshrl.u32 s18, $0x2  }
0x1a: {  	v3 =	vimm.s32 $0x0;
	v2 =	vmul.u32 $0x10, v0;
	s26 =	simm.s32 $0x0;
	s18 =	sadd.s32 s30, s5;
	s17 =	sadd.s32 s29, s2  }
.LBB2_21:
0x1b: {  	[bflag:$0x0] =	sbarrier.arrive $0xFFFF  }
0x1c: {  	[bflag:$0x0] =	sbarrier.arrive $0xFFFF  }
0x1d: {  	[bflag:$0x0] =	sbarrier.arrive $0xFFFF  }
.LBB2_19:
0x1e: {  	s26 =	sadd.s32 $0x1, s26  }
0x1f: {  	p2 =	sne.s32 s26, s21  }
.Ltmp1:
0x20: {  	_ = 	snop;
	(pc) =	sbr.rel @!p2 .LBB2_20-.Ltmp1, $1  }
0x21: {  	_ =	sdelay $0x3  }
.LBB2_1:
.Ltmp2:
0x22: {  	(pc) =	sbr.rel @p1 .LBB2_21-.Ltmp2, $1  }
0x23: {  	_ =	sdelay $0x3  }
0x24: {  	s1 =	simm.s32 $0x0  }
0x25: {  	v4 =	vmov s1  }
0x26: {  	v4 =	vshll.u32 v4, $0x4  }
0x27: {  	v4 =	vor.u32 v2, v4  }
0x28: {  	[tilespmem:s1], [sflag:$0x1] =	stream.linear.gather [hbm4b:s9+s1], $0x800, $0x38;
	[tilespmem:$0x9E10] =	vst v63  }
0x29: {  	_ =	swait.ge [sflag:s22], $0x800;
	v5 =	vor.u32 $0x1, v4  }
0x2a: {  	[sflag:s22] =	ssyncset.done $0x0  }
0x2b: {  	[sflag:s22] =	ssyncadd.s32 $0xFFFFF800  }
0x2c: {  	v6 =	vld.idx.msk [tilespmem:v4+s3+$0x0], $0xffff  }
0x2d: {  	v7 =	vor.u32 $0x2, v4  }
0x2e: {  	v5 =	vld.idx.msk [tilespmem:v5+s3+$0x0], $0xffff;
	_ =	sdelay $0x2  }
0x2f: {  	vm0 =	vgt.f32 v6, $-1.000000020e+30  }
0x30: {  	v8 =	vor.u32 $0x3, v4;
	v7 =	vld.idx.msk [tilespmem:v7+s3+$0x0], $0xffff;
	v6 =	vnsel vm0, $0xF149F2CA, v6  }
0x31: {  	v9 =	vimm.s32 $0x0;
	vm0 =	vgt.f32 v5, v6  }
0x32: {  	vm1 =	vgt.f32 v5, $-1.000000020e+30;
	v9 =	vsel vm0, $0xFFFFFFFF, v9;
	vm0 =	vmneg vm0  }
0x33: {  	vm13 =	vmand vm1, vm0  }
0x34: {  	[tilespmem:$0x1FF20] =	vst v9;
	v9 =	vor.u32 $0x4, v4;
	v10 =	vsel vm0, v6, v5;
	v5 =	vnsel vm13, $0xF149F2CA, v5  }
0x35: {  	v8 =	vld.idx.msk [tilespmem:v8+s3+$0x0], $0xffff;
	vm14 =	vgt.f32 v7, v10;
	v5 =	vsel vm0, v5, v6  }
0x36: {  	vm11 =	vmneg vm14;
	vm0 =	vgt.f32 v7, v5  }
0x37: {  	v11 =	vimm.s32 $0x0;
	vm0 =	vmand vm11, vm0  }
0x38: {  	v11 =	vsel vm0, $0xFFFFFFFF, v11  }
0x39: {  	v6 =	vor.u32 $0x5, v4;
	v9 =	vld.idx.msk [tilespmem:v9+s3+$0x0], $0xffff;
	v5 =	vsel vm0, v7, v5;
	[tilespmem:$0x1FF30] =	vst v11;
	v11 =	vsel vm11, v10, v7  }
0x3a: {  	v5 =	vsel vm11, v5, v10;
	vm15 =	vgt.f32 v8, v11  }
0x3b: {  	vm4 =	vgt.f32 v8, v5;
	vm9 =	vmneg vm15  }
0x3c: {  	vm0 =	vmand vm9, vm4  }
0x3d: {  	v5 =	vsel vm0, v8, v5;
	v8 =	vsel vm9, v11, v8  }
0x3e: {  	v7 =	vor.u32 $0x6, v4;
	v6 =	vld.idx.msk [tilespmem:v6+s3+$0x0], $0xffff;
	v5 =	vsel vm9, v5, v11;
	vm5 =	vgt.f32 v9, v8  }
0x3f: {  	v10 =	vimm.s32 $0x0;
	vm8 =	vmneg vm5;
	vm6 =	vgt.f32 v9, v5  }
0x40: {  	v10 =	vsel vm0, $0xFFFFFFFF, v10;
	v11 =	vimm.s32 $0x0;
	vm0 =	vmand vm8, vm6  }
0x41: {  	[tilespmem:$0x1FF40] =	vst v10;
	v11 =	vsel vm0, $0xFFFFFFFF, v11  }
0x42: {  	v10 =	vor.u32 $0x7, v4;
	v5 =	vsel vm0, v9, v5;
	[tilespmem:$0x1FF50] =	vst v11;
	v11 =	vsel vm8, v8, v9  }
0x43: {  	v7 =	vld.idx.msk [tilespmem:v7+s3+$0x0], $0xffff;
	v5 =	vsel vm8, v5, v8;
	vm7 =	vgt.f32 v6, v11  }
0x44: {  	vm10 =	vgt.f32 v6, v5;
	vm7 =	vmneg vm7  }
0x45: {  	v9 =	vimm.s32 $0x0;
	vm0 =	vmand vm7, vm10  }
0x46: {  	v9 =	vsel vm0, $0xFFFFFFFF, v9  }
0x47: {  	v8 =	vor.u32 $0x8, v4;
	v5 =	vsel vm0, v6, v5;
	[tilespmem:$0x1FF60] =	vst v9;
	v9 =	vld.idx.msk [tilespmem:v10+s3+$0x0], $0xffff;
	v10 =	vsel vm7, v11, v6  }
0x48: {  	v5 =	vsel vm7, v5, v11;
	vm12 =	vgt.f32 v7, v10  }
0x49: {  	vm14 =	vgt.f32 v7, v5;
	vm10 =	vmneg vm12  }
0x4a: {  	v11 =	vimm.s32 $0x0;
	vm0 =	vmand vm10, vm14  }
0x4b: {  	v6 =	vor.u32 $0x9, v4;
	v11 =	vsel vm0, $0xFFFFFFFF, v11  }
0x4c: {  	v8 =	vld.idx.msk [tilespmem:v8+s3+$0x0], $0xffff;
	v5 =	vsel vm0, v7, v5;
	[tilespmem:$0x1FF70] =	vst v11;
	v11 =	vsel vm10, v10, v7  }
0x4d: {  	v5 =	vsel vm10, v5, v10;
	vm15 =	vgt.f32 v9, v11  }
0x4e: {  	vm4 =	vgt.f32 v9, v5;
	vm12 =	vmneg vm15  }
0x4f: {  	vm0 =	vmand vm12, vm4  }
0x50: {  	v7 =	vor.u32 $0xA, v4;
	v6 =	vld.idx.msk [tilespmem:v6+s3+$0x0], $0xffff;
	v5 =	vsel vm0, v9, v5;
	v9 =	vsel vm12, v11, v9  }
0x51: {  	v5 =	vsel vm12, v5, v11;
	vm5 =	vgt.f32 v8, v9  }
0x52: {  	v10 =	vimm.s32 $0x0;
	vm15 =	vmneg vm5;
	vm6 =	vgt.f32 v8, v5  }
0x53: {  	v10 =	vsel vm0, $0xFFFFFFFF, v10;
	vm0 =	vmand vm15, vm6  }
0x54: {  	[tilespmem:$0x1FF80] =	vst v10;
	v10 =	vor.u32 $0xB, v4;
	v5 =	vsel vm0, v8, v5;
	v8 =	vsel vm15, v9, v8  }
0x55: {  	v11 =	vimm.s32 $0x0;
	v7 =	vld.idx.msk [tilespmem:v7+s3+$0x0], $0xffff;
	v5 =	vsel vm15, v5, v9;
	vm14 =	vgt.f32 v6, v8  }
0x56: {  	v11 =	vsel vm0, $0xFFFFFFFF, v11;
	vm6 =	vmneg vm14;
	vm4 =	vgt.f32 v6, v5  }
0x57: {  	[tilespmem:$0x1FF90] =	vst v11;
	v11 =	vimm.s32 $0x0;
	vm0 =	vmand vm6, vm4  }
0x58: {  	v11 =	vsel vm0, $0xFFFFFFFF, v11  }
0x59: {  	v9 =	vor.u32 $0xC, v4;
	v5 =	vsel vm0, v6, v5;
	[tilespmem:$0x1FFA0] =	vst v11;
	v11 =	vsel vm6, v8, v6  }
0x5a: {  	v10 =	vld.idx.msk [tilespmem:v10+s3+$0x0], $0xffff;
	v5 =	vsel vm6, v5, v8;
	vm5 =	vgt.f32 v7, v11  }
0x5b: {  	vm14 =	vgt.f32 v7, v5;
	vm5 =	vmneg vm5  }
0x5c: {  	v8 =	vimm.s32 $0x0;
	vm0 =	vmand vm5, vm14  }
0x5d: {  	v8 =	vsel vm0, $0xFFFFFFFF, v8  }
0x5e: {  	v6 =	vor.u32 $0xD, v4;
	v5 =	vsel vm0, v7, v5;
	v7 =	vsel vm5, v11, v7;
	[tilespmem:$0x1FFB0] =	vst v8;
	v8 =	vld.idx.msk [tilespmem:v9+s3+$0x0], $0xffff  }
0x5f: {  	v5 =	vsel vm5, v5, v11;
	vm4 =	vgt.f32 v10, v7  }
0x60: {  	vm4 =	vmneg vm4;
	vm14 =	vgt.f32 v10, v5  }
0x61: {  	vm0 =	vmand vm4, vm14  }
0x62: {  	v9 =	vor.u32 $0xE, v4;
	v5 =	vsel vm0, v10, v5;
	v10 =	vsel vm4, v7, v10  }
0x63: {  	v6 =	vld.idx.msk [tilespmem:v6+s3+$0x0], $0xffff;
	v5 =	vsel vm4, v5, v7;
	vm14 =	vgt.f32 v8, v10  }
0x64: {  	v11 =	vimm.s32 $0x0;
	vm3 =	vmneg vm14;
	vm14 =	vgt.f32 v8, v5  }
0x65: {  	v11 =	vsel vm0, $0xFFFFFFFF, v11;
	v7 =	vimm.s32 $0x0;
	vm0 =	vmand vm3, vm14  }
0x66: {  	v7 =	vsel vm0, $0xFFFFFFFF, v7  }
0x67: {  	v5 =	vsel vm0, v8, v5;
	v8 =	vsel vm3, v10, v8;
	[tilespmem:$0x1FFD0] =	vst v7;
	v7 =	vld.idx.msk [tilespmem:v9+s3+$0x0], $0xffff  }
0x68: {  	v5 =	vsel vm3, v5, v10;
	vm14 =	vgt.f32 v6, v8  }
0x69: {  	v4 =	vor.u32 $0xF, v4;
	vm2 =	vmneg vm14;
	vm14 =	vgt.f32 v6, v5  }
0x6a: {  	vm0 =	vmand vm2, vm14  }
0x6b: {  	v5 =	vsel vm0, v6, v5;
	v6 =	vsel vm2, v8, v6  }
0x6c: {  	v5 =	vsel vm2, v5, v8;
	vm14 =	vgt.f32 v7, v6  }
0x6d: {  	v9 =	vimm.s32 $0x0;
	vm1 =	vmneg vm14;
	vm14 =	vgt.f32 v7, v5  }
0x6e: {  	v4 =	vld.idx.msk [tilespmem:v4+s3+$0x0], $0xffff;
	v9 =	vsel vm0, $0xFFFFFFFF, v9;
	v8 =	vimm.s32 $0x0;
	vm0 =	vmand vm1, vm14  }
0x6f: {  	v8 =	vsel vm0, $0xFFFFFFFF, v8  }
0x70: {  	[tilespmem:$0x1FFF0] =	vst v8;
	v8 =	vld [tilespmem:$0x1FF20]  }
0x71: {  	[tilespmem:$0x1FFE0] =	vst v9;
	v9 =	vld [tilespmem:$0x1FF30]  }
0x72: {  	v5 =	vsel vm0, v7, v5;
	v7 =	vsel vm1, v6, v7  }
0x73: {  	v5 =	vsel vm1, v5, v6;
	vm14 =	vgt.f32 v4, v7  }
0x74: {  	v6 =	vsel vm13, $0x1, v3;
	vm0 =	vmneg vm14;
	vm13 =	vgt.f32 v4, v5  }
0x75: {  	vm13 =	vmand vm0, vm13;
	vm14 =	vnez.u8 v8  }
0x76: {  	v5 =	vsel vm13, v4, v5;
	v8 =	vsel vm14, $0x1, v3;
	vm14 =	vnez.u8 v9;
	v9 =	vld [tilespmem:$0x1FF40]  }
0x77: {  	v4 =	vsel vm0, v7, v4;
	v5 =	vsel vm0, v5, v7;
	v7 =	vld [tilespmem:$0x1FF50];
	_ =	sdelay $0x2  }
0x78: {  	v6 =	vsel vm14, $0x2, v6  }
0x79: {  	v6 =	vsel vm11, v6, v8;
	vm14 =	vnez.u8 v9  }
0x7a: {  	v6 =	vsel vm14, $0x3, v6;
	vm14 =	vnez.u8 v7;
	v7 =	vld [tilespmem:$0x1FF60];
	_ =	sdelay $0x1  }
0x7b: {  	v8 =	vnsel vm11, $0x2, v8  }
0x7c: {  	v4 =	vsub.f32 v5, v4;
	v5 =	vsel vm9, v6, v8  }
0x7d: {  	v6 =	vnsel vm9, $0x3, v8;
	v5 =	vsel vm14, $0x4, v5  }
0x7e: {  	v4 =	vmul.f32 $1.442695020e+00, v4;
	v5 =	vsel vm8, v5, v6;
	vm14 =	vnez.u8 v7  }
0x7f: {  	v6 =	vnsel vm8, $0x4, v6;
	v5 =	vsel vm14, $0x5, v5  }
0x80: {  	(erf) = vpow2.f32 v4;
	v4 =	vsel vm7, v5, v6;
	v5 =	vnsel vm7, $0x5, v6;
	v6 =	vld [tilespmem:$0x1FF70];
	_ =	sdelay $0x4  }
0x81: {  	vm9 =	vnez.u8 v6;
	v6 =	vld [tilespmem:$0x1FF80];
	_ =	sdelay $0x4  }
0x82: {  	vm11 =	vnez.u8 v6;
	v6 =	vld [tilespmem:$0x1FF90];
	_ =	sdelay $0x4  }
0x83: {  	vm14 =	vnez.u8 v6;
	v6 =	vld [tilespmem:$0x1FFA0];
	_ =	sdelay $0x4  }
0x84: {  	v4 =	vsel vm9, $0x6, v4;
	vm9 =	vnez.u8 v6;
	v6 =	vld [tilespmem:$0x1FFB0];
	_ =	sdelay $0x4  }
0x85: {  	v4 =	vsel vm10, v4, v5;
	v5 =	vnsel vm10, $0x6, v5;
	vm10 =	vnez.u8 v6;
	v6 =	vpop (erf)  }
0x86: {  	v6 =	vadd.f32 $1.000000000e+00, v6;
	_ =	sdelay $0x1  }
0x87: {  	(erf) = vrcp.f32 v6;
	v6 =	vld [tilespmem:$0x1FFD0];
	_ =	sdelay $0x1  }
0x88: {  	v4 =	vsel vm11, $0x7, v4  }
0x89: {  	[tilespmem:$0x1FFC0] =	vst v11;
	v4 =	vsel vm12, v4, v5  }
0x8a: {  	v7 =	vld [tilespmem:$0x1FFC0];
	v5 =	vnsel vm12, $0x7, v5;
	v4 =	vsel vm14, $0x8, v4  }
0x8b: {  	v4 =	vsel vm15, v4, v5;
	vm12 =	vnez.u8 v6;
	v6 =	vld [tilespmem:$0x1FFE0]  }
0x8c: {  	v5 =	vnsel vm15, $0x8, v5;
	v4 =	vsel vm9, $0x9, v4  }
0x8d: {  	v4 =	vsel vm6, v4, v5  }
0x8e: {  	v5 =	vnsel vm6, $0x9, v5;
	v4 =	vsel vm10, $0xA, v4  }
0x8f: {  	vm11 =	vnez.u8 v7;
	v4 =	vsel vm5, v4, v5  }
0x90: {  	v5 =	vnsel vm5, $0xA, v5;
	v4 =	vsel vm11, $0xB, v4;
	vm14 =	vnez.u8 v6;
	v6 =	vld [tilespmem:$0x1FFF0]  }
0x91: {  	v4 =	vsel vm4, v4, v5  }
0x92: {  	v5 =	vnsel vm4, $0xB, v5;
	v4 =	vsel vm12, $0xC, v4  }
0x93: {  	v4 =	vsel vm3, v4, v5  }
0x94: {  	v5 =	vnsel vm3, $0xC, v5;
	v4 =	vsel vm14, $0xD, v4  }
0x95: {  	s25 =	simm.s32 $0x10;
	v4 =	vsel vm2, v4, v5;
	vm15 =	vnez.u8 v6  }
0x96: {  	v5 =	vnsel vm2, $0xD, v5;
	v6 =	vmov s25;
	v4 =	vsel vm15, $0xE, v4  }
0x97: {  	v6 =	vshll.u32 v6, $0x4;
	v4 =	vsel vm1, v4, v5  }
0x98: {  	v5 =	vnsel vm1, $0xE, v5;
	v4 =	vsel vm13, $0xF, v4  }
0x99: {  	s29 =	simm.s32 $0x800;
	v7 =	vnsel vm0, $0xF, v5;
	v5 =	vsel vm0, v4, v5;
	v4 =	vor.u32 v2, v6  }
0x9a: {  	s8 =	simm.s32 $0x880;
	[tilespmem:s29+$0x0] =	vst v7;
	v6 =	vpop (erf);
	v17 =	vor.u32 $0x1, v4;
	v16 =	vor.u32 $0x2, v4;
	v15 =	vor.u32 $0x3, v4  }
0x9b: {  	s30 =	simm.s32 $0x900;
	s2 =	simm.s32 $0x980;
	[tilespmem:s8+$0x0] =	vst v5;
	v14 =	vor.u32 $0x4, v4;
	v13 =	vor.u32 $0x5, v4;
	v5 =	vsub.f32 $1.000000000e+00, v6  }
0x9c: {  	s5 =	simm.s32 $0x20;
	s23 =	simm.s32 $0x990;
	s1 =	simm.s32 $0x910;
	v12 =	vor.u32 $0x6, v4;
	v10 =	vor.u32 $0x7, v4;
	[tilespmem:s30+$0x0] =	vst v6;
	v6 =	vor.u32 $0x8, v4  }
.LBB2_3:
0x9d: {  	s29 =	sadd.s32 $0x10, s29;
	s8 =	sadd.s32 $0x10, s8  }
0x9e: {  	v18 =	vor.u32 $0x9, v4;
	v11 =	vor.u32 $0xA, v4;
	v9 =	vor.u32 $0xB, v4;
	[tilespmem:s2+$0x0] =	vst v5;
	s25 =	smov.u32 s5;
	s30 =	sadd.s32 $0x10, s5;
	s2 =	smov.u32 s23  }
0x9f: {  	p2 =	sne.s32 s5, $0x70;
	v8 =	vor.u32 $0xC, v4;
	v7 =	vor.u32 $0xD, v4;
	v5 =	vor.u32 $0xE, v4;
	v19 =	vld.idx.msk [tilespmem:v4+s3+$0x0], $0xffff  }
0xa0: {  	v4 =	vor.u32 $0xF, v4  }
0xa1: {  	v17 =	vld.idx.msk [tilespmem:v17+s3+$0x0], $0xffff;
	_ =	sdelay $0x2  }
0xa2: {  	v16 =	vld.idx.msk [tilespmem:v16+s3+$0x0], $0xffff  }
0xa3: {  	vm0 =	vgt.f32 v19, $-1.000000020e+30  }
0xa4: {  	v19 =	vnsel vm0, $0xF149F2CA, v19  }
0xa5: {  	vm0 =	vgt.f32 v17, v19  }
0xa6: {  	vm2 =	vgt.f32 v17, $-1.000000020e+30;
	vm1 =	vmneg vm0;
	v15 =	vld.idx.msk [tilespmem:v15+s3+$0x0], $0xffff  }
0xa7: {  	vm2 =	vmand vm2, vm1;
	v20 =	vsel vm1, v19, v17  }
0xa8: {  	v17 =	vnsel vm2, $0xF149F2CA, v17;
	vm3 =	vgt.f32 v16, v20  }
0xa9: {  	v17 =	vsel vm1, v17, v19  }
0xaa: {  	v19 =	vsel vm0, $0x1, v3;
	vm0 =	vmneg vm3;
	vm1 =	vgt.f32 v16, v17  }
0xab: {  	v21 =	vsel vm2, $0x1, v3;
	v22 =	vsel vm0, v20, v16;
	vm1 =	vmand vm0, vm1;
	v14 =	vld.idx.msk [tilespmem:v14+s3+$0x0], $0xffff  }
0xac: {  	v16 =	vsel vm1, v16, v17;
	v17 =	vsel vm1, $0x2, v21;
	vm1 =	vgt.f32 v15, v22  }
0xad: {  	v16 =	vsel vm0, v16, v20;
	v17 =	vsel vm0, v17, v19  }
0xae: {  	vm1 =	vmneg vm1;
	vm2 =	vgt.f32 v15, v16;
	v13 =	vld.idx.msk [tilespmem:v13+s3+$0x0], $0xffff  }
0xaf: {  	v19 =	vnsel vm0, $0x2, v19;
	vm0 =	vmand vm1, vm2  }
0xb0: {  	v16 =	vsel vm0, v15, v16;
	v17 =	vsel vm0, $0x3, v17;
	v15 =	vsel vm1, v22, v15  }
0xb1: {  	v16 =	vsel vm1, v16, v22;
	v17 =	vsel vm1, v17, v19;
	vm0 =	vgt.f32 v14, v15  }
0xb2: {  	v19 =	vnsel vm1, $0x3, v19;
	vm0 =	vmneg vm0;
	vm1 =	vgt.f32 v14, v16;
	v12 =	vld.idx.msk [tilespmem:v12+s3+$0x0], $0xffff  }
0xb3: {  	vm1 =	vmand vm0, vm1;
	v20 =	vsel vm0, v15, v14  }
0xb4: {  	v14 =	vsel vm1, v14, v16;
	v16 =	vsel vm1, $0x4, v17;
	vm1 =	vgt.f32 v13, v20  }
0xb5: {  	v14 =	vsel vm0, v14, v15;
	v15 =	vsel vm0, v16, v19  }
0xb6: {  	vm1 =	vmneg vm1;
	vm2 =	vgt.f32 v13, v14;
	v10 =	vld.idx.msk [tilespmem:v10+s3+$0x0], $0xffff  }
0xb7: {  	v16 =	vnsel vm0, $0x4, v19;
	v17 =	vsel vm1, v20, v13;
	vm0 =	vmand vm1, vm2  }
0xb8: {  	v13 =	vsel vm0, v13, v14;
	v14 =	vsel vm0, $0x5, v15;
	vm0 =	vgt.f32 v12, v17  }
0xb9: {  	v13 =	vsel vm1, v13, v20;
	v14 =	vsel vm1, v14, v16  }
0xba: {  	vm0 =	vmneg vm0;
	vm2 =	vgt.f32 v12, v13  }
0xbb: {  	v15 =	vnsel vm1, $0x5, v16;
	v16 =	vsel vm0, v17, v12;
	vm1 =	vmand vm0, vm2;
	v6 =	vld.idx.msk [tilespmem:v6+s3+$0x0], $0xffff  }
0xbc: {  	v12 =	vsel vm1, v12, v13;
	v13 =	vsel vm1, $0x6, v14;
	vm1 =	vgt.f32 v10, v16  }
0xbd: {  	v14 =	vnsel vm0, $0x6, v15;
	v12 =	vsel vm0, v12, v17;
	v13 =	vsel vm0, v13, v15  }
0xbe: {  	vm0 =	vmneg vm1;
	vm1 =	vgt.f32 v10, v12  }
0xbf: {  	vm1 =	vmand vm0, vm1;
	v15 =	vld.idx.msk [tilespmem:v18+s3+$0x0], $0xffff  }
0xc0: {  	v12 =	vsel vm1, v10, v12;
	v13 =	vsel vm1, $0x7, v13;
	v10 =	vsel vm0, v16, v10  }
0xc1: {  	v12 =	vsel vm0, v12, v16;
	v13 =	vsel vm0, v13, v14;
	vm1 =	vgt.f32 v6, v10  }
0xc2: {  	vm1 =	vmneg vm1;
	vm2 =	vgt.f32 v6, v12;
	v11 =	vld.idx.msk [tilespmem:v11+s3+$0x0], $0xffff  }
0xc3: {  	v14 =	vnsel vm0, $0x7, v14;
	vm0 =	vmand vm1, vm2  }
0xc4: {  	v12 =	vsel vm0, v6, v12;
	v13 =	vsel vm0, $0x8, v13;
	v6 =	vsel vm1, v10, v6  }
0xc5: {  	v10 =	vsel vm1, v12, v10;
	v12 =	vsel vm1, v13, v14;
	vm0 =	vgt.f32 v15, v6  }
0xc6: {  	vm0 =	vmneg vm0;
	vm2 =	vgt.f32 v15, v10  }
0xc7: {  	v13 =	vnsel vm1, $0x8, v14;
	vm1 =	vmand vm0, vm2;
	v14 =	vsel vm0, v6, v15;
	v9 =	vld.idx.msk [tilespmem:v9+s3+$0x0], $0xffff  }
0xc8: {  	v10 =	vsel vm1, v15, v10;
	v12 =	vsel vm1, $0x9, v12;
	vm1 =	vgt.f32 v11, v14  }
0xc9: {  	v6 =	vsel vm0, v10, v6;
	v10 =	vsel vm0, v12, v13;
	v12 =	vnsel vm0, $0x9, v13  }
0xca: {  	vm0 =	vmneg vm1;
	vm1 =	vgt.f32 v11, v6  }
0xcb: {  	v13 =	vnsel vm0, $0xA, v12;
	vm1 =	vmand vm0, vm1;
	v8 =	vld.idx.msk [tilespmem:v8+s3+$0x0], $0xffff  }
0xcc: {  	v6 =	vsel vm1, v11, v6;
	v10 =	vsel vm1, $0xA, v10;
	v11 =	vsel vm0, v14, v11  }
0xcd: {  	v6 =	vsel vm0, v6, v14;
	v10 =	vsel vm0, v10, v12;
	vm0 =	vgt.f32 v9, v11  }
0xce: {  	vm0 =	vmneg vm0;
	vm1 =	vgt.f32 v9, v6  }
0xcf: {  	vm1 =	vmand vm0, vm1;
	v12 =	vnsel vm0, $0xB, v13;
	v7 =	vld.idx.msk [tilespmem:v7+s3+$0x0], $0xffff  }
0xd0: {  	v6 =	vsel vm1, v9, v6;
	v10 =	vsel vm1, $0xB, v10;
	v9 =	vsel vm0, v11, v9  }
0xd1: {  	v6 =	vsel vm0, v6, v11;
	v10 =	vsel vm0, v10, v13;
	vm0 =	vgt.f32 v8, v9  }
0xd2: {  	vm0 =	vmneg vm0;
	vm1 =	vgt.f32 v8, v6  }
0xd3: {  	vm1 =	vmand vm0, vm1;
	v5 =	vld.idx.msk [tilespmem:v5+s3+$0x0], $0xffff  }
0xd4: {  	v6 =	vsel vm1, v8, v6;
	v10 =	vsel vm1, $0xC, v10;
	v8 =	vsel vm0, v9, v8  }
0xd5: {  	v6 =	vsel vm0, v6, v9;
	v9 =	vsel vm0, v10, v12;
	vm1 =	vgt.f32 v7, v8  }
0xd6: {  	vm1 =	vmneg vm1;
	vm2 =	vgt.f32 v7, v6  }
0xd7: {  	vm2 =	vmand vm1, vm2;
	v4 =	vld.idx.msk [tilespmem:v4+s3+$0x0], $0xffff  }
0xd8: {  	v6 =	vsel vm2, v7, v6;
	v7 =	vsel vm1, v8, v7  }
0xd9: {  	v10 =	vnsel vm0, $0xC, v12;
	v6 =	vsel vm1, v6, v8;
	vm0 =	vgt.f32 v5, v7  }
0xda: {  	v8 =	vsel vm2, $0xD, v9;
	vm0 =	vmneg vm0;
	vm2 =	vgt.f32 v5, v6  }
0xdb: {  	v9 =	vnsel vm1, $0xD, v10;
	v8 =	vsel vm1, v8, v10;
	vm1 =	vmand vm0, vm2  }
0xdc: {  	v6 =	vsel vm1, v5, v6;
	v8 =	vsel vm1, $0xE, v8;
	v5 =	vsel vm0, v7, v5  }
0xdd: {  	v6 =	vsel vm0, v6, v7;
	v7 =	vsel vm0, v8, v9;
	vm1 =	vgt.f32 v4, v5  }
0xde: {  	v8 =	vnsel vm0, $0xE, v9;
	vm0 =	vmneg vm1;
	vm1 =	vgt.f32 v4, v6  }
0xdf: {  	vm1 =	vmand vm0, vm1;
	v9 =	vnsel vm0, $0xF, v8  }
0xe0: {  	v6 =	vsel vm1, v4, v6;
	v7 =	vsel vm1, $0xF, v7;
	[tilespmem:s29+$0x0] =	vst v9  }
0xe1: {  	v4 =	vsel vm0, v5, v4;
	v6 =	vsel vm0, v6, v5;
	v7 =	vsel vm0, v7, v8  }
0xe2: {  	v4 =	vsub.f32 v6, v4;
	[tilespmem:s8+$0x0] =	vst v7;
	_ =	sdelay $0x1  }
0xe3: {  	v4 =	vmul.f32 $1.442695020e+00, v4;
	_ =	sdelay $0x1  }
0xe4: {  	(erf) = vpow2.f32 v4;
	_ =	sdelay $0x8  }
0xe5: {  	v4 =	vpop (erf)  }
0xe6: {  	v4 =	vadd.f32 $1.000000000e+00, v4;
	_ =	sdelay $0x1  }
0xe7: {  	(erf) = vrcp.f32 v4;
	_ =	sdelay $0x5  }
0xe8: {  	v4 =	vmov s25  }
.Ltmp3:
0xe9: {  	v4 =	vshll.u32 v4, $0x4;
	(pc) =	sbr.rel @p2 .LBB2_3-.Ltmp3, $4  }
0xea: {  	v4 =	vor.u32 v2, v4  }
0xeb: {  	v17 =	vor.u32 $0x1, v4;
	v16 =	vor.u32 $0x2, v4;
	v15 =	vor.u32 $0x3, v4;
	v5 =	vpop (erf)  }
0xec: {  	v14 =	vor.u32 $0x4, v4;
	v13 =	vor.u32 $0x5, v4;
	[tilespmem:s1+$0x0] =	vst v5;
	v5 =	vsub.f32 $1.000000000e+00, v5  }
0xed: {  	s23 =	sadd.s32 $0x10, s23;
	s5 =	smov.u32 s30;
	v12 =	vor.u32 $0x6, v4;
	v10 =	vor.u32 $0x7, v4;
	v6 =	vor.u32 $0x8, v4;
	s1 =	sadd.s32 $0x10, s1  }
0xee: {  	_ =	sdelay $0x2  }
0xef: {  	[tilespmem:s2+$0x0] =	vst v5  }
0xf0: {  	v5 =	vld.idx.msk [tilespmem:v4+s3+$0x0], $0xffff;
	_ =	sdelay $0x1  }
0xf1: {  	v7 =	vld.idx.msk [tilespmem:v17+s3+$0x0], $0xffff;
	_ =	sdelay $0x2  }
0xf2: {  	vm0 =	vgt.f32 v5, $-1.000000020e+30  }
0xf3: {  	v8 =	vld.idx.msk [tilespmem:v16+s3+$0x0], $0xffff;
	v5 =	vnsel vm0, $0xF149F2CA, v5  }
0xf4: {  	v9 =	vimm.s32 $0x0;
	vm0 =	vgt.f32 v7, v5  }
0xf5: {  	vm1 =	vgt.f32 v7, $-1.000000020e+30;
	v9 =	vsel vm0, $0xFFFFFFFF, v9;
	vm0 =	vmneg vm0  }
0xf6: {  	vm14 =	vmand vm1, vm0  }
0xf7: {  	v11 =	vsel vm0, v5, v7;
	v7 =	vnsel vm14, $0xF149F2CA, v7  }
0xf8: {  	v39 =	vld.idx.msk [tilespmem:v15+s3+$0x0], $0xffff;
	vm13 =	vgt.f32 v8, v11;
	v5 =	vsel vm0, v7, v5  }
0xf9: {  	vm11 =	vmneg vm13;
	vm0 =	vgt.f32 v8, v5  }
0xfa: {  	v7 =	vimm.s32 $0x0;
	vm0 =	vmand vm11, vm0  }
0xfb: {  	v7 =	vsel vm0, $0xFFFFFFFF, v7  }
0xfc: {  	v14 =	vld.idx.msk [tilespmem:v14+s3+$0x0], $0xffff;
	v5 =	vsel vm0, v8, v5;
	[tilespmem:$0x1FE50] =	vst v7;
	v7 =	vsel vm11, v11, v8  }
0xfd: {  	v5 =	vsel vm11, v5, v11;
	vm15 =	vgt.f32 v39, v7  }
0xfe: {  	vm4 =	vgt.f32 v39, v5;
	vm9 =	vmneg vm15  }
0xff: {  	vm0 =	vmand vm9, vm4  }
0x100: {  	[tilespmem:$0x1FE40] =	vst v9;
	v9 =	vsel vm9, v7, v39;
	v5 =	vsel vm0, v39, v5  }
0x101: {  	v41 =	vld.idx.msk [tilespmem:v13+s3+$0x0], $0xffff;
	vm5 =	vgt.f32 v14, v9;
	v5 =	vsel vm9, v5, v7  }
0x102: {  	v40 =	vimm.s32 $0x0;
	vm8 =	vmneg vm5;
	vm6 =	vgt.f32 v14, v5  }
0x103: {  	v8 =	vsel vm0, $0xFFFFFFFF, v40;
	v7 =	vimm.s32 $0x0;
	vm0 =	vmand vm8, vm6  }
0x104: {  	v7 =	vsel vm0, $0xFFFFFFFF, v7  }
0x105: {  	v42 =	vsel vm8, v9, v14;
	v5 =	vsel vm0, v14, v5;
	[tilespmem:$0x1FE70] =	vst v7;
	v7 =	vld.idx.msk [tilespmem:v12+s3+$0x0], $0xffff  }
0x106: {  	vm7 =	vgt.f32 v41, v42;
	v5 =	vsel vm8, v5, v9  }
0x107: {  	vm7 =	vmneg vm7;
	vm10 =	vgt.f32 v41, v5  }
0x108: {  	vm0 =	vmand vm7, vm10  }
0x109: {  	v44 =	vld.idx.msk [tilespmem:v10+s3+$0x0], $0xffff;
	v45 =	vsel vm7, v42, v41;
	v5 =	vsel vm0, v41, v5  }
0x10a: {  	v5 =	vsel vm7, v5, v42;
	vm12 =	vgt.f32 v7, v45  }
0x10b: {  	v43 =	vimm.s32 $0x0;
	vm13 =	vgt.f32 v7, v5;
	vm10 =	vmneg vm12  }
0x10c: {  	v46 =	vor.u32 $0x9, v4;
	v9 =	vsel vm0, $0xFFFFFFFF, v43;
	vm0 =	vmand vm10, vm13  }
0x10d: {  	v6 =	vld.idx.msk [tilespmem:v6+s3+$0x0], $0xffff;
	v48 =	vsel vm10, v45, v7;
	v5 =	vsel vm0, v7, v5  }
0x10e: {  	vm15 =	vgt.f32 v44, v48;
	v5 =	vsel vm10, v5, v45  }
0x10f: {  	v47 =	vimm.s32 $0x0;
	vm12 =	vmneg vm15;
	vm4 =	vgt.f32 v44, v5  }
0x110: {  	[tilespmem:$0x1FE60] =	vst v8;
	v11 =	vsel vm0, $0xFFFFFFFF, v47;
	v7 =	vor.u32 $0xA, v4;
	vm0 =	vmand vm12, vm4  }
0x111: {  	v8 =	vld.idx.msk [tilespmem:v46+s3+$0x0], $0xffff;
	[tilespmem:$0x1FE80] =	vst v9;
	v9 =	vsel vm12, v48, v44;
	v5 =	vsel vm0, v44, v5  }
0x112: {  	vm5 =	vgt.f32 v6, v9;
	v5 =	vsel vm12, v5, v48  }
0x113: {  	v49 =	vimm.s32 $0x0;
	vm15 =	vmneg vm5;
	vm6 =	vgt.f32 v6, v5  }
0x114: {  	v50 =	vor.u32 $0xB, v4;
	v10 =	vsel vm0, $0xFFFFFFFF, v49;
	vm0 =	vmand vm15, vm6  }
0x115: {  	v7 =	vld.idx.msk [tilespmem:v7+s3+$0x0], $0xffff;
	v5 =	vsel vm0, v6, v5;
	v6 =	vsel vm15, v9, v6  }
0x116: {  	v5 =	vsel vm15, v5, v9;
	vm13 =	vgt.f32 v8, v6  }
0x117: {  	v51 =	vimm.s32 $0x0;
	vm6 =	vmneg vm13;
	vm4 =	vgt.f32 v8, v5  }
0x118: {  	v52 =	vor.u32 $0xC, v4;
	[tilespmem:$0x1FE90] =	vst v11;
	v11 =	vsel vm0, $0xFFFFFFFF, v51;
	vm0 =	vmand vm6, vm4  }
0x119: {  	[tilespmem:$0x1FEA0] =	vst v10;
	v10 =	vld.idx.msk [tilespmem:v50+s3+$0x0], $0xffff;
	v54 =	vsel vm6, v6, v8;
	v5 =	vsel vm0, v8, v5  }
0x11a: {  	vm5 =	vgt.f32 v7, v54;
	v5 =	vsel vm6, v5, v6  }
0x11b: {  	v53 =	vimm.s32 $0x0;
	vm5 =	vmneg vm5;
	vm13 =	vgt.f32 v7, v5  }
0x11c: {  	[tilespmem:$0x1FEB0] =	vst v11;
	v11 =	vsel vm0, $0xFFFFFFFF, v53;
	vm0 =	vmand vm5, vm13  }
0x11d: {  	v56 =	vld.idx.msk [tilespmem:v52+s3+$0x0], $0xffff;
	v6 =	vor.u32 $0xD, v4;
	v5 =	vsel vm0, v7, v5;
	v7 =	vsel vm5, v54, v7  }
0x11e: {  	v5 =	vsel vm5, v5, v54;
	vm4 =	vgt.f32 v10, v7  }
0x11f: {  	v55 =	vimm.s32 $0x0;
	vm4 =	vmneg vm4;
	vm13 =	vgt.f32 v10, v5  }
0x120: {  	v8 =	vsel vm0, $0xFFFFFFFF, v55;
	vm0 =	vmand vm4, vm13  }
0x121: {  	v57 =	vor.u32 $0xE, v4;
	v5 =	vsel vm0, v10, v5;
	v10 =	vsel vm4, v7, v10  }
0x122: {  	v6 =	vld.idx.msk [tilespmem:v6+s3+$0x0], $0xffff;
	v5 =	vsel vm4, v5, v7;
	vm13 =	vgt.f32 v56, v10  }
0x123: {  	v58 =	vimm.s32 $0x0;
	vm3 =	vmneg vm13;
	vm13 =	vgt.f32 v56, v5  }
0x124: {  	[tilespmem:$0x1FEC0] =	vst v11;
	v11 =	vsel vm0, $0xFFFFFFFF, v58;
	v7 =	vimm.s32 $0x0;
	vm0 =	vmand vm3, vm13  }
0x125: {  	v4 =	vor.u32 $0xF, v4;
	[tilespmem:$0x1FED0] =	vst v8;
	v7 =	vsel vm0, $0xFFFFFFFF, v7  }
0x126: {  	v8 =	vsel vm3, v10, v56;
	v5 =	vsel vm0, v56, v5;
	[tilespmem:$0x1FEF0] =	vst v7;
	v7 =	vld.idx.msk [tilespmem:v57+s3+$0x0], $0xffff  }
0x127: {  	vm13 =	vgt.f32 v6, v8;
	v5 =	vsel vm3, v5, v10  }
0x128: {  	vm2 =	vmneg vm13;
	vm13 =	vgt.f32 v6, v5  }
0x129: {  	vm0 =	vmand vm2, vm13  }
0x12a: {  	v4 =	vld.idx.msk [tilespmem:v4+s3+$0x0], $0xffff;
	v5 =	vsel vm0, v6, v5;
	v6 =	vsel vm2, v8, v6  }
0x12b: {  	v61 =	vld [tilespmem:$0x1FE40];
	v5 =	vsel vm2, v5, v8;
	vm13 =	vgt.f32 v7, v6  }
0x12c: {  	v59 =	vimm.s32 $0x0;
	v62 =	vld [tilespmem:$0x1FE50];
	vm1 =	vmneg vm13;
	vm13 =	vgt.f32 v7, v5  }
0x12d: {  	v63 =	vld [tilespmem:$0x1FE60];
	v9 =	vsel vm0, $0xFFFFFFFF, v59;
	vm0 =	vmand vm1, vm13  }
0x12e: {  	v60 =	vimm.s32 $0x0;
	v5 =	vsel vm0, v7, v5;
	v7 =	vsel vm1, v6, v7  }
0x12f: {  	v8 =	vsel vm0, $0xFFFFFFFF, v60;
	v5 =	vsel vm1, v5, v6;
	vm13 =	vgt.f32 v4, v7  }
0x130: {  	v6 =	vsel vm14, $0x1, v3;
	vm14 =	vnez.u8 v61;
	vm0 =	vmneg vm13  }
0x131: {  	[tilespmem:$0x1FF10] =	vst v8;
	vm13 =	vgt.f32 v4, v5;
	v8 =	vsel vm14, $0x1, v3;
	vm14 =	vnez.u8 v62  }
0x132: {  	vm13 =	vmand vm0, vm13;
	v6 =	vsel vm14, $0x2, v6;
	vm14 =	vnez.u8 v63  }
0x133: {  	v5 =	vsel vm13, v4, v5;
	v4 =	vsel vm0, v7, v4;
	v6 =	vsel vm11, v6, v8  }
0x134: {  	v5 =	vsel vm0, v5, v7;
	v7 =	vnsel vm11, $0x2, v8;
	v6 =	vsel vm14, $0x3, v6  }
0x135: {  	v4 =	vsub.f32 v5, v4;
	v5 =	vsel vm9, v6, v7;
	v6 =	vnsel vm9, $0x3, v7;
	v7 =	vld [tilespmem:$0x1FE70];
	_ =	sdelay $0x4  }
0x136: {  	vm14 =	vnez.u8 v7;
	v7 =	vld [tilespmem:$0x1FE80];
	_ =	sdelay $0x3  }
0x137: {  	v5 =	vsel vm14, $0x4, v5  }
0x138: {  	v4 =	vmul.f32 $1.442695020e+00, v4;
	v5 =	vsel vm8, v5, v6;
	vm14 =	vnez.u8 v7  }
0x139: {  	v6 =	vnsel vm8, $0x4, v6;
	v5 =	vsel vm14, $0x5, v5  }
0x13a: {  	(erf) = vpow2.f32 v4;
	v4 =	vsel vm7, v5, v6;
	v5 =	vnsel vm7, $0x5, v6;
	v6 =	vld [tilespmem:$0x1FE90];
	_ =	sdelay $0x4  }
0x13b: {  	vm9 =	vnez.u8 v6;
	v6 =	vld [tilespmem:$0x1FEA0];
	_ =	sdelay $0x4  }
0x13c: {  	vm11 =	vnez.u8 v6;
	v6 =	vld [tilespmem:$0x1FEB0];
	_ =	sdelay $0x4  }
0x13d: {  	vm14 =	vnez.u8 v6;
	v6 =	vld [tilespmem:$0x1FEC0];
	_ =	sdelay $0x4  }
0x13e: {  	v4 =	vsel vm9, $0x6, v4;
	vm9 =	vnez.u8 v6;
	v6 =	vpop (erf)  }
0x13f: {  	v6 =	vadd.f32 $1.000000000e+00, v6  }
0x140: {  	v7 =	vld [tilespmem:$0x1FED0]  }
0x141: {  	(erf) = vrcp.f32 v6;
	v6 =	vld [tilespmem:$0x1FEF0]  }
0x142: {  	v4 =	vsel vm10, v4, v5  }
0x143: {  	v5 =	vnsel vm10, $0x6, v5;
	v4 =	vsel vm11, $0x7, v4  }
0x144: {  	[tilespmem:$0x1FEE0] =	vst v11;
	v4 =	vsel vm12, v4, v5  }
0x145: {  	[tilespmem:$0x1FF00] =	vst v9;
	vm10 =	vnez.u8 v7;
	v7 =	vld [tilespmem:$0x1FEE0];
	v5 =	vnsel vm12, $0x7, v5;
	v4 =	vsel vm14, $0x8, v4  }
0x146: {  	v4 =	vsel vm15, v4, v5;
	vm12 =	vnez.u8 v6;
	v6 =	vld [tilespmem:$0x1FF00]  }
0x147: {  	v5 =	vnsel vm15, $0x8, v5;
	v4 =	vsel vm9, $0x9, v4  }
0x148: {  	v4 =	vsel vm6, v4, v5  }
0x149: {  	v5 =	vnsel vm6, $0x9, v5;
	v4 =	vsel vm10, $0xA, v4  }
0x14a: {  	vm11 =	vnez.u8 v7;
	v4 =	vsel vm5, v4, v5  }
0x14b: {  	v5 =	vnsel vm5, $0xA, v5;
	v4 =	vsel vm11, $0xB, v4;
	vm14 =	vnez.u8 v6;
	v6 =	vld [tilespmem:$0x1FF10]  }
0x14c: {  	v4 =	vsel vm4, v4, v5  }
0x14d: {  	v5 =	vnsel vm4, $0xB, v5;
	v4 =	vsel vm12, $0xC, v4  }
0x14e: {  	v4 =	vsel vm3, v4, v5  }
0x14f: {  	v5 =	vnsel vm3, $0xC, v5;
	v4 =	vsel vm14, $0xD, v4  }
0x150: {  	v4 =	vsel vm2, v4, v5;
	vm15 =	vnez.u8 v6  }
0x151: {  	v5 =	vnsel vm2, $0xD, v5;
	v4 =	vsel vm15, $0xE, v4  }
0x152: {  	v4 =	vsel vm1, v4, v5;
	v5 =	vnsel vm1, $0xE, v5;
	_ =	sdelay $0x1  }
0x153: {  	s25 =	sadd.s32 $0x10, s29;
	v6 =	vnsel vm0, $0xF, v5;
	v4 =	vsel vm13, $0xF, v4  }
0x154: {  	s5 =	sadd.s32 $0x10, s8;
	[tilespmem:s25+$0x0] =	vst v6;
	v4 =	vsel vm0, v4, v5;
	v5 =	vpop (erf)  }
0x155: {  	[tilespmem:s5+$0x0] =	vst v4;
	v4 =	vsub.f32 $1.000000000e+00, v5  }
0x156: {  	[tilespmem:s1+$0x0] =	vst v5  }
0x157: {  	s29 =	simm.s32 $0x0;
	s30 =	simm.s32 $0x900;
	[tilespmem:s23+$0x0] =	vst v4  }
0x158: {  	[hbm4b:s10+s29] =	stream.linear.scatter [tilespmem:s30], [sflag:$0x1], $0x80, $0x38;
	[tilespmem:$0x9E10] =	vst v63  }
0x159: {  	_ =	swait.ge [sflag:s22], $0x80  }
0x15a: {  	[sflag:s22] =	ssyncset.done $0x0  }
0x15b: {  	s5 =	simm.s32 $0x980;
	[sflag:s22] =	ssyncadd.s32 $0xFFFFFF80  }
0x15c: {  	[hbm4b:s11+s29] =	stream.linear.scatter [tilespmem:s5], [sflag:$0x1], $0x80, $0x38;
	[tilespmem:$0x9E10] =	vst v63  }
0x15d: {  	_ =	swait.ge [sflag:s22], $0x80  }
0x15e: {  	[sflag:s22] =	ssyncset.done $0x0  }
0x15f: {  	s23 =	simm.s32 $0x800;
	[sflag:s22] =	ssyncadd.s32 $0xFFFFFF80  }
0x160: {  	[spmem:s12] =	stream.linear.scatter [tilespmem:s23], [sflag:$0x1], $0x80, $0x38;
	[tilespmem:$0x9E10] =	vst v63  }
0x161: {  	_ =	swait.ge [sflag:s22], $0x80  }
0x162: {  	[sflag:s22] =	ssyncset.done $0x0  }
0x163: {  	s8 =	simm.s32 $0x880;
	[sflag:s22] =	ssyncadd.s32 $0xFFFFFF80  }
0x164: {  	[spmem:s13] =	stream.linear.scatter [tilespmem:s8], [sflag:$0x1], $0x80, $0x38;
	[tilespmem:$0x9E10] =	vst v63  }
0x165: {  	_ =	swait.ge [sflag:s22], $0x80  }
0x166: {  	[sflag:s22] =	ssyncset.done $0x0  }
0x167: {  	[sflag:s22] =	ssyncadd.s32 $0xFFFFFF80  }
0x168: {  	[bflag:$0x0] =	sbarrier.arrive $0xFFFF  }
0x169: {  	s29 =	simm.s32 $0xA00;
	s25 =	rddreg [dreg:$0x3]  }
0x16a: {  	[tilespmem:s29], [sflag:$0x1] =	stream.linear.gather [spmem:s25], $0x1000, $0x38;
	[tilespmem:$0x9E10] =	vst v63  }
0x16b: {  	_ =	swait.ge [sflag:s22], $0x1000  }
0x16c: {  	[sflag:s22] =	ssyncset.done $0x0  }
0x16d: {  	s30 =	simm.s32 $0x0;
	[sflag:s22] =	ssyncadd.s32 $0xFFFFF000  }
0x16e: {  	v5 =	vld [tilespmem:s30+$0xA00]  }
0x16f: {  	s1 =	simm.s32 $0x40;
	v4 =	vimm.s32 $0x0  }
.LBB2_5:
0x170: {  	p2 =	seq.s32 s1, $0x3FC0  }
.Ltmp4:
0x171: {  	_ = 	snop;
	(pc) =	sbr.rel @!p2 .LBB2_5-.Ltmp4, $4  }
0x172: {  	_ = 	snop  }
0x173: {  	s2 =	sshra.s32 s1, $0x2;
	s1 =	sadd.s32 $0x40, s1;
	vm0 =	veq.s32 v5, v1  }
0x174: {  	v5 =	vld [tilespmem:s2+$0xA00];
	v6 =	vsel vm0, $0x1, v3  }
0x175: {  	v4 =	vadd.s32 v6, v4  }
0x176: {  	_ =	sdelay $0x2  }
0x177: {  	vm0 =	veq.s32 v5, v1  }
0x178: {  	v5 =	vsel vm0, $0x1, v3  }
0x179: {  	v4 =	vadd.s32 v5, v4  }
0x17a: {  	(xrf0) =	vadd.scan.msk.s32 $0xffff, v4;
	_ =	sdelay $0x5  }
0x17b: {  	v4, _, _ =	vpop (xrf0)  }
0x17c: {  	v4 =	vbroadcast v4, $0xF;
	_ =	sdelay $0x1  }
0x17d: {  	s1 =	simm.s32 $0x2200;
	[tilespmem:$0x2200] =	vst v4  }
0x17e: {  	[spmem:s14] =	stream.linear.scatter [tilespmem:s1], [sflag:$0x1], $0x80, $0x38;
	[tilespmem:$0x9E10] =	vst v63  }
0x17f: {  	_ =	swait.ge [sflag:s22], $0x80  }
0x180: {  	[sflag:s22] =	ssyncset.done $0x0  }
0x181: {  	[sflag:s22] =	ssyncadd.s32 $0xFFFFFF80  }
0x182: {  	v4 =	vmul.u32 $0x81, v0;
	[bflag:$0x0] =	sbarrier.arrive $0xFFFF  }
0x183: {  	s2 =	simm.s32 $0x1A00;
	s30 =	rddreg [dreg:$0x2]  }
0x184: {  	[tilespmem:s2], [sflag:$0x1] =	stream.linear.gather [spmem:s30], $0x800, $0x38;
	[tilespmem:$0x9E10] =	vst v63  }
0x185: {  	_ =	swait.ge [sflag:s22], $0x800  }
0x186: {  	[sflag:s22] =	ssyncset.done $0x0  }
0x187: {  	[sflag:s22] =	ssyncadd.s32 $0xFFFFF800  }
0x188: {  	s1 =	simm.s32 $0x40;
	v4 =	vld.idx.msk [tilespmem:v4+s2+$0x0], $0xffff;
	s2 =	simm.s32 $0x0  }
.LBB2_7:
0x189: {  	p2 =	sne.s32 s1, $0x5FC0;
	[tilespmem:s2+$0x2280] =	vst v3;
	s2 =	smov.u32 s1;
	s1 =	sadd.s32 $0x40, s1  }
.Ltmp5:
0x18a: {  	(pc) =	sbr.rel @p2 .LBB2_7-.Ltmp5, $2  }
0x18b: {  	_ =	sdelay $0x2  }
0x18c: {  	s2 =	sshra.s32 s2, $0x2  }
0x18d: {  	[tilespmem:s2+$0x2280] =	vst v3;
	s1 =	simm.s32 $0x40;
	s2 =	simm.s32 $0x0  }
.LBB2_9:
0x18e: {  	p2 =	sne.s32 s1, $0x3FC0;
	[tilespmem:s2+$0x3A80] =	vst v3;
	s2 =	smov.u32 s1;
	s1 =	sadd.s32 $0x40, s1  }
.Ltmp6:
0x18f: {  	(pc) =	sbr.rel @p2 .LBB2_9-.Ltmp6, $2  }
0x190: {  	_ =	sdelay $0x2  }
0x191: {  	s2 =	sshra.s32 s2, $0x2  }
0x192: {  	v5 =	vadd.s32 $0x7F, v4  }
0x193: {  	v4 =	vand.u32 $0xFFFFFF80, v5  }
0x194: {  	(xrf0) =	vadd.scan.msk.s32 $0xffff, v4;
	_ =	sdelay $0x3  }
0x195: {  	[tilespmem:s2+$0x3A80] =	vst v3;
	s1 =	simm.s32 $0xA00  }
0x196: {  	v8 =	vld [tilespmem:s1+$0x0]  }
0x197: {  	v6, _, _ =	vpop (xrf0)  }
0x198: {  	vm0 =	veq.s32 v1, v0;
	v7 =	vsub.s32 v6, v4  }
0x199: {  	v9 =	vnsel vm0, $0x0, v7  }
0x19a: {  	(xrf0) =	vadd.scan.msk.s32 $0xffff, v9  }
0x19b: {  	vm11 =	veq.s32 v8, v1  }
0x19c: {  	v8 =	vsel vm11, $0x1, v3  }
0x19d: {  	(xrf0) =	vadd.scan.msk.s32 $0xffff, v8;
	_ =	sdelay $0x2  }
0x19e: {  	v8, _, _ =	vpop (xrf0)  }
0x19f: {  	v8 =	vbroadcast v8, $0xF  }
0x1a0: {  	s30 =	simm.s32 $0x0;
	v10 =	vsel vm11, $0xFFFFFFFF, v3  }
0x1a1: {  	vm15 =	vmmov $0x7fff;
	v12 =	vor.u32 s30, v0;
	v9, _, _ =	vpop (xrf0);
	v10 =	vadd.s32 v10, v8  }
0x1a2: {  	v11 =	vsel vm15, $0x0, v9;
	v9 =	vadd.s32 v9, v10  }
0x1a3: {  	(xrf0) =	vadd.scan.msk.s32 $0xffff, v11;
	_ =	sdelay $0x1  }
0x1a4: {  	v10 =	vand.u32 $0x7FF, v12  }
0x1a5: {  	[tilespmem:v12+s31+$0x0] =	vst.idx.msk vm11, v9;
	v10 =	vadd.s32 $0x1, v10  }
0x1a6: {  	s2 =	simm.s32 $0xA10;
	[tilespmem:v9+s0+$0x0] =	vst.idx.msk vm11, v10  }
0x1a7: {  	v9 =	vld [tilespmem:s2+$0x0]  }
0x1a8: {  	v10, _, _ =	vpop (xrf0)  }
0x1a9: {  	s5 =	simm.s32 $0x20;
	s1 =	simm.s32 $0x10;
	v10 =	vbroadcast v10, $0xF  }
.LBB2_11:
0x1aa: {  	_ = 	snop  }
0x1ab: {  	p2 =	sne.s32 s5, $0xFF0;
	s8 =	smov.u32 s5;
	s5 =	sadd.s32 $0x10, s5;
	v8 =	vadd.s32 v8, v10  }
0x1ac: {  	vm0 =	veq.s32 v9, v1  }
0x1ad: {  	v9 =	vsel vm0, $0xFFFFFFFF, v3;
	v10 =	vsel vm0, $0x1, v3  }
0x1ae: {  	(xrf0) =	vadd.scan.msk.s32 $0xffff, v10;
	_ =	sdelay $0x2  }
0x1af: {  	v10 =	vor.u32 s1, v0;
	s1 =	smov.u32 s8  }
0x1b0: {  	v11 =	vand.u32 $0x7FF, v10;
	_ =	sdelay $0x1  }
0x1b1: {  	v9 =	vadd.s32 v9, v8;
	v12, _, _ =	vpop (xrf0)  }
0x1b2: {  	v9 =	vadd.s32 v12, v9;
	v12 =	vsel vm15, $0x0, v12  }
0x1b3: {  	[tilespmem:v10+s31+$0x0] =	vst.idx.msk vm0, v9;
	(xrf0) =	vadd.scan.msk.s32 $0xffff, v12;
	_ =	sdelay $0x2  }
.Ltmp7:
0x1b4: {  	v10 =	vadd.s32 $0x1, v11;
	(pc) =	sbr.rel @p2 .LBB2_11-.Ltmp7, $4  }
0x1b5: {  	s2 =	sadd.s32 $0x10, s2;
	[tilespmem:v9+s0+$0x0] =	vst.idx.msk vm0, v10  }
0x1b6: {  	v9 =	vld [tilespmem:s2+$0x0]  }
0x1b7: {  	v10, _, _ =	vpop (xrf0)  }
0x1b8: {  	v10 =	vbroadcast v10, $0xF  }
0x1b9: {  	_ =	sdelay $0x1  }
0x1ba: {  	vm0 =	veq.s32 v9, v1  }
0x1bb: {  	v9 =	vsel vm0, $0x1, v3  }
0x1bc: {  	(xrf0) =	vadd.scan.msk.s32 $0xffff, v9;
	_ =	sdelay $0x5  }
0x1bd: {  	v9, _, _ =	vpop (xrf0)  }
0x1be: {  	v8 =	vadd.s32 v8, v10;
	v61 =	vsel vm0, $0xFFFFFFFF, v3;
	v11 =	vsel vm15, $0x0, v9  }
0x1bf: {  	v62 =	vor.u32 s1, v0;
	v8 =	vadd.s32 v61, v8;
	(xrf0) =	vadd.scan.msk.s32 $0xffff, v11  }
0x1c0: {  	v8 =	vadd.s32 v9, v8  }
.Ltmp8:
0x1c1: {  	_ = 	snop;
	(pc) =	sbr.rel @p0 .LBB2_14-.Ltmp8, $4  }
0x1c2: {  	_ = 	snop  }
0x1c3: {  	v63 =	vand.u32 $0x7FF, v62  }
0x1c4: {  	v9 =	vadd.s32 $0x1, v63;
	[tilespmem:v62+s31+$0x0] =	vst.idx.msk vm0, v8  }
0x1c5: {  	[tilespmem:v8+s0+$0x0] =	vst.idx.msk vm0, v9;
	v8, _, _ =	vpop (xrf0)  }
0x1c6: {  	(v2sf) =	vpush v6, $0xF;
	vm0 =	vgt.s32 v5, $0x7F;
	v5 =	vimm.s32 $0x0  }
0x1c7: {  	v5 =	vsel vm0, $0xFFFFFFFF, v5  }
0x1c8: {  	v12 =	vshra.s32 v7, $0x7;
	vm7 =	vcmask $0x308;
	[tilespmem:$0x1FE10] =	vst v5;
	v5 =	vsel vm0, $0x1, v3  }
0x1c9: {  	v59 =	vsel vm7, $0x0, v12;
	(xrf0) =	vadd.scan.msk.s32 $0xffff, v5  }
0x1ca: {  	vm8 =	vcmask $0x70C;
	v60 =	vsel vm7, $0x0, v4;
	(xrf0) =	vadd.scan.msk.s32 $0xffff, v59  }
0x1cb: {  	v61 =	vsel vm8, $0x0, v12;
	(xrf0) =	vadd.scan.msk.s32 $0xffff, v60  }
0x1cc: {  	v62 =	vsel vm8, $0x0, v4;
	(xrf0) =	vadd.scan.msk.s32 $0xffff, v61  }
0x1cd: {  	vm9 =	vcmask $0xB10;
	vm10 =	vcmask $0xF14;
	v22 =	vimm.s32 $0x0;
	(xrf0) =	vadd.scan.msk.s32 $0xffff, v62  }
0x1ce: {  	vm13 =	vcmask $0x1318;
	v25 =	vimm.s32 $0x0;
	v31 =	vimm.s32 $0x0  }
0x1cf: {  	v35 =	vimm.s32 $0x0;
	v52 =	vimm.s32 $0x0;
	v9 =	vsel vm9, $0x0, v12;
	v6, _, _ =	vpop (xrf0)  }
0x1d0: {  	v13 =	vsel vm9, $0x0, v4;
	v15 =	vsel vm10, $0x0, v12;
	vm9 =	vcmask $0x171C;
	v63, _, _ =	vpop (xrf0)  }
0x1d1: {  	v19 =	vsel vm10, $0x0, v4;
	v24 =	vsel vm13, $0x0, v4;
	v29 =	vsel vm9, $0x0, v12;
	(xrf0) =	vadd.scan.msk.s32 $0xffff, v9;
	v8, _, _ =	vpop (xrf0)  }
0x1d2: {  	v30 =	vsel vm9, $0x0, v4;
	vm9 =	vcmask $0x704;
	(xrf0) =	vadd.scan.msk.s32 $0xffff, v13;
	vm1 =	vgt.s32 v8, $0x0;
	v11, _, _ =	vpop (xrf0)  }
0x1d3: {  	v61 =	vimm.s32 $0x0;
	v18 =	vbroadcast v6, $0xF;
	v14 =	vsel vm1, $0x1, v3;
	v10, _, _ =	vpop (xrf0)  }
0x1d4: {  	v7 =	vbroadcast v63, $0xF;
	v9 =	vbroadcast v14, $0xF;
	vm11 =	vgt.s32 v10, $0x0  }
0x1d5: {  	v13 =	vsel vm13, $0x0, v12;
	v10 =	vadd.s32 $0x1, v0;
	s1 =	spop (v2sf);
	v21 =	vsel vm11, $0x1, v3  }
0x1d6: {  	(xrf0) =	vadd.scan.msk.s32 $0xffff, v15;
	vm2 =	vlt.s32 v7, v10;
	s1 =	sshra.s32 s1, $0x7;
	v20 =	vand.u32 $0x1, v9;
	v9 =	vbroadcast v21, $0xF  }
0x1d7: {  	(xrf0) =	vadd.scan.msk.s32 $0xffff, v19;
	v23, _, _ =	vpop (xrf0);
	v14 =	vmov s1;
	vm12 =	veq.s32 v20, $0x1;
	v20 =	vimm.s32 $0x0  }
0x1d8: {  	v16, _, _ =	vpop (xrf0);
	v8 =	vsel vm12, $0xFFFFFFFF, v22;
	vm2 =	vmand vm12, vm2;
	v9 =	vand.u32 $0x1, v9  }
0x1d9: {  	vm4 =	vgt.s32 v16, $0x0;
	vm12 =	vcmask $0x1B20;
	v21 =	vnsel vm9, $0x0, v14  }
0x1da: {  	[tilespmem:$0x1FDB0] =	vst v8;
	v8 =	vbroadcast v11, $0xF;
	v15 =	vsel vm2, $0x1, v3;
	vm14 =	veq.s32 v9, $0x1  }
0x1db: {  	(xrf0) =	vadd.scan.msk.s32 $0xffff, v13;
	v27 =	vsel vm4, $0x1, v3;
	v33 =	vsel vm12, $0x0, v12;
	v34 =	vsel vm12, $0x0, v4  }
0x1dc: {  	v26, _, _ =	vpop (xrf0);
	vm12 =	vcmask $0x2328;
	v9 =	vsel vm14, $0xFFFFFFFF, v25;
	v11 =	vbroadcast v27, $0xF  }
0x1dd: {  	(xrf0) =	vadd.scan.msk.s32 $0xffff, v24;
	v28, _, _ =	vpop (xrf0);
	v43 =	vsel vm12, $0x0, v12;
	v45 =	vsel vm12, $0x0, v4;
	vm12 =	vcmask $0x272C  }
0x1de: {  	vm3 =	vlt.s32 v8, v10;
	[tilespmem:$0x1FDC0] =	vst v9;
	v9 =	vbroadcast v23, $0xF;
	vm8 =	vgt.s32 v28, $0x0  }
0x1df: {  	v50 =	vsel vm12, $0x0, v12;
	v51 =	vsel vm12, $0x0, v4;
	v28 =	vimm.s32 $0x0  }
0x1e0: {  	(xrf0) =	vadd.scan.msk.s32 $0xffff, v29;
	vm3 =	vmand vm14, vm3;
	v17 =	vsel vm8, $0x1, v3;
	v11 =	vand.u32 $0x1, v11  }
0x1e1: {  	(xrf0) =	vadd.scan.msk.s32 $0xffff, v30;
	v32, _, _ =	vpop (xrf0);
	vm8 =	vcmask $0x1F24;
	v15 =	vsel vm3, $0x2, v15;
	vm10 =	vlt.s32 v9, v10  }
0x1e2: {  	v17 =	vbroadcast v17, $0xF;
	vm11 =	veq.s32 v11, $0x1;
	v13 =	vbroadcast v32, $0xF  }
0x1e3: {  	(xrf0) =	vadd.scan.msk.s32 $0xffff, v33;
	v38 =	vsel vm8, $0x0, v12;
	v41 =	vsel vm8, $0x0, v4;
	v11 =	vsel vm11, $0xFFFFFFFF, v31  }
0x1e4: {  	vm5 =	vmand vm11, vm10;
	[tilespmem:$0x1FDD0] =	vst v11;
	v11 =	vbroadcast v26, $0xF;
	v19, _, _ =	vpop (xrf0);
	(xrf0) =	vadd.scan.msk.s32 $0xffff, v34  }
0x1e5: {  	v17 =	vand.u32 $0x1, v17;
	v15 =	vsel vm5, $0x3, v15;
	vm7 =	vgt.s32 v19, $0x0  }
0x1e6: {  	vm10 =	vlt.s32 v13, v10;
	vm13 =	veq.s32 v17, $0x1;
	v37, _, _ =	vpop (xrf0);
	v36 =	vsel vm7, $0x1, v3  }
0x1e7: {  	(xrf0) =	vadd.scan.msk.s32 $0xffff, v38;
	vm6 =	vlt.s32 v11, v10;
	v17 =	vsel vm13, $0xFFFFFFFF, v35;
	v40, _, _ =	vpop (xrf0);
	v16 =	vbroadcast v36, $0xF  }
0x1e8: {  	(xrf0) =	vadd.scan.msk.s32 $0xffff, v41;
	v14 =	vbroadcast v37, $0xF;
	vm14 =	vmand vm13, vm6;
	vm11 =	vgt.s32 v40, $0x0  }
0x1e9: {  	v42, _, _ =	vpop (xrf0);
	v39 =	vsel vm14, $0x4, v15;
	v15 =	vsel vm11, $0x1, v3;
	v16 =	vand.u32 $0x1, v16  }
0x1ea: {  	vm14 =	vlt.s32 v14, v10;
	v15 =	vbroadcast v15, $0xF;
	vm2 =	veq.s32 v16, $0x1;
	v44, _, _ =	vpop (xrf0)  }
0x1eb: {  	vm6 =	vmand vm2, vm10;
	v20 =	vsel vm2, $0xFFFFFFFF, v20;
	vm13 =	vgt.s32 v44, $0x0  }
0x1ec: {  	v46 =	vand.u32 $0x1, v15;
	v15 =	vbroadcast v42, $0xF;
	v22 =	vsel vm6, $0x5, v39  }
0x1ed: {  	(xrf0) =	vadd.scan.msk.s32 $0xffff, v43;
	v48, _, _ =	vpop (xrf0);
	v47 =	vsel vm13, $0x1, v3;
	vm5 =	veq.s32 v46, $0x1;
	vm6 =	vcmask $0x2F34  }
0x1ee: {  	(xrf0) =	vadd.scan.msk.s32 $0xffff, v45;
	v49, _, _ =	vpop (xrf0);
	v16 =	vbroadcast v47, $0xF;
	vm8 =	vmand vm5, vm14;
	vm7 =	vmmov vm5  }
0x1ef: {  	vm9 =	vlt.s32 v15, v10;
	vm10 =	vgt.s32 v49, $0x0;
	vm5 =	vcmask $0x2B30  }
0x1f0: {  	v63 =	vsel vm6, $0x0, v12;
	v27 =	vsel vm6, $0x0, v4;
	v53 =	vsel vm10, $0x1, v3  }
0x1f1: {  	(xrf0) =	vadd.scan.msk.s32 $0xffff, v50;
	v57 =	vsel vm5, $0x0, v12;
	v58 =	vsel vm5, $0x0, v4;
	v16 =	vand.u32 $0x1, v16  }
0x1f2: {  	[tilespmem:$0x1FDE0] =	vst v17;
	vm5 =	vmmov $0x1;
	v17 =	vbroadcast v53, $0xF;
	vm13 =	veq.s32 v16, $0x1  }
0x1f3: {  	[tilespmem:$0x1FE20] =	vst v20;
	v55 =	vsel vm8, $0x6, v22;
	v18 =	vsel vm5, v18, v21;
	v54, _, _ =	vpop (xrf0);
	v16 =	vsel vm13, $0xFFFFFFFF, v52  }
0x1f4: {  	vm9 =	vmand vm13, vm9;
	v56, _, _ =	vpop (xrf0);
	v17 =	vand.u32 $0x1, v17;
	[tilespmem:$0x1FDF0] =	vst v16;
	v16 =	vbroadcast v48, $0xF  }
0x1f5: {  	(xrf0) =	vadd.scan.msk.s32 $0xffff, v51;
	vm4 =	vgt.s32 v56, $0x0;
	vm1 =	veq.s32 v17, $0x1;
	v17 =	vbroadcast v54, $0xF  }
0x1f6: {  	(xrf0) =	vadd.scan.msk.s32 $0xffff, v57;
	v60 =	vsel vm9, $0x7, v55;
	v48 =	vadd.s32 $0x11, v0;
	v23 =	vsel vm4, $0x1, v3  }
0x1f7: {  	(xrf0) =	vadd.scan.msk.s32 $0xffff, v58;
	v62, _, _ =	vpop (xrf0);
	v58 =	vadd.s32 $0x21, v0;
	v19 =	vsel vm1, $0xFFFFFFFF, v61;
	v59 =	vbroadcast v23, $0xF  }
0x1f8: {  	vm14 =	vlt.s32 v16, v10;
	[tilespmem:$0x1FE30] =	vst v19;
	vm11 =	vlt.s32 v17, v10;
	v19 =	vbroadcast v62, $0xF  }
0x1f9: {  	(xrf0) =	vadd.scan.msk.s32 $0xffff, v63;
	vm10 =	vmand vm1, vm14;
	vm14 =	vcmask $0x3338;
	v20 =	vand.u32 $0x1, v59  }
0x1fa: {  	(xrf0) =	vadd.scan.msk.s32 $0xffff, v27;
	v29 =	vsel vm14, $0x0, v12;
	v31 =	vsel vm14, $0x0, v4;
	v22 =	vsel vm10, $0x8, v60  }
0x1fb: {  	v24, _, _ =	vpop (xrf0);
	vm6 =	vlt.s32 v19, v10;
	vm14 =	vcmask $0x373C;
	vm9 =	veq.s32 v20, $0x1  }
0x1fc: {  	vm12 =	vgt.s32 v24, $0x0;
	v34 =	vsel vm14, $0x0, v12;
	v26 =	vsel vm14, $0x0, v4  }
0x1fd: {  	(xrf0) =	vadd.scan.msk.s32 $0xffff, v29;
	v32, _, _ =	vpop (xrf0);
	v12 =	vsel vm15, $0x0, v12;
	v4 =	vsel vm15, $0x0, v4;
	v20 =	vsel vm9, $0xFFFFFFFF, v28  }
0x1fe: {  	v50 =	vld [tilespmem:$0x1FDC0];
	v30 =	vsel vm12, $0x1, v3;
	vm4 =	vmand vm9, vm11;
	(xrf0) =	vadd.scan.msk.s32 $0xffff, v31;
	v33, _, _ =	vpop (xrf0);
	v36 =	vbroadcast v32, $0xF  }
0x1ff: {  	v23 =	vbroadcast v30, $0xF;
	v22 =	vsel vm4, $0x9, v22;
	vm13 =	vgt.s32 v33, $0x0;
	v25, _, _ =	vpop (xrf0)  }
0x200: {  	(xrf0) =	vadd.scan.msk.s32 $0xffff, v34;
	v35 =	vsel vm13, $0x1, v3;
	v37, _, _ =	vpop (xrf0);
	vm4 =	vlt.s32 v36, v10;
	v42 =	vbroadcast v25, $0xF  }
0x201: {  	vm15 =	vlt.s32 v36, v48;
	v23 =	vand.u32 $0x1, v23;
	vm3 =	vgt.s32 v37, $0x0  }
0x202: {  	v27 =	vld [tilespmem:$0x1FDB0];
	(xrf0) =	vadd.scan.msk.s32 $0xffff, v26;
	vm10 =	veq.s32 v23, $0x1;
	v23 =	vbroadcast v35, $0xF;
	v24 =	vsel vm3, $0x1, v3  }
0x203: {  	v51 =	vld [tilespmem:$0x1FDD0];
	vm3 =	vnez.u8 v50;
	vm12 =	vmand vm10, vm6;
	v38, _, _ =	vpop (xrf0);
	v41 =	vbroadcast v24, $0xF  }
0x204: {  	vm6 =	vlt.s32 v42, v10;
	v39 =	vsel vm12, $0xA, v22;
	v40, _, _ =	vpop (xrf0);
	v23 =	vand.u32 $0x1, v23  }
0x205: {  	v45 =	vbroadcast v38, $0xF;
	vm11 =	veq.s32 v23, $0x1;
	vm5 =	vgt.s32 v40, $0x0  }
0x206: {  	v23 =	vand.u32 $0x1, v41;
	v44, _, _ =	vpop (xrf0);
	vm12 =	vmand vm11, vm4;
	v43 =	vsel vm5, $0x1, v3  }
0x207: {  	vm9 =	vlt.s32 v45, v10;
	v25 =	vbroadcast v44, $0xF;
	vm4 =	vnez.u8 v27  }
0x208: {  	v46, _, _ =	vpop (xrf0);
	vm5 =	vnez.u8 v51;
	vm15 =	vmand vm11, vm15;
	v24 =	vbroadcast v43, $0xF  }
0x209: {  	v52 =	vld [tilespmem:$0x1FDE0];
	v21 =	vsel vm12, $0xB, v39;
	vm12 =	veq.s32 v23, $0x1;
	vm8 =	vgt.s32 v46, $0x0  }
0x20a: {  	vm14 =	vmand vm12, vm6;
	v26 =	vsel vm8, $0x1, v3;
	v24 =	vand.u32 $0x1, v24  }
0x20b: {  	vm6 =	vlt.s32 v8, v48;
	v21 =	vsel vm14, $0xC, v21;
	vm13 =	veq.s32 v24, $0x1  }
0x20c: {  	v47 =	vbroadcast v26, $0xF;
	vm14 =	vlt.s32 v7, v48;
	vm0 =	vmand vm13, vm9  }
0x20d: {  	vm8 =	vmand vm3, vm6;
	v21 =	vsel vm0, $0xD, v21;
	vm0 =	vmand vm4, vm14  }
0x20e: {  	v53 =	vld [tilespmem:$0x1FDF0];
	(xrf0) =	vadd.scan.msk.s32 $0xffff, v12;
	vm6 =	vnez.u8 v52;
	vm9 =	vlt.s32 v9, v48;
	v49 =	vsel vm0, $0x1, v3  }
0x20f: {  	(xrf0) =	vadd.scan.msk.s32 $0xffff, v4;
	v4 =	vsel vm8, $0x2, v49;
	vm8 =	vmand vm5, vm9;
	vm9 =	vlt.s32 v11, v48  }
0x210: {  	[tilespmem:$0x1FE00] =	vst v20;
	v4 =	vsel vm8, $0x3, v4;
	vm9 =	vmand vm6, vm9;
	vm8 =	vlt.s32 v13, v48  }
0x211: {  	v28 =	vld [tilespmem:$0x1FE00];
	v4 =	vsel vm9, $0x4, v4;
	vm9 =	vmand vm2, vm8;
	vm2 =	vlt.s32 v14, v48  }
0x212: {  	v24 =	vand.u32 $0x1, v47;
	v4 =	vsel vm9, $0x5, v4;
	vm9 =	vmand vm7, vm2  }
0x213: {  	vm2 =	vlt.s32 v15, v48;
	v4 =	vsel vm9, $0x6, v4;
	vm9 =	vnez.u8 v53  }
0x214: {  	vm8 =	vmmov vm7;
	vm7 =	vmand vm9, vm2;
	vm2 =	vlt.s32 v16, v48  }
0x215: {  	vm14 =	vlt.s32 v19, v48;
	v4 =	vsel vm7, $0x7, v4;
	vm7 =	vmand vm1, vm2  }
0x216: {  	v54, _, _ =	vpop (xrf0);
	vm1 =	vlt.s32 v17, v48;
	v4 =	vsel vm7, $0x8, v4;
	vm7 =	vnez.u8 v28  }
0x217: {  	v55, _, _ =	vpop (xrf0);
	v12 =	vbroadcast v54, $0xF;
	vm2 =	vmand vm10, vm14;
	vm0 =	vmand vm7, vm1  }
0x218: {  	vm14 =	veq.s32 v24, $0x1;
	v4 =	vsel vm0, $0x9, v4;
	vm0 =	vgt.s32 v55, $0x0  }
0x219: {  	vm1 =	vlt.s32 v12, v10;
	v27 =	vsel vm0, $0x1, v3;
	vm0 =	vlt.s32 v25, v10  }
0x21a: {  	v4 =	vsel vm2, $0xA, v4;
	v56 =	vbroadcast v27, $0xF;
	vm0 =	vmand vm14, vm0  }
0x21b: {  	vm2 =	vlt.s32 v45, v48;
	v21 =	vsel vm0, $0xE, v21;
	vm0 =	vlt.s32 v42, v48  }
0x21c: {  	v4 =	vsel vm15, $0xB, v4;
	v24 =	vand.u32 $0x1, v56;
	vm0 =	vmand vm12, vm0  }
0x21d: {  	v60 =	vld [tilespmem:$0x1FE10];
	vm15 =	veq.s32 v24, $0x1;
	v4 =	vsel vm0, $0xC, v4;
	vm0 =	vmand vm13, vm2  }
0x21e: {  	vm1 =	vmand vm15, vm1;
	v4 =	vsel vm0, $0xD, v4;
	vm0 =	vlt.s32 v25, v48  }
0x21f: {  	v57 =	vsel vm1, $0xF, v21;
	vm0 =	vmand vm14, vm0;
	vm1 =	vlt.s32 v12, v48  }
0x220: {  	v4 =	vsel vm0, $0xE, v4;
	vm0 =	vmand vm15, vm1;
	vm1 =	vlt.s32 v7, v58  }
0x221: {  	v4 =	vsel vm0, $0xF, v4;
	vm0 =	vmand vm4, vm1;
	vm4 =	vlt.s32 v8, v58  }
0x222: {  	vm1 =	vmand vm3, vm4;
	vm4 =	vnez.u8 v60  }
0x223: {  	v5 =	vsub.s32 v6, v5  }
0x224: {  	v61 =	vld [tilespmem:$0x1FE20];
	_ =	sdelay $0x1  }
0x225: {  	v59 =	vsel vm0, $0x1, v3;
	vm0 =	vlt.s32 v9, v58  }
0x226: {  	[tilespmem:$0x7380] =	vst v3;
	s2 =	simm.s32 $0x7380;
	v7 =	vsel vm1, $0x2, v59;
	vm0 =	vmand vm5, vm0  }
0x227: {  	v63 =	vld [tilespmem:$0x1FE30];
	v7 =	vsel vm0, $0x3, v7;
	[tilespmem:v5+s2+$0x0] =	vst.idx.msk vm4, v0;
	vm4 =	vlt.s32 v11, v58  }
0x228: {  	vm5 =	vmand vm6, vm4;
	vm6 =	vlt.s32 v13, v58;
	vm4 =	vnez.u8 v61  }
0x229: {  	[tilespmem:$0x7400] =	vst v5;
	v5 =	vsel vm5, $0x4, v7;
	vm0 =	vmand vm4, vm6  }
0x22a: {  	vm5 =	vlt.s32 v14, v58;
	v5 =	vsel vm0, $0x5, v5  }
0x22b: {  	[tilespmem:$0x7480] =	vst v18;
	vm6 =	vmand vm8, vm5;
	vm8 =	vlt.s32 v15, v58;
	vm5 =	vlt.s32 v16, v58  }
0x22c: {  	s29 =	simm.s32 $0x7400;
	[tilespmem:$0x7280] =	vst v57;
	v5 =	vsel vm6, $0x6, v5;
	vm4 =	vmand vm9, vm8;
	vm6 =	vnez.u8 v63  }
0x22d: {  	v62 =	vld.idx.msk [tilespmem:v57+s29+$0x0], $0xffff;
	vm8 =	vlt.s32 v17, v58;
	v5 =	vsel vm4, $0x7, v5;
	vm0 =	vmand vm6, vm5  }
0x22e: {  	vm9 =	vmand vm7, vm8;
	vm4 =	vlt.s32 v19, v58;
	v5 =	vsel vm0, $0x8, v5  }
0x22f: {  	vm6 =	vlt.s32 v36, v58;
	vm5 =	vmand vm10, vm4;
	v5 =	vsel vm9, $0x9, v5  }
0x230: {  	vm8 =	vlt.s32 v42, v58;
	vm7 =	vmand vm11, vm6;
	v5 =	vsel vm5, $0xA, v5  }
0x231: {  	[tilespmem:$0x7290] =	vst v4;
	vm10 =	vlt.s32 v45, v58;
	vm9 =	vmand vm12, vm8;
	v5 =	vsel vm7, $0xB, v5  }
0x232: {  	[tilespmem:$0x7300] =	vst v62;
	vm11 =	vmand vm13, vm10;
	vm12 =	vlt.s32 v25, v58;
	v5 =	vsel vm9, $0xC, v5  }
0x233: {  	v4 =	vld.idx.msk [tilespmem:v4+s29+$0x0], $0xffff;
	vm13 =	vmand vm14, vm12;
	vm14 =	vlt.s32 v12, v58;
	v5 =	vsel vm11, $0xD, v5  }
0x234: {  	vm15 =	vmand vm15, vm14;
	v5 =	vsel vm13, $0xE, v5  }
0x235: {  	v5 =	vsel vm15, $0xF, v5;
	_ =	sdelay $0x2  }
0x236: {  	[tilespmem:$0x7310] =	vst v4  }
0x237: {  	[tilespmem:$0x72A0] =	vst v5  }
0x238: {  	v4 =	vld.idx.msk [tilespmem:v5+s29+$0x0], $0xffff;
	_ =	sdelay $0x4  }
0x239: {  	s30 =	rddreg [dreg:$0x7];
	s5 =	simm.s32 $0x7280;
	[tilespmem:$0x7320] =	vst v4  }
0x23a: {  	[hbm4b:s30+s3] =	stream.linear.scatter [tilespmem:s5], [sflag:$0x1], $0x80, $0x38;
	[tilespmem:$0x9E10] =	vst v63  }
0x23b: {  	_ =	swait.ge [sflag:s22], $0x80  }
0x23c: {  	[sflag:s22] =	ssyncset.done $0x0  }
0x23d: {  	s8 =	simm.s32 $0x7300;
	s5 =	rddreg [dreg:$0x8];
	[sflag:s22] =	ssyncadd.s32 $0xFFFFFF80  }
0x23e: {  	[hbm4b:s5+s3] =	stream.linear.scatter [tilespmem:s8], [sflag:$0x1], $0x80, $0x38;
	[tilespmem:$0x9E10] =	vst v63  }
0x23f: {  	_ =	swait.ge [sflag:s22], $0x80  }
0x240: {  	[sflag:s22] =	ssyncset.done $0x0  }
0x241: {  	s25 =	rddreg [dreg:$0x9];
	[sflag:s22] =	ssyncadd.s32 $0xFFFFFF80  }
0x242: {  	[hbm4b:s25+s3] =	stream.linear.scatter [tilespmem:s2], [sflag:$0x1], $0x80, $0x38;
	[tilespmem:$0x9E10] =	vst v63  }
0x243: {  	_ =	swait.ge [sflag:s22], $0x80  }
0x244: {  	[sflag:s22] =	ssyncset.done $0x0  }
0x245: {  	s30 =	simm.s32 $0x7480;
	s29 =	rddreg [dreg:$0xa];
	[sflag:s22] =	ssyncadd.s32 $0xFFFFFF80  }
0x246: {  	[hbm4b:s29+s3] =	stream.linear.scatter [tilespmem:s30], [sflag:$0x1], $0x80, $0x38;
	[tilespmem:$0x9E10] =	vst v63  }
0x247: {  	_ =	swait.ge [sflag:s22], $0x80  }
0x248: {  	[sflag:s22] =	ssyncset.done $0x0  }
0x249: {  	[sflag:s22] =	ssyncadd.s32 $0xFFFFFF80  }
.LBB2_14:
0x24a: {  	[spmem:s15] =	stream.strided.scatter [tilespmem:s0], [sflag:$0x1], $0x1800, s7, s6, $0x38;
	[tilespmem:$0x9E10] =	vst v63  }
0x24b: {  	_ =	swait.ge [sflag:s22], $0x1800  }
0x24c: {  	[sflag:s22] =	ssyncset.done $0x0  }
0x24d: {  	[sflag:s22] =	ssyncadd.s32 $0xFFFFE800  }
0x24e: {  	[spmem:s16] =	stream.strided.scatter [tilespmem:s31], [sflag:$0x1], $0x1000, s7, s6, $0x38;
	[tilespmem:$0x9E10] =	vst v63  }
0x24f: {  	_ =	swait.ge [sflag:s22], $0x1000  }
0x250: {  	[sflag:s22] =	ssyncset.done $0x0  }
0x251: {  	[sflag:s22] =	ssyncadd.s32 $0xFFFFF000  }
0x252: {  	s1 =	simm.s32 $0xC00;
	s2 =	simm.s32 $0xC000;
	[bflag:$0x0] =	sbarrier.arrive $0xFFFF  }
0x253: {  	[tilespmem:s24], [sflag:$0x1] =	stream.strided.gather [spmem:s17], $0x1800, s2, s1, $0x38;
	[tilespmem:$0x9E10] =	vst v63  }
0x254: {  	_ =	swait.ge [sflag:s22], $0x1800  }
0x255: {  	[sflag:s22] =	ssyncset.done $0x0  }
0x256: {  	s8 =	simm.s32 $0x8000;
	[sflag:s22] =	ssyncadd.s32 $0xFFFFE800  }
0x257: {  	[tilespmem:s28], [sflag:$0x1] =	stream.strided.gather [spmem:s18], $0x1000, s8, s23, $0x38;
	[tilespmem:$0x9E10] =	vst v63  }
0x258: {  	s23 =	simm.s32 $0x0;
	_ =	swait.ge [sflag:s22], $0x1000  }
0x259: {  	s25 =	sand.u32 $0x70, s23;
	s5 =	sand.u32 $0xC00, s23;
	[sflag:s22] =	ssyncset.done $0x0  }
0x25a: {  	s1 =	sor.u32 s25, s5;
	[sflag:s22] =	ssyncadd.s32 $0xFFFFF000  }
0x25b: {  	v4 =	vld [tilespmem:s1+$0x4B00]  }
0x25c: {  	v5 =	vld [tilespmem:s1+$0x4A80]  }
0x25d: {  	v6 =	vld [tilespmem:s1+$0x4B80]  }
0x25e: {  	v7 =	vld [tilespmem:s1+$0x4C00]  }
0x25f: {  	v8 =	vld [tilespmem:s1+$0x4C80]  }
0x260: {  	s2 =	sor.u32 s23, s23;
	v9 =	vld [tilespmem:s1+$0x4D00]  }
0x261: {  	s2 =	sor.u32 $0x380, s2;
	v4 =	vadd.s32 v5, v4;
	v5 =	vld [tilespmem:s1+$0x4D80]  }
0x262: {  	v4 =	vadd.s32 v6, v4;
	v6 =	vld [tilespmem:s2+$0x4A80]  }
0x263: {  	v4 =	vadd.s32 v7, v4;
	v7 =	vld [tilespmem:s1+$0x5680]  }
0x264: {  	v60 =	vld [tilespmem:s1+$0x5700];
	v4 =	vadd.s32 v8, v4  }
0x265: {  	v61 =	vld [tilespmem:s1+$0x5780];
	v4 =	vadd.s32 v9, v4  }
0x266: {  	v4 =	vadd.s32 v5, v4;
	v5 =	vld [tilespmem:s1+$0x5800]  }
0x267: {  	v4 =	vadd.s32 v6, v4;
	v6 =	vld [tilespmem:s1+$0x5880]  }
0x268: {  	v4 =	vadd.s32 v7, v4;
	v7 =	vld [tilespmem:s1+$0x5900]  }
0x269: {  	v62 =	vld [tilespmem:s1+$0x5980];
	v4 =	vadd.s32 v60, v4  }
0x26a: {  	v63 =	vld [tilespmem:s1+$0x5A00];
	v4 =	vadd.s32 v61, v4  }
0x26b: {  	v4 =	vadd.s32 v5, v4  }
0x26c: {  	v4 =	vadd.s32 v6, v4  }
0x26d: {  	v4 =	vadd.s32 v7, v4  }
0x26e: {  	s29 =	sadd.s32 $0x0, s4;
	v4 =	vadd.s32 v62, v4  }
0x26f: {  	s5 =	simm.s32 $0x80;
	s2 =	simm.s32 $0x10;
	v5 =	vor.u32 s29, v0;
	v4 =	vadd.s32 v63, v4  }
0x270: {  	s30 =	sand.u32 $0xC00, s5;
	s8 =	sand.u32 $0x70, s2;
	v5 =	vand.u32 $0x7FF, v5;
	vm0 =	vgt.s32 v4, $0x0;
	v4 =	vadd.s32 $0xFFFFFFFF, v4  }
0x271: {  	s23 =	sor.u32 s8, s30;
	s8 =	simm.s32 $0x20;
	v4 =	vsel vm0, v4, v5  }
.LBB2_15:
0x272: {  	p2 =	sne.s32 s8, $0x170;
	v5 =	vld [tilespmem:s23+$0x4B00];
	[tilespmem:s1+$0x4A80] =	vst v4;
	s1 =	smov.u32 s23  }
0x273: {  	v4 =	vld [tilespmem:s1+$0x4A80]  }
0x274: {  	v6 =	vld [tilespmem:s1+$0x4B80]  }
0x275: {  	v7 =	vld [tilespmem:s1+$0x4C00]  }
0x276: {  	v8 =	vld [tilespmem:s1+$0x4C80]  }
0x277: {  	s23 =	sor.u32 s5, s2;
	v9 =	vld [tilespmem:s1+$0x4D00]  }
0x278: {  	s23 =	sor.u32 $0x380, s23;
	v4 =	vadd.s32 v4, v5;
	v5 =	vld [tilespmem:s1+$0x4D80]  }
0x279: {  	v4 =	vadd.s32 v6, v4;
	v6 =	vld [tilespmem:s23+$0x4A80]  }
0x27a: {  	v4 =	vadd.s32 v7, v4;
	v7 =	vld [tilespmem:s1+$0x5680]  }
0x27b: {  	v4 =	vadd.s32 v8, v4;
	v8 =	vld [tilespmem:s1+$0x5700]  }
0x27c: {  	v4 =	vadd.s32 v9, v4;
	v9 =	vld [tilespmem:s1+$0x5780]  }
0x27d: {  	v4 =	vadd.s32 v5, v4;
	v5 =	vld [tilespmem:s1+$0x5800]  }
0x27e: {  	v4 =	vadd.s32 v6, v4;
	v6 =	vld [tilespmem:s1+$0x5880]  }
0x27f: {  	v4 =	vadd.s32 v7, v4;
	v7 =	vld [tilespmem:s1+$0x5900]  }
0x280: {  	v4 =	vadd.s32 v8, v4;
	v8 =	vld [tilespmem:s1+$0x5980]  }
0x281: {  	v4 =	vadd.s32 v9, v4;
	v9 =	vld [tilespmem:s1+$0x5A00]  }
0x282: {  	v4 =	vadd.s32 v5, v4  }
0x283: {  	v4 =	vadd.s32 v6, v4  }
.Ltmp9:
0x284: {  	v4 =	vadd.s32 v7, v4;
	(pc) =	sbr.rel @p2 .LBB2_15-.Ltmp9, $4  }
0x285: {  	s23 =	sadd.s32 s2, s4;
	s2 =	smov.u32 s8;
	v4 =	vadd.s32 v8, v4  }
0x286: {  	s5 =	sadd.s32 $0x80, s5;
	v5 =	vor.u32 s23, v0;
	v4 =	vadd.s32 v9, v4  }
0x287: {  	s25 =	sand.u32 $0xC00, s5;
	s23 =	sand.u32 $0x70, s8;
	v5 =	vand.u32 $0x7FF, v5;
	vm0 =	vgt.s32 v4, $0x0;
	v4 =	vadd.s32 $0xFFFFFFFF, v4  }
0x288: {  	s8 =	sadd.s32 $0x10, s8;
	s23 =	sor.u32 s23, s25;
	v4 =	vsel vm0, v4, v5  }
0x289: {  	v5 =	vld [tilespmem:s23+$0x4B00];
	[tilespmem:s1+$0x4A80] =	vst v4  }
0x28a: {  	v4 =	vld [tilespmem:s23+$0x4A80]  }
0x28b: {  	v6 =	vld [tilespmem:s23+$0x4B80]  }
0x28c: {  	v7 =	vld [tilespmem:s23+$0x4C00]  }
0x28d: {  	v8 =	vld [tilespmem:s23+$0x4C80]  }
0x28e: {  	v9 =	vld [tilespmem:s23+$0x4D00];
	s8 =	sor.u32 s5, s2  }
0x28f: {  	s1 =	sor.u32 $0x380, s8;
	v4 =	vadd.s32 v4, v5;
	v5 =	vld [tilespmem:s23+$0x4D80]  }
0x290: {  	v4 =	vadd.s32 v6, v4;
	v6 =	vld [tilespmem:s1+$0x4A80]  }
0x291: {  	v4 =	vadd.s32 v7, v4;
	v7 =	vld [tilespmem:s23+$0x5680]  }
0x292: {  	v54 =	vld [tilespmem:s23+$0x5700];
	v4 =	vadd.s32 v8, v4  }
0x293: {  	v55 =	vld [tilespmem:s23+$0x5780];
	v4 =	vadd.s32 v9, v4  }
0x294: {  	v4 =	vadd.s32 v5, v4;
	v5 =	vld [tilespmem:s23+$0x5800]  }
0x295: {  	v4 =	vadd.s32 v6, v4;
	v6 =	vld [tilespmem:s23+$0x5880]  }
0x296: {  	v4 =	vadd.s32 v7, v4;
	v7 =	vld [tilespmem:s23+$0x5900]  }
0x297: {  	v56 =	vld [tilespmem:s23+$0x5980];
	v4 =	vadd.s32 v54, v4  }
0x298: {  	v57 =	vld [tilespmem:s23+$0x5A00];
	v4 =	vadd.s32 v55, v4  }
0x299: {  	v4 =	vadd.s32 v5, v4  }
0x29a: {  	v4 =	vadd.s32 v6, v4  }
0x29b: {  	v4 =	vadd.s32 v7, v4  }
0x29c: {  	s25 =	sadd.s32 s2, s4;
	v4 =	vadd.s32 v56, v4  }
0x29d: {  	v5 =	vor.u32 s25, v0;
	v4 =	vadd.s32 v57, v4  }
0x29e: {  	v5 =	vand.u32 $0x7FF, v5;
	vm0 =	vgt.s32 v4, $0x0;
	v4 =	vadd.s32 $0xFFFFFFFF, v4  }
0x29f: {  	v4 =	vsel vm0, v4, v5  }
0x2a0: {  	s2 =	simm.s32 $0x0;
	[tilespmem:s23+$0x4A80] =	vst v4  }
0x2a1: {  	[hbm4b:s19+s2] =	stream.linear.scatter [tilespmem:s24], [sflag:$0x1], $0x80, $0x38;
	[tilespmem:$0x9E10] =	vst v63  }
0x2a2: {  	s29 =	sadd.s32 $0x10, s19;
	s30 =	simm.s32 $0x4E80  }
0x2a3: {  	[hbm4b:s29+s2] =	stream.linear.scatter [tilespmem:s30], [sflag:$0x1], $0x80, $0x38;
	[tilespmem:$0x9E10] =	vst v63  }
0x2a4: {  	s8 =	sadd.s32 $0x20, s19;
	s23 =	simm.s32 $0x5280  }
0x2a5: {  	[hbm4b:s8+s2] =	stream.linear.scatter [tilespmem:s23], [sflag:$0x1], $0x80, $0x38;
	[tilespmem:$0x9E10] =	vst v63  }
0x2a6: {  	_ =	swait.ge [sflag:s22], $0x180  }
0x2a7: {  	s25 =	sand.u32 $0x70, s2;
	s29 =	sand.u32 $0x400, s2;
	[sflag:s22] =	ssyncset.done $0x0  }
0x2a8: {  	s1 =	sor.u32 s25, s29;
	[sflag:s22] =	ssyncadd.s32 $0xFFFFFE80  }
0x2a9: {  	v4 =	vld [tilespmem:s1+$0x6300]  }
0x2aa: {  	v5 =	vld [tilespmem:s1+$0x6280]  }
0x2ab: {  	v6 =	vld [tilespmem:s1+$0x6380]  }
0x2ac: {  	v7 =	vld [tilespmem:s1+$0x6400]  }
0x2ad: {  	v58 =	vld [tilespmem:s1+$0x6480]  }
0x2ae: {  	s2 =	sor.u32 s2, s2;
	v59 =	vld [tilespmem:s1+$0x6500]  }
0x2af: {  	s2 =	sor.u32 $0x380, s2;
	v4 =	vadd.s32 v5, v4;
	v5 =	vld [tilespmem:s1+$0x6580]  }
0x2b0: {  	v4 =	vadd.s32 v6, v4;
	v6 =	vld [tilespmem:s2+$0x6280]  }
0x2b1: {  	v4 =	vadd.s32 v7, v4;
	v7 =	vld [tilespmem:s1+$0x6A80]  }
0x2b2: {  	v60 =	vld [tilespmem:s1+$0x6B00];
	v4 =	vadd.s32 v58, v4  }
0x2b3: {  	v61 =	vld [tilespmem:s1+$0x6B80];
	v4 =	vadd.s32 v59, v4  }
0x2b4: {  	v4 =	vadd.s32 v5, v4;
	v5 =	vld [tilespmem:s1+$0x6C00]  }
0x2b5: {  	v4 =	vadd.s32 v6, v4;
	v6 =	vld [tilespmem:s1+$0x6C80]  }
0x2b6: {  	v4 =	vadd.s32 v7, v4;
	v7 =	vld [tilespmem:s1+$0x6D00]  }
0x2b7: {  	v62 =	vld [tilespmem:s1+$0x6D80];
	v4 =	vadd.s32 v60, v4  }
0x2b8: {  	v63 =	vld [tilespmem:s1+$0x6E00];
	v4 =	vadd.s32 v61, v4  }
0x2b9: {  	v4 =	vadd.s32 v5, v4  }
0x2ba: {  	v4 =	vadd.s32 v6, v4  }
0x2bb: {  	s5 =	simm.s32 $0x80;
	s2 =	simm.s32 $0x10;
	v4 =	vadd.s32 v7, v4  }
0x2bc: {  	s30 =	sand.u32 $0x400, s5;
	s8 =	sand.u32 $0x70, s2;
	v4 =	vadd.s32 v62, v4  }
0x2bd: {  	s23 =	sor.u32 s8, s30;
	s8 =	simm.s32 $0x20;
	v4 =	vadd.s32 v63, v4  }
.LBB2_17:
0x2be: {  	p2 =	sne.s32 s8, $0xF0;
	v5 =	vld [tilespmem:s23+$0x6300];
	[tilespmem:s1+$0x6280] =	vst v4;
	s1 =	smov.u32 s23  }
0x2bf: {  	v4 =	vld [tilespmem:s1+$0x6280]  }
0x2c0: {  	v6 =	vld [tilespmem:s1+$0x6380]  }
0x2c1: {  	v7 =	vld [tilespmem:s1+$0x6400]  }
0x2c2: {  	v8 =	vld [tilespmem:s1+$0x6480]  }
0x2c3: {  	s23 =	sor.u32 s5, s2;
	s2 =	smov.u32 s8;
	v9 =	vld [tilespmem:s1+$0x6500]  }
0x2c4: {  	s23 =	sor.u32 $0x380, s23;
	v4 =	vadd.s32 v4, v5;
	v5 =	vld [tilespmem:s1+$0x6580]  }
0x2c5: {  	v4 =	vadd.s32 v6, v4;
	v6 =	vld [tilespmem:s23+$0x6280]  }
0x2c6: {  	v4 =	vadd.s32 v7, v4;
	v7 =	vld [tilespmem:s1+$0x6A80]  }
0x2c7: {  	v4 =	vadd.s32 v8, v4;
	v8 =	vld [tilespmem:s1+$0x6B00]  }
0x2c8: {  	v4 =	vadd.s32 v9, v4;
	v9 =	vld [tilespmem:s1+$0x6B80]  }
0x2c9: {  	v4 =	vadd.s32 v5, v4;
	v5 =	vld [tilespmem:s1+$0x6C00]  }
0x2ca: {  	v4 =	vadd.s32 v6, v4;
	v6 =	vld [tilespmem:s1+$0x6C80]  }
0x2cb: {  	v4 =	vadd.s32 v7, v4;
	v7 =	vld [tilespmem:s1+$0x6D00]  }
0x2cc: {  	v4 =	vadd.s32 v8, v4;
	v8 =	vld [tilespmem:s1+$0x6D80]  }
0x2cd: {  	v4 =	vadd.s32 v9, v4;
	v9 =	vld [tilespmem:s1+$0x6E00]  }
.Ltmp10:
0x2ce: {  	v4 =	vadd.s32 v5, v4;
	(pc) =	sbr.rel @p2 .LBB2_17-.Ltmp10, $4  }
0x2cf: {  	v4 =	vadd.s32 v6, v4  }
0x2d0: {  	s5 =	sadd.s32 $0x80, s5;
	v4 =	vadd.s32 v7, v4  }
0x2d1: {  	s25 =	sand.u32 $0x400, s5;
	s23 =	sand.u32 $0x70, s8;
	v4 =	vadd.s32 v8, v4  }
0x2d2: {  	s8 =	sadd.s32 $0x10, s8;
	s23 =	sor.u32 s23, s25;
	v4 =	vadd.s32 v9, v4  }
0x2d3: {  	v5 =	vld [tilespmem:s23+$0x6300];
	[tilespmem:s1+$0x6280] =	vst v4  }
0x2d4: {  	v4 =	vld [tilespmem:s23+$0x6280]  }
0x2d5: {  	v6 =	vld [tilespmem:s23+$0x6380]  }
0x2d6: {  	v7 =	vld [tilespmem:s23+$0x6400]  }
0x2d7: {  	v8 =	vld [tilespmem:s23+$0x6480]  }
0x2d8: {  	v9 =	vld [tilespmem:s23+$0x6500];
	s25 =	sor.u32 s5, s2  }
0x2d9: {  	s1 =	sor.u32 $0x380, s25;
	v4 =	vadd.s32 v4, v5;
	v5 =	vld [tilespmem:s23+$0x6580]  }
0x2da: {  	v56 =	vld [tilespmem:s1+$0x6280];
	v4 =	vadd.s32 v6, v4  }
0x2db: {  	v57 =	vld [tilespmem:s23+$0x6A80];
	v4 =	vadd.s32 v7, v4  }
0x2dc: {  	v58 =	vld [tilespmem:s23+$0x6B00];
	v4 =	vadd.s32 v8, v4  }
0x2dd: {  	v59 =	vld [tilespmem:s23+$0x6B80];
	v4 =	vadd.s32 v9, v4  }
0x2de: {  	v4 =	vadd.s32 v5, v4;
	v5 =	vld [tilespmem:s23+$0x6C00]  }
0x2df: {  	v60 =	vld [tilespmem:s23+$0x6C80];
	v4 =	vadd.s32 v56, v4  }
0x2e0: {  	v61 =	vld [tilespmem:s23+$0x6D00];
	v4 =	vadd.s32 v57, v4  }
0x2e1: {  	v62 =	vld [tilespmem:s23+$0x6D80];
	v4 =	vadd.s32 v58, v4  }
0x2e2: {  	v63 =	vld [tilespmem:s23+$0x6E00];
	v4 =	vadd.s32 v59, v4  }
0x2e3: {  	v4 =	vadd.s32 v5, v4  }
0x2e4: {  	v4 =	vadd.s32 v60, v4  }
0x2e5: {  	v4 =	vadd.s32 v61, v4  }
0x2e6: {  	v4 =	vadd.s32 v62, v4  }
0x2e7: {  	v4 =	vadd.s32 v63, v4  }
0x2e8: {  	[tilespmem:s23+$0x6280] =	vst v4  }
0x2e9: {  	[hbm4b:s20+s3] =	stream.linear.scatter [tilespmem:s28], [sflag:$0x1], $0x80, $0x38;
	[tilespmem:$0x9E10] =	vst v63  }
.Ltmp11:
0x2ea: {  	s29 =	sadd.s32 $0x10, s20;
	s30 =	simm.s32 $0x6680;
	(pc) =	sbr.rel .LBB2_19-.Ltmp11, $4  }
0x2eb: {  	[hbm4b:s29+s3] =	stream.linear.scatter [tilespmem:s30], [sflag:$0x1], $0x80, $0x38;
	[tilespmem:$0x9E10] =	vst v63  }
0x2ec: {  	_ =	swait.ge [sflag:s22], $0x100  }
0x2ed: {  	[sflag:s22] =	ssyncset.done $0x0  }
0x2ee: {  	[sflag:s22] =	ssyncadd.s32 $0xFFFFFF00  }
.LBB2_20:
0x2ef: {  	_ =	sfence.sel $0x180000  }
0x2f0: {  	[bflag:$0x0] =	sbarrier.arrive $0xFFFF  }
0x2f1: {  	_ =	strace $0x90000047  }
0x2f2: {  	[bflag:$0x2] =	sbarrier.arrive $0xFFFF  }
0x2f3: {  	s0 =	rddreg [dreg:$0x6]  }
0x2f4: {  	s0 =	sadd.s32 @!p0 $0x100000, s0  }
0x2f5: {  	[sflag:s0] =	ssyncadd.tile.s32 @!p0 $0x1;
	_ =	shalt  }
.Lfunc_end2:
_tile_overlayer_lowered:
.L_overlay_start_2:
0x2f6: {  	(tag) =	ssettag $0x2  }
0x2f7: {  	s0 =	rddreg [dreg:$0x0];
	s2 =	stileid.u32  }
0x2f8: {  	s1 =	rddreg [dreg:$0x1];
	p0 =	sne.s32 s2, $0x0  }
0x2f9: {  	s3 =	rddreg [dreg:$0x2];
	[bflag:$0x3] =	sbarrier.arrive $0xFFFF;
	s2 =	simm.s32 @!p0 $0x1C01  }
0x2fa: {  	[timem:s3], [sflag:s2] =	dma.local @!p0 [hbm:s0], s1  }
0x2fb: {  	s0 =	simm.s32 @!p0 $0x1  }
0x2fc: {  	_ =	swait.ge @!p0 [sflag:s0], s1  }
0x2fd: {  	s1 =	ssub.s32 @!p0 $0x0, s1;
	[sflag:s0] =	ssyncset.done @!p0 $0x0  }
0x2fe: {  	[sflag:s0] =	ssyncadd.s32 @!p0 s1  }
0x2ff: {  	[bflag:$0x3] =	sbarrier.arrive $0xFFFF  }
0x300: {  	_ =	shalt  }

</sc_bundles>
